<compile_context>
chip_gen: v7x
topology: tpu7x:2x2x1
jax: 0.10.2.dev20260603
libtpu: 0.0.44.dev20260713+nightly
codegen_flags: <defaults>
</compile_context>

<pallas_src>
import functools

import jax
import jax.numpy as jnp
from jax import lax
from jax.experimental import pallas as pl
from jax.experimental.pallas import tpu as pltpu
from jax.experimental.pallas import tpu_sc as plsc

B = 16384
D = 128
NW = 32
PHASES = (8192, 8192)
CHUNK = 64
NGATHER = 7
NOUT = 5
BM = 512


@functools.cache
def _gather_sc(offset, rows):
    bpw = rows // NW
    nchunk = bpw // CHUNK
    mesh = plsc.VectorSubcoreMesh(core_axis_name="c", subcore_axis_name="s")
    scratch = (
        [pltpu.VMEM((bpw,), jnp.int32) for _ in range(3)]
        + [pltpu.VMEM((CHUNK, D), jnp.float32) for _ in range(2 * NGATHER)]
        + [pltpu.SemaphoreType.DMA for _ in range(2 * NGATHER)]
    )

    @functools.partial(
        pl.kernel,
        mesh=mesh,
        out_type=jax.ShapeDtypeStruct((NOUT, rows, D), jnp.float32),
        scratch_types=scratch,
    )
    def gather(head_hbm, tail_hbm, rel_hbm, rg_hbm, ap_hbm, gn_hbm, rem_hbm,
               out_hbm, *sc):
        idx = sc[0:3]
        bufs = [sc[3 + s * NGATHER:3 + (s + 1) * NGATHER] for s in (0, 1)]
        sems = [sc[17 + s * NGATHER:17 + (s + 1) * NGATHER] for s in (0, 1)]
        wid = lax.axis_index("s") * 2 + lax.axis_index("c")
        base = wid * bpw
        src_base = offset + wid * bpw
        for src, dst in zip((head_hbm, tail_hbm, rel_hbm), idx):
            pltpu.sync_copy(src.at[pl.ds(src_base, bpw)], dst)
        jobs = ((rg_hbm, 0), (rg_hbm, 1), (ap_hbm, 0), (ap_hbm, 1),
                (gn_hbm, 0), (rem_hbm, 2), (gn_hbm, 1))
        gh = [[None] * NGATHER for _ in (0, 1)]
        wh = [[None] * NOUT for _ in (0, 1)]

        def fire_gathers(j):
            s = j % 2
            for k, (tbl, which) in enumerate(jobs):
                if k < NOUT and wh[s][k] is not None:
                    wh[s][k].wait()
                gh[s][k] = pltpu.async_copy(
                    tbl.at[idx[which].at[pl.ds(j * CHUNK, CHUNK)]],
                    bufs[s][k], sems[s][k])

        def combine(s):
            a, bb, cc = bufs[s][4], bufs[s][5], bufs[s][6]

            def body(r, _):
                for c in range(D // 16):
                    sl = pl.ds(c * 16, 16)
                    a[r, sl] = a[r, sl] + bb[r, sl] - cc[r, sl]
                return 0

            lax.fori_loop(0, CHUNK, body, 0)

        fire_gathers(0)
        for j in range(nchunk):
            if j + 1 < nchunk:
                fire_gathers(j + 1)
            s = j % 2
            row = pl.ds(base + j * CHUNK, CHUNK)
            for k in range(4):
                gh[s][k].wait()
                wh[s][k] = pltpu.async_copy(bufs[s][k], out_hbm.at[k, row],
                                            sems[s][k])
            for k in range(4, NGATHER):
                gh[s][k].wait()
            combine(s)
            wh[s][4] = pltpu.async_copy(bufs[s][4], out_hbm.at[4, row],
                                        sems[s][4])
        for s in (0, 1):
            for k in range(NOUT):
                if wh[s][k] is not None:
                    wh[s][k].wait()

    return gather


def _mlp_tc(o_ref, w1t_ref, b1_ref, w2c_ref, b2c_ref, out_ref):
    f32 = jnp.float32
    acc = jnp.dot(o_ref[0], w1t_ref[0:128], preferred_element_type=f32)
    acc += jnp.dot(o_ref[1], w1t_ref[128:256], preferred_element_type=f32)
    acc += jnp.dot(o_ref[2], w1t_ref[256:384], preferred_element_type=f32)
    acc += jnp.dot(o_ref[3], w1t_ref[384:512], preferred_element_type=f32)
    acc += jnp.dot(o_ref[4], w1t_ref[512:640], preferred_element_type=f32)
    hid = jnp.maximum(acc + b1_ref[...], 0.0)
    logits = jnp.dot(hid, w2c_ref[...], preferred_element_type=f32) + b2c_ref[...]
    out_ref[...] = 1.0 / (1.0 + jnp.exp(-logits))


def _mlp_carry_tc(o_ref, w1t_ref, b1_ref, w2c_ref, b2c_ref, carry_ref, out_ref):
    del carry_ref
    _mlp_tc(o_ref, w1t_ref, b1_ref, w2c_ref, b2c_ref, out_ref)


def _common_specs():
    return [
        pl.BlockSpec((NOUT, BM, D), lambda i: (0, i, 0)),
        pl.BlockSpec((5 * D, D), lambda i: (0, 0)),
        pl.BlockSpec((1, D), lambda i: (0, 0)),
        pl.BlockSpec((D, 2), lambda i: (0, 0)),
        pl.BlockSpec((1, 2), lambda i: (0, 0)),
    ]


def _mlp_first(rows, gathered, w1t, b1r, w2c, b2c):
    return pl.pallas_call(
        _mlp_tc,
        grid=(rows // BM,),
        in_specs=_common_specs(),
        out_specs=pl.BlockSpec((BM, 2), lambda i: (i, 0)),
        out_shape=jax.ShapeDtypeStruct((B, 2), jnp.float32),
    )(gathered, w1t, b1r, w2c, b2c)


def _mlp_phase(offset, rows, gathered, w1t, b1r, w2c, b2c, carry):
    blk_off = offset // BM
    return pl.pallas_call(
        _mlp_carry_tc,
        grid=(rows // BM,),
        in_specs=_common_specs() + [pl.BlockSpec(memory_space=pl.ANY)],
        out_specs=pl.BlockSpec((BM, 2), lambda i: (blk_off + i, 0)),
        out_shape=jax.ShapeDtypeStruct((B, 2), jnp.float32),
        input_output_aliases={5: 0},
    )(gathered, w1t, b1r, w2c, b2c, carry)


def kernel(head, rel, tail, rg_feature, ap_feature, gn_feature, rel_emb,
           W1, b1, W2, b2):
    head = head.astype(jnp.int32)
    tail = tail.astype(jnp.int32)
    rel = rel.astype(jnp.int32)

    w1t = W1.T
    b1r = b1.reshape(1, D)
    wdiff = W2[0] - W2[1]
    w2c = jnp.stack([wdiff, -wdiff], axis=1)
    bdiff = b2[0] - b2[1]
    b2c = jnp.stack([bdiff, -bdiff]).reshape(1, 2)

    out = None
    offset = 0
    for rows in PHASES:
        g = _gather_sc(offset, rows)(head, tail, rel, rg_feature, ap_feature,
                                     gn_feature, rel_emb)
        if out is None:
            out = _mlp_first(rows, g, w1t, b1r, w2c, b2c)
        else:
            out = _mlp_phase(offset, rows, g, w1t, b1r, w2c, b2c, out)
        offset += rows
    return out

# --- scband reference (transcript-rebuilt; emitter-appended) ---
"""Pipeline reference for scband-new-kgatconv-61933428417127 (READ-ONLY COPY).

The authoritative reference and input builder live on the scoring server;
editing this copy changes nothing except your own understanding.
"""

import jax, jax.numpy as jnp
import numpy as np

NUM_ENTS = 100000
NUM_RELS = 1000
EMB_DIM = 128
BATCH = 16384
MLP_DIM = EMB_DIM * 2 * 2 + EMB_DIM  # model_type 'pr': 5 * emb_dim = 640
HID_DIM = EMB_DIM
OUT_DIM = 2


def setup_inputs(seed: int = 0) -> dict:
    key = jax.random.key(seed)
    ks = jax.random.split(key, 12)
    head = jax.random.randint(ks[0], (BATCH,), 0, NUM_ENTS, dtype=jnp.int64) if jax.config.jax_enable_x64 else jax.random.randint(ks[0], (BATCH,), 0, NUM_ENTS, dtype=jnp.int32)
    rel = jax.random.randint(ks[1], (BATCH,), 0, NUM_RELS, dtype=jnp.int32)
    tail = jax.random.randint(ks[2], (BATCH,), 0, NUM_ENTS, dtype=jnp.int32)
    rg_feature = jax.random.normal(ks[3], (NUM_ENTS, EMB_DIM), dtype=jnp.float32)
    ap_feature = jax.random.normal(ks[4], (NUM_ENTS, EMB_DIM), dtype=jnp.float32)
    gn_feature = jax.random.normal(ks[5], (NUM_ENTS, EMB_DIM), dtype=jnp.float32)
    rel_emb = jax.random.normal(ks[6], (NUM_RELS, EMB_DIM), dtype=jnp.float32)
    # FNN: Linear(mlp_dim, hid) -> relu -> Linear(hid, 2); torch Linear weight is [out, in]
    W1 = jax.random.normal(ks[7], (HID_DIM, MLP_DIM), dtype=jnp.float32) * (1.0 / np.sqrt(MLP_DIM))
    b1 = jax.random.normal(ks[8], (HID_DIM,), dtype=jnp.float32) * 0.01
    W2 = jax.random.normal(ks[9], (OUT_DIM, HID_DIM), dtype=jnp.float32) * (1.0 / np.sqrt(HID_DIM))
    b2 = jax.random.normal(ks[10], (OUT_DIM,), dtype=jnp.float32) * 0.01
    return {
        "head": head, "rel": rel, "tail": tail,
        "rg_feature": rg_feature, "ap_feature": ap_feature, "gn_feature": gn_feature,
        "rel_emb": rel_emb, "W1": W1, "b1": b1, "W2": W2, "b2": b2,
    }


def reference(head, rel, tail, rg_feature, ap_feature, gn_feature, rel_emb, W1, b1, W2, b2):
    # gathers (SparseCore-friendly embedding lookups)
    rg_emb = jnp.concatenate([jnp.take(rg_feature, head, axis=0), jnp.take(rg_feature, tail, axis=0)], axis=1)
    ap_emb = jnp.concatenate([jnp.take(ap_feature, head, axis=0), jnp.take(ap_feature, tail, axis=0)], axis=1)
    r_emb = jnp.take(rel_emb, rel, axis=0)
    gs_emb = jnp.take(gn_feature, head, axis=0) + r_emb - jnp.take(gn_feature, tail, axis=0)
    o_emb = jnp.concatenate([rg_emb, ap_emb, gs_emb], axis=1)  # [B, 5*emb_dim]
    hid = jax.nn.relu(o_emb @ W1.T + b1)
    logits = hid @ W2.T + b2
    return jax.nn.softmax(logits, axis=-1)

if __name__ == "__main__":
    import jax
    _d = setup_inputs()
    print(jax.jit(kernel)(*tuple(_d.values())))

</pallas_src>

<mosaic_0001>
#map = affine_map<(d0, d1) -> (0)>
#map1 = affine_map<(d0, d1) -> (0, 0)>
#map2 = affine_map<(d0, d1) -> (0, 0, 0)>
module attributes {stable_mosaic.version = 14 : i64} {
  func.func @gather(%arg0: i32, %arg1: i32, %arg2: memref<16384xi32, #tpu.memory_space<hbm>>, %arg3: memref<16384xi32, #tpu.memory_space<hbm>>, %arg4: memref<16384xi32, #tpu.memory_space<hbm>>, %arg5: memref<100000x128xf32, #tpu.memory_space<hbm>>, %arg6: memref<100000x128xf32, #tpu.memory_space<hbm>>, %arg7: memref<100000x128xf32, #tpu.memory_space<hbm>>, %arg8: memref<1000x128xf32, #tpu.memory_space<hbm>>, %arg9: memref<5x8192x128xf32, #tpu.memory_space<hbm>>, %arg10: memref<256xi32, #tpu.memory_space<vmem>>, %arg11: memref<256xi32, #tpu.memory_space<vmem>>, %arg12: memref<256xi32, #tpu.memory_space<vmem>>, %arg13: memref<64x128xf32, #tpu.memory_space<vmem>>, %arg14: memref<64x128xf32, #tpu.memory_space<vmem>>, %arg15: memref<64x128xf32, #tpu.memory_space<vmem>>, %arg16: memref<64x128xf32, #tpu.memory_space<vmem>>, %arg17: memref<64x128xf32, #tpu.memory_space<vmem>>, %arg18: memref<64x128xf32, #tpu.memory_space<vmem>>, %arg19: memref<64x128xf32, #tpu.memory_space<vmem>>, %arg20: memref<64x128xf32, #tpu.memory_space<vmem>>, %arg21: memref<64x128xf32, #tpu.memory_space<vmem>>, %arg22: memref<64x128xf32, #tpu.memory_space<vmem>>, %arg23: memref<64x128xf32, #tpu.memory_space<vmem>>, %arg24: memref<64x128xf32, #tpu.memory_space<vmem>>, %arg25: memref<64x128xf32, #tpu.memory_space<vmem>>, %arg26: memref<64x128xf32, #tpu.memory_space<vmem>>, %arg27: memref<!tpu.dma_semaphore, #tpu.memory_space<semaphore_mem>>, %arg28: memref<!tpu.dma_semaphore, #tpu.memory_space<semaphore_mem>>, %arg29: memref<!tpu.dma_semaphore, #tpu.memory_space<semaphore_mem>>, %arg30: memref<!tpu.dma_semaphore, #tpu.memory_space<semaphore_mem>>, %arg31: memref<!tpu.dma_semaphore, #tpu.memory_space<semaphore_mem>>, %arg32: memref<!tpu.dma_semaphore, #tpu.memory_space<semaphore_mem>>, %arg33: memref<!tpu.dma_semaphore, #tpu.memory_space<semaphore_mem>>, %arg34: memref<!tpu.dma_semaphore, #tpu.memory_space<semaphore_mem>>, %arg35: memref<!tpu.dma_semaphore, #tpu.memory_space<semaphore_mem>>, %arg36: memref<!tpu.dma_semaphore, #tpu.memory_space<semaphore_mem>>, %arg37: memref<!tpu.dma_semaphore, #tpu.memory_space<semaphore_mem>>, %arg38: memref<!tpu.dma_semaphore, #tpu.memory_space<semaphore_mem>>, %arg39: memref<!tpu.dma_semaphore, #tpu.memory_space<semaphore_mem>>, %arg40: memref<!tpu.dma_semaphore, #tpu.memory_space<semaphore_mem>>) attributes {dimension_semantics = [#tpu.dimension_semantics<core_parallel>, #tpu.dimension_semantics<subcore_parallel>], iteration_bounds = array<i64: 2, 16>, scalar_prefetch = 0 : i64, scratch_operands = 31 : i64, tpu.core_type = #tpu.core_type<sc_vector_subcore>, window_params = [{transform_indices = #map}, {transform_indices = #map}, {transform_indices = #map}, {transform_indices = #map1}, {transform_indices = #map1}, {transform_indices = #map1}, {transform_indices = #map1}, {transform_indices = #map2}]} {
    %mul3A = arith.constant 2 : i32
    %mul3A_0 = arith.muli %arg1, %mul3A : i32
    %add3A = arith.addi %mul3A_0, %arg0 : i32
    %mul3A_1 = arith.constant 256 : i32
    %mul3A_2 = arith.muli %add3A, %mul3A_1 : i32
    %mul3A_3 = arith.constant 256 : i32
    %mul3A_4 = arith.muli %add3A, %mul3A_3 : i32
    %add3A_5 = arith.constant 0 : i32
    %add3A_6 = arith.addi %add3A_5, %mul3A_4 : i32
    "tpu.region"() ({
      %run_scoped3A = tpu.sem_alloc : memref<!tpu.dma_semaphore, #tpu.memory_space<semaphore_mem>>
      %dma_start3A_600 = tpu.memref_slice %arg2[%add3A_6] : memref<16384xi32, #tpu.memory_space<hbm>> -> memref<256xi32, #tpu.memory_space<hbm>>
      %dma_start3A_601 = tpu.memref_slice %arg2[%add3A_6] : memref<16384xi32, #tpu.memory_space<hbm>> -> memref<256xi32, #tpu.memory_space<hbm>>
      tpu.enqueue_dma source(%dma_start3A_601 : memref<256xi32, #tpu.memory_space<hbm>>) target(%arg10 : memref<256xi32, #tpu.memory_space<vmem>>) target_semaphore(%run_scoped3A : memref<!tpu.dma_semaphore, #tpu.memory_space<semaphore_mem>>)
      %dma_wait3A_602 = tpu.memref_slice %arg2[%add3A_6] : memref<16384xi32, #tpu.memory_space<hbm>> -> memref<256xi32, #tpu.memory_space<hbm>>
      %dma_wait3A_603 = tpu.memref_slice %arg2[%add3A_6] : memref<16384xi32, #tpu.memory_space<hbm>> -> memref<256xi32, #tpu.memory_space<hbm>>
      tpu.wait_dma2 semaphore(%run_scoped3A : memref<!tpu.dma_semaphore, #tpu.memory_space<semaphore_mem>>) src(%dma_wait3A_603 : memref<256xi32, #tpu.memory_space<hbm>>) dst(%arg10 : memref<256xi32, #tpu.memory_space<vmem>>)
      tpu.yield
    }) : () -> ()
    "tpu.region"() ({
      %run_scoped3A = tpu.sem_alloc : memref<!tpu.dma_semaphore, #tpu.memory_space<semaphore_mem>>
      %dma_start3A_600 = tpu.memref_slice %arg3[%add3A_6] : memref<16384xi32, #tpu.memory_space<hbm>> -> memref<256xi32, #tpu.memory_space<hbm>>
      %dma_start3A_601 = tpu.memref_slice %arg3[%add3A_6] : memref<16384xi32, #tpu.memory_space<hbm>> -> memref<256xi32, #tpu.memory_space<hbm>>
      tpu.enqueue_dma source(%dma_start3A_601 : memref<256xi32, #tpu.memory_space<hbm>>) target(%arg11 : memref<256xi32, #tpu.memory_space<vmem>>) target_semaphore(%run_scoped3A : memref<!tpu.dma_semaphore, #tpu.memory_space<semaphore_mem>>)
      %dma_wait3A_602 = tpu.memref_slice %arg3[%add3A_6] : memref<16384xi32, #tpu.memory_space<hbm>> -> memref<256xi32, #tpu.memory_space<hbm>>
      %dma_wait3A_603 = tpu.memref_slice %arg3[%add3A_6] : memref<16384xi32, #tpu.memory_space<hbm>> -> memref<256xi32, #tpu.memory_space<hbm>>
      tpu.wait_dma2 semaphore(%run_scoped3A : memref<!tpu.dma_semaphore, #tpu.memory_space<semaphore_mem>>) src(%dma_wait3A_603 : memref<256xi32, #tpu.memory_space<hbm>>) dst(%arg11 : memref<256xi32, #tpu.memory_space<vmem>>)
      tpu.yield
    }) : () -> ()
    "tpu.region"() ({
      %run_scoped3A = tpu.sem_alloc : memref<!tpu.dma_semaphore, #tpu.memory_space<semaphore_mem>>
      %dma_start3A_600 = tpu.memref_slice %arg4[%add3A_6] : memref<16384xi32, #tpu.memory_space<hbm>> -> memref<256xi32, #tpu.memory_space<hbm>>
      %dma_start3A_601 = tpu.memref_slice %arg4[%add3A_6] : memref<16384xi32, #tpu.memory_space<hbm>> -> memref<256xi32, #tpu.memory_space<hbm>>
      tpu.enqueue_dma source(%dma_start3A_601 : memref<256xi32, #tpu.memory_space<hbm>>) target(%arg12 : memref<256xi32, #tpu.memory_space<vmem>>) target_semaphore(%run_scoped3A : memref<!tpu.dma_semaphore, #tpu.memory_space<semaphore_mem>>)
      %dma_wait3A_602 = tpu.memref_slice %arg4[%add3A_6] : memref<16384xi32, #tpu.memory_space<hbm>> -> memref<256xi32, #tpu.memory_space<hbm>>
      %dma_wait3A_603 = tpu.memref_slice %arg4[%add3A_6] : memref<16384xi32, #tpu.memory_space<hbm>> -> memref<256xi32, #tpu.memory_space<hbm>>
      tpu.wait_dma2 semaphore(%run_scoped3A : memref<!tpu.dma_semaphore, #tpu.memory_space<semaphore_mem>>) src(%dma_wait3A_603 : memref<256xi32, #tpu.memory_space<hbm>>) dst(%arg12 : memref<256xi32, #tpu.memory_space<vmem>>)
      tpu.yield
    }) : () -> ()
    %dma_start3A = arith.constant 0 : i32
    %dma_start3A_7 = tpu.memref_slice %arg10[%dma_start3A] : memref<256xi32, #tpu.memory_space<vmem>> -> memref<64xi32, #tpu.memory_space<vmem>>
    %dma_start3A_8 = arith.constant 0 : i32
    %dma_start3A_9 = arith.constant 0 : i32
    %dma_start3A_10 = tpu.memref_slice %arg5[%dma_start3A_8, %dma_start3A_9] : memref<100000x128xf32, #tpu.memory_space<hbm>> -> memref<100000x128xf32, #tpu.memory_space<hbm>>
    tpu.enqueue_indirect_dma source(%dma_start3A_10 : memref<100000x128xf32, #tpu.memory_space<hbm>>) target(%arg13 : memref<64x128xf32, #tpu.memory_space<vmem>>) offsets(%dma_start3A_7 : memref<64xi32, #tpu.memory_space<vmem>>) semaphore(%arg27 : memref<!tpu.dma_semaphore, #tpu.memory_space<semaphore_mem>>)
    %dma_start3A_11 = arith.constant 0 : i32
    %dma_start3A_12 = tpu.memref_slice %arg11[%dma_start3A_11] : memref<256xi32, #tpu.memory_space<vmem>> -> memref<64xi32, #tpu.memory_space<vmem>>
    %dma_start3A_13 = arith.constant 0 : i32
    %dma_start3A_14 = arith.constant 0 : i32
    %dma_start3A_15 = tpu.memref_slice %arg5[%dma_start3A_13, %dma_start3A_14] : memref<100000x128xf32, #tpu.memory_space<hbm>> -> memref<100000x128xf32, #tpu.memory_space<hbm>>
    tpu.enqueue_indirect_dma source(%dma_start3A_15 : memref<100000x128xf32, #tpu.memory_space<hbm>>) target(%arg14 : memref<64x128xf32, #tpu.memory_space<vmem>>) offsets(%dma_start3A_12 : memref<64xi32, #tpu.memory_space<vmem>>) semaphore(%arg28 : memref<!tpu.dma_semaphore, #tpu.memory_space<semaphore_mem>>)
    %dma_start3A_16 = arith.constant 0 : i32
    %dma_start3A_17 = tpu.memref_slice %arg10[%dma_start3A_16] : memref<256xi32, #tpu.memory_space<vmem>> -> memref<64xi32, #tpu.memory_space<vmem>>
    %dma_start3A_18 = arith.constant 0 : i32
    %dma_start3A_19 = arith.constant 0 : i32
    %dma_start3A_20 = tpu.memref_slice %arg6[%dma_start3A_18, %dma_start3A_19] : memref<100000x128xf32, #tpu.memory_space<hbm>> -> memref<100000x128xf32, #tpu.memory_space<hbm>>
    tpu.enqueue_indirect_dma source(%dma_start3A_20 : memref<100000x128xf32, #tpu.memory_space<hbm>>) target(%arg15 : memref<64x128xf32, #tpu.memory_space<vmem>>) offsets(%dma_start3A_17 : memref<64xi32, #tpu.memory_space<vmem>>) semaphore(%arg29 : memref<!tpu.dma_semaphore, #tpu.memory_space<semaphore_mem>>)
    %dma_start3A_21 = arith.constant 0 : i32
    %dma_start3A_22 = tpu.memref_slice %arg11[%dma_start3A_21] : memref<256xi32, #tpu.memory_space<vmem>> -> memref<64xi32, #tpu.memory_space<vmem>>
    %dma_start3A_23 = arith.constant 0 : i32
    %dma_start3A_24 = arith.constant 0 : i32
    %dma_start3A_25 = tpu.memref_slice %arg6[%dma_start3A_23, %dma_start3A_24] : memref<100000x128xf32, #tpu.memory_space<hbm>> -> memref<100000x128xf32, #tpu.memory_space<hbm>>
    tpu.enqueue_indirect_dma source(%dma_start3A_25 : memref<100000x128xf32, #tpu.memory_space<hbm>>) target(%arg16 : memref<64x128xf32, #tpu.memory_space<vmem>>) offsets(%dma_start3A_22 : memref<64xi32, #tpu.memory_space<vmem>>) semaphore(%arg30 : memref<!tpu.dma_semaphore, #tpu.memory_space<semaphore_mem>>)
    %dma_start3A_26 = arith.constant 0 : i32
    %dma_start3A_27 = tpu.memref_slice %arg10[%dma_start3A_26] : memref<256xi32, #tpu.memory_space<vmem>> -> memref<64xi32, #tpu.memory_space<vmem>>
    %dma_start3A_28 = arith.constant 0 : i32
    %dma_start3A_29 = arith.constant 0 : i32
    %dma_start3A_30 = tpu.memref_slice %arg7[%dma_start3A_28, %dma_start3A_29] : memref<100000x128xf32, #tpu.memory_space<hbm>> -> memref<100000x128xf32, #tpu.memory_space<hbm>>
    tpu.enqueue_indirect_dma source(%dma_start3A_30 : memref<100000x128xf32, #tpu.memory_space<hbm>>) target(%arg17 : memref<64x128xf32, #tpu.memory_space<vmem>>) offsets(%dma_start3A_27 : memref<64xi32, #tpu.memory_space<vmem>>) semaphore(%arg31 : memref<!tpu.dma_semaphore, #tpu.memory_space<semaphore_mem>>)
    %dma_start3A_31 = arith.constant 0 : i32
    %dma_start3A_32 = tpu.memref_slice %arg12[%dma_start3A_31] : memref<256xi32, #tpu.memory_space<vmem>> -> memref<64xi32, #tpu.memory_space<vmem>>
    %dma_start3A_33 = arith.constant 0 : i32
    %dma_start3A_34 = arith.constant 0 : i32
    %dma_start3A_35 = tpu.memref_slice %arg8[%dma_start3A_33, %dma_start3A_34] : memref<1000x128xf32, #tpu.memory_space<hbm>> -> memref<1000x128xf32, #tpu.memory_space<hbm>>
    tpu.enqueue_indirect_dma source(%dma_start3A_35 : memref<1000x128xf32, #tpu.memory_space<hbm>>) target(%arg18 : memref<64x128xf32, #tpu.memory_space<vmem>>) offsets(%dma_start3A_32 : memref<64xi32, #tpu.memory_space<vmem>>) semaphore(%arg32 : memref<!tpu.dma_semaphore, #tpu.memory_space<semaphore_mem>>)
    %dma_start3A_36 = arith.constant 0 : i32
    %dma_start3A_37 = tpu.memref_slice %arg11[%dma_start3A_36] : memref<256xi32, #tpu.memory_space<vmem>> -> memref<64xi32, #tpu.memory_space<vmem>>
    %dma_start3A_38 = arith.constant 0 : i32
    %dma_start3A_39 = arith.constant 0 : i32
    %dma_start3A_40 = tpu.memref_slice %arg7[%dma_start3A_38, %dma_start3A_39] : memref<100000x128xf32, #tpu.memory_space<hbm>> -> memref<100000x128xf32, #tpu.memory_space<hbm>>
    tpu.enqueue_indirect_dma source(%dma_start3A_40 : memref<100000x128xf32, #tpu.memory_space<hbm>>) target(%arg19 : memref<64x128xf32, #tpu.memory_space<vmem>>) offsets(%dma_start3A_37 : memref<64xi32, #tpu.memory_space<vmem>>) semaphore(%arg33 : memref<!tpu.dma_semaphore, #tpu.memory_space<semaphore_mem>>)
    %dma_start3A_41 = arith.constant 64 : i32
    %dma_start3A_42 = tpu.memref_slice %arg10[%dma_start3A_41] : memref<256xi32, #tpu.memory_space<vmem>> -> memref<64xi32, #tpu.memory_space<vmem>>
    %dma_start3A_43 = arith.constant 0 : i32
    %dma_start3A_44 = arith.constant 0 : i32
    %dma_start3A_45 = tpu.memref_slice %arg5[%dma_start3A_43, %dma_start3A_44] : memref<100000x128xf32, #tpu.memory_space<hbm>> -> memref<100000x128xf32, #tpu.memory_space<hbm>>
    tpu.enqueue_indirect_dma source(%dma_start3A_45 : memref<100000x128xf32, #tpu.memory_space<hbm>>) target(%arg20 : memref<64x128xf32, #tpu.memory_space<vmem>>) offsets(%dma_start3A_42 : memref<64xi32, #tpu.memory_space<vmem>>) semaphore(%arg34 : memref<!tpu.dma_semaphore, #tpu.memory_space<semaphore_mem>>)
    %dma_start3A_46 = arith.constant 64 : i32
    %dma_start3A_47 = tpu.memref_slice %arg11[%dma_start3A_46] : memref<256xi32, #tpu.memory_space<vmem>> -> memref<64xi32, #tpu.memory_space<vmem>>
    %dma_start3A_48 = arith.constant 0 : i32
    %dma_start3A_49 = arith.constant 0 : i32
    %dma_start3A_50 = tpu.memref_slice %arg5[%dma_start3A_48, %dma_start3A_49] : memref<100000x128xf32, #tpu.memory_space<hbm>> -> memref<100000x128xf32, #tpu.memory_space<hbm>>
    tpu.enqueue_indirect_dma source(%dma_start3A_50 : memref<100000x128xf32, #tpu.memory_space<hbm>>) target(%arg21 : memref<64x128xf32, #tpu.memory_space<vmem>>) offsets(%dma_start3A_47 : memref<64xi32, #tpu.memory_space<vmem>>) semaphore(%arg35 : memref<!tpu.dma_semaphore, #tpu.memory_space<semaphore_mem>>)
    %dma_start3A_51 = arith.constant 64 : i32
    %dma_start3A_52 = tpu.memref_slice %arg10[%dma_start3A_51] : memref<256xi32, #tpu.memory_space<vmem>> -> memref<64xi32, #tpu.memory_space<vmem>>
    %dma_start3A_53 = arith.constant 0 : i32
    %dma_start3A_54 = arith.constant 0 : i32
    %dma_start3A_55 = tpu.memref_slice %arg6[%dma_start3A_53, %dma_start3A_54] : memref<100000x128xf32, #tpu.memory_space<hbm>> -> memref<100000x128xf32, #tpu.memory_space<hbm>>
    tpu.enqueue_indirect_dma source(%dma_start3A_55 : memref<100000x128xf32, #tpu.memory_space<hbm>>) target(%arg22 : memref<64x128xf32, #tpu.memory_space<vmem>>) offsets(%dma_start3A_52 : memref<64xi32, #tpu.memory_space<vmem>>) semaphore(%arg36 : memref<!tpu.dma_semaphore, #tpu.memory_space<semaphore_mem>>)
    %dma_start3A_56 = arith.constant 64 : i32
    %dma_start3A_57 = tpu.memref_slice %arg11[%dma_start3A_56] : memref<256xi32, #tpu.memory_space<vmem>> -> memref<64xi32, #tpu.memory_space<vmem>>
    %dma_start3A_58 = arith.constant 0 : i32
    %dma_start3A_59 = arith.constant 0 : i32
    %dma_start3A_60 = tpu.memref_slice %arg6[%dma_start3A_58, %dma_start3A_59] : memref<100000x128xf32, #tpu.memory_space<hbm>> -> memref<100000x128xf32, #tpu.memory_space<hbm>>
    tpu.enqueue_indirect_dma source(%dma_start3A_60 : memref<100000x128xf32, #tpu.memory_space<hbm>>) target(%arg23 : memref<64x128xf32, #tpu.memory_space<vmem>>) offsets(%dma_start3A_57 : memref<64xi32, #tpu.memory_space<vmem>>) semaphore(%arg37 : memref<!tpu.dma_semaphore, #tpu.memory_space<semaphore_mem>>)
    %dma_start3A_61 = arith.constant 64 : i32
    %dma_start3A_62 = tpu.memref_slice %arg10[%dma_start3A_61] : memref<256xi32, #tpu.memory_space<vmem>> -> memref<64xi32, #tpu.memory_space<vmem>>
    %dma_start3A_63 = arith.constant 0 : i32
    %dma_start3A_64 = arith.constant 0 : i32
    %dma_start3A_65 = tpu.memref_slice %arg7[%dma_start3A_63, %dma_start3A_64] : memref<100000x128xf32, #tpu.memory_space<hbm>> -> memref<100000x128xf32, #tpu.memory_space<hbm>>
    tpu.enqueue_indirect_dma source(%dma_start3A_65 : memref<100000x128xf32, #tpu.memory_space<hbm>>) target(%arg24 : memref<64x128xf32, #tpu.memory_space<vmem>>) offsets(%dma_start3A_62 : memref<64xi32, #tpu.memory_space<vmem>>) semaphore(%arg38 : memref<!tpu.dma_semaphore, #tpu.memory_space<semaphore_mem>>)
    %dma_start3A_66 = arith.constant 64 : i32
    %dma_start3A_67 = tpu.memref_slice %arg12[%dma_start3A_66] : memref<256xi32, #tpu.memory_space<vmem>> -> memref<64xi32, #tpu.memory_space<vmem>>
    %dma_start3A_68 = arith.constant 0 : i32
    %dma_start3A_69 = arith.constant 0 : i32
    %dma_start3A_70 = tpu.memref_slice %arg8[%dma_start3A_68, %dma_start3A_69] : memref<1000x128xf32, #tpu.memory_space<hbm>> -> memref<1000x128xf32, #tpu.memory_space<hbm>>
    tpu.enqueue_indirect_dma source(%dma_start3A_70 : memref<1000x128xf32, #tpu.memory_space<hbm>>) target(%arg25 : memref<64x128xf32, #tpu.memory_space<vmem>>) offsets(%dma_start3A_67 : memref<64xi32, #tpu.memory_space<vmem>>) semaphore(%arg39 : memref<!tpu.dma_semaphore, #tpu.memory_space<semaphore_mem>>)
    %dma_start3A_71 = arith.constant 64 : i32
    %dma_start3A_72 = tpu.memref_slice %arg11[%dma_start3A_71] : memref<256xi32, #tpu.memory_space<vmem>> -> memref<64xi32, #tpu.memory_space<vmem>>
    %dma_start3A_73 = arith.constant 0 : i32
    %dma_start3A_74 = arith.constant 0 : i32
    %dma_start3A_75 = tpu.memref_slice %arg7[%dma_start3A_73, %dma_start3A_74] : memref<100000x128xf32, #tpu.memory_space<hbm>> -> memref<100000x128xf32, #tpu.memory_space<hbm>>
    tpu.enqueue_indirect_dma source(%dma_start3A_75 : memref<100000x128xf32, #tpu.memory_space<hbm>>) target(%arg26 : memref<64x128xf32, #tpu.memory_space<vmem>>) offsets(%dma_start3A_72 : memref<64xi32, #tpu.memory_space<vmem>>) semaphore(%arg40 : memref<!tpu.dma_semaphore, #tpu.memory_space<semaphore_mem>>)
    %add3A_76 = arith.constant 0 : i32
    %add3A_77 = arith.addi %mul3A_2, %add3A_76 : i32
    %dma_wait3A = arith.constant 0 : i32
    %dma_wait3A_78 = tpu.memref_slice %arg10[%dma_wait3A] : memref<256xi32, #tpu.memory_space<vmem>> -> memref<64xi32, #tpu.memory_space<vmem>>
    %dma_wait3A_79 = arith.constant 0 : i32
    %dma_wait3A_80 = arith.constant 0 : i32
    %dma_wait3A_81 = tpu.memref_slice %arg5[%dma_wait3A_79, %dma_wait3A_80] : memref<100000x128xf32, #tpu.memory_space<hbm>> -> memref<100000x128xf32, #tpu.memory_space<hbm>>
    tpu.wait_indirect_dma semaphore(%arg27 : memref<!tpu.dma_semaphore, #tpu.memory_space<semaphore_mem>>) src(%dma_wait3A_81 : memref<100000x128xf32, #tpu.memory_space<hbm>>) dst(%arg13 : memref<64x128xf32, #tpu.memory_space<vmem>>)
    %dma_start3A_82 = arith.constant 0 : i32
    %dma_start3A_83 = arith.constant 0 : i32
    %dma_start3A_84 = tpu.memref_slice %arg9[%dma_start3A_82, %add3A_77, %dma_start3A_83] : memref<5x8192x128xf32, #tpu.memory_space<hbm>> -> memref<1x64x128xf32, #tpu.memory_space<hbm>>
    %dma_start3A_85 = tpu.memref_squeeze %dma_start3A_84 : memref<1x64x128xf32, #tpu.memory_space<hbm>> -> memref<64x128xf32, #tpu.memory_space<hbm>>
    %dma_start3A_86 = arith.constant 0 : i32
    %dma_start3A_87 = tpu.memref_slice %arg9[%dma_start3A_82, %add3A_77, %dma_start3A_86] : memref<5x8192x128xf32, #tpu.memory_space<hbm>> -> memref<1x64x128xf32, #tpu.memory_space<hbm>>
    %dma_start3A_88 = tpu.memref_squeeze %dma_start3A_87 : memref<1x64x128xf32, #tpu.memory_space<hbm>> -> memref<64x128xf32, #tpu.memory_space<hbm>>
    tpu.enqueue_dma source(%arg13 : memref<64x128xf32, #tpu.memory_space<vmem>>) target(%dma_start3A_88 : memref<64x128xf32, #tpu.memory_space<hbm>>) target_semaphore(%arg27 : memref<!tpu.dma_semaphore, #tpu.memory_space<semaphore_mem>>)
    %dma_wait3A_89 = arith.constant 0 : i32
    %dma_wait3A_90 = tpu.memref_slice %arg11[%dma_wait3A_89] : memref<256xi32, #tpu.memory_space<vmem>> -> memref<64xi32, #tpu.memory_space<vmem>>
    %dma_wait3A_91 = arith.constant 0 : i32
    %dma_wait3A_92 = arith.constant 0 : i32
    %dma_wait3A_93 = tpu.memref_slice %arg5[%dma_wait3A_91, %dma_wait3A_92] : memref<100000x128xf32, #tpu.memory_space<hbm>> -> memref<100000x128xf32, #tpu.memory_space<hbm>>
    tpu.wait_indirect_dma semaphore(%arg28 : memref<!tpu.dma_semaphore, #tpu.memory_space<semaphore_mem>>) src(%dma_wait3A_93 : memref<100000x128xf32, #tpu.memory_space<hbm>>) dst(%arg14 : memref<64x128xf32, #tpu.memory_space<vmem>>)
    %dma_start3A_94 = arith.constant 1 : i32
    %dma_start3A_95 = arith.constant 0 : i32
    %dma_start3A_96 = tpu.memref_slice %arg9[%dma_start3A_94, %add3A_77, %dma_start3A_95] : memref<5x8192x128xf32, #tpu.memory_space<hbm>> -> memref<1x64x128xf32, #tpu.memory_space<hbm>>
    %dma_start3A_97 = tpu.memref_squeeze %dma_start3A_96 : memref<1x64x128xf32, #tpu.memory_space<hbm>> -> memref<64x128xf32, #tpu.memory_space<hbm>>
    %dma_start3A_98 = arith.constant 0 : i32
    %dma_start3A_99 = tpu.memref_slice %arg9[%dma_start3A_94, %add3A_77, %dma_start3A_98] : memref<5x8192x128xf32, #tpu.memory_space<hbm>> -> memref<1x64x128xf32, #tpu.memory_space<hbm>>
    %dma_start3A_100 = tpu.memref_squeeze %dma_start3A_99 : memref<1x64x128xf32, #tpu.memory_space<hbm>> -> memref<64x128xf32, #tpu.memory_space<hbm>>
    tpu.enqueue_dma source(%arg14 : memref<64x128xf32, #tpu.memory_space<vmem>>) target(%dma_start3A_100 : memref<64x128xf32, #tpu.memory_space<hbm>>) target_semaphore(%arg28 : memref<!tpu.dma_semaphore, #tpu.memory_space<semaphore_mem>>)
    %dma_wait3A_101 = arith.constant 0 : i32
    %dma_wait3A_102 = tpu.memref_slice %arg10[%dma_wait3A_101] : memref<256xi32, #tpu.memory_space<vmem>> -> memref<64xi32, #tpu.memory_space<vmem>>
    %dma_wait3A_103 = arith.constant 0 : i32
    %dma_wait3A_104 = arith.constant 0 : i32
    %dma_wait3A_105 = tpu.memref_slice %arg6[%dma_wait3A_103, %dma_wait3A_104] : memref<100000x128xf32, #tpu.memory_space<hbm>> -> memref<100000x128xf32, #tpu.memory_space<hbm>>
    tpu.wait_indirect_dma semaphore(%arg29 : memref<!tpu.dma_semaphore, #tpu.memory_space<semaphore_mem>>) src(%dma_wait3A_105 : memref<100000x128xf32, #tpu.memory_space<hbm>>) dst(%arg15 : memref<64x128xf32, #tpu.memory_space<vmem>>)
    %dma_start3A_106 = arith.constant 2 : i32
    %dma_start3A_107 = arith.constant 0 : i32
    %dma_start3A_108 = tpu.memref_slice %arg9[%dma_start3A_106, %add3A_77, %dma_start3A_107] : memref<5x8192x128xf32, #tpu.memory_space<hbm>> -> memref<1x64x128xf32, #tpu.memory_space<hbm>>
    %dma_start3A_109 = tpu.memref_squeeze %dma_start3A_108 : memref<1x64x128xf32, #tpu.memory_space<hbm>> -> memref<64x128xf32, #tpu.memory_space<hbm>>
    %dma_start3A_110 = arith.constant 0 : i32
    %dma_start3A_111 = tpu.memref_slice %arg9[%dma_start3A_106, %add3A_77, %dma_start3A_110] : memref<5x8192x128xf32, #tpu.memory_space<hbm>> -> memref<1x64x128xf32, #tpu.memory_space<hbm>>
    %dma_start3A_112 = tpu.memref_squeeze %dma_start3A_111 : memref<1x64x128xf32, #tpu.memory_space<hbm>> -> memref<64x128xf32, #tpu.memory_space<hbm>>
    tpu.enqueue_dma source(%arg15 : memref<64x128xf32, #tpu.memory_space<vmem>>) target(%dma_start3A_112 : memref<64x128xf32, #tpu.memory_space<hbm>>) target_semaphore(%arg29 : memref<!tpu.dma_semaphore, #tpu.memory_space<semaphore_mem>>)
    %dma_wait3A_113 = arith.constant 0 : i32
    %dma_wait3A_114 = tpu.memref_slice %arg11[%dma_wait3A_113] : memref<256xi32, #tpu.memory_space<vmem>> -> memref<64xi32, #tpu.memory_space<vmem>>
    %dma_wait3A_115 = arith.constant 0 : i32
    %dma_wait3A_116 = arith.constant 0 : i32
    %dma_wait3A_117 = tpu.memref_slice %arg6[%dma_wait3A_115, %dma_wait3A_116] : memref<100000x128xf32, #tpu.memory_space<hbm>> -> memref<100000x128xf32, #tpu.memory_space<hbm>>
    tpu.wait_indirect_dma semaphore(%arg30 : memref<!tpu.dma_semaphore, #tpu.memory_space<semaphore_mem>>) src(%dma_wait3A_117 : memref<100000x128xf32, #tpu.memory_space<hbm>>) dst(%arg16 : memref<64x128xf32, #tpu.memory_space<vmem>>)
    %dma_start3A_118 = arith.constant 3 : i32
    %dma_start3A_119 = arith.constant 0 : i32
    %dma_start3A_120 = tpu.memref_slice %arg9[%dma_start3A_118, %add3A_77, %dma_start3A_119] : memref<5x8192x128xf32, #tpu.memory_space<hbm>> -> memref<1x64x128xf32, #tpu.memory_space<hbm>>
    %dma_start3A_121 = tpu.memref_squeeze %dma_start3A_120 : memref<1x64x128xf32, #tpu.memory_space<hbm>> -> memref<64x128xf32, #tpu.memory_space<hbm>>
    %dma_start3A_122 = arith.constant 0 : i32
    %dma_start3A_123 = tpu.memref_slice %arg9[%dma_start3A_118, %add3A_77, %dma_start3A_122] : memref<5x8192x128xf32, #tpu.memory_space<hbm>> -> memref<1x64x128xf32, #tpu.memory_space<hbm>>
    %dma_start3A_124 = tpu.memref_squeeze %dma_start3A_123 : memref<1x64x128xf32, #tpu.memory_space<hbm>> -> memref<64x128xf32, #tpu.memory_space<hbm>>
    tpu.enqueue_dma source(%arg16 : memref<64x128xf32, #tpu.memory_space<vmem>>) target(%dma_start3A_124 : memref<64x128xf32, #tpu.memory_space<hbm>>) target_semaphore(%arg30 : memref<!tpu.dma_semaphore, #tpu.memory_space<semaphore_mem>>)
    %dma_wait3A_125 = arith.constant 0 : i32
    %dma_wait3A_126 = tpu.memref_slice %arg10[%dma_wait3A_125] : memref<256xi32, #tpu.memory_space<vmem>> -> memref<64xi32, #tpu.memory_space<vmem>>
    %dma_wait3A_127 = arith.constant 0 : i32
    %dma_wait3A_128 = arith.constant 0 : i32
    %dma_wait3A_129 = tpu.memref_slice %arg7[%dma_wait3A_127, %dma_wait3A_128] : memref<100000x128xf32, #tpu.memory_space<hbm>> -> memref<100000x128xf32, #tpu.memory_space<hbm>>
    tpu.wait_indirect_dma semaphore(%arg31 : memref<!tpu.dma_semaphore, #tpu.memory_space<semaphore_mem>>) src(%dma_wait3A_129 : memref<100000x128xf32, #tpu.memory_space<hbm>>) dst(%arg17 : memref<64x128xf32, #tpu.memory_space<vmem>>)
    %dma_wait3A_130 = arith.constant 0 : i32
    %dma_wait3A_131 = tpu.memref_slice %arg12[%dma_wait3A_130] : memref<256xi32, #tpu.memory_space<vmem>> -> memref<64xi32, #tpu.memory_space<vmem>>
    %dma_wait3A_132 = arith.constant 0 : i32
    %dma_wait3A_133 = arith.constant 0 : i32
    %dma_wait3A_134 = tpu.memref_slice %arg8[%dma_wait3A_132, %dma_wait3A_133] : memref<1000x128xf32, #tpu.memory_space<hbm>> -> memref<1000x128xf32, #tpu.memory_space<hbm>>
    tpu.wait_indirect_dma semaphore(%arg32 : memref<!tpu.dma_semaphore, #tpu.memory_space<semaphore_mem>>) src(%dma_wait3A_134 : memref<1000x128xf32, #tpu.memory_space<hbm>>) dst(%arg18 : memref<64x128xf32, #tpu.memory_space<vmem>>)
    %dma_wait3A_135 = arith.constant 0 : i32
    %dma_wait3A_136 = tpu.memref_slice %arg11[%dma_wait3A_135] : memref<256xi32, #tpu.memory_space<vmem>> -> memref<64xi32, #tpu.memory_space<vmem>>
    %dma_wait3A_137 = arith.constant 0 : i32
    %dma_wait3A_138 = arith.constant 0 : i32
    %dma_wait3A_139 = tpu.memref_slice %arg7[%dma_wait3A_137, %dma_wait3A_138] : memref<100000x128xf32, #tpu.memory_space<hbm>> -> memref<100000x128xf32, #tpu.memory_space<hbm>>
    tpu.wait_indirect_dma semaphore(%arg33 : memref<!tpu.dma_semaphore, #tpu.memory_space<semaphore_mem>>) src(%dma_wait3A_139 : memref<100000x128xf32, #tpu.memory_space<hbm>>) dst(%arg19 : memref<64x128xf32, #tpu.memory_space<vmem>>)
    %scan3A = arith.constant 0 : i32
    %scan3A_140 = arith.constant 0 : i32
    %scan3A_141 = arith.constant 64 : i32
    %scan3A_142 = arith.addi %scan3A_140, %scan3A_141 : i32
    %scan3A_143 = arith.constant 1 : i32
    %scan3A_144 = scf.for %scan3A_600 = %scan3A_140 to %scan3A_142 step %scan3A_143 iter_args(%scan3A_601 = %scan3A) -> (i32)  : i32 {
      %get3A = arith.index_cast %scan3A_600 : i32 to index
      %get3A_602 = arith.constant 0 : index
      %get3A_603 = tpu.vector_load %arg17[%get3A, %get3A_602] {strides = array<i32>} : memref<64x128xf32, #tpu.memory_space<vmem>>, vector<1x16xf32>,
      %get3A_604 = vector.shape_cast %get3A_603 : vector<1x16xf32> to vector<16xf32>
      %get3A_605 = arith.index_cast %scan3A_600 : i32 to index
      %get3A_606 = arith.constant 0 : index
      %get3A_607 = tpu.vector_load %arg18[%get3A_605, %get3A_606] {strides = array<i32>} : memref<64x128xf32, #tpu.memory_space<vmem>>, vector<1x16xf32>,
      %get3A_608 = vector.shape_cast %get3A_607 : vector<1x16xf32> to vector<16xf32>
      %add3A_609 = arith.addf %get3A_604, %get3A_608 : vector<16xf32>
      %get3A_610 = arith.index_cast %scan3A_600 : i32 to index
      %get3A_611 = arith.constant 0 : index
      %get3A_612 = tpu.vector_load %arg19[%get3A_610, %get3A_611] {strides = array<i32>} : memref<64x128xf32, #tpu.memory_space<vmem>>, vector<1x16xf32>,
      %get3A_613 = vector.shape_cast %get3A_612 : vector<1x16xf32> to vector<16xf32>
      %sub3A = arith.subf %add3A_609, %get3A_613 : vector<16xf32>
      %swap3A = arith.index_cast %scan3A_600 : i32 to index
      %swap3A_614 = arith.constant 0 : index
      %swap3A_615 = tpu.vector_load %arg17[%swap3A, %swap3A_614] {strides = array<i32>} : memref<64x128xf32, #tpu.memory_space<vmem>>, vector<1x16xf32>,
      %swap3A_616 = vector.shape_cast %swap3A_615 : vector<1x16xf32> to vector<16xf32>
      %swap3A_617 = vector.shape_cast %sub3A : vector<16xf32> to vector<1x16xf32>
      tpu.vector_store %arg17[%swap3A, %swap3A_614], %swap3A_617 {strides = array<i32>} : memref<64x128xf32, #tpu.memory_space<vmem>>, vector<1x16xf32>,
      %get3A_618 = arith.index_cast %scan3A_600 : i32 to index
      %get3A_619 = arith.constant 16 : index
      %get3A_620 = tpu.vector_load %arg17[%get3A_618, %get3A_619] {strides = array<i32>} : memref<64x128xf32, #tpu.memory_space<vmem>>, vector<1x16xf32>,
      %get3A_621 = vector.shape_cast %get3A_620 : vector<1x16xf32> to vector<16xf32>
      %get3A_622 = arith.index_cast %scan3A_600 : i32 to index
      %get3A_623 = arith.constant 16 : index
      %get3A_624 = tpu.vector_load %arg18[%get3A_622, %get3A_623] {strides = array<i32>} : memref<64x128xf32, #tpu.memory_space<vmem>>, vector<1x16xf32>,
      %get3A_625 = vector.shape_cast %get3A_624 : vector<1x16xf32> to vector<16xf32>
      %add3A_626 = arith.addf %get3A_621, %get3A_625 : vector<16xf32>
      %get3A_627 = arith.index_cast %scan3A_600 : i32 to index
      %get3A_628 = arith.constant 16 : index
      %get3A_629 = tpu.vector_load %arg19[%get3A_627, %get3A_628] {strides = array<i32>} : memref<64x128xf32, #tpu.memory_space<vmem>>, vector<1x16xf32>,
      %get3A_630 = vector.shape_cast %get3A_629 : vector<1x16xf32> to vector<16xf32>
      %sub3A_631 = arith.subf %add3A_626, %get3A_630 : vector<16xf32>
      %swap3A_632 = arith.index_cast %scan3A_600 : i32 to index
      %swap3A_633 = arith.constant 16 : index
      %swap3A_634 = tpu.vector_load %arg17[%swap3A_632, %swap3A_633] {strides = array<i32>} : memref<64x128xf32, #tpu.memory_space<vmem>>, vector<1x16xf32>,
      %swap3A_635 = vector.shape_cast %swap3A_634 : vector<1x16xf32> to vector<16xf32>
      %swap3A_636 = vector.shape_cast %sub3A_631 : vector<16xf32> to vector<1x16xf32>
      tpu.vector_store %arg17[%swap3A_632, %swap3A_633], %swap3A_636 {strides = array<i32>} : memref<64x128xf32, #tpu.memory_space<vmem>>, vector<1x16xf32>,
      %get3A_637 = arith.index_cast %scan3A_600 : i32 to index
      %get3A_638 = arith.constant 32 : index
      %get3A_639 = tpu.vector_load %arg17[%get3A_637, %get3A_638] {strides = array<i32>} : memref<64x128xf32, #tpu.memory_space<vmem>>, vector<1x16xf32>,
      %get3A_640 = vector.shape_cast %get3A_639 : vector<1x16xf32> to vector<16xf32>
      %get3A_641 = arith.index_cast %scan3A_600 : i32 to index
      %get3A_642 = arith.constant 32 : index
      %get3A_643 = tpu.vector_load %arg18[%get3A_641, %get3A_642] {strides = array<i32>} : memref<64x128xf32, #tpu.memory_space<vmem>>, vector<1x16xf32>,
      %get3A_644 = vector.shape_cast %get3A_643 : vector<1x16xf32> to vector<16xf32>
      %add3A_645 = arith.addf %get3A_640, %get3A_644 : vector<16xf32>
      %get3A_646 = arith.index_cast %scan3A_600 : i32 to index
      %get3A_647 = arith.constant 32 : index
      %get3A_648 = tpu.vector_load %arg19[%get3A_646, %get3A_647] {strides = array<i32>} : memref<64x128xf32, #tpu.memory_space<vmem>>, vector<1x16xf32>,
      %get3A_649 = vector.shape_cast %get3A_648 : vector<1x16xf32> to vector<16xf32>
      %sub3A_650 = arith.subf %add3A_645, %get3A_649 : vector<16xf32>
      %swap3A_651 = arith.index_cast %scan3A_600 : i32 to index
      %swap3A_652 = arith.constant 32 : index
      %swap3A_653 = tpu.vector_load %arg17[%swap3A_651, %swap3A_652] {strides = array<i32>} : memref<64x128xf32, #tpu.memory_space<vmem>>, vector<1x16xf32>,
      %swap3A_654 = vector.shape_cast %swap3A_653 : vector<1x16xf32> to vector<16xf32>
      %swap3A_655 = vector.shape_cast %sub3A_650 : vector<16xf32> to vector<1x16xf32>
      tpu.vector_store %arg17[%swap3A_651, %swap3A_652], %swap3A_655 {strides = array<i32>} : memref<64x128xf32, #tpu.memory_space<vmem>>, vector<1x16xf32>,
      %get3A_656 = arith.index_cast %scan3A_600 : i32 to index
      %get3A_657 = arith.constant 48 : index
      %get3A_658 = tpu.vector_load %arg17[%get3A_656, %get3A_657] {strides = array<i32>} : memref<64x128xf32, #tpu.memory_space<vmem>>, vector<1x16xf32>,
      %get3A_659 = vector.shape_cast %get3A_658 : vector<1x16xf32> to vector<16xf32>
      %get3A_660 = arith.index_cast %scan3A_600 : i32 to index
      %get3A_661 = arith.constant 48 : index
      %get3A_662 = tpu.vector_load %arg18[%get3A_660, %get3A_661] {strides = array<i32>} : memref<64x128xf32, #tpu.memory_space<vmem>>, vector<1x16xf32>,
      %get3A_663 = vector.shape_cast %get3A_662 : vector<1x16xf32> to vector<16xf32>
      %add3A_664 = arith.addf %get3A_659, %get3A_663 : vector<16xf32>
      %get3A_665 = arith.index_cast %scan3A_600 : i32 to index
      %get3A_666 = arith.constant 48 : index
      %get3A_667 = tpu.vector_load %arg19[%get3A_665, %get3A_666] {strides = array<i32>} : memref<64x128xf32, #tpu.memory_space<vmem>>, vector<1x16xf32>,
      %get3A_668 = vector.shape_cast %get3A_667 : vector<1x16xf32> to vector<16xf32>
      %sub3A_669 = arith.subf %add3A_664, %get3A_668 : vector<16xf32>
      %swap3A_670 = arith.index_cast %scan3A_600 : i32 to index
      %swap3A_671 = arith.constant 48 : index
      %swap3A_672 = tpu.vector_load %arg17[%swap3A_670, %swap3A_671] {strides = array<i32>} : memref<64x128xf32, #tpu.memory_space<vmem>>, vector<1x16xf32>,
      %swap3A_673 = vector.shape_cast %swap3A_672 : vector<1x16xf32> to vector<16xf32>
      %swap3A_674 = vector.shape_cast %sub3A_669 : vector<16xf32> to vector<1x16xf32>
      tpu.vector_store %arg17[%swap3A_670, %swap3A_671], %swap3A_674 {strides = array<i32>} : memref<64x128xf32, #tpu.memory_space<vmem>>, vector<1x16xf32>,
      %get3A_675 = arith.index_cast %scan3A_600 : i32 to index
      %get3A_676 = arith.constant 64 : index
      %get3A_677 = tpu.vector_load %arg17[%get3A_675, %get3A_676] {strides = array<i32>} : memref<64x128xf32, #tpu.memory_space<vmem>>, vector<1x16xf32>,
      %get3A_678 = vector.shape_cast %get3A_677 : vector<1x16xf32> to vector<16xf32>
      %get3A_679 = arith.index_cast %scan3A_600 : i32 to index
      %get3A_680 = arith.constant 64 : index
      %get3A_681 = tpu.vector_load %arg18[%get3A_679, %get3A_680] {strides = array<i32>} : memref<64x128xf32, #tpu.memory_space<vmem>>, vector<1x16xf32>,
      %get3A_682 = vector.shape_cast %get3A_681 : vector<1x16xf32> to vector<16xf32>
      %add3A_683 = arith.addf %get3A_678, %get3A_682 : vector<16xf32>
      %get3A_684 = arith.index_cast %scan3A_600 : i32 to index
      %get3A_685 = arith.constant 64 : index
      %get3A_686 = tpu.vector_load %arg19[%get3A_684, %get3A_685] {strides = array<i32>} : memref<64x128xf32, #tpu.memory_space<vmem>>, vector<1x16xf32>,
      %get3A_687 = vector.shape_cast %get3A_686 : vector<1x16xf32> to vector<16xf32>
      %sub3A_688 = arith.subf %add3A_683, %get3A_687 : vector<16xf32>
      %swap3A_689 = arith.index_cast %scan3A_600 : i32 to index
      %swap3A_690 = arith.constant 64 : index
      %swap3A_691 = tpu.vector_load %arg17[%swap3A_689, %swap3A_690] {strides = array<i32>} : memref<64x128xf32, #tpu.memory_space<vmem>>, vector<1x16xf32>,
      %swap3A_692 = vector.shape_cast %swap3A_691 : vector<1x16xf32> to vector<16xf32>
      %swap3A_693 = vector.shape_cast %sub3A_688 : vector<16xf32> to vector<1x16xf32>
      tpu.vector_store %arg17[%swap3A_689, %swap3A_690], %swap3A_693 {strides = array<i32>} : memref<64x128xf32, #tpu.memory_space<vmem>>, vector<1x16xf32>,
      %get3A_694 = arith.index_cast %scan3A_600 : i32 to index
      %get3A_695 = arith.constant 80 : index
      %get3A_696 = tpu.vector_load %arg17[%get3A_694, %get3A_695] {strides = array<i32>} : memref<64x128xf32, #tpu.memory_space<vmem>>, vector<1x16xf32>,
      %get3A_697 = vector.shape_cast %get3A_696 : vector<1x16xf32> to vector<16xf32>
      %get3A_698 = arith.index_cast %scan3A_600 : i32 to index
      %get3A_699 = arith.constant 80 : index
      %get3A_700 = tpu.vector_load %arg18[%get3A_698, %get3A_699] {strides = array<i32>} : memref<64x128xf32, #tpu.memory_space<vmem>>, vector<1x16xf32>,
      %get3A_701 = vector.shape_cast %get3A_700 : vector<1x16xf32> to vector<16xf32>
      %add3A_702 = arith.addf %get3A_697, %get3A_701 : vector<16xf32>
      %get3A_703 = arith.index_cast %scan3A_600 : i32 to index
      %get3A_704 = arith.constant 80 : index
      %get3A_705 = tpu.vector_load %arg19[%get3A_703, %get3A_704] {strides = array<i32>} : memref<64x128xf32, #tpu.memory_space<vmem>>, vector<1x16xf32>,
      %get3A_706 = vector.shape_cast %get3A_705 : vector<1x16xf32> to vector<16xf32>
      %sub3A_707 = arith.subf %add3A_702, %get3A_706 : vector<16xf32>
      %swap3A_708 = arith.index_cast %scan3A_600 : i32 to index
      %swap3A_709 = arith.constant 80 : index
      %swap3A_710 = tpu.vector_load %arg17[%swap3A_708, %swap3A_709] {strides = array<i32>} : memref<64x128xf32, #tpu.memory_space<vmem>>, vector<1x16xf32>,
      %swap3A_711 = vector.shape_cast %swap3A_710 : vector<1x16xf32> to vector<16xf32>
      %swap3A_712 = vector.shape_cast %sub3A_707 : vector<16xf32> to vector<1x16xf32>
      tpu.vector_store %arg17[%swap3A_708, %swap3A_709], %swap3A_712 {strides = array<i32>} : memref<64x128xf32, #tpu.memory_space<vmem>>, vector<1x16xf32>,
      %get3A_713 = arith.index_cast %scan3A_600 : i32 to index
      %get3A_714 = arith.constant 96 : index
      %get3A_715 = tpu.vector_load %arg17[%get3A_713, %get3A_714] {strides = array<i32>} : memref<64x128xf32, #tpu.memory_space<vmem>>, vector<1x16xf32>,
      %get3A_716 = vector.shape_cast %get3A_715 : vector<1x16xf32> to vector<16xf32>
      %get3A_717 = arith.index_cast %scan3A_600 : i32 to index
      %get3A_718 = arith.constant 96 : index
      %get3A_719 = tpu.vector_load %arg18[%get3A_717, %get3A_718] {strides = array<i32>} : memref<64x128xf32, #tpu.memory_space<vmem>>, vector<1x16xf32>,
      %get3A_720 = vector.shape_cast %get3A_719 : vector<1x16xf32> to vector<16xf32>
      %add3A_721 = arith.addf %get3A_716, %get3A_720 : vector<16xf32>
      %get3A_722 = arith.index_cast %scan3A_600 : i32 to index
      %get3A_723 = arith.constant 96 : index
      %get3A_724 = tpu.vector_load %arg19[%get3A_722, %get3A_723] {strides = array<i32>} : memref<64x128xf32, #tpu.memory_space<vmem>>, vector<1x16xf32>,
      %get3A_725 = vector.shape_cast %get3A_724 : vector<1x16xf32> to vector<16xf32>
      %sub3A_726 = arith.subf %add3A_721, %get3A_725 : vector<16xf32>
      %swap3A_727 = arith.index_cast %scan3A_600 : i32 to index
      %swap3A_728 = arith.constant 96 : index
      %swap3A_729 = tpu.vector_load %arg17[%swap3A_727, %swap3A_728] {strides = array<i32>} : memref<64x128xf32, #tpu.memory_space<vmem>>, vector<1x16xf32>,
      %swap3A_730 = vector.shape_cast %swap3A_729 : vector<1x16xf32> to vector<16xf32>
      %swap3A_731 = vector.shape_cast %sub3A_726 : vector<16xf32> to vector<1x16xf32>
      tpu.vector_store %arg17[%swap3A_727, %swap3A_728], %swap3A_731 {strides = array<i32>} : memref<64x128xf32, #tpu.memory_space<vmem>>, vector<1x16xf32>,
      %get3A_732 = arith.index_cast %scan3A_600 : i32 to index
      %get3A_733 = arith.constant 112 : index
      %get3A_734 = tpu.vector_load %arg17[%get3A_732, %get3A_733] {strides = array<i32>} : memref<64x128xf32, #tpu.memory_space<vmem>>, vector<1x16xf32>,
      %get3A_735 = vector.shape_cast %get3A_734 : vector<1x16xf32> to vector<16xf32>
      %get3A_736 = arith.index_cast %scan3A_600 : i32 to index
      %get3A_737 = arith.constant 112 : index
      %get3A_738 = tpu.vector_load %arg18[%get3A_736, %get3A_737] {strides = array<i32>} : memref<64x128xf32, #tpu.memory_space<vmem>>, vector<1x16xf32>,
      %get3A_739 = vector.shape_cast %get3A_738 : vector<1x16xf32> to vector<16xf32>
      %add3A_740 = arith.addf %get3A_735, %get3A_739 : vector<16xf32>
      %get3A_741 = arith.index_cast %scan3A_600 : i32 to index
      %get3A_742 = arith.constant 112 : index
      %get3A_743 = tpu.vector_load %arg19[%get3A_741, %get3A_742] {strides = array<i32>} : memref<64x128xf32, #tpu.memory_space<vmem>>, vector<1x16xf32>,
      %get3A_744 = vector.shape_cast %get3A_743 : vector<1x16xf32> to vector<16xf32>
      %sub3A_745 = arith.subf %add3A_740, %get3A_744 : vector<16xf32>
      %swap3A_746 = arith.index_cast %scan3A_600 : i32 to index
      %swap3A_747 = arith.constant 112 : index
      %swap3A_748 = tpu.vector_load %arg17[%swap3A_746, %swap3A_747] {strides = array<i32>} : memref<64x128xf32, #tpu.memory_space<vmem>>, vector<1x16xf32>,
      %swap3A_749 = vector.shape_cast %swap3A_748 : vector<1x16xf32> to vector<16xf32>
      %swap3A_750 = vector.shape_cast %sub3A_745 : vector<16xf32> to vector<1x16xf32>
      tpu.vector_store %arg17[%swap3A_746, %swap3A_747], %swap3A_750 {strides = array<i32>} : memref<64x128xf32, #tpu.memory_space<vmem>>, vector<1x16xf32>,
      %scan3A_751 = arith.constant 0 : i32
      scf.yield %scan3A_751 : i32
    }
    %scan3A_145 = arith.constant 64 : i32
    %dma_start3A_146 = arith.constant 4 : i32
    %dma_start3A_147 = arith.constant 0 : i32
    %dma_start3A_148 = tpu.memref_slice %arg9[%dma_start3A_146, %add3A_77, %dma_start3A_147] : memref<5x8192x128xf32, #tpu.memory_space<hbm>> -> memref<1x64x128xf32, #tpu.memory_space<hbm>>
    %dma_start3A_149 = tpu.memref_squeeze %dma_start3A_148 : memref<1x64x128xf32, #tpu.memory_space<hbm>> -> memref<64x128xf32, #tpu.memory_space<hbm>>
    %dma_start3A_150 = arith.constant 0 : i32
    %dma_start3A_151 = tpu.memref_slice %arg9[%dma_start3A_146, %add3A_77, %dma_start3A_150] : memref<5x8192x128xf32, #tpu.memory_space<hbm>> -> memref<1x64x128xf32, #tpu.memory_space<hbm>>
    %dma_start3A_152 = tpu.memref_squeeze %dma_start3A_151 : memref<1x64x128xf32, #tpu.memory_space<hbm>> -> memref<64x128xf32, #tpu.memory_space<hbm>>
    tpu.enqueue_dma source(%arg17 : memref<64x128xf32, #tpu.memory_space<vmem>>) target(%dma_start3A_152 : memref<64x128xf32, #tpu.memory_space<hbm>>) target_semaphore(%arg31 : memref<!tpu.dma_semaphore, #tpu.memory_space<semaphore_mem>>)
    %dma_wait3A_153 = arith.constant 0 : i32
    %dma_wait3A_154 = arith.constant 0 : i32
    %dma_wait3A_155 = tpu.memref_slice %arg9[%dma_wait3A_153, %add3A_77, %dma_wait3A_154] : memref<5x8192x128xf32, #tpu.memory_space<hbm>> -> memref<1x64x128xf32, #tpu.memory_space<hbm>>
    %dma_wait3A_156 = tpu.memref_squeeze %dma_wait3A_155 : memref<1x64x128xf32, #tpu.memory_space<hbm>> -> memref<64x128xf32, #tpu.memory_space<hbm>>
    %dma_wait3A_157 = arith.constant 0 : i32
    %dma_wait3A_158 = tpu.memref_slice %arg9[%dma_wait3A_153, %add3A_77, %dma_wait3A_157] : memref<5x8192x128xf32, #tpu.memory_space<hbm>> -> memref<1x64x128xf32, #tpu.memory_space<hbm>>
    %dma_wait3A_159 = tpu.memref_squeeze %dma_wait3A_158 : memref<1x64x128xf32, #tpu.memory_space<hbm>> -> memref<64x128xf32, #tpu.memory_space<hbm>>
    tpu.wait_dma2 semaphore(%arg27 : memref<!tpu.dma_semaphore, #tpu.memory_space<semaphore_mem>>) src(%arg13 : memref<64x128xf32, #tpu.memory_space<vmem>>) dst(%dma_wait3A_159 : memref<64x128xf32, #tpu.memory_space<hbm>>)
    %dma_start3A_160 = arith.constant 128 : i32
    %dma_start3A_161 = tpu.memref_slice %arg10[%dma_start3A_160] : memref<256xi32, #tpu.memory_space<vmem>> -> memref<64xi32, #tpu.memory_space<vmem>>
    %dma_start3A_162 = arith.constant 0 : i32
    %dma_start3A_163 = arith.constant 0 : i32
    %dma_start3A_164 = tpu.memref_slice %arg5[%dma_start3A_162, %dma_start3A_163] : memref<100000x128xf32, #tpu.memory_space<hbm>> -> memref<100000x128xf32, #tpu.memory_space<hbm>>
    tpu.enqueue_indirect_dma source(%dma_start3A_164 : memref<100000x128xf32, #tpu.memory_space<hbm>>) target(%arg13 : memref<64x128xf32, #tpu.memory_space<vmem>>) offsets(%dma_start3A_161 : memref<64xi32, #tpu.memory_space<vmem>>) semaphore(%arg27 : memref<!tpu.dma_semaphore, #tpu.memory_space<semaphore_mem>>)
    %dma_wait3A_165 = arith.constant 1 : i32
    %dma_wait3A_166 = arith.constant 0 : i32
    %dma_wait3A_167 = tpu.memref_slice %arg9[%dma_wait3A_165, %add3A_77, %dma_wait3A_166] : memref<5x8192x128xf32, #tpu.memory_space<hbm>> -> memref<1x64x128xf32, #tpu.memory_space<hbm>>
    %dma_wait3A_168 = tpu.memref_squeeze %dma_wait3A_167 : memref<1x64x128xf32, #tpu.memory_space<hbm>> -> memref<64x128xf32, #tpu.memory_space<hbm>>
    %dma_wait3A_169 = arith.constant 0 : i32
    %dma_wait3A_170 = tpu.memref_slice %arg9[%dma_wait3A_165, %add3A_77, %dma_wait3A_169] : memref<5x8192x128xf32, #tpu.memory_space<hbm>> -> memref<1x64x128xf32, #tpu.memory_space<hbm>>
    %dma_wait3A_171 = tpu.memref_squeeze %dma_wait3A_170 : memref<1x64x128xf32, #tpu.memory_space<hbm>> -> memref<64x128xf32, #tpu.memory_space<hbm>>
    tpu.wait_dma2 semaphore(%arg28 : memref<!tpu.dma_semaphore, #tpu.memory_space<semaphore_mem>>) src(%arg14 : memref<64x128xf32, #tpu.memory_space<vmem>>) dst(%dma_wait3A_171 : memref<64x128xf32, #tpu.memory_space<hbm>>)
    %dma_start3A_172 = arith.constant 128 : i32
    %dma_start3A_173 = tpu.memref_slice %arg11[%dma_start3A_172] : memref<256xi32, #tpu.memory_space<vmem>> -> memref<64xi32, #tpu.memory_space<vmem>>
    %dma_start3A_174 = arith.constant 0 : i32
    %dma_start3A_175 = arith.constant 0 : i32
    %dma_start3A_176 = tpu.memref_slice %arg5[%dma_start3A_174, %dma_start3A_175] : memref<100000x128xf32, #tpu.memory_space<hbm>> -> memref<100000x128xf32, #tpu.memory_space<hbm>>
    tpu.enqueue_indirect_dma source(%dma_start3A_176 : memref<100000x128xf32, #tpu.memory_space<hbm>>) target(%arg14 : memref<64x128xf32, #tpu.memory_space<vmem>>) offsets(%dma_start3A_173 : memref<64xi32, #tpu.memory_space<vmem>>) semaphore(%arg28 : memref<!tpu.dma_semaphore, #tpu.memory_space<semaphore_mem>>)
    %dma_wait3A_177 = arith.constant 2 : i32
    %dma_wait3A_178 = arith.constant 0 : i32
    %dma_wait3A_179 = tpu.memref_slice %arg9[%dma_wait3A_177, %add3A_77, %dma_wait3A_178] : memref<5x8192x128xf32, #tpu.memory_space<hbm>> -> memref<1x64x128xf32, #tpu.memory_space<hbm>>
    %dma_wait3A_180 = tpu.memref_squeeze %dma_wait3A_179 : memref<1x64x128xf32, #tpu.memory_space<hbm>> -> memref<64x128xf32, #tpu.memory_space<hbm>>
    %dma_wait3A_181 = arith.constant 0 : i32
    %dma_wait3A_182 = tpu.memref_slice %arg9[%dma_wait3A_177, %add3A_77, %dma_wait3A_181] : memref<5x8192x128xf32, #tpu.memory_space<hbm>> -> memref<1x64x128xf32, #tpu.memory_space<hbm>>
    %dma_wait3A_183 = tpu.memref_squeeze %dma_wait3A_182 : memref<1x64x128xf32, #tpu.memory_space<hbm>> -> memref<64x128xf32, #tpu.memory_space<hbm>>
    tpu.wait_dma2 semaphore(%arg29 : memref<!tpu.dma_semaphore, #tpu.memory_space<semaphore_mem>>) src(%arg15 : memref<64x128xf32, #tpu.memory_space<vmem>>) dst(%dma_wait3A_183 : memref<64x128xf32, #tpu.memory_space<hbm>>)
    %dma_start3A_184 = arith.constant 128 : i32
    %dma_start3A_185 = tpu.memref_slice %arg10[%dma_start3A_184] : memref<256xi32, #tpu.memory_space<vmem>> -> memref<64xi32, #tpu.memory_space<vmem>>
    %dma_start3A_186 = arith.constant 0 : i32
    %dma_start3A_187 = arith.constant 0 : i32
    %dma_start3A_188 = tpu.memref_slice %arg6[%dma_start3A_186, %dma_start3A_187] : memref<100000x128xf32, #tpu.memory_space<hbm>> -> memref<100000x128xf32, #tpu.memory_space<hbm>>
    tpu.enqueue_indirect_dma source(%dma_start3A_188 : memref<100000x128xf32, #tpu.memory_space<hbm>>) target(%arg15 : memref<64x128xf32, #tpu.memory_space<vmem>>) offsets(%dma_start3A_185 : memref<64xi32, #tpu.memory_space<vmem>>) semaphore(%arg29 : memref<!tpu.dma_semaphore, #tpu.memory_space<semaphore_mem>>)
    %dma_wait3A_189 = arith.constant 3 : i32
    %dma_wait3A_190 = arith.constant 0 : i32
    %dma_wait3A_191 = tpu.memref_slice %arg9[%dma_wait3A_189, %add3A_77, %dma_wait3A_190] : memref<5x8192x128xf32, #tpu.memory_space<hbm>> -> memref<1x64x128xf32, #tpu.memory_space<hbm>>
    %dma_wait3A_192 = tpu.memref_squeeze %dma_wait3A_191 : memref<1x64x128xf32, #tpu.memory_space<hbm>> -> memref<64x128xf32, #tpu.memory_space<hbm>>
    %dma_wait3A_193 = arith.constant 0 : i32
    %dma_wait3A_194 = tpu.memref_slice %arg9[%dma_wait3A_189, %add3A_77, %dma_wait3A_193] : memref<5x8192x128xf32, #tpu.memory_space<hbm>> -> memref<1x64x128xf32, #tpu.memory_space<hbm>>
    %dma_wait3A_195 = tpu.memref_squeeze %dma_wait3A_194 : memref<1x64x128xf32, #tpu.memory_space<hbm>> -> memref<64x128xf32, #tpu.memory_space<hbm>>
    tpu.wait_dma2 semaphore(%arg30 : memref<!tpu.dma_semaphore, #tpu.memory_space<semaphore_mem>>) src(%arg16 : memref<64x128xf32, #tpu.memory_space<vmem>>) dst(%dma_wait3A_195 : memref<64x128xf32, #tpu.memory_space<hbm>>)
    %dma_start3A_196 = arith.constant 128 : i32
    %dma_start3A_197 = tpu.memref_slice %arg11[%dma_start3A_196] : memref<256xi32, #tpu.memory_space<vmem>> -> memref<64xi32, #tpu.memory_space<vmem>>
    %dma_start3A_198 = arith.constant 0 : i32
    %dma_start3A_199 = arith.constant 0 : i32
    %dma_start3A_200 = tpu.memref_slice %arg6[%dma_start3A_198, %dma_start3A_199] : memref<100000x128xf32, #tpu.memory_space<hbm>> -> memref<100000x128xf32, #tpu.memory_space<hbm>>
    tpu.enqueue_indirect_dma source(%dma_start3A_200 : memref<100000x128xf32, #tpu.memory_space<hbm>>) target(%arg16 : memref<64x128xf32, #tpu.memory_space<vmem>>) offsets(%dma_start3A_197 : memref<64xi32, #tpu.memory_space<vmem>>) semaphore(%arg30 : memref<!tpu.dma_semaphore, #tpu.memory_space<semaphore_mem>>)
    %dma_wait3A_201 = arith.constant 4 : i32
    %dma_wait3A_202 = arith.constant 0 : i32
    %dma_wait3A_203 = tpu.memref_slice %arg9[%dma_wait3A_201, %add3A_77, %dma_wait3A_202] : memref<5x8192x128xf32, #tpu.memory_space<hbm>> -> memref<1x64x128xf32, #tpu.memory_space<hbm>>
    %dma_wait3A_204 = tpu.memref_squeeze %dma_wait3A_203 : memref<1x64x128xf32, #tpu.memory_space<hbm>> -> memref<64x128xf32, #tpu.memory_space<hbm>>
    %dma_wait3A_205 = arith.constant 0 : i32
    %dma_wait3A_206 = tpu.memref_slice %arg9[%dma_wait3A_201, %add3A_77, %dma_wait3A_205] : memref<5x8192x128xf32, #tpu.memory_space<hbm>> -> memref<1x64x128xf32, #tpu.memory_space<hbm>>
    %dma_wait3A_207 = tpu.memref_squeeze %dma_wait3A_206 : memref<1x64x128xf32, #tpu.memory_space<hbm>> -> memref<64x128xf32, #tpu.memory_space<hbm>>
    tpu.wait_dma2 semaphore(%arg31 : memref<!tpu.dma_semaphore, #tpu.memory_space<semaphore_mem>>) src(%arg17 : memref<64x128xf32, #tpu.memory_space<vmem>>) dst(%dma_wait3A_207 : memref<64x128xf32, #tpu.memory_space<hbm>>)
    %dma_start3A_208 = arith.constant 128 : i32
    %dma_start3A_209 = tpu.memref_slice %arg10[%dma_start3A_208] : memref<256xi32, #tpu.memory_space<vmem>> -> memref<64xi32, #tpu.memory_space<vmem>>
    %dma_start3A_210 = arith.constant 0 : i32
    %dma_start3A_211 = arith.constant 0 : i32
    %dma_start3A_212 = tpu.memref_slice %arg7[%dma_start3A_210, %dma_start3A_211] : memref<100000x128xf32, #tpu.memory_space<hbm>> -> memref<100000x128xf32, #tpu.memory_space<hbm>>
    tpu.enqueue_indirect_dma source(%dma_start3A_212 : memref<100000x128xf32, #tpu.memory_space<hbm>>) target(%arg17 : memref<64x128xf32, #tpu.memory_space<vmem>>) offsets(%dma_start3A_209 : memref<64xi32, #tpu.memory_space<vmem>>) semaphore(%arg31 : memref<!tpu.dma_semaphore, #tpu.memory_space<semaphore_mem>>)
    %dma_start3A_213 = arith.constant 128 : i32
    %dma_start3A_214 = tpu.memref_slice %arg12[%dma_start3A_213] : memref<256xi32, #tpu.memory_space<vmem>> -> memref<64xi32, #tpu.memory_space<vmem>>
    %dma_start3A_215 = arith.constant 0 : i32
    %dma_start3A_216 = arith.constant 0 : i32
    %dma_start3A_217 = tpu.memref_slice %arg8[%dma_start3A_215, %dma_start3A_216] : memref<1000x128xf32, #tpu.memory_space<hbm>> -> memref<1000x128xf32, #tpu.memory_space<hbm>>
    tpu.enqueue_indirect_dma source(%dma_start3A_217 : memref<1000x128xf32, #tpu.memory_space<hbm>>) target(%arg18 : memref<64x128xf32, #tpu.memory_space<vmem>>) offsets(%dma_start3A_214 : memref<64xi32, #tpu.memory_space<vmem>>) semaphore(%arg32 : memref<!tpu.dma_semaphore, #tpu.memory_space<semaphore_mem>>)
    %dma_start3A_218 = arith.constant 128 : i32
    %dma_start3A_219 = tpu.memref_slice %arg11[%dma_start3A_218] : memref<256xi32, #tpu.memory_space<vmem>> -> memref<64xi32, #tpu.memory_space<vmem>>
    %dma_start3A_220 = arith.constant 0 : i32
    %dma_start3A_221 = arith.constant 0 : i32
    %dma_start3A_222 = tpu.memref_slice %arg7[%dma_start3A_220, %dma_start3A_221] : memref<100000x128xf32, #tpu.memory_space<hbm>> -> memref<100000x128xf32, #tpu.memory_space<hbm>>
    tpu.enqueue_indirect_dma source(%dma_start3A_222 : memref<100000x128xf32, #tpu.memory_space<hbm>>) target(%arg19 : memref<64x128xf32, #tpu.memory_space<vmem>>) offsets(%dma_start3A_219 : memref<64xi32, #tpu.memory_space<vmem>>) semaphore(%arg33 : memref<!tpu.dma_semaphore, #tpu.memory_space<semaphore_mem>>)
    %add3A_223 = arith.constant 64 : i32
    %add3A_224 = arith.addi %mul3A_2, %add3A_223 : i32
    %dma_wait3A_225 = arith.constant 64 : i32
    %dma_wait3A_226 = tpu.memref_slice %arg10[%dma_wait3A_225] : memref<256xi32, #tpu.memory_space<vmem>> -> memref<64xi32, #tpu.memory_space<vmem>>
    %dma_wait3A_227 = arith.constant 0 : i32
    %dma_wait3A_228 = arith.constant 0 : i32
    %dma_wait3A_229 = tpu.memref_slice %arg5[%dma_wait3A_227, %dma_wait3A_228] : memref<100000x128xf32, #tpu.memory_space<hbm>> -> memref<100000x128xf32, #tpu.memory_space<hbm>>
    tpu.wait_indirect_dma semaphore(%arg34 : memref<!tpu.dma_semaphore, #tpu.memory_space<semaphore_mem>>) src(%dma_wait3A_229 : memref<100000x128xf32, #tpu.memory_space<hbm>>) dst(%arg20 : memref<64x128xf32, #tpu.memory_space<vmem>>)
    %dma_start3A_230 = arith.constant 0 : i32
    %dma_start3A_231 = arith.constant 0 : i32
    %dma_start3A_232 = tpu.memref_slice %arg9[%dma_start3A_230, %add3A_224, %dma_start3A_231] : memref<5x8192x128xf32, #tpu.memory_space<hbm>> -> memref<1x64x128xf32, #tpu.memory_space<hbm>>
    %dma_start3A_233 = tpu.memref_squeeze %dma_start3A_232 : memref<1x64x128xf32, #tpu.memory_space<hbm>> -> memref<64x128xf32, #tpu.memory_space<hbm>>
    %dma_start3A_234 = arith.constant 0 : i32
    %dma_start3A_235 = tpu.memref_slice %arg9[%dma_start3A_230, %add3A_224, %dma_start3A_234] : memref<5x8192x128xf32, #tpu.memory_space<hbm>> -> memref<1x64x128xf32, #tpu.memory_space<hbm>>
    %dma_start3A_236 = tpu.memref_squeeze %dma_start3A_235 : memref<1x64x128xf32, #tpu.memory_space<hbm>> -> memref<64x128xf32, #tpu.memory_space<hbm>>
    tpu.enqueue_dma source(%arg20 : memref<64x128xf32, #tpu.memory_space<vmem>>) target(%dma_start3A_236 : memref<64x128xf32, #tpu.memory_space<hbm>>) target_semaphore(%arg34 : memref<!tpu.dma_semaphore, #tpu.memory_space<semaphore_mem>>)
    %dma_wait3A_237 = arith.constant 64 : i32
    %dma_wait3A_238 = tpu.memref_slice %arg11[%dma_wait3A_237] : memref<256xi32, #tpu.memory_space<vmem>> -> memref<64xi32, #tpu.memory_space<vmem>>
    %dma_wait3A_239 = arith.constant 0 : i32
    %dma_wait3A_240 = arith.constant 0 : i32
    %dma_wait3A_241 = tpu.memref_slice %arg5[%dma_wait3A_239, %dma_wait3A_240] : memref<100000x128xf32, #tpu.memory_space<hbm>> -> memref<100000x128xf32, #tpu.memory_space<hbm>>
    tpu.wait_indirect_dma semaphore(%arg35 : memref<!tpu.dma_semaphore, #tpu.memory_space<semaphore_mem>>) src(%dma_wait3A_241 : memref<100000x128xf32, #tpu.memory_space<hbm>>) dst(%arg21 : memref<64x128xf32, #tpu.memory_space<vmem>>)
    %dma_start3A_242 = arith.constant 1 : i32
    %dma_start3A_243 = arith.constant 0 : i32
    %dma_start3A_244 = tpu.memref_slice %arg9[%dma_start3A_242, %add3A_224, %dma_start3A_243] : memref<5x8192x128xf32, #tpu.memory_space<hbm>> -> memref<1x64x128xf32, #tpu.memory_space<hbm>>
    %dma_start3A_245 = tpu.memref_squeeze %dma_start3A_244 : memref<1x64x128xf32, #tpu.memory_space<hbm>> -> memref<64x128xf32, #tpu.memory_space<hbm>>
    %dma_start3A_246 = arith.constant 0 : i32
    %dma_start3A_247 = tpu.memref_slice %arg9[%dma_start3A_242, %add3A_224, %dma_start3A_246] : memref<5x8192x128xf32, #tpu.memory_space<hbm>> -> memref<1x64x128xf32, #tpu.memory_space<hbm>>
    %dma_start3A_248 = tpu.memref_squeeze %dma_start3A_247 : memref<1x64x128xf32, #tpu.memory_space<hbm>> -> memref<64x128xf32, #tpu.memory_space<hbm>>
    tpu.enqueue_dma source(%arg21 : memref<64x128xf32, #tpu.memory_space<vmem>>) target(%dma_start3A_248 : memref<64x128xf32, #tpu.memory_space<hbm>>) target_semaphore(%arg35 : memref<!tpu.dma_semaphore, #tpu.memory_space<semaphore_mem>>)
    %dma_wait3A_249 = arith.constant 64 : i32
    %dma_wait3A_250 = tpu.memref_slice %arg10[%dma_wait3A_249] : memref<256xi32, #tpu.memory_space<vmem>> -> memref<64xi32, #tpu.memory_space<vmem>>
    %dma_wait3A_251 = arith.constant 0 : i32
    %dma_wait3A_252 = arith.constant 0 : i32
    %dma_wait3A_253 = tpu.memref_slice %arg6[%dma_wait3A_251, %dma_wait3A_252] : memref<100000x128xf32, #tpu.memory_space<hbm>> -> memref<100000x128xf32, #tpu.memory_space<hbm>>
    tpu.wait_indirect_dma semaphore(%arg36 : memref<!tpu.dma_semaphore, #tpu.memory_space<semaphore_mem>>) src(%dma_wait3A_253 : memref<100000x128xf32, #tpu.memory_space<hbm>>) dst(%arg22 : memref<64x128xf32, #tpu.memory_space<vmem>>)
    %dma_start3A_254 = arith.constant 2 : i32
    %dma_start3A_255 = arith.constant 0 : i32
    %dma_start3A_256 = tpu.memref_slice %arg9[%dma_start3A_254, %add3A_224, %dma_start3A_255] : memref<5x8192x128xf32, #tpu.memory_space<hbm>> -> memref<1x64x128xf32, #tpu.memory_space<hbm>>
    %dma_start3A_257 = tpu.memref_squeeze %dma_start3A_256 : memref<1x64x128xf32, #tpu.memory_space<hbm>> -> memref<64x128xf32, #tpu.memory_space<hbm>>
    %dma_start3A_258 = arith.constant 0 : i32
    %dma_start3A_259 = tpu.memref_slice %arg9[%dma_start3A_254, %add3A_224, %dma_start3A_258] : memref<5x8192x128xf32, #tpu.memory_space<hbm>> -> memref<1x64x128xf32, #tpu.memory_space<hbm>>
    %dma_start3A_260 = tpu.memref_squeeze %dma_start3A_259 : memref<1x64x128xf32, #tpu.memory_space<hbm>> -> memref<64x128xf32, #tpu.memory_space<hbm>>
    tpu.enqueue_dma source(%arg22 : memref<64x128xf32, #tpu.memory_space<vmem>>) target(%dma_start3A_260 : memref<64x128xf32, #tpu.memory_space<hbm>>) target_semaphore(%arg36 : memref<!tpu.dma_semaphore, #tpu.memory_space<semaphore_mem>>)
    %dma_wait3A_261 = arith.constant 64 : i32
    %dma_wait3A_262 = tpu.memref_slice %arg11[%dma_wait3A_261] : memref<256xi32, #tpu.memory_space<vmem>> -> memref<64xi32, #tpu.memory_space<vmem>>
    %dma_wait3A_263 = arith.constant 0 : i32
    %dma_wait3A_264 = arith.constant 0 : i32
    %dma_wait3A_265 = tpu.memref_slice %arg6[%dma_wait3A_263, %dma_wait3A_264] : memref<100000x128xf32, #tpu.memory_space<hbm>> -> memref<100000x128xf32, #tpu.memory_space<hbm>>
    tpu.wait_indirect_dma semaphore(%arg37 : memref<!tpu.dma_semaphore, #tpu.memory_space<semaphore_mem>>) src(%dma_wait3A_265 : memref<100000x128xf32, #tpu.memory_space<hbm>>) dst(%arg23 : memref<64x128xf32, #tpu.memory_space<vmem>>)
    %dma_start3A_266 = arith.constant 3 : i32
    %dma_start3A_267 = arith.constant 0 : i32
    %dma_start3A_268 = tpu.memref_slice %arg9[%dma_start3A_266, %add3A_224, %dma_start3A_267] : memref<5x8192x128xf32, #tpu.memory_space<hbm>> -> memref<1x64x128xf32, #tpu.memory_space<hbm>>
    %dma_start3A_269 = tpu.memref_squeeze %dma_start3A_268 : memref<1x64x128xf32, #tpu.memory_space<hbm>> -> memref<64x128xf32, #tpu.memory_space<hbm>>
    %dma_start3A_270 = arith.constant 0 : i32
    %dma_start3A_271 = tpu.memref_slice %arg9[%dma_start3A_266, %add3A_224, %dma_start3A_270] : memref<5x8192x128xf32, #tpu.memory_space<hbm>> -> memref<1x64x128xf32, #tpu.memory_space<hbm>>
    %dma_start3A_272 = tpu.memref_squeeze %dma_start3A_271 : memref<1x64x128xf32, #tpu.memory_space<hbm>> -> memref<64x128xf32, #tpu.memory_space<hbm>>
    tpu.enqueue_dma source(%arg23 : memref<64x128xf32, #tpu.memory_space<vmem>>) target(%dma_start3A_272 : memref<64x128xf32, #tpu.memory_space<hbm>>) target_semaphore(%arg37 : memref<!tpu.dma_semaphore, #tpu.memory_space<semaphore_mem>>)
    %dma_wait3A_273 = arith.constant 64 : i32
    %dma_wait3A_274 = tpu.memref_slice %arg10[%dma_wait3A_273] : memref<256xi32, #tpu.memory_space<vmem>> -> memref<64xi32, #tpu.memory_space<vmem>>
    %dma_wait3A_275 = arith.constant 0 : i32
    %dma_wait3A_276 = arith.constant 0 : i32
    %dma_wait3A_277 = tpu.memref_slice %arg7[%dma_wait3A_275, %dma_wait3A_276] : memref<100000x128xf32, #tpu.memory_space<hbm>> -> memref<100000x128xf32, #tpu.memory_space<hbm>>
    tpu.wait_indirect_dma semaphore(%arg38 : memref<!tpu.dma_semaphore, #tpu.memory_space<semaphore_mem>>) src(%dma_wait3A_277 : memref<100000x128xf32, #tpu.memory_space<hbm>>) dst(%arg24 : memref<64x128xf32, #tpu.memory_space<vmem>>)
    %dma_wait3A_278 = arith.constant 64 : i32
    %dma_wait3A_279 = tpu.memref_slice %arg12[%dma_wait3A_278] : memref<256xi32, #tpu.memory_space<vmem>> -> memref<64xi32, #tpu.memory_space<vmem>>
    %dma_wait3A_280 = arith.constant 0 : i32
    %dma_wait3A_281 = arith.constant 0 : i32
    %dma_wait3A_282 = tpu.memref_slice %arg8[%dma_wait3A_280, %dma_wait3A_281] : memref<1000x128xf32, #tpu.memory_space<hbm>> -> memref<1000x128xf32, #tpu.memory_space<hbm>>
    tpu.wait_indirect_dma semaphore(%arg39 : memref<!tpu.dma_semaphore, #tpu.memory_space<semaphore_mem>>) src(%dma_wait3A_282 : memref<1000x128xf32, #tpu.memory_space<hbm>>) dst(%arg25 : memref<64x128xf32, #tpu.memory_space<vmem>>)
    %dma_wait3A_283 = arith.constant 64 : i32
    %dma_wait3A_284 = tpu.memref_slice %arg11[%dma_wait3A_283] : memref<256xi32, #tpu.memory_space<vmem>> -> memref<64xi32, #tpu.memory_space<vmem>>
    %dma_wait3A_285 = arith.constant 0 : i32
    %dma_wait3A_286 = arith.constant 0 : i32
    %dma_wait3A_287 = tpu.memref_slice %arg7[%dma_wait3A_285, %dma_wait3A_286] : memref<100000x128xf32, #tpu.memory_space<hbm>> -> memref<100000x128xf32, #tpu.memory_space<hbm>>
    tpu.wait_indirect_dma semaphore(%arg40 : memref<!tpu.dma_semaphore, #tpu.memory_space<semaphore_mem>>) src(%dma_wait3A_287 : memref<100000x128xf32, #tpu.memory_space<hbm>>) dst(%arg26 : memref<64x128xf32, #tpu.memory_space<vmem>>)
    %scan3A_288 = arith.constant 0 : i32
    %scan3A_289 = arith.constant 0 : i32
    %scan3A_290 = arith.constant 64 : i32
    %scan3A_291 = arith.addi %scan3A_289, %scan3A_290 : i32
    %scan3A_292 = arith.constant 1 : i32
    %scan3A_293 = scf.for %scan3A_600 = %scan3A_289 to %scan3A_291 step %scan3A_292 iter_args(%scan3A_601 = %scan3A_288) -> (i32)  : i32 {
      %get3A = arith.index_cast %scan3A_600 : i32 to index
      %get3A_602 = arith.constant 0 : index
      %get3A_603 = tpu.vector_load %arg24[%get3A, %get3A_602] {strides = array<i32>} : memref<64x128xf32, #tpu.memory_space<vmem>>, vector<1x16xf32>,
      %get3A_604 = vector.shape_cast %get3A_603 : vector<1x16xf32> to vector<16xf32>
      %get3A_605 = arith.index_cast %scan3A_600 : i32 to index
      %get3A_606 = arith.constant 0 : index
      %get3A_607 = tpu.vector_load %arg25[%get3A_605, %get3A_606] {strides = array<i32>} : memref<64x128xf32, #tpu.memory_space<vmem>>, vector<1x16xf32>,
      %get3A_608 = vector.shape_cast %get3A_607 : vector<1x16xf32> to vector<16xf32>
      %add3A_609 = arith.addf %get3A_604, %get3A_608 : vector<16xf32>
      %get3A_610 = arith.index_cast %scan3A_600 : i32 to index
      %get3A_611 = arith.constant 0 : index
      %get3A_612 = tpu.vector_load %arg26[%get3A_610, %get3A_611] {strides = array<i32>} : memref<64x128xf32, #tpu.memory_space<vmem>>, vector<1x16xf32>,
      %get3A_613 = vector.shape_cast %get3A_612 : vector<1x16xf32> to vector<16xf32>
      %sub3A = arith.subf %add3A_609, %get3A_613 : vector<16xf32>
      %swap3A = arith.index_cast %scan3A_600 : i32 to index
      %swap3A_614 = arith.constant 0 : index
      %swap3A_615 = tpu.vector_load %arg24[%swap3A, %swap3A_614] {strides = array<i32>} : memref<64x128xf32, #tpu.memory_space<vmem>>, vector<1x16xf32>,
      %swap3A_616 = vector.shape_cast %swap3A_615 : vector<1x16xf32> to vector<16xf32>
      %swap3A_617 = vector.shape_cast %sub3A : vector<16xf32> to vector<1x16xf32>
      tpu.vector_store %arg24[%swap3A, %swap3A_614], %swap3A_617 {strides = array<i32>} : memref<64x128xf32, #tpu.memory_space<vmem>>, vector<1x16xf32>,
      %get3A_618 = arith.index_cast %scan3A_600 : i32 to index
      %get3A_619 = arith.constant 16 : index
      %get3A_620 = tpu.vector_load %arg24[%get3A_618, %get3A_619] {strides = array<i32>} : memref<64x128xf32, #tpu.memory_space<vmem>>, vector<1x16xf32>,
      %get3A_621 = vector.shape_cast %get3A_620 : vector<1x16xf32> to vector<16xf32>
      %get3A_622 = arith.index_cast %scan3A_600 : i32 to index
      %get3A_623 = arith.constant 16 : index
      %get3A_624 = tpu.vector_load %arg25[%get3A_622, %get3A_623] {strides = array<i32>} : memref<64x128xf32, #tpu.memory_space<vmem>>, vector<1x16xf32>,
      %get3A_625 = vector.shape_cast %get3A_624 : vector<1x16xf32> to vector<16xf32>
      %add3A_626 = arith.addf %get3A_621, %get3A_625 : vector<16xf32>
      %get3A_627 = arith.index_cast %scan3A_600 : i32 to index
      %get3A_628 = arith.constant 16 : index
      %get3A_629 = tpu.vector_load %arg26[%get3A_627, %get3A_628] {strides = array<i32>} : memref<64x128xf32, #tpu.memory_space<vmem>>, vector<1x16xf32>,
      %get3A_630 = vector.shape_cast %get3A_629 : vector<1x16xf32> to vector<16xf32>
      %sub3A_631 = arith.subf %add3A_626, %get3A_630 : vector<16xf32>
      %swap3A_632 = arith.index_cast %scan3A_600 : i32 to index
      %swap3A_633 = arith.constant 16 : index
      %swap3A_634 = tpu.vector_load %arg24[%swap3A_632, %swap3A_633] {strides = array<i32>} : memref<64x128xf32, #tpu.memory_space<vmem>>, vector<1x16xf32>,
      %swap3A_635 = vector.shape_cast %swap3A_634 : vector<1x16xf32> to vector<16xf32>
      %swap3A_636 = vector.shape_cast %sub3A_631 : vector<16xf32> to vector<1x16xf32>
      tpu.vector_store %arg24[%swap3A_632, %swap3A_633], %swap3A_636 {strides = array<i32>} : memref<64x128xf32, #tpu.memory_space<vmem>>, vector<1x16xf32>,
      %get3A_637 = arith.index_cast %scan3A_600 : i32 to index
      %get3A_638 = arith.constant 32 : index
      %get3A_639 = tpu.vector_load %arg24[%get3A_637, %get3A_638] {strides = array<i32>} : memref<64x128xf32, #tpu.memory_space<vmem>>, vector<1x16xf32>,
      %get3A_640 = vector.shape_cast %get3A_639 : vector<1x16xf32> to vector<16xf32>
      %get3A_641 = arith.index_cast %scan3A_600 : i32 to index
      %get3A_642 = arith.constant 32 : index
      %get3A_643 = tpu.vector_load %arg25[%get3A_641, %get3A_642] {strides = array<i32>} : memref<64x128xf32, #tpu.memory_space<vmem>>, vector<1x16xf32>,
      %get3A_644 = vector.shape_cast %get3A_643 : vector<1x16xf32> to vector<16xf32>
      %add3A_645 = arith.addf %get3A_640, %get3A_644 : vector<16xf32>
      %get3A_646 = arith.index_cast %scan3A_600 : i32 to index
      %get3A_647 = arith.constant 32 : index
      %get3A_648 = tpu.vector_load %arg26[%get3A_646, %get3A_647] {strides = array<i32>} : memref<64x128xf32, #tpu.memory_space<vmem>>, vector<1x16xf32>,
      %get3A_649 = vector.shape_cast %get3A_648 : vector<1x16xf32> to vector<16xf32>
      %sub3A_650 = arith.subf %add3A_645, %get3A_649 : vector<16xf32>
      %swap3A_651 = arith.index_cast %scan3A_600 : i32 to index
      %swap3A_652 = arith.constant 32 : index
      %swap3A_653 = tpu.vector_load %arg24[%swap3A_651, %swap3A_652] {strides = array<i32>} : memref<64x128xf32, #tpu.memory_space<vmem>>, vector<1x16xf32>,
      %swap3A_654 = vector.shape_cast %swap3A_653 : vector<1x16xf32> to vector<16xf32>
      %swap3A_655 = vector.shape_cast %sub3A_650 : vector<16xf32> to vector<1x16xf32>
      tpu.vector_store %arg24[%swap3A_651, %swap3A_652], %swap3A_655 {strides = array<i32>} : memref<64x128xf32, #tpu.memory_space<vmem>>, vector<1x16xf32>,
      %get3A_656 = arith.index_cast %scan3A_600 : i32 to index
      %get3A_657 = arith.constant 48 : index
      %get3A_658 = tpu.vector_load %arg24[%get3A_656, %get3A_657] {strides = array<i32>} : memref<64x128xf32, #tpu.memory_space<vmem>>, vector<1x16xf32>,
      %get3A_659 = vector.shape_cast %get3A_658 : vector<1x16xf32> to vector<16xf32>
      %get3A_660 = arith.index_cast %scan3A_600 : i32 to index
      %get3A_661 = arith.constant 48 : index
      %get3A_662 = tpu.vector_load %arg25[%get3A_660, %get3A_661] {strides = array<i32>} : memref<64x128xf32, #tpu.memory_space<vmem>>, vector<1x16xf32>,
      %get3A_663 = vector.shape_cast %get3A_662 : vector<1x16xf32> to vector<16xf32>
      %add3A_664 = arith.addf %get3A_659, %get3A_663 : vector<16xf32>
      %get3A_665 = arith.index_cast %scan3A_600 : i32 to index
      %get3A_666 = arith.constant 48 : index
      %get3A_667 = tpu.vector_load %arg26[%get3A_665, %get3A_666] {strides = array<i32>} : memref<64x128xf32, #tpu.memory_space<vmem>>, vector<1x16xf32>,
      %get3A_668 = vector.shape_cast %get3A_667 : vector<1x16xf32> to vector<16xf32>
      %sub3A_669 = arith.subf %add3A_664, %get3A_668 : vector<16xf32>
      %swap3A_670 = arith.index_cast %scan3A_600 : i32 to index
      %swap3A_671 = arith.constant 48 : index
      %swap3A_672 = tpu.vector_load %arg24[%swap3A_670, %swap3A_671] {strides = array<i32>} : memref<64x128xf32, #tpu.memory_space<vmem>>, vector<1x16xf32>,
      %swap3A_673 = vector.shape_cast %swap3A_672 : vector<1x16xf32> to vector<16xf32>
      %swap3A_674 = vector.shape_cast %sub3A_669 : vector<16xf32> to vector<1x16xf32>
      tpu.vector_store %arg24[%swap3A_670, %swap3A_671], %swap3A_674 {strides = array<i32>} : memref<64x128xf32, #tpu.memory_space<vmem>>, vector<1x16xf32>,
      %get3A_675 = arith.index_cast %scan3A_600 : i32 to index
      %get3A_676 = arith.constant 64 : index
      %get3A_677 = tpu.vector_load %arg24[%get3A_675, %get3A_676] {strides = array<i32>} : memref<64x128xf32, #tpu.memory_space<vmem>>, vector<1x16xf32>,
      %get3A_678 = vector.shape_cast %get3A_677 : vector<1x16xf32> to vector<16xf32>
      %get3A_679 = arith.index_cast %scan3A_600 : i32 to index
      %get3A_680 = arith.constant 64 : index
      %get3A_681 = tpu.vector_load %arg25[%get3A_679, %get3A_680] {strides = array<i32>} : memref<64x128xf32, #tpu.memory_space<vmem>>, vector<1x16xf32>,
      %get3A_682 = vector.shape_cast %get3A_681 : vector<1x16xf32> to vector<16xf32>
      %add3A_683 = arith.addf %get3A_678, %get3A_682 : vector<16xf32>
      %get3A_684 = arith.index_cast %scan3A_600 : i32 to index
      %get3A_685 = arith.constant 64 : index
      %get3A_686 = tpu.vector_load %arg26[%get3A_684, %get3A_685] {strides = array<i32>} : memref<64x128xf32, #tpu.memory_space<vmem>>, vector<1x16xf32>,
      %get3A_687 = vector.shape_cast %get3A_686 : vector<1x16xf32> to vector<16xf32>
      %sub3A_688 = arith.subf %add3A_683, %get3A_687 : vector<16xf32>
      %swap3A_689 = arith.index_cast %scan3A_600 : i32 to index
      %swap3A_690 = arith.constant 64 : index
      %swap3A_691 = tpu.vector_load %arg24[%swap3A_689, %swap3A_690] {strides = array<i32>} : memref<64x128xf32, #tpu.memory_space<vmem>>, vector<1x16xf32>,
      %swap3A_692 = vector.shape_cast %swap3A_691 : vector<1x16xf32> to vector<16xf32>
      %swap3A_693 = vector.shape_cast %sub3A_688 : vector<16xf32> to vector<1x16xf32>
      tpu.vector_store %arg24[%swap3A_689, %swap3A_690], %swap3A_693 {strides = array<i32>} : memref<64x128xf32, #tpu.memory_space<vmem>>, vector<1x16xf32>,
      %get3A_694 = arith.index_cast %scan3A_600 : i32 to index
      %get3A_695 = arith.constant 80 : index
      %get3A_696 = tpu.vector_load %arg24[%get3A_694, %get3A_695] {strides = array<i32>} : memref<64x128xf32, #tpu.memory_space<vmem>>, vector<1x16xf32>,
      %get3A_697 = vector.shape_cast %get3A_696 : vector<1x16xf32> to vector<16xf32>
      %get3A_698 = arith.index_cast %scan3A_600 : i32 to index
      %get3A_699 = arith.constant 80 : index
      %get3A_700 = tpu.vector_load %arg25[%get3A_698, %get3A_699] {strides = array<i32>} : memref<64x128xf32, #tpu.memory_space<vmem>>, vector<1x16xf32>,
      %get3A_701 = vector.shape_cast %get3A_700 : vector<1x16xf32> to vector<16xf32>
      %add3A_702 = arith.addf %get3A_697, %get3A_701 : vector<16xf32>
      %get3A_703 = arith.index_cast %scan3A_600 : i32 to index
      %get3A_704 = arith.constant 80 : index
      %get3A_705 = tpu.vector_load %arg26[%get3A_703, %get3A_704] {strides = array<i32>} : memref<64x128xf32, #tpu.memory_space<vmem>>, vector<1x16xf32>,
      %get3A_706 = vector.shape_cast %get3A_705 : vector<1x16xf32> to vector<16xf32>
      %sub3A_707 = arith.subf %add3A_702, %get3A_706 : vector<16xf32>
      %swap3A_708 = arith.index_cast %scan3A_600 : i32 to index
      %swap3A_709 = arith.constant 80 : index
      %swap3A_710 = tpu.vector_load %arg24[%swap3A_708, %swap3A_709] {strides = array<i32>} : memref<64x128xf32, #tpu.memory_space<vmem>>, vector<1x16xf32>,
      %swap3A_711 = vector.shape_cast %swap3A_710 : vector<1x16xf32> to vector<16xf32>
      %swap3A_712 = vector.shape_cast %sub3A_707 : vector<16xf32> to vector<1x16xf32>
      tpu.vector_store %arg24[%swap3A_708, %swap3A_709], %swap3A_712 {strides = array<i32>} : memref<64x128xf32, #tpu.memory_space<vmem>>, vector<1x16xf32>,
      %get3A_713 = arith.index_cast %scan3A_600 : i32 to index
      %get3A_714 = arith.constant 96 : index
      %get3A_715 = tpu.vector_load %arg24[%get3A_713, %get3A_714] {strides = array<i32>} : memref<64x128xf32, #tpu.memory_space<vmem>>, vector<1x16xf32>,
      %get3A_716 = vector.shape_cast %get3A_715 : vector<1x16xf32> to vector<16xf32>
      %get3A_717 = arith.index_cast %scan3A_600 : i32 to index
      %get3A_718 = arith.constant 96 : index
      %get3A_719 = tpu.vector_load %arg25[%get3A_717, %get3A_718] {strides = array<i32>} : memref<64x128xf32, #tpu.memory_space<vmem>>, vector<1x16xf32>,
      %get3A_720 = vector.shape_cast %get3A_719 : vector<1x16xf32> to vector<16xf32>
      %add3A_721 = arith.addf %get3A_716, %get3A_720 : vector<16xf32>
      %get3A_722 = arith.index_cast %scan3A_600 : i32 to index
      %get3A_723 = arith.constant 96 : index
      %get3A_724 = tpu.vector_load %arg26[%get3A_722, %get3A_723] {strides = array<i32>} : memref<64x128xf32, #tpu.memory_space<vmem>>, vector<1x16xf32>,
      %get3A_725 = vector.shape_cast %get3A_724 : vector<1x16xf32> to vector<16xf32>
      %sub3A_726 = arith.subf %add3A_721, %get3A_725 : vector<16xf32>
      %swap3A_727 = arith.index_cast %scan3A_600 : i32 to index
      %swap3A_728 = arith.constant 96 : index
      %swap3A_729 = tpu.vector_load %arg24[%swap3A_727, %swap3A_728] {strides = array<i32>} : memref<64x128xf32, #tpu.memory_space<vmem>>, vector<1x16xf32>,
      %swap3A_730 = vector.shape_cast %swap3A_729 : vector<1x16xf32> to vector<16xf32>
      %swap3A_731 = vector.shape_cast %sub3A_726 : vector<16xf32> to vector<1x16xf32>
      tpu.vector_store %arg24[%swap3A_727, %swap3A_728], %swap3A_731 {strides = array<i32>} : memref<64x128xf32, #tpu.memory_space<vmem>>, vector<1x16xf32>,
      %get3A_732 = arith.index_cast %scan3A_600 : i32 to index
      %get3A_733 = arith.constant 112 : index
      %get3A_734 = tpu.vector_load %arg24[%get3A_732, %get3A_733] {strides = array<i32>} : memref<64x128xf32, #tpu.memory_space<vmem>>, vector<1x16xf32>,
      %get3A_735 = vector.shape_cast %get3A_734 : vector<1x16xf32> to vector<16xf32>
      %get3A_736 = arith.index_cast %scan3A_600 : i32 to index
      %get3A_737 = arith.constant 112 : index
      %get3A_738 = tpu.vector_load %arg25[%get3A_736, %get3A_737] {strides = array<i32>} : memref<64x128xf32, #tpu.memory_space<vmem>>, vector<1x16xf32>,
      %get3A_739 = vector.shape_cast %get3A_738 : vector<1x16xf32> to vector<16xf32>
      %add3A_740 = arith.addf %get3A_735, %get3A_739 : vector<16xf32>
      %get3A_741 = arith.index_cast %scan3A_600 : i32 to index
      %get3A_742 = arith.constant 112 : index
      %get3A_743 = tpu.vector_load %arg26[%get3A_741, %get3A_742] {strides = array<i32>} : memref<64x128xf32, #tpu.memory_space<vmem>>, vector<1x16xf32>,
      %get3A_744 = vector.shape_cast %get3A_743 : vector<1x16xf32> to vector<16xf32>
      %sub3A_745 = arith.subf %add3A_740, %get3A_744 : vector<16xf32>
      %swap3A_746 = arith.index_cast %scan3A_600 : i32 to index
      %swap3A_747 = arith.constant 112 : index
      %swap3A_748 = tpu.vector_load %arg24[%swap3A_746, %swap3A_747] {strides = array<i32>} : memref<64x128xf32, #tpu.memory_space<vmem>>, vector<1x16xf32>,
      %swap3A_749 = vector.shape_cast %swap3A_748 : vector<1x16xf32> to vector<16xf32>
      %swap3A_750 = vector.shape_cast %sub3A_745 : vector<16xf32> to vector<1x16xf32>
      tpu.vector_store %arg24[%swap3A_746, %swap3A_747], %swap3A_750 {strides = array<i32>} : memref<64x128xf32, #tpu.memory_space<vmem>>, vector<1x16xf32>,
      %scan3A_751 = arith.constant 0 : i32
      scf.yield %scan3A_751 : i32
    }
    %scan3A_294 = arith.constant 64 : i32
    %dma_start3A_295 = arith.constant 4 : i32
    %dma_start3A_296 = arith.constant 0 : i32
    %dma_start3A_297 = tpu.memref_slice %arg9[%dma_start3A_295, %add3A_224, %dma_start3A_296] : memref<5x8192x128xf32, #tpu.memory_space<hbm>> -> memref<1x64x128xf32, #tpu.memory_space<hbm>>
    %dma_start3A_298 = tpu.memref_squeeze %dma_start3A_297 : memref<1x64x128xf32, #tpu.memory_space<hbm>> -> memref<64x128xf32, #tpu.memory_space<hbm>>
    %dma_start3A_299 = arith.constant 0 : i32
    %dma_start3A_300 = tpu.memref_slice %arg9[%dma_start3A_295, %add3A_224, %dma_start3A_299] : memref<5x8192x128xf32, #tpu.memory_space<hbm>> -> memref<1x64x128xf32, #tpu.memory_space<hbm>>
    %dma_start3A_301 = tpu.memref_squeeze %dma_start3A_300 : memref<1x64x128xf32, #tpu.memory_space<hbm>> -> memref<64x128xf32, #tpu.memory_space<hbm>>
    tpu.enqueue_dma source(%arg24 : memref<64x128xf32, #tpu.memory_space<vmem>>) target(%dma_start3A_301 : memref<64x128xf32, #tpu.memory_space<hbm>>) target_semaphore(%arg38 : memref<!tpu.dma_semaphore, #tpu.memory_space<semaphore_mem>>)
    %dma_wait3A_302 = arith.constant 0 : i32
    %dma_wait3A_303 = arith.constant 0 : i32
    %dma_wait3A_304 = tpu.memref_slice %arg9[%dma_wait3A_302, %add3A_224, %dma_wait3A_303] : memref<5x8192x128xf32, #tpu.memory_space<hbm>> -> memref<1x64x128xf32, #tpu.memory_space<hbm>>
    %dma_wait3A_305 = tpu.memref_squeeze %dma_wait3A_304 : memref<1x64x128xf32, #tpu.memory_space<hbm>> -> memref<64x128xf32, #tpu.memory_space<hbm>>
    %dma_wait3A_306 = arith.constant 0 : i32
    %dma_wait3A_307 = tpu.memref_slice %arg9[%dma_wait3A_302, %add3A_224, %dma_wait3A_306] : memref<5x8192x128xf32, #tpu.memory_space<hbm>> -> memref<1x64x128xf32, #tpu.memory_space<hbm>>
    %dma_wait3A_308 = tpu.memref_squeeze %dma_wait3A_307 : memref<1x64x128xf32, #tpu.memory_space<hbm>> -> memref<64x128xf32, #tpu.memory_space<hbm>>
    tpu.wait_dma2 semaphore(%arg34 : memref<!tpu.dma_semaphore, #tpu.memory_space<semaphore_mem>>) src(%arg20 : memref<64x128xf32, #tpu.memory_space<vmem>>) dst(%dma_wait3A_308 : memref<64x128xf32, #tpu.memory_space<hbm>>)
    %dma_start3A_309 = arith.constant 192 : i32
    %dma_start3A_310 = tpu.memref_slice %arg10[%dma_start3A_309] : memref<256xi32, #tpu.memory_space<vmem>> -> memref<64xi32, #tpu.memory_space<vmem>>
    %dma_start3A_311 = arith.constant 0 : i32
    %dma_start3A_312 = arith.constant 0 : i32
    %dma_start3A_313 = tpu.memref_slice %arg5[%dma_start3A_311, %dma_start3A_312] : memref<100000x128xf32, #tpu.memory_space<hbm>> -> memref<100000x128xf32, #tpu.memory_space<hbm>>
    tpu.enqueue_indirect_dma source(%dma_start3A_313 : memref<100000x128xf32, #tpu.memory_space<hbm>>) target(%arg20 : memref<64x128xf32, #tpu.memory_space<vmem>>) offsets(%dma_start3A_310 : memref<64xi32, #tpu.memory_space<vmem>>) semaphore(%arg34 : memref<!tpu.dma_semaphore, #tpu.memory_space<semaphore_mem>>)
    %dma_wait3A_314 = arith.constant 1 : i32
    %dma_wait3A_315 = arith.constant 0 : i32
    %dma_wait3A_316 = tpu.memref_slice %arg9[%dma_wait3A_314, %add3A_224, %dma_wait3A_315] : memref<5x8192x128xf32, #tpu.memory_space<hbm>> -> memref<1x64x128xf32, #tpu.memory_space<hbm>>
    %dma_wait3A_317 = tpu.memref_squeeze %dma_wait3A_316 : memref<1x64x128xf32, #tpu.memory_space<hbm>> -> memref<64x128xf32, #tpu.memory_space<hbm>>
    %dma_wait3A_318 = arith.constant 0 : i32
    %dma_wait3A_319 = tpu.memref_slice %arg9[%dma_wait3A_314, %add3A_224, %dma_wait3A_318] : memref<5x8192x128xf32, #tpu.memory_space<hbm>> -> memref<1x64x128xf32, #tpu.memory_space<hbm>>
    %dma_wait3A_320 = tpu.memref_squeeze %dma_wait3A_319 : memref<1x64x128xf32, #tpu.memory_space<hbm>> -> memref<64x128xf32, #tpu.memory_space<hbm>>
    tpu.wait_dma2 semaphore(%arg35 : memref<!tpu.dma_semaphore, #tpu.memory_space<semaphore_mem>>) src(%arg21 : memref<64x128xf32, #tpu.memory_space<vmem>>) dst(%dma_wait3A_320 : memref<64x128xf32, #tpu.memory_space<hbm>>)
    %dma_start3A_321 = arith.constant 192 : i32
    %dma_start3A_322 = tpu.memref_slice %arg11[%dma_start3A_321] : memref<256xi32, #tpu.memory_space<vmem>> -> memref<64xi32, #tpu.memory_space<vmem>>
    %dma_start3A_323 = arith.constant 0 : i32
    %dma_start3A_324 = arith.constant 0 : i32
    %dma_start3A_325 = tpu.memref_slice %arg5[%dma_start3A_323, %dma_start3A_324] : memref<100000x128xf32, #tpu.memory_space<hbm>> -> memref<100000x128xf32, #tpu.memory_space<hbm>>
    tpu.enqueue_indirect_dma source(%dma_start3A_325 : memref<100000x128xf32, #tpu.memory_space<hbm>>) target(%arg21 : memref<64x128xf32, #tpu.memory_space<vmem>>) offsets(%dma_start3A_322 : memref<64xi32, #tpu.memory_space<vmem>>) semaphore(%arg35 : memref<!tpu.dma_semaphore, #tpu.memory_space<semaphore_mem>>)
    %dma_wait3A_326 = arith.constant 2 : i32
    %dma_wait3A_327 = arith.constant 0 : i32
    %dma_wait3A_328 = tpu.memref_slice %arg9[%dma_wait3A_326, %add3A_224, %dma_wait3A_327] : memref<5x8192x128xf32, #tpu.memory_space<hbm>> -> memref<1x64x128xf32, #tpu.memory_space<hbm>>
    %dma_wait3A_329 = tpu.memref_squeeze %dma_wait3A_328 : memref<1x64x128xf32, #tpu.memory_space<hbm>> -> memref<64x128xf32, #tpu.memory_space<hbm>>
    %dma_wait3A_330 = arith.constant 0 : i32
    %dma_wait3A_331 = tpu.memref_slice %arg9[%dma_wait3A_326, %add3A_224, %dma_wait3A_330] : memref<5x8192x128xf32, #tpu.memory_space<hbm>> -> memref<1x64x128xf32, #tpu.memory_space<hbm>>
    %dma_wait3A_332 = tpu.memref_squeeze %dma_wait3A_331 : memref<1x64x128xf32, #tpu.memory_space<hbm>> -> memref<64x128xf32, #tpu.memory_space<hbm>>
    tpu.wait_dma2 semaphore(%arg36 : memref<!tpu.dma_semaphore, #tpu.memory_space<semaphore_mem>>) src(%arg22 : memref<64x128xf32, #tpu.memory_space<vmem>>) dst(%dma_wait3A_332 : memref<64x128xf32, #tpu.memory_space<hbm>>)
    %dma_start3A_333 = arith.constant 192 : i32
    %dma_start3A_334 = tpu.memref_slice %arg10[%dma_start3A_333] : memref<256xi32, #tpu.memory_space<vmem>> -> memref<64xi32, #tpu.memory_space<vmem>>
    %dma_start3A_335 = arith.constant 0 : i32
    %dma_start3A_336 = arith.constant 0 : i32
    %dma_start3A_337 = tpu.memref_slice %arg6[%dma_start3A_335, %dma_start3A_336] : memref<100000x128xf32, #tpu.memory_space<hbm>> -> memref<100000x128xf32, #tpu.memory_space<hbm>>
    tpu.enqueue_indirect_dma source(%dma_start3A_337 : memref<100000x128xf32, #tpu.memory_space<hbm>>) target(%arg22 : memref<64x128xf32, #tpu.memory_space<vmem>>) offsets(%dma_start3A_334 : memref<64xi32, #tpu.memory_space<vmem>>) semaphore(%arg36 : memref<!tpu.dma_semaphore, #tpu.memory_space<semaphore_mem>>)
    %dma_wait3A_338 = arith.constant 3 : i32
    %dma_wait3A_339 = arith.constant 0 : i32
    %dma_wait3A_340 = tpu.memref_slice %arg9[%dma_wait3A_338, %add3A_224, %dma_wait3A_339] : memref<5x8192x128xf32, #tpu.memory_space<hbm>> -> memref<1x64x128xf32, #tpu.memory_space<hbm>>
    %dma_wait3A_341 = tpu.memref_squeeze %dma_wait3A_340 : memref<1x64x128xf32, #tpu.memory_space<hbm>> -> memref<64x128xf32, #tpu.memory_space<hbm>>
    %dma_wait3A_342 = arith.constant 0 : i32
    %dma_wait3A_343 = tpu.memref_slice %arg9[%dma_wait3A_338, %add3A_224, %dma_wait3A_342] : memref<5x8192x128xf32, #tpu.memory_space<hbm>> -> memref<1x64x128xf32, #tpu.memory_space<hbm>>
    %dma_wait3A_344 = tpu.memref_squeeze %dma_wait3A_343 : memref<1x64x128xf32, #tpu.memory_space<hbm>> -> memref<64x128xf32, #tpu.memory_space<hbm>>
    tpu.wait_dma2 semaphore(%arg37 : memref<!tpu.dma_semaphore, #tpu.memory_space<semaphore_mem>>) src(%arg23 : memref<64x128xf32, #tpu.memory_space<vmem>>) dst(%dma_wait3A_344 : memref<64x128xf32, #tpu.memory_space<hbm>>)
    %dma_start3A_345 = arith.constant 192 : i32
    %dma_start3A_346 = tpu.memref_slice %arg11[%dma_start3A_345] : memref<256xi32, #tpu.memory_space<vmem>> -> memref<64xi32, #tpu.memory_space<vmem>>
    %dma_start3A_347 = arith.constant 0 : i32
    %dma_start3A_348 = arith.constant 0 : i32
    %dma_start3A_349 = tpu.memref_slice %arg6[%dma_start3A_347, %dma_start3A_348] : memref<100000x128xf32, #tpu.memory_space<hbm>> -> memref<100000x128xf32, #tpu.memory_space<hbm>>
    tpu.enqueue_indirect_dma source(%dma_start3A_349 : memref<100000x128xf32, #tpu.memory_space<hbm>>) target(%arg23 : memref<64x128xf32, #tpu.memory_space<vmem>>) offsets(%dma_start3A_346 : memref<64xi32, #tpu.memory_space<vmem>>) semaphore(%arg37 : memref<!tpu.dma_semaphore, #tpu.memory_space<semaphore_mem>>)
    %dma_wait3A_350 = arith.constant 4 : i32
    %dma_wait3A_351 = arith.constant 0 : i32
    %dma_wait3A_352 = tpu.memref_slice %arg9[%dma_wait3A_350, %add3A_224, %dma_wait3A_351] : memref<5x8192x128xf32, #tpu.memory_space<hbm>> -> memref<1x64x128xf32, #tpu.memory_space<hbm>>
    %dma_wait3A_353 = tpu.memref_squeeze %dma_wait3A_352 : memref<1x64x128xf32, #tpu.memory_space<hbm>> -> memref<64x128xf32, #tpu.memory_space<hbm>>
    %dma_wait3A_354 = arith.constant 0 : i32
    %dma_wait3A_355 = tpu.memref_slice %arg9[%dma_wait3A_350, %add3A_224, %dma_wait3A_354] : memref<5x8192x128xf32, #tpu.memory_space<hbm>> -> memref<1x64x128xf32, #tpu.memory_space<hbm>>
    %dma_wait3A_356 = tpu.memref_squeeze %dma_wait3A_355 : memref<1x64x128xf32, #tpu.memory_space<hbm>> -> memref<64x128xf32, #tpu.memory_space<hbm>>
    tpu.wait_dma2 semaphore(%arg38 : memref<!tpu.dma_semaphore, #tpu.memory_space<semaphore_mem>>) src(%arg24 : memref<64x128xf32, #tpu.memory_space<vmem>>) dst(%dma_wait3A_356 : memref<64x128xf32, #tpu.memory_space<hbm>>)
    %dma_start3A_357 = arith.constant 192 : i32
    %dma_start3A_358 = tpu.memref_slice %arg10[%dma_start3A_357] : memref<256xi32, #tpu.memory_space<vmem>> -> memref<64xi32, #tpu.memory_space<vmem>>
    %dma_start3A_359 = arith.constant 0 : i32
    %dma_start3A_360 = arith.constant 0 : i32
    %dma_start3A_361 = tpu.memref_slice %arg7[%dma_start3A_359, %dma_start3A_360] : memref<100000x128xf32, #tpu.memory_space<hbm>> -> memref<100000x128xf32, #tpu.memory_space<hbm>>
    tpu.enqueue_indirect_dma source(%dma_start3A_361 : memref<100000x128xf32, #tpu.memory_space<hbm>>) target(%arg24 : memref<64x128xf32, #tpu.memory_space<vmem>>) offsets(%dma_start3A_358 : memref<64xi32, #tpu.memory_space<vmem>>) semaphore(%arg38 : memref<!tpu.dma_semaphore, #tpu.memory_space<semaphore_mem>>)
    %dma_start3A_362 = arith.constant 192 : i32
    %dma_start3A_363 = tpu.memref_slice %arg12[%dma_start3A_362] : memref<256xi32, #tpu.memory_space<vmem>> -> memref<64xi32, #tpu.memory_space<vmem>>
    %dma_start3A_364 = arith.constant 0 : i32
    %dma_start3A_365 = arith.constant 0 : i32
    %dma_start3A_366 = tpu.memref_slice %arg8[%dma_start3A_364, %dma_start3A_365] : memref<1000x128xf32, #tpu.memory_space<hbm>> -> memref<1000x128xf32, #tpu.memory_space<hbm>>
    tpu.enqueue_indirect_dma source(%dma_start3A_366 : memref<1000x128xf32, #tpu.memory_space<hbm>>) target(%arg25 : memref<64x128xf32, #tpu.memory_space<vmem>>) offsets(%dma_start3A_363 : memref<64xi32, #tpu.memory_space<vmem>>) semaphore(%arg39 : memref<!tpu.dma_semaphore, #tpu.memory_space<semaphore_mem>>)
    %dma_start3A_367 = arith.constant 192 : i32
    %dma_start3A_368 = tpu.memref_slice %arg11[%dma_start3A_367] : memref<256xi32, #tpu.memory_space<vmem>> -> memref<64xi32, #tpu.memory_space<vmem>>
    %dma_start3A_369 = arith.constant 0 : i32
    %dma_start3A_370 = arith.constant 0 : i32
    %dma_start3A_371 = tpu.memref_slice %arg7[%dma_start3A_369, %dma_start3A_370] : memref<100000x128xf32, #tpu.memory_space<hbm>> -> memref<100000x128xf32, #tpu.memory_space<hbm>>
    tpu.enqueue_indirect_dma source(%dma_start3A_371 : memref<100000x128xf32, #tpu.memory_space<hbm>>) target(%arg26 : memref<64x128xf32, #tpu.memory_space<vmem>>) offsets(%dma_start3A_368 : memref<64xi32, #tpu.memory_space<vmem>>) semaphore(%arg40 : memref<!tpu.dma_semaphore, #tpu.memory_space<semaphore_mem>>)
    %add3A_372 = arith.constant 128 : i32
    %add3A_373 = arith.addi %mul3A_2, %add3A_372 : i32
    %dma_wait3A_374 = arith.constant 128 : i32
    %dma_wait3A_375 = tpu.memref_slice %arg10[%dma_wait3A_374] : memref<256xi32, #tpu.memory_space<vmem>> -> memref<64xi32, #tpu.memory_space<vmem>>
    %dma_wait3A_376 = arith.constant 0 : i32
    %dma_wait3A_377 = arith.constant 0 : i32
    %dma_wait3A_378 = tpu.memref_slice %arg5[%dma_wait3A_376, %dma_wait3A_377] : memref<100000x128xf32, #tpu.memory_space<hbm>> -> memref<100000x128xf32, #tpu.memory_space<hbm>>
    tpu.wait_indirect_dma semaphore(%arg27 : memref<!tpu.dma_semaphore, #tpu.memory_space<semaphore_mem>>) src(%dma_wait3A_378 : memref<100000x128xf32, #tpu.memory_space<hbm>>) dst(%arg13 : memref<64x128xf32, #tpu.memory_space<vmem>>)
    %dma_start3A_379 = arith.constant 0 : i32
    %dma_start3A_380 = arith.constant 0 : i32
    %dma_start3A_381 = tpu.memref_slice %arg9[%dma_start3A_379, %add3A_373, %dma_start3A_380] : memref<5x8192x128xf32, #tpu.memory_space<hbm>> -> memref<1x64x128xf32, #tpu.memory_space<hbm>>
    %dma_start3A_382 = tpu.memref_squeeze %dma_start3A_381 : memref<1x64x128xf32, #tpu.memory_space<hbm>> -> memref<64x128xf32, #tpu.memory_space<hbm>>
    %dma_start3A_383 = arith.constant 0 : i32
    %dma_start3A_384 = tpu.memref_slice %arg9[%dma_start3A_379, %add3A_373, %dma_start3A_383] : memref<5x8192x128xf32, #tpu.memory_space<hbm>> -> memref<1x64x128xf32, #tpu.memory_space<hbm>>
    %dma_start3A_385 = tpu.memref_squeeze %dma_start3A_384 : memref<1x64x128xf32, #tpu.memory_space<hbm>> -> memref<64x128xf32, #tpu.memory_space<hbm>>
    tpu.enqueue_dma source(%arg13 : memref<64x128xf32, #tpu.memory_space<vmem>>) target(%dma_start3A_385 : memref<64x128xf32, #tpu.memory_space<hbm>>) target_semaphore(%arg27 : memref<!tpu.dma_semaphore, #tpu.memory_space<semaphore_mem>>)
    %dma_wait3A_386 = arith.constant 128 : i32
    %dma_wait3A_387 = tpu.memref_slice %arg11[%dma_wait3A_386] : memref<256xi32, #tpu.memory_space<vmem>> -> memref<64xi32, #tpu.memory_space<vmem>>
    %dma_wait3A_388 = arith.constant 0 : i32
    %dma_wait3A_389 = arith.constant 0 : i32
    %dma_wait3A_390 = tpu.memref_slice %arg5[%dma_wait3A_388, %dma_wait3A_389] : memref<100000x128xf32, #tpu.memory_space<hbm>> -> memref<100000x128xf32, #tpu.memory_space<hbm>>
    tpu.wait_indirect_dma semaphore(%arg28 : memref<!tpu.dma_semaphore, #tpu.memory_space<semaphore_mem>>) src(%dma_wait3A_390 : memref<100000x128xf32, #tpu.memory_space<hbm>>) dst(%arg14 : memref<64x128xf32, #tpu.memory_space<vmem>>)
    %dma_start3A_391 = arith.constant 1 : i32
    %dma_start3A_392 = arith.constant 0 : i32
    %dma_start3A_393 = tpu.memref_slice %arg9[%dma_start3A_391, %add3A_373, %dma_start3A_392] : memref<5x8192x128xf32, #tpu.memory_space<hbm>> -> memref<1x64x128xf32, #tpu.memory_space<hbm>>
    %dma_start3A_394 = tpu.memref_squeeze %dma_start3A_393 : memref<1x64x128xf32, #tpu.memory_space<hbm>> -> memref<64x128xf32, #tpu.memory_space<hbm>>
    %dma_start3A_395 = arith.constant 0 : i32
    %dma_start3A_396 = tpu.memref_slice %arg9[%dma_start3A_391, %add3A_373, %dma_start3A_395] : memref<5x8192x128xf32, #tpu.memory_space<hbm>> -> memref<1x64x128xf32, #tpu.memory_space<hbm>>
    %dma_start3A_397 = tpu.memref_squeeze %dma_start3A_396 : memref<1x64x128xf32, #tpu.memory_space<hbm>> -> memref<64x128xf32, #tpu.memory_space<hbm>>
    tpu.enqueue_dma source(%arg14 : memref<64x128xf32, #tpu.memory_space<vmem>>) target(%dma_start3A_397 : memref<64x128xf32, #tpu.memory_space<hbm>>) target_semaphore(%arg28 : memref<!tpu.dma_semaphore, #tpu.memory_space<semaphore_mem>>)
    %dma_wait3A_398 = arith.constant 128 : i32
    %dma_wait3A_399 = tpu.memref_slice %arg10[%dma_wait3A_398] : memref<256xi32, #tpu.memory_space<vmem>> -> memref<64xi32, #tpu.memory_space<vmem>>
    %dma_wait3A_400 = arith.constant 0 : i32
    %dma_wait3A_401 = arith.constant 0 : i32
    %dma_wait3A_402 = tpu.memref_slice %arg6[%dma_wait3A_400, %dma_wait3A_401] : memref<100000x128xf32, #tpu.memory_space<hbm>> -> memref<100000x128xf32, #tpu.memory_space<hbm>>
    tpu.wait_indirect_dma semaphore(%arg29 : memref<!tpu.dma_semaphore, #tpu.memory_space<semaphore_mem>>) src(%dma_wait3A_402 : memref<100000x128xf32, #tpu.memory_space<hbm>>) dst(%arg15 : memref<64x128xf32, #tpu.memory_space<vmem>>)
    %dma_start3A_403 = arith.constant 2 : i32
    %dma_start3A_404 = arith.constant 0 : i32
    %dma_start3A_405 = tpu.memref_slice %arg9[%dma_start3A_403, %add3A_373, %dma_start3A_404] : memref<5x8192x128xf32, #tpu.memory_space<hbm>> -> memref<1x64x128xf32, #tpu.memory_space<hbm>>
    %dma_start3A_406 = tpu.memref_squeeze %dma_start3A_405 : memref<1x64x128xf32, #tpu.memory_space<hbm>> -> memref<64x128xf32, #tpu.memory_space<hbm>>
    %dma_start3A_407 = arith.constant 0 : i32
    %dma_start3A_408 = tpu.memref_slice %arg9[%dma_start3A_403, %add3A_373, %dma_start3A_407] : memref<5x8192x128xf32, #tpu.memory_space<hbm>> -> memref<1x64x128xf32, #tpu.memory_space<hbm>>
    %dma_start3A_409 = tpu.memref_squeeze %dma_start3A_408 : memref<1x64x128xf32, #tpu.memory_space<hbm>> -> memref<64x128xf32, #tpu.memory_space<hbm>>
    tpu.enqueue_dma source(%arg15 : memref<64x128xf32, #tpu.memory_space<vmem>>) target(%dma_start3A_409 : memref<64x128xf32, #tpu.memory_space<hbm>>) target_semaphore(%arg29 : memref<!tpu.dma_semaphore, #tpu.memory_space<semaphore_mem>>)
    %dma_wait3A_410 = arith.constant 128 : i32
    %dma_wait3A_411 = tpu.memref_slice %arg11[%dma_wait3A_410] : memref<256xi32, #tpu.memory_space<vmem>> -> memref<64xi32, #tpu.memory_space<vmem>>
    %dma_wait3A_412 = arith.constant 0 : i32
    %dma_wait3A_413 = arith.constant 0 : i32
    %dma_wait3A_414 = tpu.memref_slice %arg6[%dma_wait3A_412, %dma_wait3A_413] : memref<100000x128xf32, #tpu.memory_space<hbm>> -> memref<100000x128xf32, #tpu.memory_space<hbm>>
    tpu.wait_indirect_dma semaphore(%arg30 : memref<!tpu.dma_semaphore, #tpu.memory_space<semaphore_mem>>) src(%dma_wait3A_414 : memref<100000x128xf32, #tpu.memory_space<hbm>>) dst(%arg16 : memref<64x128xf32, #tpu.memory_space<vmem>>)
    %dma_start3A_415 = arith.constant 3 : i32
    %dma_start3A_416 = arith.constant 0 : i32
    %dma_start3A_417 = tpu.memref_slice %arg9[%dma_start3A_415, %add3A_373, %dma_start3A_416] : memref<5x8192x128xf32, #tpu.memory_space<hbm>> -> memref<1x64x128xf32, #tpu.memory_space<hbm>>
    %dma_start3A_418 = tpu.memref_squeeze %dma_start3A_417 : memref<1x64x128xf32, #tpu.memory_space<hbm>> -> memref<64x128xf32, #tpu.memory_space<hbm>>
    %dma_start3A_419 = arith.constant 0 : i32
    %dma_start3A_420 = tpu.memref_slice %arg9[%dma_start3A_415, %add3A_373, %dma_start3A_419] : memref<5x8192x128xf32, #tpu.memory_space<hbm>> -> memref<1x64x128xf32, #tpu.memory_space<hbm>>
    %dma_start3A_421 = tpu.memref_squeeze %dma_start3A_420 : memref<1x64x128xf32, #tpu.memory_space<hbm>> -> memref<64x128xf32, #tpu.memory_space<hbm>>
    tpu.enqueue_dma source(%arg16 : memref<64x128xf32, #tpu.memory_space<vmem>>) target(%dma_start3A_421 : memref<64x128xf32, #tpu.memory_space<hbm>>) target_semaphore(%arg30 : memref<!tpu.dma_semaphore, #tpu.memory_space<semaphore_mem>>)
    %dma_wait3A_422 = arith.constant 128 : i32
    %dma_wait3A_423 = tpu.memref_slice %arg10[%dma_wait3A_422] : memref<256xi32, #tpu.memory_space<vmem>> -> memref<64xi32, #tpu.memory_space<vmem>>
    %dma_wait3A_424 = arith.constant 0 : i32
    %dma_wait3A_425 = arith.constant 0 : i32
    %dma_wait3A_426 = tpu.memref_slice %arg7[%dma_wait3A_424, %dma_wait3A_425] : memref<100000x128xf32, #tpu.memory_space<hbm>> -> memref<100000x128xf32, #tpu.memory_space<hbm>>
    tpu.wait_indirect_dma semaphore(%arg31 : memref<!tpu.dma_semaphore, #tpu.memory_space<semaphore_mem>>) src(%dma_wait3A_426 : memref<100000x128xf32, #tpu.memory_space<hbm>>) dst(%arg17 : memref<64x128xf32, #tpu.memory_space<vmem>>)
    %dma_wait3A_427 = arith.constant 128 : i32
    %dma_wait3A_428 = tpu.memref_slice %arg12[%dma_wait3A_427] : memref<256xi32, #tpu.memory_space<vmem>> -> memref<64xi32, #tpu.memory_space<vmem>>
    %dma_wait3A_429 = arith.constant 0 : i32
    %dma_wait3A_430 = arith.constant 0 : i32
    %dma_wait3A_431 = tpu.memref_slice %arg8[%dma_wait3A_429, %dma_wait3A_430] : memref<1000x128xf32, #tpu.memory_space<hbm>> -> memref<1000x128xf32, #tpu.memory_space<hbm>>
    tpu.wait_indirect_dma semaphore(%arg32 : memref<!tpu.dma_semaphore, #tpu.memory_space<semaphore_mem>>) src(%dma_wait3A_431 : memref<1000x128xf32, #tpu.memory_space<hbm>>) dst(%arg18 : memref<64x128xf32, #tpu.memory_space<vmem>>)
    %dma_wait3A_432 = arith.constant 128 : i32
    %dma_wait3A_433 = tpu.memref_slice %arg11[%dma_wait3A_432] : memref<256xi32, #tpu.memory_space<vmem>> -> memref<64xi32, #tpu.memory_space<vmem>>
    %dma_wait3A_434 = arith.constant 0 : i32
    %dma_wait3A_435 = arith.constant 0 : i32
    %dma_wait3A_436 = tpu.memref_slice %arg7[%dma_wait3A_434, %dma_wait3A_435] : memref<100000x128xf32, #tpu.memory_space<hbm>> -> memref<100000x128xf32, #tpu.memory_space<hbm>>
    tpu.wait_indirect_dma semaphore(%arg33 : memref<!tpu.dma_semaphore, #tpu.memory_space<semaphore_mem>>) src(%dma_wait3A_436 : memref<100000x128xf32, #tpu.memory_space<hbm>>) dst(%arg19 : memref<64x128xf32, #tpu.memory_space<vmem>>)
    %scan3A_437 = arith.constant 0 : i32
    %scan3A_438 = arith.constant 0 : i32
    %scan3A_439 = arith.constant 64 : i32
    %scan3A_440 = arith.addi %scan3A_438, %scan3A_439 : i32
    %scan3A_441 = arith.constant 1 : i32
    %scan3A_442 = scf.for %scan3A_600 = %scan3A_438 to %scan3A_440 step %scan3A_441 iter_args(%scan3A_601 = %scan3A_437) -> (i32)  : i32 {
      %get3A = arith.index_cast %scan3A_600 : i32 to index
      %get3A_602 = arith.constant 0 : index
      %get3A_603 = tpu.vector_load %arg17[%get3A, %get3A_602] {strides = array<i32>} : memref<64x128xf32, #tpu.memory_space<vmem>>, vector<1x16xf32>,
      %get3A_604 = vector.shape_cast %get3A_603 : vector<1x16xf32> to vector<16xf32>
      %get3A_605 = arith.index_cast %scan3A_600 : i32 to index
      %get3A_606 = arith.constant 0 : index
      %get3A_607 = tpu.vector_load %arg18[%get3A_605, %get3A_606] {strides = array<i32>} : memref<64x128xf32, #tpu.memory_space<vmem>>, vector<1x16xf32>,
      %get3A_608 = vector.shape_cast %get3A_607 : vector<1x16xf32> to vector<16xf32>
      %add3A_609 = arith.addf %get3A_604, %get3A_608 : vector<16xf32>
      %get3A_610 = arith.index_cast %scan3A_600 : i32 to index
      %get3A_611 = arith.constant 0 : index
      %get3A_612 = tpu.vector_load %arg19[%get3A_610, %get3A_611] {strides = array<i32>} : memref<64x128xf32, #tpu.memory_space<vmem>>, vector<1x16xf32>,
      %get3A_613 = vector.shape_cast %get3A_612 : vector<1x16xf32> to vector<16xf32>
      %sub3A = arith.subf %add3A_609, %get3A_613 : vector<16xf32>
      %swap3A = arith.index_cast %scan3A_600 : i32 to index
      %swap3A_614 = arith.constant 0 : index
      %swap3A_615 = tpu.vector_load %arg17[%swap3A, %swap3A_614] {strides = array<i32>} : memref<64x128xf32, #tpu.memory_space<vmem>>, vector<1x16xf32>,
      %swap3A_616 = vector.shape_cast %swap3A_615 : vector<1x16xf32> to vector<16xf32>
      %swap3A_617 = vector.shape_cast %sub3A : vector<16xf32> to vector<1x16xf32>
      tpu.vector_store %arg17[%swap3A, %swap3A_614], %swap3A_617 {strides = array<i32>} : memref<64x128xf32, #tpu.memory_space<vmem>>, vector<1x16xf32>,
      %get3A_618 = arith.index_cast %scan3A_600 : i32 to index
      %get3A_619 = arith.constant 16 : index
      %get3A_620 = tpu.vector_load %arg17[%get3A_618, %get3A_619] {strides = array<i32>} : memref<64x128xf32, #tpu.memory_space<vmem>>, vector<1x16xf32>,
      %get3A_621 = vector.shape_cast %get3A_620 : vector<1x16xf32> to vector<16xf32>
      %get3A_622 = arith.index_cast %scan3A_600 : i32 to index
      %get3A_623 = arith.constant 16 : index
      %get3A_624 = tpu.vector_load %arg18[%get3A_622, %get3A_623] {strides = array<i32>} : memref<64x128xf32, #tpu.memory_space<vmem>>, vector<1x16xf32>,
      %get3A_625 = vector.shape_cast %get3A_624 : vector<1x16xf32> to vector<16xf32>
      %add3A_626 = arith.addf %get3A_621, %get3A_625 : vector<16xf32>
      %get3A_627 = arith.index_cast %scan3A_600 : i32 to index
      %get3A_628 = arith.constant 16 : index
      %get3A_629 = tpu.vector_load %arg19[%get3A_627, %get3A_628] {strides = array<i32>} : memref<64x128xf32, #tpu.memory_space<vmem>>, vector<1x16xf32>,
      %get3A_630 = vector.shape_cast %get3A_629 : vector<1x16xf32> to vector<16xf32>
      %sub3A_631 = arith.subf %add3A_626, %get3A_630 : vector<16xf32>
      %swap3A_632 = arith.index_cast %scan3A_600 : i32 to index
      %swap3A_633 = arith.constant 16 : index
      %swap3A_634 = tpu.vector_load %arg17[%swap3A_632, %swap3A_633] {strides = array<i32>} : memref<64x128xf32, #tpu.memory_space<vmem>>, vector<1x16xf32>,
      %swap3A_635 = vector.shape_cast %swap3A_634 : vector<1x16xf32> to vector<16xf32>
      %swap3A_636 = vector.shape_cast %sub3A_631 : vector<16xf32> to vector<1x16xf32>
      tpu.vector_store %arg17[%swap3A_632, %swap3A_633], %swap3A_636 {strides = array<i32>} : memref<64x128xf32, #tpu.memory_space<vmem>>, vector<1x16xf32>,
      %get3A_637 = arith.index_cast %scan3A_600 : i32 to index
      %get3A_638 = arith.constant 32 : index
      %get3A_639 = tpu.vector_load %arg17[%get3A_637, %get3A_638] {strides = array<i32>} : memref<64x128xf32, #tpu.memory_space<vmem>>, vector<1x16xf32>,
      %get3A_640 = vector.shape_cast %get3A_639 : vector<1x16xf32> to vector<16xf32>
      %get3A_641 = arith.index_cast %scan3A_600 : i32 to index
      %get3A_642 = arith.constant 32 : index
      %get3A_643 = tpu.vector_load %arg18[%get3A_641, %get3A_642] {strides = array<i32>} : memref<64x128xf32, #tpu.memory_space<vmem>>, vector<1x16xf32>,
      %get3A_644 = vector.shape_cast %get3A_643 : vector<1x16xf32> to vector<16xf32>
      %add3A_645 = arith.addf %get3A_640, %get3A_644 : vector<16xf32>
      %get3A_646 = arith.index_cast %scan3A_600 : i32 to index
      %get3A_647 = arith.constant 32 : index
      %get3A_648 = tpu.vector_load %arg19[%get3A_646, %get3A_647] {strides = array<i32>} : memref<64x128xf32, #tpu.memory_space<vmem>>, vector<1x16xf32>,
      %get3A_649 = vector.shape_cast %get3A_648 : vector<1x16xf32> to vector<16xf32>
      %sub3A_650 = arith.subf %add3A_645, %get3A_649 : vector<16xf32>
      %swap3A_651 = arith.index_cast %scan3A_600 : i32 to index
      %swap3A_652 = arith.constant 32 : index
      %swap3A_653 = tpu.vector_load %arg17[%swap3A_651, %swap3A_652] {strides = array<i32>} : memref<64x128xf32, #tpu.memory_space<vmem>>, vector<1x16xf32>,
      %swap3A_654 = vector.shape_cast %swap3A_653 : vector<1x16xf32> to vector<16xf32>
      %swap3A_655 = vector.shape_cast %sub3A_650 : vector<16xf32> to vector<1x16xf32>
      tpu.vector_store %arg17[%swap3A_651, %swap3A_652], %swap3A_655 {strides = array<i32>} : memref<64x128xf32, #tpu.memory_space<vmem>>, vector<1x16xf32>,
      %get3A_656 = arith.index_cast %scan3A_600 : i32 to index
      %get3A_657 = arith.constant 48 : index
      %get3A_658 = tpu.vector_load %arg17[%get3A_656, %get3A_657] {strides = array<i32>} : memref<64x128xf32, #tpu.memory_space<vmem>>, vector<1x16xf32>,
      %get3A_659 = vector.shape_cast %get3A_658 : vector<1x16xf32> to vector<16xf32>
      %get3A_660 = arith.index_cast %scan3A_600 : i32 to index
      %get3A_661 = arith.constant 48 : index
      %get3A_662 = tpu.vector_load %arg18[%get3A_660, %get3A_661] {strides = array<i32>} : memref<64x128xf32, #tpu.memory_space<vmem>>, vector<1x16xf32>,
      %get3A_663 = vector.shape_cast %get3A_662 : vector<1x16xf32> to vector<16xf32>
      %add3A_664 = arith.addf %get3A_659, %get3A_663 : vector<16xf32>
      %get3A_665 = arith.index_cast %scan3A_600 : i32 to index
      %get3A_666 = arith.constant 48 : index
      %get3A_667 = tpu.vector_load %arg19[%get3A_665, %get3A_666] {strides = array<i32>} : memref<64x128xf32, #tpu.memory_space<vmem>>, vector<1x16xf32>,
      %get3A_668 = vector.shape_cast %get3A_667 : vector<1x16xf32> to vector<16xf32>
      %sub3A_669 = arith.subf %add3A_664, %get3A_668 : vector<16xf32>
      %swap3A_670 = arith.index_cast %scan3A_600 : i32 to index
      %swap3A_671 = arith.constant 48 : index
      %swap3A_672 = tpu.vector_load %arg17[%swap3A_670, %swap3A_671] {strides = array<i32>} : memref<64x128xf32, #tpu.memory_space<vmem>>, vector<1x16xf32>,
      %swap3A_673 = vector.shape_cast %swap3A_672 : vector<1x16xf32> to vector<16xf32>
      %swap3A_674 = vector.shape_cast %sub3A_669 : vector<16xf32> to vector<1x16xf32>
      tpu.vector_store %arg17[%swap3A_670, %swap3A_671], %swap3A_674 {strides = array<i32>} : memref<64x128xf32, #tpu.memory_space<vmem>>, vector<1x16xf32>,
      %get3A_675 = arith.index_cast %scan3A_600 : i32 to index
      %get3A_676 = arith.constant 64 : index
      %get3A_677 = tpu.vector_load %arg17[%get3A_675, %get3A_676] {strides = array<i32>} : memref<64x128xf32, #tpu.memory_space<vmem>>, vector<1x16xf32>,
      %get3A_678 = vector.shape_cast %get3A_677 : vector<1x16xf32> to vector<16xf32>
      %get3A_679 = arith.index_cast %scan3A_600 : i32 to index
      %get3A_680 = arith.constant 64 : index
      %get3A_681 = tpu.vector_load %arg18[%get3A_679, %get3A_680] {strides = array<i32>} : memref<64x128xf32, #tpu.memory_space<vmem>>, vector<1x16xf32>,
      %get3A_682 = vector.shape_cast %get3A_681 : vector<1x16xf32> to vector<16xf32>
      %add3A_683 = arith.addf %get3A_678, %get3A_682 : vector<16xf32>
      %get3A_684 = arith.index_cast %scan3A_600 : i32 to index
      %get3A_685 = arith.constant 64 : index
      %get3A_686 = tpu.vector_load %arg19[%get3A_684, %get3A_685] {strides = array<i32>} : memref<64x128xf32, #tpu.memory_space<vmem>>, vector<1x16xf32>,
      %get3A_687 = vector.shape_cast %get3A_686 : vector<1x16xf32> to vector<16xf32>
      %sub3A_688 = arith.subf %add3A_683, %get3A_687 : vector<16xf32>
      %swap3A_689 = arith.index_cast %scan3A_600 : i32 to index
      %swap3A_690 = arith.constant 64 : index
      %swap3A_691 = tpu.vector_load %arg17[%swap3A_689, %swap3A_690] {strides = array<i32>} : memref<64x128xf32, #tpu.memory_space<vmem>>, vector<1x16xf32>,
      %swap3A_692 = vector.shape_cast %swap3A_691 : vector<1x16xf32> to vector<16xf32>
      %swap3A_693 = vector.shape_cast %sub3A_688 : vector<16xf32> to vector<1x16xf32>
      tpu.vector_store %arg17[%swap3A_689, %swap3A_690], %swap3A_693 {strides = array<i32>} : memref<64x128xf32, #tpu.memory_space<vmem>>, vector<1x16xf32>,
      %get3A_694 = arith.index_cast %scan3A_600 : i32 to index
      %get3A_695 = arith.constant 80 : index
      %get3A_696 = tpu.vector_load %arg17[%get3A_694, %get3A_695] {strides = array<i32>} : memref<64x128xf32, #tpu.memory_space<vmem>>, vector<1x16xf32>,
      %get3A_697 = vector.shape_cast %get3A_696 : vector<1x16xf32> to vector<16xf32>
      %get3A_698 = arith.index_cast %scan3A_600 : i32 to index
      %get3A_699 = arith.constant 80 : index
      %get3A_700 = tpu.vector_load %arg18[%get3A_698, %get3A_699] {strides = array<i32>} : memref<64x128xf32, #tpu.memory_space<vmem>>, vector<1x16xf32>,
      %get3A_701 = vector.shape_cast %get3A_700 : vector<1x16xf32> to vector<16xf32>
      %add3A_702 = arith.addf %get3A_697, %get3A_701 : vector<16xf32>
      %get3A_703 = arith.index_cast %scan3A_600 : i32 to index
      %get3A_704 = arith.constant 80 : index
      %get3A_705 = tpu.vector_load %arg19[%get3A_703, %get3A_704] {strides = array<i32>} : memref<64x128xf32, #tpu.memory_space<vmem>>, vector<1x16xf32>,
      %get3A_706 = vector.shape_cast %get3A_705 : vector<1x16xf32> to vector<16xf32>
      %sub3A_707 = arith.subf %add3A_702, %get3A_706 : vector<16xf32>
      %swap3A_708 = arith.index_cast %scan3A_600 : i32 to index
      %swap3A_709 = arith.constant 80 : index
      %swap3A_710 = tpu.vector_load %arg17[%swap3A_708, %swap3A_709] {strides = array<i32>} : memref<64x128xf32, #tpu.memory_space<vmem>>, vector<1x16xf32>,
      %swap3A_711 = vector.shape_cast %swap3A_710 : vector<1x16xf32> to vector<16xf32>
      %swap3A_712 = vector.shape_cast %sub3A_707 : vector<16xf32> to vector<1x16xf32>
      tpu.vector_store %arg17[%swap3A_708, %swap3A_709], %swap3A_712 {strides = array<i32>} : memref<64x128xf32, #tpu.memory_space<vmem>>, vector<1x16xf32>,
      %get3A_713 = arith.index_cast %scan3A_600 : i32 to index
      %get3A_714 = arith.constant 96 : index
      %get3A_715 = tpu.vector_load %arg17[%get3A_713, %get3A_714] {strides = array<i32>} : memref<64x128xf32, #tpu.memory_space<vmem>>, vector<1x16xf32>,
      %get3A_716 = vector.shape_cast %get3A_715 : vector<1x16xf32> to vector<16xf32>
      %get3A_717 = arith.index_cast %scan3A_600 : i32 to index
      %get3A_718 = arith.constant 96 : index
      %get3A_719 = tpu.vector_load %arg18[%get3A_717, %get3A_718] {strides = array<i32>} : memref<64x128xf32, #tpu.memory_space<vmem>>, vector<1x16xf32>,
      %get3A_720 = vector.shape_cast %get3A_719 : vector<1x16xf32> to vector<16xf32>
      %add3A_721 = arith.addf %get3A_716, %get3A_720 : vector<16xf32>
      %get3A_722 = arith.index_cast %scan3A_600 : i32 to index
      %get3A_723 = arith.constant 96 : index
      %get3A_724 = tpu.vector_load %arg19[%get3A_722, %get3A_723] {strides = array<i32>} : memref<64x128xf32, #tpu.memory_space<vmem>>, vector<1x16xf32>,
      %get3A_725 = vector.shape_cast %get3A_724 : vector<1x16xf32> to vector<16xf32>
      %sub3A_726 = arith.subf %add3A_721, %get3A_725 : vector<16xf32>
      %swap3A_727 = arith.index_cast %scan3A_600 : i32 to index
      %swap3A_728 = arith.constant 96 : index
      %swap3A_729 = tpu.vector_load %arg17[%swap3A_727, %swap3A_728] {strides = array<i32>} : memref<64x128xf32, #tpu.memory_space<vmem>>, vector<1x16xf32>,
      %swap3A_730 = vector.shape_cast %swap3A_729 : vector<1x16xf32> to vector<16xf32>
      %swap3A_731 = vector.shape_cast %sub3A_726 : vector<16xf32> to vector<1x16xf32>
      tpu.vector_store %arg17[%swap3A_727, %swap3A_728], %swap3A_731 {strides = array<i32>} : memref<64x128xf32, #tpu.memory_space<vmem>>, vector<1x16xf32>,
      %get3A_732 = arith.index_cast %scan3A_600 : i32 to index
      %get3A_733 = arith.constant 112 : index
      %get3A_734 = tpu.vector_load %arg17[%get3A_732, %get3A_733] {strides = array<i32>} : memref<64x128xf32, #tpu.memory_space<vmem>>, vector<1x16xf32>,
      %get3A_735 = vector.shape_cast %get3A_734 : vector<1x16xf32> to vector<16xf32>
      %get3A_736 = arith.index_cast %scan3A_600 : i32 to index
      %get3A_737 = arith.constant 112 : index
      %get3A_738 = tpu.vector_load %arg18[%get3A_736, %get3A_737] {strides = array<i32>} : memref<64x128xf32, #tpu.memory_space<vmem>>, vector<1x16xf32>,
      %get3A_739 = vector.shape_cast %get3A_738 : vector<1x16xf32> to vector<16xf32>
      %add3A_740 = arith.addf %get3A_735, %get3A_739 : vector<16xf32>
      %get3A_741 = arith.index_cast %scan3A_600 : i32 to index
      %get3A_742 = arith.constant 112 : index
      %get3A_743 = tpu.vector_load %arg19[%get3A_741, %get3A_742] {strides = array<i32>} : memref<64x128xf32, #tpu.memory_space<vmem>>, vector<1x16xf32>,
      %get3A_744 = vector.shape_cast %get3A_743 : vector<1x16xf32> to vector<16xf32>
      %sub3A_745 = arith.subf %add3A_740, %get3A_744 : vector<16xf32>
      %swap3A_746 = arith.index_cast %scan3A_600 : i32 to index
      %swap3A_747 = arith.constant 112 : index
      %swap3A_748 = tpu.vector_load %arg17[%swap3A_746, %swap3A_747] {strides = array<i32>} : memref<64x128xf32, #tpu.memory_space<vmem>>, vector<1x16xf32>,
      %swap3A_749 = vector.shape_cast %swap3A_748 : vector<1x16xf32> to vector<16xf32>
      %swap3A_750 = vector.shape_cast %sub3A_745 : vector<16xf32> to vector<1x16xf32>
      tpu.vector_store %arg17[%swap3A_746, %swap3A_747], %swap3A_750 {strides = array<i32>} : memref<64x128xf32, #tpu.memory_space<vmem>>, vector<1x16xf32>,
      %scan3A_751 = arith.constant 0 : i32
      scf.yield %scan3A_751 : i32
    }
    %scan3A_443 = arith.constant 64 : i32
    %dma_start3A_444 = arith.constant 4 : i32
    %dma_start3A_445 = arith.constant 0 : i32
    %dma_start3A_446 = tpu.memref_slice %arg9[%dma_start3A_444, %add3A_373, %dma_start3A_445] : memref<5x8192x128xf32, #tpu.memory_space<hbm>> -> memref<1x64x128xf32, #tpu.memory_space<hbm>>
    %dma_start3A_447 = tpu.memref_squeeze %dma_start3A_446 : memref<1x64x128xf32, #tpu.memory_space<hbm>> -> memref<64x128xf32, #tpu.memory_space<hbm>>
    %dma_start3A_448 = arith.constant 0 : i32
    %dma_start3A_449 = tpu.memref_slice %arg9[%dma_start3A_444, %add3A_373, %dma_start3A_448] : memref<5x8192x128xf32, #tpu.memory_space<hbm>> -> memref<1x64x128xf32, #tpu.memory_space<hbm>>
    %dma_start3A_450 = tpu.memref_squeeze %dma_start3A_449 : memref<1x64x128xf32, #tpu.memory_space<hbm>> -> memref<64x128xf32, #tpu.memory_space<hbm>>
    tpu.enqueue_dma source(%arg17 : memref<64x128xf32, #tpu.memory_space<vmem>>) target(%dma_start3A_450 : memref<64x128xf32, #tpu.memory_space<hbm>>) target_semaphore(%arg31 : memref<!tpu.dma_semaphore, #tpu.memory_space<semaphore_mem>>)
    %add3A_451 = arith.constant 192 : i32
    %add3A_452 = arith.addi %mul3A_2, %add3A_451 : i32
    %dma_wait3A_453 = arith.constant 192 : i32
    %dma_wait3A_454 = tpu.memref_slice %arg10[%dma_wait3A_453] : memref<256xi32, #tpu.memory_space<vmem>> -> memref<64xi32, #tpu.memory_space<vmem>>
    %dma_wait3A_455 = arith.constant 0 : i32
    %dma_wait3A_456 = arith.constant 0 : i32
    %dma_wait3A_457 = tpu.memref_slice %arg5[%dma_wait3A_455, %dma_wait3A_456] : memref<100000x128xf32, #tpu.memory_space<hbm>> -> memref<100000x128xf32, #tpu.memory_space<hbm>>
    tpu.wait_indirect_dma semaphore(%arg34 : memref<!tpu.dma_semaphore, #tpu.memory_space<semaphore_mem>>) src(%dma_wait3A_457 : memref<100000x128xf32, #tpu.memory_space<hbm>>) dst(%arg20 : memref<64x128xf32, #tpu.memory_space<vmem>>)
    %dma_start3A_458 = arith.constant 0 : i32
    %dma_start3A_459 = arith.constant 0 : i32
    %dma_start3A_460 = tpu.memref_slice %arg9[%dma_start3A_458, %add3A_452, %dma_start3A_459] : memref<5x8192x128xf32, #tpu.memory_space<hbm>> -> memref<1x64x128xf32, #tpu.memory_space<hbm>>
    %dma_start3A_461 = tpu.memref_squeeze %dma_start3A_460 : memref<1x64x128xf32, #tpu.memory_space<hbm>> -> memref<64x128xf32, #tpu.memory_space<hbm>>
    %dma_start3A_462 = arith.constant 0 : i32
    %dma_start3A_463 = tpu.memref_slice %arg9[%dma_start3A_458, %add3A_452, %dma_start3A_462] : memref<5x8192x128xf32, #tpu.memory_space<hbm>> -> memref<1x64x128xf32, #tpu.memory_space<hbm>>
    %dma_start3A_464 = tpu.memref_squeeze %dma_start3A_463 : memref<1x64x128xf32, #tpu.memory_space<hbm>> -> memref<64x128xf32, #tpu.memory_space<hbm>>
    tpu.enqueue_dma source(%arg20 : memref<64x128xf32, #tpu.memory_space<vmem>>) target(%dma_start3A_464 : memref<64x128xf32, #tpu.memory_space<hbm>>) target_semaphore(%arg34 : memref<!tpu.dma_semaphore, #tpu.memory_space<semaphore_mem>>)
    %dma_wait3A_465 = arith.constant 192 : i32
    %dma_wait3A_466 = tpu.memref_slice %arg11[%dma_wait3A_465] : memref<256xi32, #tpu.memory_space<vmem>> -> memref<64xi32, #tpu.memory_space<vmem>>
    %dma_wait3A_467 = arith.constant 0 : i32
    %dma_wait3A_468 = arith.constant 0 : i32
    %dma_wait3A_469 = tpu.memref_slice %arg5[%dma_wait3A_467, %dma_wait3A_468] : memref<100000x128xf32, #tpu.memory_space<hbm>> -> memref<100000x128xf32, #tpu.memory_space<hbm>>
    tpu.wait_indirect_dma semaphore(%arg35 : memref<!tpu.dma_semaphore, #tpu.memory_space<semaphore_mem>>) src(%dma_wait3A_469 : memref<100000x128xf32, #tpu.memory_space<hbm>>) dst(%arg21 : memref<64x128xf32, #tpu.memory_space<vmem>>)
    %dma_start3A_470 = arith.constant 1 : i32
    %dma_start3A_471 = arith.constant 0 : i32
    %dma_start3A_472 = tpu.memref_slice %arg9[%dma_start3A_470, %add3A_452, %dma_start3A_471] : memref<5x8192x128xf32, #tpu.memory_space<hbm>> -> memref<1x64x128xf32, #tpu.memory_space<hbm>>
    %dma_start3A_473 = tpu.memref_squeeze %dma_start3A_472 : memref<1x64x128xf32, #tpu.memory_space<hbm>> -> memref<64x128xf32, #tpu.memory_space<hbm>>
    %dma_start3A_474 = arith.constant 0 : i32
    %dma_start3A_475 = tpu.memref_slice %arg9[%dma_start3A_470, %add3A_452, %dma_start3A_474] : memref<5x8192x128xf32, #tpu.memory_space<hbm>> -> memref<1x64x128xf32, #tpu.memory_space<hbm>>
    %dma_start3A_476 = tpu.memref_squeeze %dma_start3A_475 : memref<1x64x128xf32, #tpu.memory_space<hbm>> -> memref<64x128xf32, #tpu.memory_space<hbm>>
    tpu.enqueue_dma source(%arg21 : memref<64x128xf32, #tpu.memory_space<vmem>>) target(%dma_start3A_476 : memref<64x128xf32, #tpu.memory_space<hbm>>) target_semaphore(%arg35 : memref<!tpu.dma_semaphore, #tpu.memory_space<semaphore_mem>>)
    %dma_wait3A_477 = arith.constant 192 : i32
    %dma_wait3A_478 = tpu.memref_slice %arg10[%dma_wait3A_477] : memref<256xi32, #tpu.memory_space<vmem>> -> memref<64xi32, #tpu.memory_space<vmem>>
    %dma_wait3A_479 = arith.constant 0 : i32
    %dma_wait3A_480 = arith.constant 0 : i32
    %dma_wait3A_481 = tpu.memref_slice %arg6[%dma_wait3A_479, %dma_wait3A_480] : memref<100000x128xf32, #tpu.memory_space<hbm>> -> memref<100000x128xf32, #tpu.memory_space<hbm>>
    tpu.wait_indirect_dma semaphore(%arg36 : memref<!tpu.dma_semaphore, #tpu.memory_space<semaphore_mem>>) src(%dma_wait3A_481 : memref<100000x128xf32, #tpu.memory_space<hbm>>) dst(%arg22 : memref<64x128xf32, #tpu.memory_space<vmem>>)
    %dma_start3A_482 = arith.constant 2 : i32
    %dma_start3A_483 = arith.constant 0 : i32
    %dma_start3A_484 = tpu.memref_slice %arg9[%dma_start3A_482, %add3A_452, %dma_start3A_483] : memref<5x8192x128xf32, #tpu.memory_space<hbm>> -> memref<1x64x128xf32, #tpu.memory_space<hbm>>
    %dma_start3A_485 = tpu.memref_squeeze %dma_start3A_484 : memref<1x64x128xf32, #tpu.memory_space<hbm>> -> memref<64x128xf32, #tpu.memory_space<hbm>>
    %dma_start3A_486 = arith.constant 0 : i32
    %dma_start3A_487 = tpu.memref_slice %arg9[%dma_start3A_482, %add3A_452, %dma_start3A_486] : memref<5x8192x128xf32, #tpu.memory_space<hbm>> -> memref<1x64x128xf32, #tpu.memory_space<hbm>>
    %dma_start3A_488 = tpu.memref_squeeze %dma_start3A_487 : memref<1x64x128xf32, #tpu.memory_space<hbm>> -> memref<64x128xf32, #tpu.memory_space<hbm>>
    tpu.enqueue_dma source(%arg22 : memref<64x128xf32, #tpu.memory_space<vmem>>) target(%dma_start3A_488 : memref<64x128xf32, #tpu.memory_space<hbm>>) target_semaphore(%arg36 : memref<!tpu.dma_semaphore, #tpu.memory_space<semaphore_mem>>)
    %dma_wait3A_489 = arith.constant 192 : i32
    %dma_wait3A_490 = tpu.memref_slice %arg11[%dma_wait3A_489] : memref<256xi32, #tpu.memory_space<vmem>> -> memref<64xi32, #tpu.memory_space<vmem>>
    %dma_wait3A_491 = arith.constant 0 : i32
    %dma_wait3A_492 = arith.constant 0 : i32
    %dma_wait3A_493 = tpu.memref_slice %arg6[%dma_wait3A_491, %dma_wait3A_492] : memref<100000x128xf32, #tpu.memory_space<hbm>> -> memref<100000x128xf32, #tpu.memory_space<hbm>>
    tpu.wait_indirect_dma semaphore(%arg37 : memref<!tpu.dma_semaphore, #tpu.memory_space<semaphore_mem>>) src(%dma_wait3A_493 : memref<100000x128xf32, #tpu.memory_space<hbm>>) dst(%arg23 : memref<64x128xf32, #tpu.memory_space<vmem>>)
    %dma_start3A_494 = arith.constant 3 : i32
    %dma_start3A_495 = arith.constant 0 : i32
    %dma_start3A_496 = tpu.memref_slice %arg9[%dma_start3A_494, %add3A_452, %dma_start3A_495] : memref<5x8192x128xf32, #tpu.memory_space<hbm>> -> memref<1x64x128xf32, #tpu.memory_space<hbm>>
    %dma_start3A_497 = tpu.memref_squeeze %dma_start3A_496 : memref<1x64x128xf32, #tpu.memory_space<hbm>> -> memref<64x128xf32, #tpu.memory_space<hbm>>
    %dma_start3A_498 = arith.constant 0 : i32
    %dma_start3A_499 = tpu.memref_slice %arg9[%dma_start3A_494, %add3A_452, %dma_start3A_498] : memref<5x8192x128xf32, #tpu.memory_space<hbm>> -> memref<1x64x128xf32, #tpu.memory_space<hbm>>
    %dma_start3A_500 = tpu.memref_squeeze %dma_start3A_499 : memref<1x64x128xf32, #tpu.memory_space<hbm>> -> memref<64x128xf32, #tpu.memory_space<hbm>>
    tpu.enqueue_dma source(%arg23 : memref<64x128xf32, #tpu.memory_space<vmem>>) target(%dma_start3A_500 : memref<64x128xf32, #tpu.memory_space<hbm>>) target_semaphore(%arg37 : memref<!tpu.dma_semaphore, #tpu.memory_space<semaphore_mem>>)
    %dma_wait3A_501 = arith.constant 192 : i32
    %dma_wait3A_502 = tpu.memref_slice %arg10[%dma_wait3A_501] : memref<256xi32, #tpu.memory_space<vmem>> -> memref<64xi32, #tpu.memory_space<vmem>>
    %dma_wait3A_503 = arith.constant 0 : i32
    %dma_wait3A_504 = arith.constant 0 : i32
    %dma_wait3A_505 = tpu.memref_slice %arg7[%dma_wait3A_503, %dma_wait3A_504] : memref<100000x128xf32, #tpu.memory_space<hbm>> -> memref<100000x128xf32, #tpu.memory_space<hbm>>
    tpu.wait_indirect_dma semaphore(%arg38 : memref<!tpu.dma_semaphore, #tpu.memory_space<semaphore_mem>>) src(%dma_wait3A_505 : memref<100000x128xf32, #tpu.memory_space<hbm>>) dst(%arg24 : memref<64x128xf32, #tpu.memory_space<vmem>>)
    %dma_wait3A_506 = arith.constant 192 : i32
    %dma_wait3A_507 = tpu.memref_slice %arg12[%dma_wait3A_506] : memref<256xi32, #tpu.memory_space<vmem>> -> memref<64xi32, #tpu.memory_space<vmem>>
    %dma_wait3A_508 = arith.constant 0 : i32
    %dma_wait3A_509 = arith.constant 0 : i32
    %dma_wait3A_510 = tpu.memref_slice %arg8[%dma_wait3A_508, %dma_wait3A_509] : memref<1000x128xf32, #tpu.memory_space<hbm>> -> memref<1000x128xf32, #tpu.memory_space<hbm>>
    tpu.wait_indirect_dma semaphore(%arg39 : memref<!tpu.dma_semaphore, #tpu.memory_space<semaphore_mem>>) src(%dma_wait3A_510 : memref<1000x128xf32, #tpu.memory_space<hbm>>) dst(%arg25 : memref<64x128xf32, #tpu.memory_space<vmem>>)
    %dma_wait3A_511 = arith.constant 192 : i32
    %dma_wait3A_512 = tpu.memref_slice %arg11[%dma_wait3A_511] : memref<256xi32, #tpu.memory_space<vmem>> -> memref<64xi32, #tpu.memory_space<vmem>>
    %dma_wait3A_513 = arith.constant 0 : i32
    %dma_wait3A_514 = arith.constant 0 : i32
    %dma_wait3A_515 = tpu.memref_slice %arg7[%dma_wait3A_513, %dma_wait3A_514] : memref<100000x128xf32, #tpu.memory_space<hbm>> -> memref<100000x128xf32, #tpu.memory_space<hbm>>
    tpu.wait_indirect_dma semaphore(%arg40 : memref<!tpu.dma_semaphore, #tpu.memory_space<semaphore_mem>>) src(%dma_wait3A_515 : memref<100000x128xf32, #tpu.memory_space<hbm>>) dst(%arg26 : memref<64x128xf32, #tpu.memory_space<vmem>>)
    %scan3A_516 = arith.constant 0 : i32
    %scan3A_517 = arith.constant 0 : i32
    %scan3A_518 = arith.constant 64 : i32
    %scan3A_519 = arith.addi %scan3A_517, %scan3A_518 : i32
    %scan3A_520 = arith.constant 1 : i32
    %scan3A_521 = scf.for %scan3A_600 = %scan3A_517 to %scan3A_519 step %scan3A_520 iter_args(%scan3A_601 = %scan3A_516) -> (i32)  : i32 {
      %get3A = arith.index_cast %scan3A_600 : i32 to index
      %get3A_602 = arith.constant 0 : index
      %get3A_603 = tpu.vector_load %arg24[%get3A, %get3A_602] {strides = array<i32>} : memref<64x128xf32, #tpu.memory_space<vmem>>, vector<1x16xf32>,
      %get3A_604 = vector.shape_cast %get3A_603 : vector<1x16xf32> to vector<16xf32>
      %get3A_605 = arith.index_cast %scan3A_600 : i32 to index
      %get3A_606 = arith.constant 0 : index
      %get3A_607 = tpu.vector_load %arg25[%get3A_605, %get3A_606] {strides = array<i32>} : memref<64x128xf32, #tpu.memory_space<vmem>>, vector<1x16xf32>,
      %get3A_608 = vector.shape_cast %get3A_607 : vector<1x16xf32> to vector<16xf32>
      %add3A_609 = arith.addf %get3A_604, %get3A_608 : vector<16xf32>
      %get3A_610 = arith.index_cast %scan3A_600 : i32 to index
      %get3A_611 = arith.constant 0 : index
      %get3A_612 = tpu.vector_load %arg26[%get3A_610, %get3A_611] {strides = array<i32>} : memref<64x128xf32, #tpu.memory_space<vmem>>, vector<1x16xf32>,
      %get3A_613 = vector.shape_cast %get3A_612 : vector<1x16xf32> to vector<16xf32>
      %sub3A = arith.subf %add3A_609, %get3A_613 : vector<16xf32>
      %swap3A = arith.index_cast %scan3A_600 : i32 to index
      %swap3A_614 = arith.constant 0 : index
      %swap3A_615 = tpu.vector_load %arg24[%swap3A, %swap3A_614] {strides = array<i32>} : memref<64x128xf32, #tpu.memory_space<vmem>>, vector<1x16xf32>,
      %swap3A_616 = vector.shape_cast %swap3A_615 : vector<1x16xf32> to vector<16xf32>
      %swap3A_617 = vector.shape_cast %sub3A : vector<16xf32> to vector<1x16xf32>
      tpu.vector_store %arg24[%swap3A, %swap3A_614], %swap3A_617 {strides = array<i32>} : memref<64x128xf32, #tpu.memory_space<vmem>>, vector<1x16xf32>,
      %get3A_618 = arith.index_cast %scan3A_600 : i32 to index
      %get3A_619 = arith.constant 16 : index
      %get3A_620 = tpu.vector_load %arg24[%get3A_618, %get3A_619] {strides = array<i32>} : memref<64x128xf32, #tpu.memory_space<vmem>>, vector<1x16xf32>,
      %get3A_621 = vector.shape_cast %get3A_620 : vector<1x16xf32> to vector<16xf32>
      %get3A_622 = arith.index_cast %scan3A_600 : i32 to index
      %get3A_623 = arith.constant 16 : index
      %get3A_624 = tpu.vector_load %arg25[%get3A_622, %get3A_623] {strides = array<i32>} : memref<64x128xf32, #tpu.memory_space<vmem>>, vector<1x16xf32>,
      %get3A_625 = vector.shape_cast %get3A_624 : vector<1x16xf32> to vector<16xf32>
      %add3A_626 = arith.addf %get3A_621, %get3A_625 : vector<16xf32>
      %get3A_627 = arith.index_cast %scan3A_600 : i32 to index
      %get3A_628 = arith.constant 16 : index
      %get3A_629 = tpu.vector_load %arg26[%get3A_627, %get3A_628] {strides = array<i32>} : memref<64x128xf32, #tpu.memory_space<vmem>>, vector<1x16xf32>,
      %get3A_630 = vector.shape_cast %get3A_629 : vector<1x16xf32> to vector<16xf32>
      %sub3A_631 = arith.subf %add3A_626, %get3A_630 : vector<16xf32>
      %swap3A_632 = arith.index_cast %scan3A_600 : i32 to index
      %swap3A_633 = arith.constant 16 : index
      %swap3A_634 = tpu.vector_load %arg24[%swap3A_632, %swap3A_633] {strides = array<i32>} : memref<64x128xf32, #tpu.memory_space<vmem>>, vector<1x16xf32>,
      %swap3A_635 = vector.shape_cast %swap3A_634 : vector<1x16xf32> to vector<16xf32>
      %swap3A_636 = vector.shape_cast %sub3A_631 : vector<16xf32> to vector<1x16xf32>
      tpu.vector_store %arg24[%swap3A_632, %swap3A_633], %swap3A_636 {strides = array<i32>} : memref<64x128xf32, #tpu.memory_space<vmem>>, vector<1x16xf32>,
      %get3A_637 = arith.index_cast %scan3A_600 : i32 to index
      %get3A_638 = arith.constant 32 : index
      %get3A_639 = tpu.vector_load %arg24[%get3A_637, %get3A_638] {strides = array<i32>} : memref<64x128xf32, #tpu.memory_space<vmem>>, vector<1x16xf32>,
      %get3A_640 = vector.shape_cast %get3A_639 : vector<1x16xf32> to vector<16xf32>
      %get3A_641 = arith.index_cast %scan3A_600 : i32 to index
      %get3A_642 = arith.constant 32 : index
      %get3A_643 = tpu.vector_load %arg25[%get3A_641, %get3A_642] {strides = array<i32>} : memref<64x128xf32, #tpu.memory_space<vmem>>, vector<1x16xf32>,
      %get3A_644 = vector.shape_cast %get3A_643 : vector<1x16xf32> to vector<16xf32>
      %add3A_645 = arith.addf %get3A_640, %get3A_644 : vector<16xf32>
      %get3A_646 = arith.index_cast %scan3A_600 : i32 to index
      %get3A_647 = arith.constant 32 : index
      %get3A_648 = tpu.vector_load %arg26[%get3A_646, %get3A_647] {strides = array<i32>} : memref<64x128xf32, #tpu.memory_space<vmem>>, vector<1x16xf32>,
      %get3A_649 = vector.shape_cast %get3A_648 : vector<1x16xf32> to vector<16xf32>
      %sub3A_650 = arith.subf %add3A_645, %get3A_649 : vector<16xf32>
      %swap3A_651 = arith.index_cast %scan3A_600 : i32 to index
      %swap3A_652 = arith.constant 32 : index
      %swap3A_653 = tpu.vector_load %arg24[%swap3A_651, %swap3A_652] {strides = array<i32>} : memref<64x128xf32, #tpu.memory_space<vmem>>, vector<1x16xf32>,
      %swap3A_654 = vector.shape_cast %swap3A_653 : vector<1x16xf32> to vector<16xf32>
      %swap3A_655 = vector.shape_cast %sub3A_650 : vector<16xf32> to vector<1x16xf32>
      tpu.vector_store %arg24[%swap3A_651, %swap3A_652], %swap3A_655 {strides = array<i32>} : memref<64x128xf32, #tpu.memory_space<vmem>>, vector<1x16xf32>,
      %get3A_656 = arith.index_cast %scan3A_600 : i32 to index
      %get3A_657 = arith.constant 48 : index
      %get3A_658 = tpu.vector_load %arg24[%get3A_656, %get3A_657] {strides = array<i32>} : memref<64x128xf32, #tpu.memory_space<vmem>>, vector<1x16xf32>,
      %get3A_659 = vector.shape_cast %get3A_658 : vector<1x16xf32> to vector<16xf32>
      %get3A_660 = arith.index_cast %scan3A_600 : i32 to index
      %get3A_661 = arith.constant 48 : index
      %get3A_662 = tpu.vector_load %arg25[%get3A_660, %get3A_661] {strides = array<i32>} : memref<64x128xf32, #tpu.memory_space<vmem>>, vector<1x16xf32>,
      %get3A_663 = vector.shape_cast %get3A_662 : vector<1x16xf32> to vector<16xf32>
      %add3A_664 = arith.addf %get3A_659, %get3A_663 : vector<16xf32>
      %get3A_665 = arith.index_cast %scan3A_600 : i32 to index
      %get3A_666 = arith.constant 48 : index
      %get3A_667 = tpu.vector_load %arg26[%get3A_665, %get3A_666] {strides = array<i32>} : memref<64x128xf32, #tpu.memory_space<vmem>>, vector<1x16xf32>,
      %get3A_668 = vector.shape_cast %get3A_667 : vector<1x16xf32> to vector<16xf32>
      %sub3A_669 = arith.subf %add3A_664, %get3A_668 : vector<16xf32>
      %swap3A_670 = arith.index_cast %scan3A_600 : i32 to index
      %swap3A_671 = arith.constant 48 : index
      %swap3A_672 = tpu.vector_load %arg24[%swap3A_670, %swap3A_671] {strides = array<i32>} : memref<64x128xf32, #tpu.memory_space<vmem>>, vector<1x16xf32>,
      %swap3A_673 = vector.shape_cast %swap3A_672 : vector<1x16xf32> to vector<16xf32>
      %swap3A_674 = vector.shape_cast %sub3A_669 : vector<16xf32> to vector<1x16xf32>
      tpu.vector_store %arg24[%swap3A_670, %swap3A_671], %swap3A_674 {strides = array<i32>} : memref<64x128xf32, #tpu.memory_space<vmem>>, vector<1x16xf32>,
      %get3A_675 = arith.index_cast %scan3A_600 : i32 to index
      %get3A_676 = arith.constant 64 : index
      %get3A_677 = tpu.vector_load %arg24[%get3A_675, %get3A_676] {strides = array<i32>} : memref<64x128xf32, #tpu.memory_space<vmem>>, vector<1x16xf32>,
      %get3A_678 = vector.shape_cast %get3A_677 : vector<1x16xf32> to vector<16xf32>
      %get3A_679 = arith.index_cast %scan3A_600 : i32 to index
      %get3A_680 = arith.constant 64 : index
      %get3A_681 = tpu.vector_load %arg25[%get3A_679, %get3A_680] {strides = array<i32>} : memref<64x128xf32, #tpu.memory_space<vmem>>, vector<1x16xf32>,
      %get3A_682 = vector.shape_cast %get3A_681 : vector<1x16xf32> to vector<16xf32>
      %add3A_683 = arith.addf %get3A_678, %get3A_682 : vector<16xf32>
      %get3A_684 = arith.index_cast %scan3A_600 : i32 to index
      %get3A_685 = arith.constant 64 : index
      %get3A_686 = tpu.vector_load %arg26[%get3A_684, %get3A_685] {strides = array<i32>} : memref<64x128xf32, #tpu.memory_space<vmem>>, vector<1x16xf32>,
      %get3A_687 = vector.shape_cast %get3A_686 : vector<1x16xf32> to vector<16xf32>
      %sub3A_688 = arith.subf %add3A_683, %get3A_687 : vector<16xf32>
      %swap3A_689 = arith.index_cast %scan3A_600 : i32 to index
      %swap3A_690 = arith.constant 64 : index
      %swap3A_691 = tpu.vector_load %arg24[%swap3A_689, %swap3A_690] {strides = array<i32>} : memref<64x128xf32, #tpu.memory_space<vmem>>, vector<1x16xf32>,
      %swap3A_692 = vector.shape_cast %swap3A_691 : vector<1x16xf32> to vector<16xf32>
      %swap3A_693 = vector.shape_cast %sub3A_688 : vector<16xf32> to vector<1x16xf32>
      tpu.vector_store %arg24[%swap3A_689, %swap3A_690], %swap3A_693 {strides = array<i32>} : memref<64x128xf32, #tpu.memory_space<vmem>>, vector<1x16xf32>,
      %get3A_694 = arith.index_cast %scan3A_600 : i32 to index
      %get3A_695 = arith.constant 80 : index
      %get3A_696 = tpu.vector_load %arg24[%get3A_694, %get3A_695] {strides = array<i32>} : memref<64x128xf32, #tpu.memory_space<vmem>>, vector<1x16xf32>,
      %get3A_697 = vector.shape_cast %get3A_696 : vector<1x16xf32> to vector<16xf32>
      %get3A_698 = arith.index_cast %scan3A_600 : i32 to index
      %get3A_699 = arith.constant 80 : index
      %get3A_700 = tpu.vector_load %arg25[%get3A_698, %get3A_699] {strides = array<i32>} : memref<64x128xf32, #tpu.memory_space<vmem>>, vector<1x16xf32>,
      %get3A_701 = vector.shape_cast %get3A_700 : vector<1x16xf32> to vector<16xf32>
      %add3A_702 = arith.addf %get3A_697, %get3A_701 : vector<16xf32>
      %get3A_703 = arith.index_cast %scan3A_600 : i32 to index
      %get3A_704 = arith.constant 80 : index
      %get3A_705 = tpu.vector_load %arg26[%get3A_703, %get3A_704] {strides = array<i32>} : memref<64x128xf32, #tpu.memory_space<vmem>>, vector<1x16xf32>,
      %get3A_706 = vector.shape_cast %get3A_705 : vector<1x16xf32> to vector<16xf32>
      %sub3A_707 = arith.subf %add3A_702, %get3A_706 : vector<16xf32>
      %swap3A_708 = arith.index_cast %scan3A_600 : i32 to index
      %swap3A_709 = arith.constant 80 : index
      %swap3A_710 = tpu.vector_load %arg24[%swap3A_708, %swap3A_709] {strides = array<i32>} : memref<64x128xf32, #tpu.memory_space<vmem>>, vector<1x16xf32>,
      %swap3A_711 = vector.shape_cast %swap3A_710 : vector<1x16xf32> to vector<16xf32>
      %swap3A_712 = vector.shape_cast %sub3A_707 : vector<16xf32> to vector<1x16xf32>
      tpu.vector_store %arg24[%swap3A_708, %swap3A_709], %swap3A_712 {strides = array<i32>} : memref<64x128xf32, #tpu.memory_space<vmem>>, vector<1x16xf32>,
      %get3A_713 = arith.index_cast %scan3A_600 : i32 to index
      %get3A_714 = arith.constant 96 : index
      %get3A_715 = tpu.vector_load %arg24[%get3A_713, %get3A_714] {strides = array<i32>} : memref<64x128xf32, #tpu.memory_space<vmem>>, vector<1x16xf32>,
      %get3A_716 = vector.shape_cast %get3A_715 : vector<1x16xf32> to vector<16xf32>
      %get3A_717 = arith.index_cast %scan3A_600 : i32 to index
      %get3A_718 = arith.constant 96 : index
      %get3A_719 = tpu.vector_load %arg25[%get3A_717, %get3A_718] {strides = array<i32>} : memref<64x128xf32, #tpu.memory_space<vmem>>, vector<1x16xf32>,
      %get3A_720 = vector.shape_cast %get3A_719 : vector<1x16xf32> to vector<16xf32>
      %add3A_721 = arith.addf %get3A_716, %get3A_720 : vector<16xf32>
      %get3A_722 = arith.index_cast %scan3A_600 : i32 to index
      %get3A_723 = arith.constant 96 : index
      %get3A_724 = tpu.vector_load %arg26[%get3A_722, %get3A_723] {strides = array<i32>} : memref<64x128xf32, #tpu.memory_space<vmem>>, vector<1x16xf32>,
      %get3A_725 = vector.shape_cast %get3A_724 : vector<1x16xf32> to vector<16xf32>
      %sub3A_726 = arith.subf %add3A_721, %get3A_725 : vector<16xf32>
      %swap3A_727 = arith.index_cast %scan3A_600 : i32 to index
      %swap3A_728 = arith.constant 96 : index
      %swap3A_729 = tpu.vector_load %arg24[%swap3A_727, %swap3A_728] {strides = array<i32>} : memref<64x128xf32, #tpu.memory_space<vmem>>, vector<1x16xf32>,
      %swap3A_730 = vector.shape_cast %swap3A_729 : vector<1x16xf32> to vector<16xf32>
      %swap3A_731 = vector.shape_cast %sub3A_726 : vector<16xf32> to vector<1x16xf32>
      tpu.vector_store %arg24[%swap3A_727, %swap3A_728], %swap3A_731 {strides = array<i32>} : memref<64x128xf32, #tpu.memory_space<vmem>>, vector<1x16xf32>,
      %get3A_732 = arith.index_cast %scan3A_600 : i32 to index
      %get3A_733 = arith.constant 112 : index
      %get3A_734 = tpu.vector_load %arg24[%get3A_732, %get3A_733] {strides = array<i32>} : memref<64x128xf32, #tpu.memory_space<vmem>>, vector<1x16xf32>,
      %get3A_735 = vector.shape_cast %get3A_734 : vector<1x16xf32> to vector<16xf32>
      %get3A_736 = arith.index_cast %scan3A_600 : i32 to index
      %get3A_737 = arith.constant 112 : index
      %get3A_738 = tpu.vector_load %arg25[%get3A_736, %get3A_737] {strides = array<i32>} : memref<64x128xf32, #tpu.memory_space<vmem>>, vector<1x16xf32>,
      %get3A_739 = vector.shape_cast %get3A_738 : vector<1x16xf32> to vector<16xf32>
      %add3A_740 = arith.addf %get3A_735, %get3A_739 : vector<16xf32>
      %get3A_741 = arith.index_cast %scan3A_600 : i32 to index
      %get3A_742 = arith.constant 112 : index
      %get3A_743 = tpu.vector_load %arg26[%get3A_741, %get3A_742] {strides = array<i32>} : memref<64x128xf32, #tpu.memory_space<vmem>>, vector<1x16xf32>,
      %get3A_744 = vector.shape_cast %get3A_743 : vector<1x16xf32> to vector<16xf32>
      %sub3A_745 = arith.subf %add3A_740, %get3A_744 : vector<16xf32>
      %swap3A_746 = arith.index_cast %scan3A_600 : i32 to index
      %swap3A_747 = arith.constant 112 : index
      %swap3A_748 = tpu.vector_load %arg24[%swap3A_746, %swap3A_747] {strides = array<i32>} : memref<64x128xf32, #tpu.memory_space<vmem>>, vector<1x16xf32>,
      %swap3A_749 = vector.shape_cast %swap3A_748 : vector<1x16xf32> to vector<16xf32>
      %swap3A_750 = vector.shape_cast %sub3A_745 : vector<16xf32> to vector<1x16xf32>
      tpu.vector_store %arg24[%swap3A_746, %swap3A_747], %swap3A_750 {strides = array<i32>} : memref<64x128xf32, #tpu.memory_space<vmem>>, vector<1x16xf32>,
      %scan3A_751 = arith.constant 0 : i32
      scf.yield %scan3A_751 : i32
    }
    %scan3A_522 = arith.constant 64 : i32
    %dma_start3A_523 = arith.constant 4 : i32
    %dma_start3A_524 = arith.constant 0 : i32
    %dma_start3A_525 = tpu.memref_slice %arg9[%dma_start3A_523, %add3A_452, %dma_start3A_524] : memref<5x8192x128xf32, #tpu.memory_space<hbm>> -> memref<1x64x128xf32, #tpu.memory_space<hbm>>
    %dma_start3A_526 = tpu.memref_squeeze %dma_start3A_525 : memref<1x64x128xf32, #tpu.memory_space<hbm>> -> memref<64x128xf32, #tpu.memory_space<hbm>>
    %dma_start3A_527 = arith.constant 0 : i32
    %dma_start3A_528 = tpu.memref_slice %arg9[%dma_start3A_523, %add3A_452, %dma_start3A_527] : memref<5x8192x128xf32, #tpu.memory_space<hbm>> -> memref<1x64x128xf32, #tpu.memory_space<hbm>>
    %dma_start3A_529 = tpu.memref_squeeze %dma_start3A_528 : memref<1x64x128xf32, #tpu.memory_space<hbm>> -> memref<64x128xf32, #tpu.memory_space<hbm>>
    tpu.enqueue_dma source(%arg24 : memref<64x128xf32, #tpu.memory_space<vmem>>) target(%dma_start3A_529 : memref<64x128xf32, #tpu.memory_space<hbm>>) target_semaphore(%arg38 : memref<!tpu.dma_semaphore, #tpu.memory_space<semaphore_mem>>)
    %dma_wait3A_530 = arith.constant 0 : i32
    %dma_wait3A_531 = arith.constant 0 : i32
    %dma_wait3A_532 = tpu.memref_slice %arg9[%dma_wait3A_530, %add3A_373, %dma_wait3A_531] : memref<5x8192x128xf32, #tpu.memory_space<hbm>> -> memref<1x64x128xf32, #tpu.memory_space<hbm>>
    %dma_wait3A_533 = tpu.memref_squeeze %dma_wait3A_532 : memref<1x64x128xf32, #tpu.memory_space<hbm>> -> memref<64x128xf32, #tpu.memory_space<hbm>>
    %dma_wait3A_534 = arith.constant 0 : i32
    %dma_wait3A_535 = tpu.memref_slice %arg9[%dma_wait3A_530, %add3A_373, %dma_wait3A_534] : memref<5x8192x128xf32, #tpu.memory_space<hbm>> -> memref<1x64x128xf32, #tpu.memory_space<hbm>>
    %dma_wait3A_536 = tpu.memref_squeeze %dma_wait3A_535 : memref<1x64x128xf32, #tpu.memory_space<hbm>> -> memref<64x128xf32, #tpu.memory_space<hbm>>
    tpu.wait_dma2 semaphore(%arg27 : memref<!tpu.dma_semaphore, #tpu.memory_space<semaphore_mem>>) src(%arg13 : memref<64x128xf32, #tpu.memory_space<vmem>>) dst(%dma_wait3A_536 : memref<64x128xf32, #tpu.memory_space<hbm>>)
    %dma_wait3A_537 = arith.constant 1 : i32
    %dma_wait3A_538 = arith.constant 0 : i32
    %dma_wait3A_539 = tpu.memref_slice %arg9[%dma_wait3A_537, %add3A_373, %dma_wait3A_538] : memref<5x8192x128xf32, #tpu.memory_space<hbm>> -> memref<1x64x128xf32, #tpu.memory_space<hbm>>
    %dma_wait3A_540 = tpu.memref_squeeze %dma_wait3A_539 : memref<1x64x128xf32, #tpu.memory_space<hbm>> -> memref<64x128xf32, #tpu.memory_space<hbm>>
    %dma_wait3A_541 = arith.constant 0 : i32
    %dma_wait3A_542 = tpu.memref_slice %arg9[%dma_wait3A_537, %add3A_373, %dma_wait3A_541] : memref<5x8192x128xf32, #tpu.memory_space<hbm>> -> memref<1x64x128xf32, #tpu.memory_space<hbm>>
    %dma_wait3A_543 = tpu.memref_squeeze %dma_wait3A_542 : memref<1x64x128xf32, #tpu.memory_space<hbm>> -> memref<64x128xf32, #tpu.memory_space<hbm>>
    tpu.wait_dma2 semaphore(%arg28 : memref<!tpu.dma_semaphore, #tpu.memory_space<semaphore_mem>>) src(%arg14 : memref<64x128xf32, #tpu.memory_space<vmem>>) dst(%dma_wait3A_543 : memref<64x128xf32, #tpu.memory_space<hbm>>)
    %dma_wait3A_544 = arith.constant 2 : i32
    %dma_wait3A_545 = arith.constant 0 : i32
    %dma_wait3A_546 = tpu.memref_slice %arg9[%dma_wait3A_544, %add3A_373, %dma_wait3A_545] : memref<5x8192x128xf32, #tpu.memory_space<hbm>> -> memref<1x64x128xf32, #tpu.memory_space<hbm>>
    %dma_wait3A_547 = tpu.memref_squeeze %dma_wait3A_546 : memref<1x64x128xf32, #tpu.memory_space<hbm>> -> memref<64x128xf32, #tpu.memory_space<hbm>>
    %dma_wait3A_548 = arith.constant 0 : i32
    %dma_wait3A_549 = tpu.memref_slice %arg9[%dma_wait3A_544, %add3A_373, %dma_wait3A_548] : memref<5x8192x128xf32, #tpu.memory_space<hbm>> -> memref<1x64x128xf32, #tpu.memory_space<hbm>>
    %dma_wait3A_550 = tpu.memref_squeeze %dma_wait3A_549 : memref<1x64x128xf32, #tpu.memory_space<hbm>> -> memref<64x128xf32, #tpu.memory_space<hbm>>
    tpu.wait_dma2 semaphore(%arg29 : memref<!tpu.dma_semaphore, #tpu.memory_space<semaphore_mem>>) src(%arg15 : memref<64x128xf32, #tpu.memory_space<vmem>>) dst(%dma_wait3A_550 : memref<64x128xf32, #tpu.memory_space<hbm>>)
    %dma_wait3A_551 = arith.constant 3 : i32
    %dma_wait3A_552 = arith.constant 0 : i32
    %dma_wait3A_553 = tpu.memref_slice %arg9[%dma_wait3A_551, %add3A_373, %dma_wait3A_552] : memref<5x8192x128xf32, #tpu.memory_space<hbm>> -> memref<1x64x128xf32, #tpu.memory_space<hbm>>
    %dma_wait3A_554 = tpu.memref_squeeze %dma_wait3A_553 : memref<1x64x128xf32, #tpu.memory_space<hbm>> -> memref<64x128xf32, #tpu.memory_space<hbm>>
    %dma_wait3A_555 = arith.constant 0 : i32
    %dma_wait3A_556 = tpu.memref_slice %arg9[%dma_wait3A_551, %add3A_373, %dma_wait3A_555] : memref<5x8192x128xf32, #tpu.memory_space<hbm>> -> memref<1x64x128xf32, #tpu.memory_space<hbm>>
    %dma_wait3A_557 = tpu.memref_squeeze %dma_wait3A_556 : memref<1x64x128xf32, #tpu.memory_space<hbm>> -> memref<64x128xf32, #tpu.memory_space<hbm>>
    tpu.wait_dma2 semaphore(%arg30 : memref<!tpu.dma_semaphore, #tpu.memory_space<semaphore_mem>>) src(%arg16 : memref<64x128xf32, #tpu.memory_space<vmem>>) dst(%dma_wait3A_557 : memref<64x128xf32, #tpu.memory_space<hbm>>)
    %dma_wait3A_558 = arith.constant 4 : i32
    %dma_wait3A_559 = arith.constant 0 : i32
    %dma_wait3A_560 = tpu.memref_slice %arg9[%dma_wait3A_558, %add3A_373, %dma_wait3A_559] : memref<5x8192x128xf32, #tpu.memory_space<hbm>> -> memref<1x64x128xf32, #tpu.memory_space<hbm>>
    %dma_wait3A_561 = tpu.memref_squeeze %dma_wait3A_560 : memref<1x64x128xf32, #tpu.memory_space<hbm>> -> memref<64x128xf32, #tpu.memory_space<hbm>>
    %dma_wait3A_562 = arith.constant 0 : i32
    %dma_wait3A_563 = tpu.memref_slice %arg9[%dma_wait3A_558, %add3A_373, %dma_wait3A_562] : memref<5x8192x128xf32, #tpu.memory_space<hbm>> -> memref<1x64x128xf32, #tpu.memory_space<hbm>>
    %dma_wait3A_564 = tpu.memref_squeeze %dma_wait3A_563 : memref<1x64x128xf32, #tpu.memory_space<hbm>> -> memref<64x128xf32, #tpu.memory_space<hbm>>
    tpu.wait_dma2 semaphore(%arg31 : memref<!tpu.dma_semaphore, #tpu.memory_space<semaphore_mem>>) src(%arg17 : memref<64x128xf32, #tpu.memory_space<vmem>>) dst(%dma_wait3A_564 : memref<64x128xf32, #tpu.memory_space<hbm>>)
    %dma_wait3A_565 = arith.constant 0 : i32
    %dma_wait3A_566 = arith.constant 0 : i32
    %dma_wait3A_567 = tpu.memref_slice %arg9[%dma_wait3A_565, %add3A_452, %dma_wait3A_566] : memref<5x8192x128xf32, #tpu.memory_space<hbm>> -> memref<1x64x128xf32, #tpu.memory_space<hbm>>
    %dma_wait3A_568 = tpu.memref_squeeze %dma_wait3A_567 : memref<1x64x128xf32, #tpu.memory_space<hbm>> -> memref<64x128xf32, #tpu.memory_space<hbm>>
    %dma_wait3A_569 = arith.constant 0 : i32
    %dma_wait3A_570 = tpu.memref_slice %arg9[%dma_wait3A_565, %add3A_452, %dma_wait3A_569] : memref<5x8192x128xf32, #tpu.memory_space<hbm>> -> memref<1x64x128xf32, #tpu.memory_space<hbm>>
    %dma_wait3A_571 = tpu.memref_squeeze %dma_wait3A_570 : memref<1x64x128xf32, #tpu.memory_space<hbm>> -> memref<64x128xf32, #tpu.memory_space<hbm>>
    tpu.wait_dma2 semaphore(%arg34 : memref<!tpu.dma_semaphore, #tpu.memory_space<semaphore_mem>>) src(%arg20 : memref<64x128xf32, #tpu.memory_space<vmem>>) dst(%dma_wait3A_571 : memref<64x128xf32, #tpu.memory_space<hbm>>)
    %dma_wait3A_572 = arith.constant 1 : i32
    %dma_wait3A_573 = arith.constant 0 : i32
    %dma_wait3A_574 = tpu.memref_slice %arg9[%dma_wait3A_572, %add3A_452, %dma_wait3A_573] : memref<5x8192x128xf32, #tpu.memory_space<hbm>> -> memref<1x64x128xf32, #tpu.memory_space<hbm>>
    %dma_wait3A_575 = tpu.memref_squeeze %dma_wait3A_574 : memref<1x64x128xf32, #tpu.memory_space<hbm>> -> memref<64x128xf32, #tpu.memory_space<hbm>>
    %dma_wait3A_576 = arith.constant 0 : i32
    %dma_wait3A_577 = tpu.memref_slice %arg9[%dma_wait3A_572, %add3A_452, %dma_wait3A_576] : memref<5x8192x128xf32, #tpu.memory_space<hbm>> -> memref<1x64x128xf32, #tpu.memory_space<hbm>>
    %dma_wait3A_578 = tpu.memref_squeeze %dma_wait3A_577 : memref<1x64x128xf32, #tpu.memory_space<hbm>> -> memref<64x128xf32, #tpu.memory_space<hbm>>
    tpu.wait_dma2 semaphore(%arg35 : memref<!tpu.dma_semaphore, #tpu.memory_space<semaphore_mem>>) src(%arg21 : memref<64x128xf32, #tpu.memory_space<vmem>>) dst(%dma_wait3A_578 : memref<64x128xf32, #tpu.memory_space<hbm>>)
    %dma_wait3A_579 = arith.constant 2 : i32
    %dma_wait3A_580 = arith.constant 0 : i32
    %dma_wait3A_581 = tpu.memref_slice %arg9[%dma_wait3A_579, %add3A_452, %dma_wait3A_580] : memref<5x8192x128xf32, #tpu.memory_space<hbm>> -> memref<1x64x128xf32, #tpu.memory_space<hbm>>
    %dma_wait3A_582 = tpu.memref_squeeze %dma_wait3A_581 : memref<1x64x128xf32, #tpu.memory_space<hbm>> -> memref<64x128xf32, #tpu.memory_space<hbm>>
    %dma_wait3A_583 = arith.constant 0 : i32
    %dma_wait3A_584 = tpu.memref_slice %arg9[%dma_wait3A_579, %add3A_452, %dma_wait3A_583] : memref<5x8192x128xf32, #tpu.memory_space<hbm>> -> memref<1x64x128xf32, #tpu.memory_space<hbm>>
    %dma_wait3A_585 = tpu.memref_squeeze %dma_wait3A_584 : memref<1x64x128xf32, #tpu.memory_space<hbm>> -> memref<64x128xf32, #tpu.memory_space<hbm>>
    tpu.wait_dma2 semaphore(%arg36 : memref<!tpu.dma_semaphore, #tpu.memory_space<semaphore_mem>>) src(%arg22 : memref<64x128xf32, #tpu.memory_space<vmem>>) dst(%dma_wait3A_585 : memref<64x128xf32, #tpu.memory_space<hbm>>)
    %dma_wait3A_586 = arith.constant 3 : i32
    %dma_wait3A_587 = arith.constant 0 : i32
    %dma_wait3A_588 = tpu.memref_slice %arg9[%dma_wait3A_586, %add3A_452, %dma_wait3A_587] : memref<5x8192x128xf32, #tpu.memory_space<hbm>> -> memref<1x64x128xf32, #tpu.memory_space<hbm>>
    %dma_wait3A_589 = tpu.memref_squeeze %dma_wait3A_588 : memref<1x64x128xf32, #tpu.memory_space<hbm>> -> memref<64x128xf32, #tpu.memory_space<hbm>>
    %dma_wait3A_590 = arith.constant 0 : i32
    %dma_wait3A_591 = tpu.memref_slice %arg9[%dma_wait3A_586, %add3A_452, %dma_wait3A_590] : memref<5x8192x128xf32, #tpu.memory_space<hbm>> -> memref<1x64x128xf32, #tpu.memory_space<hbm>>
    %dma_wait3A_592 = tpu.memref_squeeze %dma_wait3A_591 : memref<1x64x128xf32, #tpu.memory_space<hbm>> -> memref<64x128xf32, #tpu.memory_space<hbm>>
    tpu.wait_dma2 semaphore(%arg37 : memref<!tpu.dma_semaphore, #tpu.memory_space<semaphore_mem>>) src(%arg23 : memref<64x128xf32, #tpu.memory_space<vmem>>) dst(%dma_wait3A_592 : memref<64x128xf32, #tpu.memory_space<hbm>>)
    %dma_wait3A_593 = arith.constant 4 : i32
    %dma_wait3A_594 = arith.constant 0 : i32
    %dma_wait3A_595 = tpu.memref_slice %arg9[%dma_wait3A_593, %add3A_452, %dma_wait3A_594] : memref<5x8192x128xf32, #tpu.memory_space<hbm>> -> memref<1x64x128xf32, #tpu.memory_space<hbm>>
    %dma_wait3A_596 = tpu.memref_squeeze %dma_wait3A_595 : memref<1x64x128xf32, #tpu.memory_space<hbm>> -> memref<64x128xf32, #tpu.memory_space<hbm>>
    %dma_wait3A_597 = arith.constant 0 : i32
    %dma_wait3A_598 = tpu.memref_slice %arg9[%dma_wait3A_593, %add3A_452, %dma_wait3A_597] : memref<5x8192x128xf32, #tpu.memory_space<hbm>> -> memref<1x64x128xf32, #tpu.memory_space<hbm>>
    %dma_wait3A_599 = tpu.memref_squeeze %dma_wait3A_598 : memref<1x64x128xf32, #tpu.memory_space<hbm>> -> memref<64x128xf32, #tpu.memory_space<hbm>>
    tpu.wait_dma2 semaphore(%arg38 : memref<!tpu.dma_semaphore, #tpu.memory_space<semaphore_mem>>) src(%arg24 : memref<64x128xf32, #tpu.memory_space<vmem>>) dst(%dma_wait3A_599 : memref<64x128xf32, #tpu.memory_space<hbm>>)
    return
  }
}

#map = affine_map<(d0, d1) -> (0)>
#map1 = affine_map<(d0, d1) -> (0, 0)>
#map2 = affine_map<(d0, d1) -> (0, 0, 0)>
module attributes {stable_mosaic.version = 14 : i64} {
  func.func @gather(%arg0: i32, %arg1: i32, %arg2: memref<16384xi32, #tpu.memory_space<hbm>>, %arg3: memref<16384xi32, #tpu.memory_space<hbm>>, %arg4: memref<16384xi32, #tpu.memory_space<hbm>>, %arg5: memref<100000x128xf32, #tpu.memory_space<hbm>>, %arg6: memref<100000x128xf32, #tpu.memory_space<hbm>>, %arg7: memref<100000x128xf32, #tpu.memory_space<hbm>>, %arg8: memref<1000x128xf32, #tpu.memory_space<hbm>>, %arg9: memref<5x8192x128xf32, #tpu.memory_space<hbm>>, %arg10: memref<256xi32, #tpu.memory_space<vmem>>, %arg11: memref<256xi32, #tpu.memory_space<vmem>>, %arg12: memref<256xi32, #tpu.memory_space<vmem>>, %arg13: memref<64x128xf32, #tpu.memory_space<vmem>>, %arg14: memref<64x128xf32, #tpu.memory_space<vmem>>, %arg15: memref<64x128xf32, #tpu.memory_space<vmem>>, %arg16: memref<64x128xf32, #tpu.memory_space<vmem>>, %arg17: memref<64x128xf32, #tpu.memory_space<vmem>>, %arg18: memref<64x128xf32, #tpu.memory_space<vmem>>, %arg19: memref<64x128xf32, #tpu.memory_space<vmem>>, %arg20: memref<64x128xf32, #tpu.memory_space<vmem>>, %arg21: memref<64x128xf32, #tpu.memory_space<vmem>>, %arg22: memref<64x128xf32, #tpu.memory_space<vmem>>, %arg23: memref<64x128xf32, #tpu.memory_space<vmem>>, %arg24: memref<64x128xf32, #tpu.memory_space<vmem>>, %arg25: memref<64x128xf32, #tpu.memory_space<vmem>>, %arg26: memref<64x128xf32, #tpu.memory_space<vmem>>, %arg27: memref<!tpu.dma_semaphore, #tpu.memory_space<semaphore_mem>>, %arg28: memref<!tpu.dma_semaphore, #tpu.memory_space<semaphore_mem>>, %arg29: memref<!tpu.dma_semaphore, #tpu.memory_space<semaphore_mem>>, %arg30: memref<!tpu.dma_semaphore, #tpu.memory_space<semaphore_mem>>, %arg31: memref<!tpu.dma_semaphore, #tpu.memory_space<semaphore_mem>>, %arg32: memref<!tpu.dma_semaphore, #tpu.memory_space<semaphore_mem>>, %arg33: memref<!tpu.dma_semaphore, #tpu.memory_space<semaphore_mem>>, %arg34: memref<!tpu.dma_semaphore, #tpu.memory_space<semaphore_mem>>, %arg35: memref<!tpu.dma_semaphore, #tpu.memory_space<semaphore_mem>>, %arg36: memref<!tpu.dma_semaphore, #tpu.memory_space<semaphore_mem>>, %arg37: memref<!tpu.dma_semaphore, #tpu.memory_space<semaphore_mem>>, %arg38: memref<!tpu.dma_semaphore, #tpu.memory_space<semaphore_mem>>, %arg39: memref<!tpu.dma_semaphore, #tpu.memory_space<semaphore_mem>>, %arg40: memref<!tpu.dma_semaphore, #tpu.memory_space<semaphore_mem>>) attributes {dimension_semantics = [#tpu.dimension_semantics<core_parallel>, #tpu.dimension_semantics<subcore_parallel>], iteration_bounds = array<i64: 2, 16>, scalar_prefetch = 0 : i64, scratch_operands = 31 : i64, tpu.core_type = #tpu.core_type<sc_vector_subcore>, window_params = [{transform_indices = #map}, {transform_indices = #map}, {transform_indices = #map}, {transform_indices = #map1}, {transform_indices = #map1}, {transform_indices = #map1}, {transform_indices = #map1}, {transform_indices = #map2}]} {
    %mul3A = arith.constant 2 : i32
    %mul3A_0 = arith.muli %arg1, %mul3A : i32
    %add3A = arith.addi %mul3A_0, %arg0 : i32
    %mul3A_1 = arith.constant 256 : i32
    %mul3A_2 = arith.muli %add3A, %mul3A_1 : i32
    %mul3A_3 = arith.constant 256 : i32
    %mul3A_4 = arith.muli %add3A, %mul3A_3 : i32
    %add3A_5 = arith.constant 8192 : i32
    %add3A_6 = arith.addi %add3A_5, %mul3A_4 : i32
    "tpu.region"() ({
      %run_scoped3A = tpu.sem_alloc : memref<!tpu.dma_semaphore, #tpu.memory_space<semaphore_mem>>
      %dma_start3A_600 = tpu.memref_slice %arg2[%add3A_6] : memref<16384xi32, #tpu.memory_space<hbm>> -> memref<256xi32, #tpu.memory_space<hbm>>
      %dma_start3A_601 = tpu.memref_slice %arg2[%add3A_6] : memref<16384xi32, #tpu.memory_space<hbm>> -> memref<256xi32, #tpu.memory_space<hbm>>
      tpu.enqueue_dma source(%dma_start3A_601 : memref<256xi32, #tpu.memory_space<hbm>>) target(%arg10 : memref<256xi32, #tpu.memory_space<vmem>>) target_semaphore(%run_scoped3A : memref<!tpu.dma_semaphore, #tpu.memory_space<semaphore_mem>>)
      %dma_wait3A_602 = tpu.memref_slice %arg2[%add3A_6] : memref<16384xi32, #tpu.memory_space<hbm>> -> memref<256xi32, #tpu.memory_space<hbm>>
      %dma_wait3A_603 = tpu.memref_slice %arg2[%add3A_6] : memref<16384xi32, #tpu.memory_space<hbm>> -> memref<256xi32, #tpu.memory_space<hbm>>
      tpu.wait_dma2 semaphore(%run_scoped3A : memref<!tpu.dma_semaphore, #tpu.memory_space<semaphore_mem>>) src(%dma_wait3A_603 : memref<256xi32, #tpu.memory_space<hbm>>) dst(%arg10 : memref<256xi32, #tpu.memory_space<vmem>>)
      tpu.yield
    }) : () -> ()
    "tpu.region"() ({
      %run_scoped3A = tpu.sem_alloc : memref<!tpu.dma_semaphore, #tpu.memory_space<semaphore_mem>>
      %dma_start3A_600 = tpu.memref_slice %arg3[%add3A_6] : memref<16384xi32, #tpu.memory_space<hbm>> -> memref<256xi32, #tpu.memory_space<hbm>>
      %dma_start3A_601 = tpu.memref_slice %arg3[%add3A_6] : memref<16384xi32, #tpu.memory_space<hbm>> -> memref<256xi32, #tpu.memory_space<hbm>>
      tpu.enqueue_dma source(%dma_start3A_601 : memref<256xi32, #tpu.memory_space<hbm>>) target(%arg11 : memref<256xi32, #tpu.memory_space<vmem>>) target_semaphore(%run_scoped3A : memref<!tpu.dma_semaphore, #tpu.memory_space<semaphore_mem>>)
      %dma_wait3A_602 = tpu.memref_slice %arg3[%add3A_6] : memref<16384xi32, #tpu.memory_space<hbm>> -> memref<256xi32, #tpu.memory_space<hbm>>
      %dma_wait3A_603 = tpu.memref_slice %arg3[%add3A_6] : memref<16384xi32, #tpu.memory_space<hbm>> -> memref<256xi32, #tpu.memory_space<hbm>>
      tpu.wait_dma2 semaphore(%run_scoped3A : memref<!tpu.dma_semaphore, #tpu.memory_space<semaphore_mem>>) src(%dma_wait3A_603 : memref<256xi32, #tpu.memory_space<hbm>>) dst(%arg11 : memref<256xi32, #tpu.memory_space<vmem>>)
      tpu.yield
    }) : () -> ()
    "tpu.region"() ({
      %run_scoped3A = tpu.sem_alloc : memref<!tpu.dma_semaphore, #tpu.memory_space<semaphore_mem>>
      %dma_start3A_600 = tpu.memref_slice %arg4[%add3A_6] : memref<16384xi32, #tpu.memory_space<hbm>> -> memref<256xi32, #tpu.memory_space<hbm>>
      %dma_start3A_601 = tpu.memref_slice %arg4[%add3A_6] : memref<16384xi32, #tpu.memory_space<hbm>> -> memref<256xi32, #tpu.memory_space<hbm>>
      tpu.enqueue_dma source(%dma_start3A_601 : memref<256xi32, #tpu.memory_space<hbm>>) target(%arg12 : memref<256xi32, #tpu.memory_space<vmem>>) target_semaphore(%run_scoped3A : memref<!tpu.dma_semaphore, #tpu.memory_space<semaphore_mem>>)
      %dma_wait3A_602 = tpu.memref_slice %arg4[%add3A_6] : memref<16384xi32, #tpu.memory_space<hbm>> -> memref<256xi32, #tpu.memory_space<hbm>>
      %dma_wait3A_603 = tpu.memref_slice %arg4[%add3A_6] : memref<16384xi32, #tpu.memory_space<hbm>> -> memref<256xi32, #tpu.memory_space<hbm>>
      tpu.wait_dma2 semaphore(%run_scoped3A : memref<!tpu.dma_semaphore, #tpu.memory_space<semaphore_mem>>) src(%dma_wait3A_603 : memref<256xi32, #tpu.memory_space<hbm>>) dst(%arg12 : memref<256xi32, #tpu.memory_space<vmem>>)
      tpu.yield
    }) : () -> ()
    %dma_start3A = arith.constant 0 : i32
    %dma_start3A_7 = tpu.memref_slice %arg10[%dma_start3A] : memref<256xi32, #tpu.memory_space<vmem>> -> memref<64xi32, #tpu.memory_space<vmem>>
    %dma_start3A_8 = arith.constant 0 : i32
    %dma_start3A_9 = arith.constant 0 : i32
    %dma_start3A_10 = tpu.memref_slice %arg5[%dma_start3A_8, %dma_start3A_9] : memref<100000x128xf32, #tpu.memory_space<hbm>> -> memref<100000x128xf32, #tpu.memory_space<hbm>>
    tpu.enqueue_indirect_dma source(%dma_start3A_10 : memref<100000x128xf32, #tpu.memory_space<hbm>>) target(%arg13 : memref<64x128xf32, #tpu.memory_space<vmem>>) offsets(%dma_start3A_7 : memref<64xi32, #tpu.memory_space<vmem>>) semaphore(%arg27 : memref<!tpu.dma_semaphore, #tpu.memory_space<semaphore_mem>>)
    %dma_start3A_11 = arith.constant 0 : i32
    %dma_start3A_12 = tpu.memref_slice %arg11[%dma_start3A_11] : memref<256xi32, #tpu.memory_space<vmem>> -> memref<64xi32, #tpu.memory_space<vmem>>
    %dma_start3A_13 = arith.constant 0 : i32
    %dma_start3A_14 = arith.constant 0 : i32
    %dma_start3A_15 = tpu.memref_slice %arg5[%dma_start3A_13, %dma_start3A_14] : memref<100000x128xf32, #tpu.memory_space<hbm>> -> memref<100000x128xf32, #tpu.memory_space<hbm>>
    tpu.enqueue_indirect_dma source(%dma_start3A_15 : memref<100000x128xf32, #tpu.memory_space<hbm>>) target(%arg14 : memref<64x128xf32, #tpu.memory_space<vmem>>) offsets(%dma_start3A_12 : memref<64xi32, #tpu.memory_space<vmem>>) semaphore(%arg28 : memref<!tpu.dma_semaphore, #tpu.memory_space<semaphore_mem>>)
    %dma_start3A_16 = arith.constant 0 : i32
    %dma_start3A_17 = tpu.memref_slice %arg10[%dma_start3A_16] : memref<256xi32, #tpu.memory_space<vmem>> -> memref<64xi32, #tpu.memory_space<vmem>>
    %dma_start3A_18 = arith.constant 0 : i32
    %dma_start3A_19 = arith.constant 0 : i32
    %dma_start3A_20 = tpu.memref_slice %arg6[%dma_start3A_18, %dma_start3A_19] : memref<100000x128xf32, #tpu.memory_space<hbm>> -> memref<100000x128xf32, #tpu.memory_space<hbm>>
    tpu.enqueue_indirect_dma source(%dma_start3A_20 : memref<100000x128xf32, #tpu.memory_space<hbm>>) target(%arg15 : memref<64x128xf32, #tpu.memory_space<vmem>>) offsets(%dma_start3A_17 : memref<64xi32, #tpu.memory_space<vmem>>) semaphore(%arg29 : memref<!tpu.dma_semaphore, #tpu.memory_space<semaphore_mem>>)
    %dma_start3A_21 = arith.constant 0 : i32
    %dma_start3A_22 = tpu.memref_slice %arg11[%dma_start3A_21] : memref<256xi32, #tpu.memory_space<vmem>> -> memref<64xi32, #tpu.memory_space<vmem>>
    %dma_start3A_23 = arith.constant 0 : i32
    %dma_start3A_24 = arith.constant 0 : i32
    %dma_start3A_25 = tpu.memref_slice %arg6[%dma_start3A_23, %dma_start3A_24] : memref<100000x128xf32, #tpu.memory_space<hbm>> -> memref<100000x128xf32, #tpu.memory_space<hbm>>
    tpu.enqueue_indirect_dma source(%dma_start3A_25 : memref<100000x128xf32, #tpu.memory_space<hbm>>) target(%arg16 : memref<64x128xf32, #tpu.memory_space<vmem>>) offsets(%dma_start3A_22 : memref<64xi32, #tpu.memory_space<vmem>>) semaphore(%arg30 : memref<!tpu.dma_semaphore, #tpu.memory_space<semaphore_mem>>)
    %dma_start3A_26 = arith.constant 0 : i32
    %dma_start3A_27 = tpu.memref_slice %arg10[%dma_start3A_26] : memref<256xi32, #tpu.memory_space<vmem>> -> memref<64xi32, #tpu.memory_space<vmem>>
    %dma_start3A_28 = arith.constant 0 : i32
    %dma_start3A_29 = arith.constant 0 : i32
    %dma_start3A_30 = tpu.memref_slice %arg7[%dma_start3A_28, %dma_start3A_29] : memref<100000x128xf32, #tpu.memory_space<hbm>> -> memref<100000x128xf32, #tpu.memory_space<hbm>>
    tpu.enqueue_indirect_dma source(%dma_start3A_30 : memref<100000x128xf32, #tpu.memory_space<hbm>>) target(%arg17 : memref<64x128xf32, #tpu.memory_space<vmem>>) offsets(%dma_start3A_27 : memref<64xi32, #tpu.memory_space<vmem>>) semaphore(%arg31 : memref<!tpu.dma_semaphore, #tpu.memory_space<semaphore_mem>>)
    %dma_start3A_31 = arith.constant 0 : i32
    %dma_start3A_32 = tpu.memref_slice %arg12[%dma_start3A_31] : memref<256xi32, #tpu.memory_space<vmem>> -> memref<64xi32, #tpu.memory_space<vmem>>
    %dma_start3A_33 = arith.constant 0 : i32
    %dma_start3A_34 = arith.constant 0 : i32
    %dma_start3A_35 = tpu.memref_slice %arg8[%dma_start3A_33, %dma_start3A_34] : memref<1000x128xf32, #tpu.memory_space<hbm>> -> memref<1000x128xf32, #tpu.memory_space<hbm>>
    tpu.enqueue_indirect_dma source(%dma_start3A_35 : memref<1000x128xf32, #tpu.memory_space<hbm>>) target(%arg18 : memref<64x128xf32, #tpu.memory_space<vmem>>) offsets(%dma_start3A_32 : memref<64xi32, #tpu.memory_space<vmem>>) semaphore(%arg32 : memref<!tpu.dma_semaphore, #tpu.memory_space<semaphore_mem>>)
    %dma_start3A_36 = arith.constant 0 : i32
    %dma_start3A_37 = tpu.memref_slice %arg11[%dma_start3A_36] : memref<256xi32, #tpu.memory_space<vmem>> -> memref<64xi32, #tpu.memory_space<vmem>>
    %dma_start3A_38 = arith.constant 0 : i32
    %dma_start3A_39 = arith.constant 0 : i32
    %dma_start3A_40 = tpu.memref_slice %arg7[%dma_start3A_38, %dma_start3A_39] : memref<100000x128xf32, #tpu.memory_space<hbm>> -> memref<100000x128xf32, #tpu.memory_space<hbm>>
    tpu.enqueue_indirect_dma source(%dma_start3A_40 : memref<100000x128xf32, #tpu.memory_space<hbm>>) target(%arg19 : memref<64x128xf32, #tpu.memory_space<vmem>>) offsets(%dma_start3A_37 : memref<64xi32, #tpu.memory_space<vmem>>) semaphore(%arg33 : memref<!tpu.dma_semaphore, #tpu.memory_space<semaphore_mem>>)
    %dma_start3A_41 = arith.constant 64 : i32
    %dma_start3A_42 = tpu.memref_slice %arg10[%dma_start3A_41] : memref<256xi32, #tpu.memory_space<vmem>> -> memref<64xi32, #tpu.memory_space<vmem>>
    %dma_start3A_43 = arith.constant 0 : i32
    %dma_start3A_44 = arith.constant 0 : i32
    %dma_start3A_45 = tpu.memref_slice %arg5[%dma_start3A_43, %dma_start3A_44] : memref<100000x128xf32, #tpu.memory_space<hbm>> -> memref<100000x128xf32, #tpu.memory_space<hbm>>
    tpu.enqueue_indirect_dma source(%dma_start3A_45 : memref<100000x128xf32, #tpu.memory_space<hbm>>) target(%arg20 : memref<64x128xf32, #tpu.memory_space<vmem>>) offsets(%dma_start3A_42 : memref<64xi32, #tpu.memory_space<vmem>>) semaphore(%arg34 : memref<!tpu.dma_semaphore, #tpu.memory_space<semaphore_mem>>)
    %dma_start3A_46 = arith.constant 64 : i32
    %dma_start3A_47 = tpu.memref_slice %arg11[%dma_start3A_46] : memref<256xi32, #tpu.memory_space<vmem>> -> memref<64xi32, #tpu.memory_space<vmem>>
    %dma_start3A_48 = arith.constant 0 : i32
    %dma_start3A_49 = arith.constant 0 : i32
    %dma_start3A_50 = tpu.memref_slice %arg5[%dma_start3A_48, %dma_start3A_49] : memref<100000x128xf32, #tpu.memory_space<hbm>> -> memref<100000x128xf32, #tpu.memory_space<hbm>>
    tpu.enqueue_indirect_dma source(%dma_start3A_50 : memref<100000x128xf32, #tpu.memory_space<hbm>>) target(%arg21 : memref<64x128xf32, #tpu.memory_space<vmem>>) offsets(%dma_start3A_47 : memref<64xi32, #tpu.memory_space<vmem>>) semaphore(%arg35 : memref<!tpu.dma_semaphore, #tpu.memory_space<semaphore_mem>>)
    %dma_start3A_51 = arith.constant 64 : i32
    %dma_start3A_52 = tpu.memref_slice %arg10[%dma_start3A_51] : memref<256xi32, #tpu.memory_space<vmem>> -> memref<64xi32, #tpu.memory_space<vmem>>
    %dma_start3A_53 = arith.constant 0 : i32
    %dma_start3A_54 = arith.constant 0 : i32
    %dma_start3A_55 = tpu.memref_slice %arg6[%dma_start3A_53, %dma_start3A_54] : memref<100000x128xf32, #tpu.memory_space<hbm>> -> memref<100000x128xf32, #tpu.memory_space<hbm>>
    tpu.enqueue_indirect_dma source(%dma_start3A_55 : memref<100000x128xf32, #tpu.memory_space<hbm>>) target(%arg22 : memref<64x128xf32, #tpu.memory_space<vmem>>) offsets(%dma_start3A_52 : memref<64xi32, #tpu.memory_space<vmem>>) semaphore(%arg36 : memref<!tpu.dma_semaphore, #tpu.memory_space<semaphore_mem>>)
    %dma_start3A_56 = arith.constant 64 : i32
    %dma_start3A_57 = tpu.memref_slice %arg11[%dma_start3A_56] : memref<256xi32, #tpu.memory_space<vmem>> -> memref<64xi32, #tpu.memory_space<vmem>>
    %dma_start3A_58 = arith.constant 0 : i32
    %dma_start3A_59 = arith.constant 0 : i32
    %dma_start3A_60 = tpu.memref_slice %arg6[%dma_start3A_58, %dma_start3A_59] : memref<100000x128xf32, #tpu.memory_space<hbm>> -> memref<100000x128xf32, #tpu.memory_space<hbm>>
    tpu.enqueue_indirect_dma source(%dma_start3A_60 : memref<100000x128xf32, #tpu.memory_space<hbm>>) target(%arg23 : memref<64x128xf32, #tpu.memory_space<vmem>>) offsets(%dma_start3A_57 : memref<64xi32, #tpu.memory_space<vmem>>) semaphore(%arg37 : memref<!tpu.dma_semaphore, #tpu.memory_space<semaphore_mem>>)
    %dma_start3A_61 = arith.constant 64 : i32
    %dma_start3A_62 = tpu.memref_slice %arg10[%dma_start3A_61] : memref<256xi32, #tpu.memory_space<vmem>> -> memref<64xi32, #tpu.memory_space<vmem>>
    %dma_start3A_63 = arith.constant 0 : i32
    %dma_start3A_64 = arith.constant 0 : i32
    %dma_start3A_65 = tpu.memref_slice %arg7[%dma_start3A_63, %dma_start3A_64] : memref<100000x128xf32, #tpu.memory_space<hbm>> -> memref<100000x128xf32, #tpu.memory_space<hbm>>
    tpu.enqueue_indirect_dma source(%dma_start3A_65 : memref<100000x128xf32, #tpu.memory_space<hbm>>) target(%arg24 : memref<64x128xf32, #tpu.memory_space<vmem>>) offsets(%dma_start3A_62 : memref<64xi32, #tpu.memory_space<vmem>>) semaphore(%arg38 : memref<!tpu.dma_semaphore, #tpu.memory_space<semaphore_mem>>)
    %dma_start3A_66 = arith.constant 64 : i32
    %dma_start3A_67 = tpu.memref_slice %arg12[%dma_start3A_66] : memref<256xi32, #tpu.memory_space<vmem>> -> memref<64xi32, #tpu.memory_space<vmem>>
    %dma_start3A_68 = arith.constant 0 : i32
    %dma_start3A_69 = arith.constant 0 : i32
    %dma_start3A_70 = tpu.memref_slice %arg8[%dma_start3A_68, %dma_start3A_69] : memref<1000x128xf32, #tpu.memory_space<hbm>> -> memref<1000x128xf32, #tpu.memory_space<hbm>>
    tpu.enqueue_indirect_dma source(%dma_start3A_70 : memref<1000x128xf32, #tpu.memory_space<hbm>>) target(%arg25 : memref<64x128xf32, #tpu.memory_space<vmem>>) offsets(%dma_start3A_67 : memref<64xi32, #tpu.memory_space<vmem>>) semaphore(%arg39 : memref<!tpu.dma_semaphore, #tpu.memory_space<semaphore_mem>>)
    %dma_start3A_71 = arith.constant 64 : i32
    %dma_start3A_72 = tpu.memref_slice %arg11[%dma_start3A_71] : memref<256xi32, #tpu.memory_space<vmem>> -> memref<64xi32, #tpu.memory_space<vmem>>
    %dma_start3A_73 = arith.constant 0 : i32
    %dma_start3A_74 = arith.constant 0 : i32
    %dma_start3A_75 = tpu.memref_slice %arg7[%dma_start3A_73, %dma_start3A_74] : memref<100000x128xf32, #tpu.memory_space<hbm>> -> memref<100000x128xf32, #tpu.memory_space<hbm>>
    tpu.enqueue_indirect_dma source(%dma_start3A_75 : memref<100000x128xf32, #tpu.memory_space<hbm>>) target(%arg26 : memref<64x128xf32, #tpu.memory_space<vmem>>) offsets(%dma_start3A_72 : memref<64xi32, #tpu.memory_space<vmem>>) semaphore(%arg40 : memref<!tpu.dma_semaphore, #tpu.memory_space<semaphore_mem>>)
    %add3A_76 = arith.constant 0 : i32
    %add3A_77 = arith.addi %mul3A_2, %add3A_76 : i32
    %dma_wait3A = arith.constant 0 : i32
    %dma_wait3A_78 = tpu.memref_slice %arg10[%dma_wait3A] : memref<256xi32, #tpu.memory_space<vmem>> -> memref<64xi32, #tpu.memory_space<vmem>>
    %dma_wait3A_79 = arith.constant 0 : i32
    %dma_wait3A_80 = arith.constant 0 : i32
    %dma_wait3A_81 = tpu.memref_slice %arg5[%dma_wait3A_79, %dma_wait3A_80] : memref<100000x128xf32, #tpu.memory_space<hbm>> -> memref<100000x128xf32, #tpu.memory_space<hbm>>
    tpu.wait_indirect_dma semaphore(%arg27 : memref<!tpu.dma_semaphore, #tpu.memory_space<semaphore_mem>>) src(%dma_wait3A_81 : memref<100000x128xf32, #tpu.memory_space<hbm>>) dst(%arg13 : memref<64x128xf32, #tpu.memory_space<vmem>>)
    %dma_start3A_82 = arith.constant 0 : i32
    %dma_start3A_83 = arith.constant 0 : i32
    %dma_start3A_84 = tpu.memref_slice %arg9[%dma_start3A_82, %add3A_77, %dma_start3A_83] : memref<5x8192x128xf32, #tpu.memory_space<hbm>> -> memref<1x64x128xf32, #tpu.memory_space<hbm>>
    %dma_start3A_85 = tpu.memref_squeeze %dma_start3A_84 : memref<1x64x128xf32, #tpu.memory_space<hbm>> -> memref<64x128xf32, #tpu.memory_space<hbm>>
    %dma_start3A_86 = arith.constant 0 : i32
    %dma_start3A_87 = tpu.memref_slice %arg9[%dma_start3A_82, %add3A_77, %dma_start3A_86] : memref<5x8192x128xf32, #tpu.memory_space<hbm>> -> memref<1x64x128xf32, #tpu.memory_space<hbm>>
    %dma_start3A_88 = tpu.memref_squeeze %dma_start3A_87 : memref<1x64x128xf32, #tpu.memory_space<hbm>> -> memref<64x128xf32, #tpu.memory_space<hbm>>
    tpu.enqueue_dma source(%arg13 : memref<64x128xf32, #tpu.memory_space<vmem>>) target(%dma_start3A_88 : memref<64x128xf32, #tpu.memory_space<hbm>>) target_semaphore(%arg27 : memref<!tpu.dma_semaphore, #tpu.memory_space<semaphore_mem>>)
    %dma_wait3A_89 = arith.constant 0 : i32
    %dma_wait3A_90 = tpu.memref_slice %arg11[%dma_wait3A_89] : memref<256xi32, #tpu.memory_space<vmem>> -> memref<64xi32, #tpu.memory_space<vmem>>
    %dma_wait3A_91 = arith.constant 0 : i32
    %dma_wait3A_92 = arith.constant 0 : i32
    %dma_wait3A_93 = tpu.memref_slice %arg5[%dma_wait3A_91, %dma_wait3A_92] : memref<100000x128xf32, #tpu.memory_space<hbm>> -> memref<100000x128xf32, #tpu.memory_space<hbm>>
    tpu.wait_indirect_dma semaphore(%arg28 : memref<!tpu.dma_semaphore, #tpu.memory_space<semaphore_mem>>) src(%dma_wait3A_93 : memref<100000x128xf32, #tpu.memory_space<hbm>>) dst(%arg14 : memref<64x128xf32, #tpu.memory_space<vmem>>)
    %dma_start3A_94 = arith.constant 1 : i32
    %dma_start3A_95 = arith.constant 0 : i32
    %dma_start3A_96 = tpu.memref_slice %arg9[%dma_start3A_94, %add3A_77, %dma_start3A_95] : memref<5x8192x128xf32, #tpu.memory_space<hbm>> -> memref<1x64x128xf32, #tpu.memory_space<hbm>>
    %dma_start3A_97 = tpu.memref_squeeze %dma_start3A_96 : memref<1x64x128xf32, #tpu.memory_space<hbm>> -> memref<64x128xf32, #tpu.memory_space<hbm>>
    %dma_start3A_98 = arith.constant 0 : i32
    %dma_start3A_99 = tpu.memref_slice %arg9[%dma_start3A_94, %add3A_77, %dma_start3A_98] : memref<5x8192x128xf32, #tpu.memory_space<hbm>> -> memref<1x64x128xf32, #tpu.memory_space<hbm>>
    %dma_start3A_100 = tpu.memref_squeeze %dma_start3A_99 : memref<1x64x128xf32, #tpu.memory_space<hbm>> -> memref<64x128xf32, #tpu.memory_space<hbm>>
    tpu.enqueue_dma source(%arg14 : memref<64x128xf32, #tpu.memory_space<vmem>>) target(%dma_start3A_100 : memref<64x128xf32, #tpu.memory_space<hbm>>) target_semaphore(%arg28 : memref<!tpu.dma_semaphore, #tpu.memory_space<semaphore_mem>>)
    %dma_wait3A_101 = arith.constant 0 : i32
    %dma_wait3A_102 = tpu.memref_slice %arg10[%dma_wait3A_101] : memref<256xi32, #tpu.memory_space<vmem>> -> memref<64xi32, #tpu.memory_space<vmem>>
    %dma_wait3A_103 = arith.constant 0 : i32
    %dma_wait3A_104 = arith.constant 0 : i32
    %dma_wait3A_105 = tpu.memref_slice %arg6[%dma_wait3A_103, %dma_wait3A_104] : memref<100000x128xf32, #tpu.memory_space<hbm>> -> memref<100000x128xf32, #tpu.memory_space<hbm>>
    tpu.wait_indirect_dma semaphore(%arg29 : memref<!tpu.dma_semaphore, #tpu.memory_space<semaphore_mem>>) src(%dma_wait3A_105 : memref<100000x128xf32, #tpu.memory_space<hbm>>) dst(%arg15 : memref<64x128xf32, #tpu.memory_space<vmem>>)
    %dma_start3A_106 = arith.constant 2 : i32
    %dma_start3A_107 = arith.constant 0 : i32
    %dma_start3A_108 = tpu.memref_slice %arg9[%dma_start3A_106, %add3A_77, %dma_start3A_107] : memref<5x8192x128xf32, #tpu.memory_space<hbm>> -> memref<1x64x128xf32, #tpu.memory_space<hbm>>
    %dma_start3A_109 = tpu.memref_squeeze %dma_start3A_108 : memref<1x64x128xf32, #tpu.memory_space<hbm>> -> memref<64x128xf32, #tpu.memory_space<hbm>>
    %dma_start3A_110 = arith.constant 0 : i32
    %dma_start3A_111 = tpu.memref_slice %arg9[%dma_start3A_106, %add3A_77, %dma_start3A_110] : memref<5x8192x128xf32, #tpu.memory_space<hbm>> -> memref<1x64x128xf32, #tpu.memory_space<hbm>>
    %dma_start3A_112 = tpu.memref_squeeze %dma_start3A_111 : memref<1x64x128xf32, #tpu.memory_space<hbm>> -> memref<64x128xf32, #tpu.memory_space<hbm>>
    tpu.enqueue_dma source(%arg15 : memref<64x128xf32, #tpu.memory_space<vmem>>) target(%dma_start3A_112 : memref<64x128xf32, #tpu.memory_space<hbm>>) target_semaphore(%arg29 : memref<!tpu.dma_semaphore, #tpu.memory_space<semaphore_mem>>)
    %dma_wait3A_113 = arith.constant 0 : i32
    %dma_wait3A_114 = tpu.memref_slice %arg11[%dma_wait3A_113] : memref<256xi32, #tpu.memory_space<vmem>> -> memref<64xi32, #tpu.memory_space<vmem>>
    %dma_wait3A_115 = arith.constant 0 : i32
    %dma_wait3A_116 = arith.constant 0 : i32
    %dma_wait3A_117 = tpu.memref_slice %arg6[%dma_wait3A_115, %dma_wait3A_116] : memref<100000x128xf32, #tpu.memory_space<hbm>> -> memref<100000x128xf32, #tpu.memory_space<hbm>>
    tpu.wait_indirect_dma semaphore(%arg30 : memref<!tpu.dma_semaphore, #tpu.memory_space<semaphore_mem>>) src(%dma_wait3A_117 : memref<100000x128xf32, #tpu.memory_space<hbm>>) dst(%arg16 : memref<64x128xf32, #tpu.memory_space<vmem>>)
    %dma_start3A_118 = arith.constant 3 : i32
    %dma_start3A_119 = arith.constant 0 : i32
    %dma_start3A_120 = tpu.memref_slice %arg9[%dma_start3A_118, %add3A_77, %dma_start3A_119] : memref<5x8192x128xf32, #tpu.memory_space<hbm>> -> memref<1x64x128xf32, #tpu.memory_space<hbm>>
    %dma_start3A_121 = tpu.memref_squeeze %dma_start3A_120 : memref<1x64x128xf32, #tpu.memory_space<hbm>> -> memref<64x128xf32, #tpu.memory_space<hbm>>
    %dma_start3A_122 = arith.constant 0 : i32
    %dma_start3A_123 = tpu.memref_slice %arg9[%dma_start3A_118, %add3A_77, %dma_start3A_122] : memref<5x8192x128xf32, #tpu.memory_space<hbm>> -> memref<1x64x128xf32, #tpu.memory_space<hbm>>
    %dma_start3A_124 = tpu.memref_squeeze %dma_start3A_123 : memref<1x64x128xf32, #tpu.memory_space<hbm>> -> memref<64x128xf32, #tpu.memory_space<hbm>>
    tpu.enqueue_dma source(%arg16 : memref<64x128xf32, #tpu.memory_space<vmem>>) target(%dma_start3A_124 : memref<64x128xf32, #tpu.memory_space<hbm>>) target_semaphore(%arg30 : memref<!tpu.dma_semaphore, #tpu.memory_space<semaphore_mem>>)
    %dma_wait3A_125 = arith.constant 0 : i32
    %dma_wait3A_126 = tpu.memref_slice %arg10[%dma_wait3A_125] : memref<256xi32, #tpu.memory_space<vmem>> -> memref<64xi32, #tpu.memory_space<vmem>>
    %dma_wait3A_127 = arith.constant 0 : i32
    %dma_wait3A_128 = arith.constant 0 : i32
    %dma_wait3A_129 = tpu.memref_slice %arg7[%dma_wait3A_127, %dma_wait3A_128] : memref<100000x128xf32, #tpu.memory_space<hbm>> -> memref<100000x128xf32, #tpu.memory_space<hbm>>
    tpu.wait_indirect_dma semaphore(%arg31 : memref<!tpu.dma_semaphore, #tpu.memory_space<semaphore_mem>>) src(%dma_wait3A_129 : memref<100000x128xf32, #tpu.memory_space<hbm>>) dst(%arg17 : memref<64x128xf32, #tpu.memory_space<vmem>>)
    %dma_wait3A_130 = arith.constant 0 : i32
    %dma_wait3A_131 = tpu.memref_slice %arg12[%dma_wait3A_130] : memref<256xi32, #tpu.memory_space<vmem>> -> memref<64xi32, #tpu.memory_space<vmem>>
    %dma_wait3A_132 = arith.constant 0 : i32
    %dma_wait3A_133 = arith.constant 0 : i32
    %dma_wait3A_134 = tpu.memref_slice %arg8[%dma_wait3A_132, %dma_wait3A_133] : memref<1000x128xf32, #tpu.memory_space<hbm>> -> memref<1000x128xf32, #tpu.memory_space<hbm>>
    tpu.wait_indirect_dma semaphore(%arg32 : memref<!tpu.dma_semaphore, #tpu.memory_space<semaphore_mem>>) src(%dma_wait3A_134 : memref<1000x128xf32, #tpu.memory_space<hbm>>) dst(%arg18 : memref<64x128xf32, #tpu.memory_space<vmem>>)
    %dma_wait3A_135 = arith.constant 0 : i32
    %dma_wait3A_136 = tpu.memref_slice %arg11[%dma_wait3A_135] : memref<256xi32, #tpu.memory_space<vmem>> -> memref<64xi32, #tpu.memory_space<vmem>>
    %dma_wait3A_137 = arith.constant 0 : i32
    %dma_wait3A_138 = arith.constant 0 : i32
    %dma_wait3A_139 = tpu.memref_slice %arg7[%dma_wait3A_137, %dma_wait3A_138] : memref<100000x128xf32, #tpu.memory_space<hbm>> -> memref<100000x128xf32, #tpu.memory_space<hbm>>
    tpu.wait_indirect_dma semaphore(%arg33 : memref<!tpu.dma_semaphore, #tpu.memory_space<semaphore_mem>>) src(%dma_wait3A_139 : memref<100000x128xf32, #tpu.memory_space<hbm>>) dst(%arg19 : memref<64x128xf32, #tpu.memory_space<vmem>>)
    %scan3A = arith.constant 0 : i32
    %scan3A_140 = arith.constant 0 : i32
    %scan3A_141 = arith.constant 64 : i32
    %scan3A_142 = arith.addi %scan3A_140, %scan3A_141 : i32
    %scan3A_143 = arith.constant 1 : i32
    %scan3A_144 = scf.for %scan3A_600 = %scan3A_140 to %scan3A_142 step %scan3A_143 iter_args(%scan3A_601 = %scan3A) -> (i32)  : i32 {
      %get3A = arith.index_cast %scan3A_600 : i32 to index
      %get3A_602 = arith.constant 0 : index
      %get3A_603 = tpu.vector_load %arg17[%get3A, %get3A_602] {strides = array<i32>} : memref<64x128xf32, #tpu.memory_space<vmem>>, vector<1x16xf32>,
      %get3A_604 = vector.shape_cast %get3A_603 : vector<1x16xf32> to vector<16xf32>
      %get3A_605 = arith.index_cast %scan3A_600 : i32 to index
      %get3A_606 = arith.constant 0 : index
      %get3A_607 = tpu.vector_load %arg18[%get3A_605, %get3A_606] {strides = array<i32>} : memref<64x128xf32, #tpu.memory_space<vmem>>, vector<1x16xf32>,
      %get3A_608 = vector.shape_cast %get3A_607 : vector<1x16xf32> to vector<16xf32>
      %add3A_609 = arith.addf %get3A_604, %get3A_608 : vector<16xf32>
      %get3A_610 = arith.index_cast %scan3A_600 : i32 to index
      %get3A_611 = arith.constant 0 : index
      %get3A_612 = tpu.vector_load %arg19[%get3A_610, %get3A_611] {strides = array<i32>} : memref<64x128xf32, #tpu.memory_space<vmem>>, vector<1x16xf32>,
      %get3A_613 = vector.shape_cast %get3A_612 : vector<1x16xf32> to vector<16xf32>
      %sub3A = arith.subf %add3A_609, %get3A_613 : vector<16xf32>
      %swap3A = arith.index_cast %scan3A_600 : i32 to index
      %swap3A_614 = arith.constant 0 : index
      %swap3A_615 = tpu.vector_load %arg17[%swap3A, %swap3A_614] {strides = array<i32>} : memref<64x128xf32, #tpu.memory_space<vmem>>, vector<1x16xf32>,
      %swap3A_616 = vector.shape_cast %swap3A_615 : vector<1x16xf32> to vector<16xf32>
      %swap3A_617 = vector.shape_cast %sub3A : vector<16xf32> to vector<1x16xf32>
      tpu.vector_store %arg17[%swap3A, %swap3A_614], %swap3A_617 {strides = array<i32>} : memref<64x128xf32, #tpu.memory_space<vmem>>, vector<1x16xf32>,
      %get3A_618 = arith.index_cast %scan3A_600 : i32 to index
      %get3A_619 = arith.constant 16 : index
      %get3A_620 = tpu.vector_load %arg17[%get3A_618, %get3A_619] {strides = array<i32>} : memref<64x128xf32, #tpu.memory_space<vmem>>, vector<1x16xf32>,
      %get3A_621 = vector.shape_cast %get3A_620 : vector<1x16xf32> to vector<16xf32>
      %get3A_622 = arith.index_cast %scan3A_600 : i32 to index
      %get3A_623 = arith.constant 16 : index
      %get3A_624 = tpu.vector_load %arg18[%get3A_622, %get3A_623] {strides = array<i32>} : memref<64x128xf32, #tpu.memory_space<vmem>>, vector<1x16xf32>,
      %get3A_625 = vector.shape_cast %get3A_624 : vector<1x16xf32> to vector<16xf32>
      %add3A_626 = arith.addf %get3A_621, %get3A_625 : vector<16xf32>
      %get3A_627 = arith.index_cast %scan3A_600 : i32 to index
      %get3A_628 = arith.constant 16 : index
      %get3A_629 = tpu.vector_load %arg19[%get3A_627, %get3A_628] {strides = array<i32>} : memref<64x128xf32, #tpu.memory_space<vmem>>, vector<1x16xf32>,
      %get3A_630 = vector.shape_cast %get3A_629 : vector<1x16xf32> to vector<16xf32>
      %sub3A_631 = arith.subf %add3A_626, %get3A_630 : vector<16xf32>
      %swap3A_632 = arith.index_cast %scan3A_600 : i32 to index
      %swap3A_633 = arith.constant 16 : index
      %swap3A_634 = tpu.vector_load %arg17[%swap3A_632, %swap3A_633] {strides = array<i32>} : memref<64x128xf32, #tpu.memory_space<vmem>>, vector<1x16xf32>,
      %swap3A_635 = vector.shape_cast %swap3A_634 : vector<1x16xf32> to vector<16xf32>
      %swap3A_636 = vector.shape_cast %sub3A_631 : vector<16xf32> to vector<1x16xf32>
      tpu.vector_store %arg17[%swap3A_632, %swap3A_633], %swap3A_636 {strides = array<i32>} : memref<64x128xf32, #tpu.memory_space<vmem>>, vector<1x16xf32>,
      %get3A_637 = arith.index_cast %scan3A_600 : i32 to index
      %get3A_638 = arith.constant 32 : index
      %get3A_639 = tpu.vector_load %arg17[%get3A_637, %get3A_638] {strides = array<i32>} : memref<64x128xf32, #tpu.memory_space<vmem>>, vector<1x16xf32>,
      %get3A_640 = vector.shape_cast %get3A_639 : vector<1x16xf32> to vector<16xf32>
      %get3A_641 = arith.index_cast %scan3A_600 : i32 to index
      %get3A_642 = arith.constant 32 : index
      %get3A_643 = tpu.vector_load %arg18[%get3A_641, %get3A_642] {strides = array<i32>} : memref<64x128xf32, #tpu.memory_space<vmem>>, vector<1x16xf32>,
      %get3A_644 = vector.shape_cast %get3A_643 : vector<1x16xf32> to vector<16xf32>
      %add3A_645 = arith.addf %get3A_640, %get3A_644 : vector<16xf32>
      %get3A_646 = arith.index_cast %scan3A_600 : i32 to index
      %get3A_647 = arith.constant 32 : index
      %get3A_648 = tpu.vector_load %arg19[%get3A_646, %get3A_647] {strides = array<i32>} : memref<64x128xf32, #tpu.memory_space<vmem>>, vector<1x16xf32>,
      %get3A_649 = vector.shape_cast %get3A_648 : vector<1x16xf32> to vector<16xf32>
      %sub3A_650 = arith.subf %add3A_645, %get3A_649 : vector<16xf32>
      %swap3A_651 = arith.index_cast %scan3A_600 : i32 to index
      %swap3A_652 = arith.constant 32 : index
      %swap3A_653 = tpu.vector_load %arg17[%swap3A_651, %swap3A_652] {strides = array<i32>} : memref<64x128xf32, #tpu.memory_space<vmem>>, vector<1x16xf32>,
      %swap3A_654 = vector.shape_cast %swap3A_653 : vector<1x16xf32> to vector<16xf32>
      %swap3A_655 = vector.shape_cast %sub3A_650 : vector<16xf32> to vector<1x16xf32>
      tpu.vector_store %arg17[%swap3A_651, %swap3A_652], %swap3A_655 {strides = array<i32>} : memref<64x128xf32, #tpu.memory_space<vmem>>, vector<1x16xf32>,
      %get3A_656 = arith.index_cast %scan3A_600 : i32 to index
      %get3A_657 = arith.constant 48 : index
      %get3A_658 = tpu.vector_load %arg17[%get3A_656, %get3A_657] {strides = array<i32>} : memref<64x128xf32, #tpu.memory_space<vmem>>, vector<1x16xf32>,
      %get3A_659 = vector.shape_cast %get3A_658 : vector<1x16xf32> to vector<16xf32>
      %get3A_660 = arith.index_cast %scan3A_600 : i32 to index
      %get3A_661 = arith.constant 48 : index
      %get3A_662 = tpu.vector_load %arg18[%get3A_660, %get3A_661] {strides = array<i32>} : memref<64x128xf32, #tpu.memory_space<vmem>>, vector<1x16xf32>,
      %get3A_663 = vector.shape_cast %get3A_662 : vector<1x16xf32> to vector<16xf32>
      %add3A_664 = arith.addf %get3A_659, %get3A_663 : vector<16xf32>
      %get3A_665 = arith.index_cast %scan3A_600 : i32 to index
      %get3A_666 = arith.constant 48 : index
      %get3A_667 = tpu.vector_load %arg19[%get3A_665, %get3A_666] {strides = array<i32>} : memref<64x128xf32, #tpu.memory_space<vmem>>, vector<1x16xf32>,
      %get3A_668 = vector.shape_cast %get3A_667 : vector<1x16xf32> to vector<16xf32>
      %sub3A_669 = arith.subf %add3A_664, %get3A_668 : vector<16xf32>
      %swap3A_670 = arith.index_cast %scan3A_600 : i32 to index
      %swap3A_671 = arith.constant 48 : index
      %swap3A_672 = tpu.vector_load %arg17[%swap3A_670, %swap3A_671] {strides = array<i32>} : memref<64x128xf32, #tpu.memory_space<vmem>>, vector<1x16xf32>,
      %swap3A_673 = vector.shape_cast %swap3A_672 : vector<1x16xf32> to vector<16xf32>
      %swap3A_674 = vector.shape_cast %sub3A_669 : vector<16xf32> to vector<1x16xf32>
      tpu.vector_store %arg17[%swap3A_670, %swap3A_671], %swap3A_674 {strides = array<i32>} : memref<64x128xf32, #tpu.memory_space<vmem>>, vector<1x16xf32>,
      %get3A_675 = arith.index_cast %scan3A_600 : i32 to index
      %get3A_676 = arith.constant 64 : index
      %get3A_677 = tpu.vector_load %arg17[%get3A_675, %get3A_676] {strides = array<i32>} : memref<64x128xf32, #tpu.memory_space<vmem>>, vector<1x16xf32>,
      %get3A_678 = vector.shape_cast %get3A_677 : vector<1x16xf32> to vector<16xf32>
      %get3A_679 = arith.index_cast %scan3A_600 : i32 to index
      %get3A_680 = arith.constant 64 : index
      %get3A_681 = tpu.vector_load %arg18[%get3A_679, %get3A_680] {strides = array<i32>} : memref<64x128xf32, #tpu.memory_space<vmem>>, vector<1x16xf32>,
      %get3A_682 = vector.shape_cast %get3A_681 : vector<1x16xf32> to vector<16xf32>
      %add3A_683 = arith.addf %get3A_678, %get3A_682 : vector<16xf32>
      %get3A_684 = arith.index_cast %scan3A_600 : i32 to index
      %get3A_685 = arith.constant 64 : index
      %get3A_686 = tpu.vector_load %arg19[%get3A_684, %get3A_685] {strides = array<i32>} : memref<64x128xf32, #tpu.memory_space<vmem>>, vector<1x16xf32>,
      %get3A_687 = vector.shape_cast %get3A_686 : vector<1x16xf32> to vector<16xf32>
      %sub3A_688 = arith.subf %add3A_683, %get3A_687 : vector<16xf32>
      %swap3A_689 = arith.index_cast %scan3A_600 : i32 to index
      %swap3A_690 = arith.constant 64 : index
      %swap3A_691 = tpu.vector_load %arg17[%swap3A_689, %swap3A_690] {strides = array<i32>} : memref<64x128xf32, #tpu.memory_space<vmem>>, vector<1x16xf32>,
      %swap3A_692 = vector.shape_cast %swap3A_691 : vector<1x16xf32> to vector<16xf32>
      %swap3A_693 = vector.shape_cast %sub3A_688 : vector<16xf32> to vector<1x16xf32>
      tpu.vector_store %arg17[%swap3A_689, %swap3A_690], %swap3A_693 {strides = array<i32>} : memref<64x128xf32, #tpu.memory_space<vmem>>, vector<1x16xf32>,
      %get3A_694 = arith.index_cast %scan3A_600 : i32 to index
      %get3A_695 = arith.constant 80 : index
      %get3A_696 = tpu.vector_load %arg17[%get3A_694, %get3A_695] {strides = array<i32>} : memref<64x128xf32, #tpu.memory_space<vmem>>, vector<1x16xf32>,
      %get3A_697 = vector.shape_cast %get3A_696 : vector<1x16xf32> to vector<16xf32>
      %get3A_698 = arith.index_cast %scan3A_600 : i32 to index
      %get3A_699 = arith.constant 80 : index
      %get3A_700 = tpu.vector_load %arg18[%get3A_698, %get3A_699] {strides = array<i32>} : memref<64x128xf32, #tpu.memory_space<vmem>>, vector<1x16xf32>,
      %get3A_701 = vector.shape_cast %get3A_700 : vector<1x16xf32> to vector<16xf32>
      %add3A_702 = arith.addf %get3A_697, %get3A_701 : vector<16xf32>
      %get3A_703 = arith.index_cast %scan3A_600 : i32 to index
      %get3A_704 = arith.constant 80 : index
      %get3A_705 = tpu.vector_load %arg19[%get3A_703, %get3A_704] {strides = array<i32>} : memref<64x128xf32, #tpu.memory_space<vmem>>, vector<1x16xf32>,
      %get3A_706 = vector.shape_cast %get3A_705 : vector<1x16xf32> to vector<16xf32>
      %sub3A_707 = arith.subf %add3A_702, %get3A_706 : vector<16xf32>
      %swap3A_708 = arith.index_cast %scan3A_600 : i32 to index
      %swap3A_709 = arith.constant 80 : index
      %swap3A_710 = tpu.vector_load %arg17[%swap3A_708, %swap3A_709] {strides = array<i32>} : memref<64x128xf32, #tpu.memory_space<vmem>>, vector<1x16xf32>,
      %swap3A_711 = vector.shape_cast %swap3A_710 : vector<1x16xf32> to vector<16xf32>
      %swap3A_712 = vector.shape_cast %sub3A_707 : vector<16xf32> to vector<1x16xf32>
      tpu.vector_store %arg17[%swap3A_708, %swap3A_709], %swap3A_712 {strides = array<i32>} : memref<64x128xf32, #tpu.memory_space<vmem>>, vector<1x16xf32>,
      %get3A_713 = arith.index_cast %scan3A_600 : i32 to index
      %get3A_714 = arith.constant 96 : index
      %get3A_715 = tpu.vector_load %arg17[%get3A_713, %get3A_714] {strides = array<i32>} : memref<64x128xf32, #tpu.memory_space<vmem>>, vector<1x16xf32>,
      %get3A_716 = vector.shape_cast %get3A_715 : vector<1x16xf32> to vector<16xf32>
      %get3A_717 = arith.index_cast %scan3A_600 : i32 to index
      %get3A_718 = arith.constant 96 : index
      %get3A_719 = tpu.vector_load %arg18[%get3A_717, %get3A_718] {strides = array<i32>} : memref<64x128xf32, #tpu.memory_space<vmem>>, vector<1x16xf32>,
      %get3A_720 = vector.shape_cast %get3A_719 : vector<1x16xf32> to vector<16xf32>
      %add3A_721 = arith.addf %get3A_716, %get3A_720 : vector<16xf32>
      %get3A_722 = arith.index_cast %scan3A_600 : i32 to index
      %get3A_723 = arith.constant 96 : index
      %get3A_724 = tpu.vector_load %arg19[%get3A_722, %get3A_723] {strides = array<i32>} : memref<64x128xf32, #tpu.memory_space<vmem>>, vector<1x16xf32>,
      %get3A_725 = vector.shape_cast %get3A_724 : vector<1x16xf32> to vector<16xf32>
      %sub3A_726 = arith.subf %add3A_721, %get3A_725 : vector<16xf32>
      %swap3A_727 = arith.index_cast %scan3A_600 : i32 to index
      %swap3A_728 = arith.constant 96 : index
      %swap3A_729 = tpu.vector_load %arg17[%swap3A_727, %swap3A_728] {strides = array<i32>} : memref<64x128xf32, #tpu.memory_space<vmem>>, vector<1x16xf32>,
      %swap3A_730 = vector.shape_cast %swap3A_729 : vector<1x16xf32> to vector<16xf32>
      %swap3A_731 = vector.shape_cast %sub3A_726 : vector<16xf32> to vector<1x16xf32>
      tpu.vector_store %arg17[%swap3A_727, %swap3A_728], %swap3A_731 {strides = array<i32>} : memref<64x128xf32, #tpu.memory_space<vmem>>, vector<1x16xf32>,
      %get3A_732 = arith.index_cast %scan3A_600 : i32 to index
      %get3A_733 = arith.constant 112 : index
      %get3A_734 = tpu.vector_load %arg17[%get3A_732, %get3A_733] {strides = array<i32>} : memref<64x128xf32, #tpu.memory_space<vmem>>, vector<1x16xf32>,
      %get3A_735 = vector.shape_cast %get3A_734 : vector<1x16xf32> to vector<16xf32>
      %get3A_736 = arith.index_cast %scan3A_600 : i32 to index
      %get3A_737 = arith.constant 112 : index
      %get3A_738 = tpu.vector_load %arg18[%get3A_736, %get3A_737] {strides = array<i32>} : memref<64x128xf32, #tpu.memory_space<vmem>>, vector<1x16xf32>,
      %get3A_739 = vector.shape_cast %get3A_738 : vector<1x16xf32> to vector<16xf32>
      %add3A_740 = arith.addf %get3A_735, %get3A_739 : vector<16xf32>
      %get3A_741 = arith.index_cast %scan3A_600 : i32 to index
      %get3A_742 = arith.constant 112 : index
      %get3A_743 = tpu.vector_load %arg19[%get3A_741, %get3A_742] {strides = array<i32>} : memref<64x128xf32, #tpu.memory_space<vmem>>, vector<1x16xf32>,
      %get3A_744 = vector.shape_cast %get3A_743 : vector<1x16xf32> to vector<16xf32>
      %sub3A_745 = arith.subf %add3A_740, %get3A_744 : vector<16xf32>
      %swap3A_746 = arith.index_cast %scan3A_600 : i32 to index
      %swap3A_747 = arith.constant 112 : index
      %swap3A_748 = tpu.vector_load %arg17[%swap3A_746, %swap3A_747] {strides = array<i32>} : memref<64x128xf32, #tpu.memory_space<vmem>>, vector<1x16xf32>,
      %swap3A_749 = vector.shape_cast %swap3A_748 : vector<1x16xf32> to vector<16xf32>
      %swap3A_750 = vector.shape_cast %sub3A_745 : vector<16xf32> to vector<1x16xf32>
      tpu.vector_store %arg17[%swap3A_746, %swap3A_747], %swap3A_750 {strides = array<i32>} : memref<64x128xf32, #tpu.memory_space<vmem>>, vector<1x16xf32>,
      %scan3A_751 = arith.constant 0 : i32
      scf.yield %scan3A_751 : i32
    }
    %scan3A_145 = arith.constant 64 : i32
    %dma_start3A_146 = arith.constant 4 : i32
    %dma_start3A_147 = arith.constant 0 : i32
    %dma_start3A_148 = tpu.memref_slice %arg9[%dma_start3A_146, %add3A_77, %dma_start3A_147] : memref<5x8192x128xf32, #tpu.memory_space<hbm>> -> memref<1x64x128xf32, #tpu.memory_space<hbm>>
    %dma_start3A_149 = tpu.memref_squeeze %dma_start3A_148 : memref<1x64x128xf32, #tpu.memory_space<hbm>> -> memref<64x128xf32, #tpu.memory_space<hbm>>
    %dma_start3A_150 = arith.constant 0 : i32
    %dma_start3A_151 = tpu.memref_slice %arg9[%dma_start3A_146, %add3A_77, %dma_start3A_150] : memref<5x8192x128xf32, #tpu.memory_space<hbm>> -> memref<1x64x128xf32, #tpu.memory_space<hbm>>
    %dma_start3A_152 = tpu.memref_squeeze %dma_start3A_151 : memref<1x64x128xf32, #tpu.memory_space<hbm>> -> memref<64x128xf32, #tpu.memory_space<hbm>>
    tpu.enqueue_dma source(%arg17 : memref<64x128xf32, #tpu.memory_space<vmem>>) target(%dma_start3A_152 : memref<64x128xf32, #tpu.memory_space<hbm>>) target_semaphore(%arg31 : memref<!tpu.dma_semaphore, #tpu.memory_space<semaphore_mem>>)
    %dma_wait3A_153 = arith.constant 0 : i32
    %dma_wait3A_154 = arith.constant 0 : i32
    %dma_wait3A_155 = tpu.memref_slice %arg9[%dma_wait3A_153, %add3A_77, %dma_wait3A_154] : memref<5x8192x128xf32, #tpu.memory_space<hbm>> -> memref<1x64x128xf32, #tpu.memory_space<hbm>>
    %dma_wait3A_156 = tpu.memref_squeeze %dma_wait3A_155 : memref<1x64x128xf32, #tpu.memory_space<hbm>> -> memref<64x128xf32, #tpu.memory_space<hbm>>
    %dma_wait3A_157 = arith.constant 0 : i32
    %dma_wait3A_158 = tpu.memref_slice %arg9[%dma_wait3A_153, %add3A_77, %dma_wait3A_157] : memref<5x8192x128xf32, #tpu.memory_space<hbm>> -> memref<1x64x128xf32, #tpu.memory_space<hbm>>
    %dma_wait3A_159 = tpu.memref_squeeze %dma_wait3A_158 : memref<1x64x128xf32, #tpu.memory_space<hbm>> -> memref<64x128xf32, #tpu.memory_space<hbm>>
    tpu.wait_dma2 semaphore(%arg27 : memref<!tpu.dma_semaphore, #tpu.memory_space<semaphore_mem>>) src(%arg13 : memref<64x128xf32, #tpu.memory_space<vmem>>) dst(%dma_wait3A_159 : memref<64x128xf32, #tpu.memory_space<hbm>>)
    %dma_start3A_160 = arith.constant 128 : i32
    %dma_start3A_161 = tpu.memref_slice %arg10[%dma_start3A_160] : memref<256xi32, #tpu.memory_space<vmem>> -> memref<64xi32, #tpu.memory_space<vmem>>
    %dma_start3A_162 = arith.constant 0 : i32
    %dma_start3A_163 = arith.constant 0 : i32
    %dma_start3A_164 = tpu.memref_slice %arg5[%dma_start3A_162, %dma_start3A_163] : memref<100000x128xf32, #tpu.memory_space<hbm>> -> memref<100000x128xf32, #tpu.memory_space<hbm>>
    tpu.enqueue_indirect_dma source(%dma_start3A_164 : memref<100000x128xf32, #tpu.memory_space<hbm>>) target(%arg13 : memref<64x128xf32, #tpu.memory_space<vmem>>) offsets(%dma_start3A_161 : memref<64xi32, #tpu.memory_space<vmem>>) semaphore(%arg27 : memref<!tpu.dma_semaphore, #tpu.memory_space<semaphore_mem>>)
    %dma_wait3A_165 = arith.constant 1 : i32
    %dma_wait3A_166 = arith.constant 0 : i32
    %dma_wait3A_167 = tpu.memref_slice %arg9[%dma_wait3A_165, %add3A_77, %dma_wait3A_166] : memref<5x8192x128xf32, #tpu.memory_space<hbm>> -> memref<1x64x128xf32, #tpu.memory_space<hbm>>
    %dma_wait3A_168 = tpu.memref_squeeze %dma_wait3A_167 : memref<1x64x128xf32, #tpu.memory_space<hbm>> -> memref<64x128xf32, #tpu.memory_space<hbm>>
    %dma_wait3A_169 = arith.constant 0 : i32
    %dma_wait3A_170 = tpu.memref_slice %arg9[%dma_wait3A_165, %add3A_77, %dma_wait3A_169] : memref<5x8192x128xf32, #tpu.memory_space<hbm>> -> memref<1x64x128xf32, #tpu.memory_space<hbm>>
    %dma_wait3A_171 = tpu.memref_squeeze %dma_wait3A_170 : memref<1x64x128xf32, #tpu.memory_space<hbm>> -> memref<64x128xf32, #tpu.memory_space<hbm>>
    tpu.wait_dma2 semaphore(%arg28 : memref<!tpu.dma_semaphore, #tpu.memory_space<semaphore_mem>>) src(%arg14 : memref<64x128xf32, #tpu.memory_space<vmem>>) dst(%dma_wait3A_171 : memref<64x128xf32, #tpu.memory_space<hbm>>)
    %dma_start3A_172 = arith.constant 128 : i32
    %dma_start3A_173 = tpu.memref_slice %arg11[%dma_start3A_172] : memref<256xi32, #tpu.memory_space<vmem>> -> memref<64xi32, #tpu.memory_space<vmem>>
    %dma_start3A_174 = arith.constant 0 : i32
    %dma_start3A_175 = arith.constant 0 : i32
    %dma_start3A_176 = tpu.memref_slice %arg5[%dma_start3A_174, %dma_start3A_175] : memref<100000x128xf32, #tpu.memory_space<hbm>> -> memref<100000x128xf32, #tpu.memory_space<hbm>>
    tpu.enqueue_indirect_dma source(%dma_start3A_176 : memref<100000x128xf32, #tpu.memory_space<hbm>>) target(%arg14 : memref<64x128xf32, #tpu.memory_space<vmem>>) offsets(%dma_start3A_173 : memref<64xi32, #tpu.memory_space<vmem>>) semaphore(%arg28 : memref<!tpu.dma_semaphore, #tpu.memory_space<semaphore_mem>>)
    %dma_wait3A_177 = arith.constant 2 : i32
    %dma_wait3A_178 = arith.constant 0 : i32
    %dma_wait3A_179 = tpu.memref_slice %arg9[%dma_wait3A_177, %add3A_77, %dma_wait3A_178] : memref<5x8192x128xf32, #tpu.memory_space<hbm>> -> memref<1x64x128xf32, #tpu.memory_space<hbm>>
    %dma_wait3A_180 = tpu.memref_squeeze %dma_wait3A_179 : memref<1x64x128xf32, #tpu.memory_space<hbm>> -> memref<64x128xf32, #tpu.memory_space<hbm>>
    %dma_wait3A_181 = arith.constant 0 : i32
    %dma_wait3A_182 = tpu.memref_slice %arg9[%dma_wait3A_177, %add3A_77, %dma_wait3A_181] : memref<5x8192x128xf32, #tpu.memory_space<hbm>> -> memref<1x64x128xf32, #tpu.memory_space<hbm>>
    %dma_wait3A_183 = tpu.memref_squeeze %dma_wait3A_182 : memref<1x64x128xf32, #tpu.memory_space<hbm>> -> memref<64x128xf32, #tpu.memory_space<hbm>>
    tpu.wait_dma2 semaphore(%arg29 : memref<!tpu.dma_semaphore, #tpu.memory_space<semaphore_mem>>) src(%arg15 : memref<64x128xf32, #tpu.memory_space<vmem>>) dst(%dma_wait3A_183 : memref<64x128xf32, #tpu.memory_space<hbm>>)
    %dma_start3A_184 = arith.constant 128 : i32
    %dma_start3A_185 = tpu.memref_slice %arg10[%dma_start3A_184] : memref<256xi32, #tpu.memory_space<vmem>> -> memref<64xi32, #tpu.memory_space<vmem>>
    %dma_start3A_186 = arith.constant 0 : i32
    %dma_start3A_187 = arith.constant 0 : i32
    %dma_start3A_188 = tpu.memref_slice %arg6[%dma_start3A_186, %dma_start3A_187] : memref<100000x128xf32, #tpu.memory_space<hbm>> -> memref<100000x128xf32, #tpu.memory_space<hbm>>
    tpu.enqueue_indirect_dma source(%dma_start3A_188 : memref<100000x128xf32, #tpu.memory_space<hbm>>) target(%arg15 : memref<64x128xf32, #tpu.memory_space<vmem>>) offsets(%dma_start3A_185 : memref<64xi32, #tpu.memory_space<vmem>>) semaphore(%arg29 : memref<!tpu.dma_semaphore, #tpu.memory_space<semaphore_mem>>)
    %dma_wait3A_189 = arith.constant 3 : i32
    %dma_wait3A_190 = arith.constant 0 : i32
    %dma_wait3A_191 = tpu.memref_slice %arg9[%dma_wait3A_189, %add3A_77, %dma_wait3A_190] : memref<5x8192x128xf32, #tpu.memory_space<hbm>> -> memref<1x64x128xf32, #tpu.memory_space<hbm>>
    %dma_wait3A_192 = tpu.memref_squeeze %dma_wait3A_191 : memref<1x64x128xf32, #tpu.memory_space<hbm>> -> memref<64x128xf32, #tpu.memory_space<hbm>>
    %dma_wait3A_193 = arith.constant 0 : i32
    %dma_wait3A_194 = tpu.memref_slice %arg9[%dma_wait3A_189, %add3A_77, %dma_wait3A_193] : memref<5x8192x128xf32, #tpu.memory_space<hbm>> -> memref<1x64x128xf32, #tpu.memory_space<hbm>>
    %dma_wait3A_195 = tpu.memref_squeeze %dma_wait3A_194 : memref<1x64x128xf32, #tpu.memory_space<hbm>> -> memref<64x128xf32, #tpu.memory_space<hbm>>
    tpu.wait_dma2 semaphore(%arg30 : memref<!tpu.dma_semaphore, #tpu.memory_space<semaphore_mem>>) src(%arg16 : memref<64x128xf32, #tpu.memory_space<vmem>>) dst(%dma_wait3A_195 : memref<64x128xf32, #tpu.memory_space<hbm>>)
    %dma_start3A_196 = arith.constant 128 : i32
    %dma_start3A_197 = tpu.memref_slice %arg11[%dma_start3A_196] : memref<256xi32, #tpu.memory_space<vmem>> -> memref<64xi32, #tpu.memory_space<vmem>>
    %dma_start3A_198 = arith.constant 0 : i32
    %dma_start3A_199 = arith.constant 0 : i32
    %dma_start3A_200 = tpu.memref_slice %arg6[%dma_start3A_198, %dma_start3A_199] : memref<100000x128xf32, #tpu.memory_space<hbm>> -> memref<100000x128xf32, #tpu.memory_space<hbm>>
    tpu.enqueue_indirect_dma source(%dma_start3A_200 : memref<100000x128xf32, #tpu.memory_space<hbm>>) target(%arg16 : memref<64x128xf32, #tpu.memory_space<vmem>>) offsets(%dma_start3A_197 : memref<64xi32, #tpu.memory_space<vmem>>) semaphore(%arg30 : memref<!tpu.dma_semaphore, #tpu.memory_space<semaphore_mem>>)
    %dma_wait3A_201 = arith.constant 4 : i32
    %dma_wait3A_202 = arith.constant 0 : i32
    %dma_wait3A_203 = tpu.memref_slice %arg9[%dma_wait3A_201, %add3A_77, %dma_wait3A_202] : memref<5x8192x128xf32, #tpu.memory_space<hbm>> -> memref<1x64x128xf32, #tpu.memory_space<hbm>>
    %dma_wait3A_204 = tpu.memref_squeeze %dma_wait3A_203 : memref<1x64x128xf32, #tpu.memory_space<hbm>> -> memref<64x128xf32, #tpu.memory_space<hbm>>
    %dma_wait3A_205 = arith.constant 0 : i32
    %dma_wait3A_206 = tpu.memref_slice %arg9[%dma_wait3A_201, %add3A_77, %dma_wait3A_205] : memref<5x8192x128xf32, #tpu.memory_space<hbm>> -> memref<1x64x128xf32, #tpu.memory_space<hbm>>
    %dma_wait3A_207 = tpu.memref_squeeze %dma_wait3A_206 : memref<1x64x128xf32, #tpu.memory_space<hbm>> -> memref<64x128xf32, #tpu.memory_space<hbm>>
    tpu.wait_dma2 semaphore(%arg31 : memref<!tpu.dma_semaphore, #tpu.memory_space<semaphore_mem>>) src(%arg17 : memref<64x128xf32, #tpu.memory_space<vmem>>) dst(%dma_wait3A_207 : memref<64x128xf32, #tpu.memory_space<hbm>>)
    %dma_start3A_208 = arith.constant 128 : i32
    %dma_start3A_209 = tpu.memref_slice %arg10[%dma_start3A_208] : memref<256xi32, #tpu.memory_space<vmem>> -> memref<64xi32, #tpu.memory_space<vmem>>
    %dma_start3A_210 = arith.constant 0 : i32
    %dma_start3A_211 = arith.constant 0 : i32
    %dma_start3A_212 = tpu.memref_slice %arg7[%dma_start3A_210, %dma_start3A_211] : memref<100000x128xf32, #tpu.memory_space<hbm>> -> memref<100000x128xf32, #tpu.memory_space<hbm>>
    tpu.enqueue_indirect_dma source(%dma_start3A_212 : memref<100000x128xf32, #tpu.memory_space<hbm>>) target(%arg17 : memref<64x128xf32, #tpu.memory_space<vmem>>) offsets(%dma_start3A_209 : memref<64xi32, #tpu.memory_space<vmem>>) semaphore(%arg31 : memref<!tpu.dma_semaphore, #tpu.memory_space<semaphore_mem>>)
    %dma_start3A_213 = arith.constant 128 : i32
    %dma_start3A_214 = tpu.memref_slice %arg12[%dma_start3A_213] : memref<256xi32, #tpu.memory_space<vmem>> -> memref<64xi32, #tpu.memory_space<vmem>>
    %dma_start3A_215 = arith.constant 0 : i32
    %dma_start3A_216 = arith.constant 0 : i32
    %dma_start3A_217 = tpu.memref_slice %arg8[%dma_start3A_215, %dma_start3A_216] : memref<1000x128xf32, #tpu.memory_space<hbm>> -> memref<1000x128xf32, #tpu.memory_space<hbm>>
    tpu.enqueue_indirect_dma source(%dma_start3A_217 : memref<1000x128xf32, #tpu.memory_space<hbm>>) target(%arg18 : memref<64x128xf32, #tpu.memory_space<vmem>>) offsets(%dma_start3A_214 : memref<64xi32, #tpu.memory_space<vmem>>) semaphore(%arg32 : memref<!tpu.dma_semaphore, #tpu.memory_space<semaphore_mem>>)
    %dma_start3A_218 = arith.constant 128 : i32
    %dma_start3A_219 = tpu.memref_slice %arg11[%dma_start3A_218] : memref<256xi32, #tpu.memory_space<vmem>> -> memref<64xi32, #tpu.memory_space<vmem>>
    %dma_start3A_220 = arith.constant 0 : i32
    %dma_start3A_221 = arith.constant 0 : i32
    %dma_start3A_222 = tpu.memref_slice %arg7[%dma_start3A_220, %dma_start3A_221] : memref<100000x128xf32, #tpu.memory_space<hbm>> -> memref<100000x128xf32, #tpu.memory_space<hbm>>
    tpu.enqueue_indirect_dma source(%dma_start3A_222 : memref<100000x128xf32, #tpu.memory_space<hbm>>) target(%arg19 : memref<64x128xf32, #tpu.memory_space<vmem>>) offsets(%dma_start3A_219 : memref<64xi32, #tpu.memory_space<vmem>>) semaphore(%arg33 : memref<!tpu.dma_semaphore, #tpu.memory_space<semaphore_mem>>)
    %add3A_223 = arith.constant 64 : i32
    %add3A_224 = arith.addi %mul3A_2, %add3A_223 : i32
    %dma_wait3A_225 = arith.constant 64 : i32
    %dma_wait3A_226 = tpu.memref_slice %arg10[%dma_wait3A_225] : memref<256xi32, #tpu.memory_space<vmem>> -> memref<64xi32, #tpu.memory_space<vmem>>
    %dma_wait3A_227 = arith.constant 0 : i32
    %dma_wait3A_228 = arith.constant 0 : i32
    %dma_wait3A_229 = tpu.memref_slice %arg5[%dma_wait3A_227, %dma_wait3A_228] : memref<100000x128xf32, #tpu.memory_space<hbm>> -> memref<100000x128xf32, #tpu.memory_space<hbm>>
    tpu.wait_indirect_dma semaphore(%arg34 : memref<!tpu.dma_semaphore, #tpu.memory_space<semaphore_mem>>) src(%dma_wait3A_229 : memref<100000x128xf32, #tpu.memory_space<hbm>>) dst(%arg20 : memref<64x128xf32, #tpu.memory_space<vmem>>)
    %dma_start3A_230 = arith.constant 0 : i32
    %dma_start3A_231 = arith.constant 0 : i32
    %dma_start3A_232 = tpu.memref_slice %arg9[%dma_start3A_230, %add3A_224, %dma_start3A_231] : memref<5x8192x128xf32, #tpu.memory_space<hbm>> -> memref<1x64x128xf32, #tpu.memory_space<hbm>>
    %dma_start3A_233 = tpu.memref_squeeze %dma_start3A_232 : memref<1x64x128xf32, #tpu.memory_space<hbm>> -> memref<64x128xf32, #tpu.memory_space<hbm>>
    %dma_start3A_234 = arith.constant 0 : i32
    %dma_start3A_235 = tpu.memref_slice %arg9[%dma_start3A_230, %add3A_224, %dma_start3A_234] : memref<5x8192x128xf32, #tpu.memory_space<hbm>> -> memref<1x64x128xf32, #tpu.memory_space<hbm>>
    %dma_start3A_236 = tpu.memref_squeeze %dma_start3A_235 : memref<1x64x128xf32, #tpu.memory_space<hbm>> -> memref<64x128xf32, #tpu.memory_space<hbm>>
    tpu.enqueue_dma source(%arg20 : memref<64x128xf32, #tpu.memory_space<vmem>>) target(%dma_start3A_236 : memref<64x128xf32, #tpu.memory_space<hbm>>) target_semaphore(%arg34 : memref<!tpu.dma_semaphore, #tpu.memory_space<semaphore_mem>>)
    %dma_wait3A_237 = arith.constant 64 : i32
    %dma_wait3A_238 = tpu.memref_slice %arg11[%dma_wait3A_237] : memref<256xi32, #tpu.memory_space<vmem>> -> memref<64xi32, #tpu.memory_space<vmem>>
    %dma_wait3A_239 = arith.constant 0 : i32
    %dma_wait3A_240 = arith.constant 0 : i32
    %dma_wait3A_241 = tpu.memref_slice %arg5[%dma_wait3A_239, %dma_wait3A_240] : memref<100000x128xf32, #tpu.memory_space<hbm>> -> memref<100000x128xf32, #tpu.memory_space<hbm>>
    tpu.wait_indirect_dma semaphore(%arg35 : memref<!tpu.dma_semaphore, #tpu.memory_space<semaphore_mem>>) src(%dma_wait3A_241 : memref<100000x128xf32, #tpu.memory_space<hbm>>) dst(%arg21 : memref<64x128xf32, #tpu.memory_space<vmem>>)
    %dma_start3A_242 = arith.constant 1 : i32
    %dma_start3A_243 = arith.constant 0 : i32
    %dma_start3A_244 = tpu.memref_slice %arg9[%dma_start3A_242, %add3A_224, %dma_start3A_243] : memref<5x8192x128xf32, #tpu.memory_space<hbm>> -> memref<1x64x128xf32, #tpu.memory_space<hbm>>
    %dma_start3A_245 = tpu.memref_squeeze %dma_start3A_244 : memref<1x64x128xf32, #tpu.memory_space<hbm>> -> memref<64x128xf32, #tpu.memory_space<hbm>>
    %dma_start3A_246 = arith.constant 0 : i32
    %dma_start3A_247 = tpu.memref_slice %arg9[%dma_start3A_242, %add3A_224, %dma_start3A_246] : memref<5x8192x128xf32, #tpu.memory_space<hbm>> -> memref<1x64x128xf32, #tpu.memory_space<hbm>>
    %dma_start3A_248 = tpu.memref_squeeze %dma_start3A_247 : memref<1x64x128xf32, #tpu.memory_space<hbm>> -> memref<64x128xf32, #tpu.memory_space<hbm>>
    tpu.enqueue_dma source(%arg21 : memref<64x128xf32, #tpu.memory_space<vmem>>) target(%dma_start3A_248 : memref<64x128xf32, #tpu.memory_space<hbm>>) target_semaphore(%arg35 : memref<!tpu.dma_semaphore, #tpu.memory_space<semaphore_mem>>)
    %dma_wait3A_249 = arith.constant 64 : i32
    %dma_wait3A_250 = tpu.memref_slice %arg10[%dma_wait3A_249] : memref<256xi32, #tpu.memory_space<vmem>> -> memref<64xi32, #tpu.memory_space<vmem>>
    %dma_wait3A_251 = arith.constant 0 : i32
    %dma_wait3A_252 = arith.constant 0 : i32
    %dma_wait3A_253 = tpu.memref_slice %arg6[%dma_wait3A_251, %dma_wait3A_252] : memref<100000x128xf32, #tpu.memory_space<hbm>> -> memref<100000x128xf32, #tpu.memory_space<hbm>>
    tpu.wait_indirect_dma semaphore(%arg36 : memref<!tpu.dma_semaphore, #tpu.memory_space<semaphore_mem>>) src(%dma_wait3A_253 : memref<100000x128xf32, #tpu.memory_space<hbm>>) dst(%arg22 : memref<64x128xf32, #tpu.memory_space<vmem>>)
    %dma_start3A_254 = arith.constant 2 : i32
    %dma_start3A_255 = arith.constant 0 : i32
    %dma_start3A_256 = tpu.memref_slice %arg9[%dma_start3A_254, %add3A_224, %dma_start3A_255] : memref<5x8192x128xf32, #tpu.memory_space<hbm>> -> memref<1x64x128xf32, #tpu.memory_space<hbm>>
    %dma_start3A_257 = tpu.memref_squeeze %dma_start3A_256 : memref<1x64x128xf32, #tpu.memory_space<hbm>> -> memref<64x128xf32, #tpu.memory_space<hbm>>
    %dma_start3A_258 = arith.constant 0 : i32
    %dma_start3A_259 = tpu.memref_slice %arg9[%dma_start3A_254, %add3A_224, %dma_start3A_258] : memref<5x8192x128xf32, #tpu.memory_space<hbm>> -> memref<1x64x128xf32, #tpu.memory_space<hbm>>
    %dma_start3A_260 = tpu.memref_squeeze %dma_start3A_259 : memref<1x64x128xf32, #tpu.memory_space<hbm>> -> memref<64x128xf32, #tpu.memory_space<hbm>>
    tpu.enqueue_dma source(%arg22 : memref<64x128xf32, #tpu.memory_space<vmem>>) target(%dma_start3A_260 : memref<64x128xf32, #tpu.memory_space<hbm>>) target_semaphore(%arg36 : memref<!tpu.dma_semaphore, #tpu.memory_space<semaphore_mem>>)
    %dma_wait3A_261 = arith.constant 64 : i32
    %dma_wait3A_262 = tpu.memref_slice %arg11[%dma_wait3A_261] : memref<256xi32, #tpu.memory_space<vmem>> -> memref<64xi32, #tpu.memory_space<vmem>>
    %dma_wait3A_263 = arith.constant 0 : i32
    %dma_wait3A_264 = arith.constant 0 : i32
    %dma_wait3A_265 = tpu.memref_slice %arg6[%dma_wait3A_263, %dma_wait3A_264] : memref<100000x128xf32, #tpu.memory_space<hbm>> -> memref<100000x128xf32, #tpu.memory_space<hbm>>
    tpu.wait_indirect_dma semaphore(%arg37 : memref<!tpu.dma_semaphore, #tpu.memory_space<semaphore_mem>>) src(%dma_wait3A_265 : memref<100000x128xf32, #tpu.memory_space<hbm>>) dst(%arg23 : memref<64x128xf32, #tpu.memory_space<vmem>>)
    %dma_start3A_266 = arith.constant 3 : i32
    %dma_start3A_267 = arith.constant 0 : i32
    %dma_start3A_268 = tpu.memref_slice %arg9[%dma_start3A_266, %add3A_224, %dma_start3A_267] : memref<5x8192x128xf32, #tpu.memory_space<hbm>> -> memref<1x64x128xf32, #tpu.memory_space<hbm>>
    %dma_start3A_269 = tpu.memref_squeeze %dma_start3A_268 : memref<1x64x128xf32, #tpu.memory_space<hbm>> -> memref<64x128xf32, #tpu.memory_space<hbm>>
    %dma_start3A_270 = arith.constant 0 : i32
    %dma_start3A_271 = tpu.memref_slice %arg9[%dma_start3A_266, %add3A_224, %dma_start3A_270] : memref<5x8192x128xf32, #tpu.memory_space<hbm>> -> memref<1x64x128xf32, #tpu.memory_space<hbm>>
    %dma_start3A_272 = tpu.memref_squeeze %dma_start3A_271 : memref<1x64x128xf32, #tpu.memory_space<hbm>> -> memref<64x128xf32, #tpu.memory_space<hbm>>
    tpu.enqueue_dma source(%arg23 : memref<64x128xf32, #tpu.memory_space<vmem>>) target(%dma_start3A_272 : memref<64x128xf32, #tpu.memory_space<hbm>>) target_semaphore(%arg37 : memref<!tpu.dma_semaphore, #tpu.memory_space<semaphore_mem>>)
    %dma_wait3A_273 = arith.constant 64 : i32
    %dma_wait3A_274 = tpu.memref_slice %arg10[%dma_wait3A_273] : memref<256xi32, #tpu.memory_space<vmem>> -> memref<64xi32, #tpu.memory_space<vmem>>
    %dma_wait3A_275 = arith.constant 0 : i32
    %dma_wait3A_276 = arith.constant 0 : i32
    %dma_wait3A_277 = tpu.memref_slice %arg7[%dma_wait3A_275, %dma_wait3A_276] : memref<100000x128xf32, #tpu.memory_space<hbm>> -> memref<100000x128xf32, #tpu.memory_space<hbm>>
    tpu.wait_indirect_dma semaphore(%arg38 : memref<!tpu.dma_semaphore, #tpu.memory_space<semaphore_mem>>) src(%dma_wait3A_277 : memref<100000x128xf32, #tpu.memory_space<hbm>>) dst(%arg24 : memref<64x128xf32, #tpu.memory_space<vmem>>)
    %dma_wait3A_278 = arith.constant 64 : i32
    %dma_wait3A_279 = tpu.memref_slice %arg12[%dma_wait3A_278] : memref<256xi32, #tpu.memory_space<vmem>> -> memref<64xi32, #tpu.memory_space<vmem>>
    %dma_wait3A_280 = arith.constant 0 : i32
    %dma_wait3A_281 = arith.constant 0 : i32
    %dma_wait3A_282 = tpu.memref_slice %arg8[%dma_wait3A_280, %dma_wait3A_281] : memref<1000x128xf32, #tpu.memory_space<hbm>> -> memref<1000x128xf32, #tpu.memory_space<hbm>>
    tpu.wait_indirect_dma semaphore(%arg39 : memref<!tpu.dma_semaphore, #tpu.memory_space<semaphore_mem>>) src(%dma_wait3A_282 : memref<1000x128xf32, #tpu.memory_space<hbm>>) dst(%arg25 : memref<64x128xf32, #tpu.memory_space<vmem>>)
    %dma_wait3A_283 = arith.constant 64 : i32
    %dma_wait3A_284 = tpu.memref_slice %arg11[%dma_wait3A_283] : memref<256xi32, #tpu.memory_space<vmem>> -> memref<64xi32, #tpu.memory_space<vmem>>
    %dma_wait3A_285 = arith.constant 0 : i32
    %dma_wait3A_286 = arith.constant 0 : i32
    %dma_wait3A_287 = tpu.memref_slice %arg7[%dma_wait3A_285, %dma_wait3A_286] : memref<100000x128xf32, #tpu.memory_space<hbm>> -> memref<100000x128xf32, #tpu.memory_space<hbm>>
    tpu.wait_indirect_dma semaphore(%arg40 : memref<!tpu.dma_semaphore, #tpu.memory_space<semaphore_mem>>) src(%dma_wait3A_287 : memref<100000x128xf32, #tpu.memory_space<hbm>>) dst(%arg26 : memref<64x128xf32, #tpu.memory_space<vmem>>)
    %scan3A_288 = arith.constant 0 : i32
    %scan3A_289 = arith.constant 0 : i32
    %scan3A_290 = arith.constant 64 : i32
    %scan3A_291 = arith.addi %scan3A_289, %scan3A_290 : i32
    %scan3A_292 = arith.constant 1 : i32
    %scan3A_293 = scf.for %scan3A_600 = %scan3A_289 to %scan3A_291 step %scan3A_292 iter_args(%scan3A_601 = %scan3A_288) -> (i32)  : i32 {
      %get3A = arith.index_cast %scan3A_600 : i32 to index
      %get3A_602 = arith.constant 0 : index
      %get3A_603 = tpu.vector_load %arg24[%get3A, %get3A_602] {strides = array<i32>} : memref<64x128xf32, #tpu.memory_space<vmem>>, vector<1x16xf32>,
      %get3A_604 = vector.shape_cast %get3A_603 : vector<1x16xf32> to vector<16xf32>
      %get3A_605 = arith.index_cast %scan3A_600 : i32 to index
      %get3A_606 = arith.constant 0 : index
      %get3A_607 = tpu.vector_load %arg25[%get3A_605, %get3A_606] {strides = array<i32>} : memref<64x128xf32, #tpu.memory_space<vmem>>, vector<1x16xf32>,
      %get3A_608 = vector.shape_cast %get3A_607 : vector<1x16xf32> to vector<16xf32>
      %add3A_609 = arith.addf %get3A_604, %get3A_608 : vector<16xf32>
      %get3A_610 = arith.index_cast %scan3A_600 : i32 to index
      %get3A_611 = arith.constant 0 : index
      %get3A_612 = tpu.vector_load %arg26[%get3A_610, %get3A_611] {strides = array<i32>} : memref<64x128xf32, #tpu.memory_space<vmem>>, vector<1x16xf32>,
      %get3A_613 = vector.shape_cast %get3A_612 : vector<1x16xf32> to vector<16xf32>
      %sub3A = arith.subf %add3A_609, %get3A_613 : vector<16xf32>
      %swap3A = arith.index_cast %scan3A_600 : i32 to index
      %swap3A_614 = arith.constant 0 : index
      %swap3A_615 = tpu.vector_load %arg24[%swap3A, %swap3A_614] {strides = array<i32>} : memref<64x128xf32, #tpu.memory_space<vmem>>, vector<1x16xf32>,
      %swap3A_616 = vector.shape_cast %swap3A_615 : vector<1x16xf32> to vector<16xf32>
      %swap3A_617 = vector.shape_cast %sub3A : vector<16xf32> to vector<1x16xf32>
      tpu.vector_store %arg24[%swap3A, %swap3A_614], %swap3A_617 {strides = array<i32>} : memref<64x128xf32, #tpu.memory_space<vmem>>, vector<1x16xf32>,
      %get3A_618 = arith.index_cast %scan3A_600 : i32 to index
      %get3A_619 = arith.constant 16 : index
      %get3A_620 = tpu.vector_load %arg24[%get3A_618, %get3A_619] {strides = array<i32>} : memref<64x128xf32, #tpu.memory_space<vmem>>, vector<1x16xf32>,
      %get3A_621 = vector.shape_cast %get3A_620 : vector<1x16xf32> to vector<16xf32>
      %get3A_622 = arith.index_cast %scan3A_600 : i32 to index
      %get3A_623 = arith.constant 16 : index
      %get3A_624 = tpu.vector_load %arg25[%get3A_622, %get3A_623] {strides = array<i32>} : memref<64x128xf32, #tpu.memory_space<vmem>>, vector<1x16xf32>,
      %get3A_625 = vector.shape_cast %get3A_624 : vector<1x16xf32> to vector<16xf32>
      %add3A_626 = arith.addf %get3A_621, %get3A_625 : vector<16xf32>
      %get3A_627 = arith.index_cast %scan3A_600 : i32 to index
      %get3A_628 = arith.constant 16 : index
      %get3A_629 = tpu.vector_load %arg26[%get3A_627, %get3A_628] {strides = array<i32>} : memref<64x128xf32, #tpu.memory_space<vmem>>, vector<1x16xf32>,
      %get3A_630 = vector.shape_cast %get3A_629 : vector<1x16xf32> to vector<16xf32>
      %sub3A_631 = arith.subf %add3A_626, %get3A_630 : vector<16xf32>
      %swap3A_632 = arith.index_cast %scan3A_600 : i32 to index
      %swap3A_633 = arith.constant 16 : index
      %swap3A_634 = tpu.vector_load %arg24[%swap3A_632, %swap3A_633] {strides = array<i32>} : memref<64x128xf32, #tpu.memory_space<vmem>>, vector<1x16xf32>,
      %swap3A_635 = vector.shape_cast %swap3A_634 : vector<1x16xf32> to vector<16xf32>
      %swap3A_636 = vector.shape_cast %sub3A_631 : vector<16xf32> to vector<1x16xf32>
      tpu.vector_store %arg24[%swap3A_632, %swap3A_633], %swap3A_636 {strides = array<i32>} : memref<64x128xf32, #tpu.memory_space<vmem>>, vector<1x16xf32>,
      %get3A_637 = arith.index_cast %scan3A_600 : i32 to index
      %get3A_638 = arith.constant 32 : index
      %get3A_639 = tpu.vector_load %arg24[%get3A_637, %get3A_638] {strides = array<i32>} : memref<64x128xf32, #tpu.memory_space<vmem>>, vector<1x16xf32>,
      %get3A_640 = vector.shape_cast %get3A_639 : vector<1x16xf32> to vector<16xf32>
      %get3A_641 = arith.index_cast %scan3A_600 : i32 to index
      %get3A_642 = arith.constant 32 : index
      %get3A_643 = tpu.vector_load %arg25[%get3A_641, %get3A_642] {strides = array<i32>} : memref<64x128xf32, #tpu.memory_space<vmem>>, vector<1x16xf32>,
      %get3A_644 = vector.shape_cast %get3A_643 : vector<1x16xf32> to vector<16xf32>
      %add3A_645 = arith.addf %get3A_640, %get3A_644 : vector<16xf32>
      %get3A_646 = arith.index_cast %scan3A_600 : i32 to index
      %get3A_647 = arith.constant 32 : index
      %get3A_648 = tpu.vector_load %arg26[%get3A_646, %get3A_647] {strides = array<i32>} : memref<64x128xf32, #tpu.memory_space<vmem>>, vector<1x16xf32>,
      %get3A_649 = vector.shape_cast %get3A_648 : vector<1x16xf32> to vector<16xf32>
      %sub3A_650 = arith.subf %add3A_645, %get3A_649 : vector<16xf32>
      %swap3A_651 = arith.index_cast %scan3A_600 : i32 to index
      %swap3A_652 = arith.constant 32 : index
      %swap3A_653 = tpu.vector_load %arg24[%swap3A_651, %swap3A_652] {strides = array<i32>} : memref<64x128xf32, #tpu.memory_space<vmem>>, vector<1x16xf32>,
      %swap3A_654 = vector.shape_cast %swap3A_653 : vector<1x16xf32> to vector<16xf32>
      %swap3A_655 = vector.shape_cast %sub3A_650 : vector<16xf32> to vector<1x16xf32>
      tpu.vector_store %arg24[%swap3A_651, %swap3A_652], %swap3A_655 {strides = array<i32>} : memref<64x128xf32, #tpu.memory_space<vmem>>, vector<1x16xf32>,
      %get3A_656 = arith.index_cast %scan3A_600 : i32 to index
      %get3A_657 = arith.constant 48 : index
      %get3A_658 = tpu.vector_load %arg24[%get3A_656, %get3A_657] {strides = array<i32>} : memref<64x128xf32, #tpu.memory_space<vmem>>, vector<1x16xf32>,
      %get3A_659 = vector.shape_cast %get3A_658 : vector<1x16xf32> to vector<16xf32>
      %get3A_660 = arith.index_cast %scan3A_600 : i32 to index
      %get3A_661 = arith.constant 48 : index
      %get3A_662 = tpu.vector_load %arg25[%get3A_660, %get3A_661] {strides = array<i32>} : memref<64x128xf32, #tpu.memory_space<vmem>>, vector<1x16xf32>,
      %get3A_663 = vector.shape_cast %get3A_662 : vector<1x16xf32> to vector<16xf32>
      %add3A_664 = arith.addf %get3A_659, %get3A_663 : vector<16xf32>
      %get3A_665 = arith.index_cast %scan3A_600 : i32 to index
      %get3A_666 = arith.constant 48 : index
      %get3A_667 = tpu.vector_load %arg26[%get3A_665, %get3A_666] {strides = array<i32>} : memref<64x128xf32, #tpu.memory_space<vmem>>, vector<1x16xf32>,
      %get3A_668 = vector.shape_cast %get3A_667 : vector<1x16xf32> to vector<16xf32>
      %sub3A_669 = arith.subf %add3A_664, %get3A_668 : vector<16xf32>
      %swap3A_670 = arith.index_cast %scan3A_600 : i32 to index
      %swap3A_671 = arith.constant 48 : index
      %swap3A_672 = tpu.vector_load %arg24[%swap3A_670, %swap3A_671] {strides = array<i32>} : memref<64x128xf32, #tpu.memory_space<vmem>>, vector<1x16xf32>,
      %swap3A_673 = vector.shape_cast %swap3A_672 : vector<1x16xf32> to vector<16xf32>
      %swap3A_674 = vector.shape_cast %sub3A_669 : vector<16xf32> to vector<1x16xf32>
      tpu.vector_store %arg24[%swap3A_670, %swap3A_671], %swap3A_674 {strides = array<i32>} : memref<64x128xf32, #tpu.memory_space<vmem>>, vector<1x16xf32>,
      %get3A_675 = arith.index_cast %scan3A_600 : i32 to index
      %get3A_676 = arith.constant 64 : index
      %get3A_677 = tpu.vector_load %arg24[%get3A_675, %get3A_676] {strides = array<i32>} : memref<64x128xf32, #tpu.memory_space<vmem>>, vector<1x16xf32>,
      %get3A_678 = vector.shape_cast %get3A_677 : vector<1x16xf32> to vector<16xf32>
      %get3A_679 = arith.index_cast %scan3A_600 : i32 to index
      %get3A_680 = arith.constant 64 : index
      %get3A_681 = tpu.vector_load %arg25[%get3A_679, %get3A_680] {strides = array<i32>} : memref<64x128xf32, #tpu.memory_space<vmem>>, vector<1x16xf32>,
      %get3A_682 = vector.shape_cast %get3A_681 : vector<1x16xf32> to vector<16xf32>
      %add3A_683 = arith.addf %get3A_678, %get3A_682 : vector<16xf32>
      %get3A_684 = arith.index_cast %scan3A_600 : i32 to index
      %get3A_685 = arith.constant 64 : index
      %get3A_686 = tpu.vector_load %arg26[%get3A_684, %get3A_685] {strides = array<i32>} : memref<64x128xf32, #tpu.memory_space<vmem>>, vector<1x16xf32>,
      %get3A_687 = vector.shape_cast %get3A_686 : vector<1x16xf32> to vector<16xf32>
      %sub3A_688 = arith.subf %add3A_683, %get3A_687 : vector<16xf32>
      %swap3A_689 = arith.index_cast %scan3A_600 : i32 to index
      %swap3A_690 = arith.constant 64 : index
      %swap3A_691 = tpu.vector_load %arg24[%swap3A_689, %swap3A_690] {strides = array<i32>} : memref<64x128xf32, #tpu.memory_space<vmem>>, vector<1x16xf32>,
      %swap3A_692 = vector.shape_cast %swap3A_691 : vector<1x16xf32> to vector<16xf32>
      %swap3A_693 = vector.shape_cast %sub3A_688 : vector<16xf32> to vector<1x16xf32>
      tpu.vector_store %arg24[%swap3A_689, %swap3A_690], %swap3A_693 {strides = array<i32>} : memref<64x128xf32, #tpu.memory_space<vmem>>, vector<1x16xf32>,
      %get3A_694 = arith.index_cast %scan3A_600 : i32 to index
      %get3A_695 = arith.constant 80 : index
      %get3A_696 = tpu.vector_load %arg24[%get3A_694, %get3A_695] {strides = array<i32>} : memref<64x128xf32, #tpu.memory_space<vmem>>, vector<1x16xf32>,
      %get3A_697 = vector.shape_cast %get3A_696 : vector<1x16xf32> to vector<16xf32>
      %get3A_698 = arith.index_cast %scan3A_600 : i32 to index
      %get3A_699 = arith.constant 80 : index
      %get3A_700 = tpu.vector_load %arg25[%get3A_698, %get3A_699] {strides = array<i32>} : memref<64x128xf32, #tpu.memory_space<vmem>>, vector<1x16xf32>,
      %get3A_701 = vector.shape_cast %get3A_700 : vector<1x16xf32> to vector<16xf32>
      %add3A_702 = arith.addf %get3A_697, %get3A_701 : vector<16xf32>
      %get3A_703 = arith.index_cast %scan3A_600 : i32 to index
      %get3A_704 = arith.constant 80 : index
      %get3A_705 = tpu.vector_load %arg26[%get3A_703, %get3A_704] {strides = array<i32>} : memref<64x128xf32, #tpu.memory_space<vmem>>, vector<1x16xf32>,
      %get3A_706 = vector.shape_cast %get3A_705 : vector<1x16xf32> to vector<16xf32>
      %sub3A_707 = arith.subf %add3A_702, %get3A_706 : vector<16xf32>
      %swap3A_708 = arith.index_cast %scan3A_600 : i32 to index
      %swap3A_709 = arith.constant 80 : index
      %swap3A_710 = tpu.vector_load %arg24[%swap3A_708, %swap3A_709] {strides = array<i32>} : memref<64x128xf32, #tpu.memory_space<vmem>>, vector<1x16xf32>,
      %swap3A_711 = vector.shape_cast %swap3A_710 : vector<1x16xf32> to vector<16xf32>
      %swap3A_712 = vector.shape_cast %sub3A_707 : vector<16xf32> to vector<1x16xf32>
      tpu.vector_store %arg24[%swap3A_708, %swap3A_709], %swap3A_712 {strides = array<i32>} : memref<64x128xf32, #tpu.memory_space<vmem>>, vector<1x16xf32>,
      %get3A_713 = arith.index_cast %scan3A_600 : i32 to index
      %get3A_714 = arith.constant 96 : index
      %get3A_715 = tpu.vector_load %arg24[%get3A_713, %get3A_714] {strides = array<i32>} : memref<64x128xf32, #tpu.memory_space<vmem>>, vector<1x16xf32>,
      %get3A_716 = vector.shape_cast %get3A_715 : vector<1x16xf32> to vector<16xf32>
      %get3A_717 = arith.index_cast %scan3A_600 : i32 to index
      %get3A_718 = arith.constant 96 : index
      %get3A_719 = tpu.vector_load %arg25[%get3A_717, %get3A_718] {strides = array<i32>} : memref<64x128xf32, #tpu.memory_space<vmem>>, vector<1x16xf32>,
      %get3A_720 = vector.shape_cast %get3A_719 : vector<1x16xf32> to vector<16xf32>
      %add3A_721 = arith.addf %get3A_716, %get3A_720 : vector<16xf32>
      %get3A_722 = arith.index_cast %scan3A_600 : i32 to index
      %get3A_723 = arith.constant 96 : index
      %get3A_724 = tpu.vector_load %arg26[%get3A_722, %get3A_723] {strides = array<i32>} : memref<64x128xf32, #tpu.memory_space<vmem>>, vector<1x16xf32>,
      %get3A_725 = vector.shape_cast %get3A_724 : vector<1x16xf32> to vector<16xf32>
      %sub3A_726 = arith.subf %add3A_721, %get3A_725 : vector<16xf32>
      %swap3A_727 = arith.index_cast %scan3A_600 : i32 to index
      %swap3A_728 = arith.constant 96 : index
      %swap3A_729 = tpu.vector_load %arg24[%swap3A_727, %swap3A_728] {strides = array<i32>} : memref<64x128xf32, #tpu.memory_space<vmem>>, vector<1x16xf32>,
      %swap3A_730 = vector.shape_cast %swap3A_729 : vector<1x16xf32> to vector<16xf32>
      %swap3A_731 = vector.shape_cast %sub3A_726 : vector<16xf32> to vector<1x16xf32>
      tpu.vector_store %arg24[%swap3A_727, %swap3A_728], %swap3A_731 {strides = array<i32>} : memref<64x128xf32, #tpu.memory_space<vmem>>, vector<1x16xf32>,
      %get3A_732 = arith.index_cast %scan3A_600 : i32 to index
      %get3A_733 = arith.constant 112 : index
      %get3A_734 = tpu.vector_load %arg24[%get3A_732, %get3A_733] {strides = array<i32>} : memref<64x128xf32, #tpu.memory_space<vmem>>, vector<1x16xf32>,
      %get3A_735 = vector.shape_cast %get3A_734 : vector<1x16xf32> to vector<16xf32>
      %get3A_736 = arith.index_cast %scan3A_600 : i32 to index
      %get3A_737 = arith.constant 112 : index
      %get3A_738 = tpu.vector_load %arg25[%get3A_736, %get3A_737] {strides = array<i32>} : memref<64x128xf32, #tpu.memory_space<vmem>>, vector<1x16xf32>,
      %get3A_739 = vector.shape_cast %get3A_738 : vector<1x16xf32> to vector<16xf32>
      %add3A_740 = arith.addf %get3A_735, %get3A_739 : vector<16xf32>
      %get3A_741 = arith.index_cast %scan3A_600 : i32 to index
      %get3A_742 = arith.constant 112 : index
      %get3A_743 = tpu.vector_load %arg26[%get3A_741, %get3A_742] {strides = array<i32>} : memref<64x128xf32, #tpu.memory_space<vmem>>, vector<1x16xf32>,
      %get3A_744 = vector.shape_cast %get3A_743 : vector<1x16xf32> to vector<16xf32>
      %sub3A_745 = arith.subf %add3A_740, %get3A_744 : vector<16xf32>
      %swap3A_746 = arith.index_cast %scan3A_600 : i32 to index
      %swap3A_747 = arith.constant 112 : index
      %swap3A_748 = tpu.vector_load %arg24[%swap3A_746, %swap3A_747] {strides = array<i32>} : memref<64x128xf32, #tpu.memory_space<vmem>>, vector<1x16xf32>,
      %swap3A_749 = vector.shape_cast %swap3A_748 : vector<1x16xf32> to vector<16xf32>
      %swap3A_750 = vector.shape_cast %sub3A_745 : vector<16xf32> to vector<1x16xf32>
      tpu.vector_store %arg24[%swap3A_746, %swap3A_747], %swap3A_750 {strides = array<i32>} : memref<64x128xf32, #tpu.memory_space<vmem>>, vector<1x16xf32>,
      %scan3A_751 = arith.constant 0 : i32
      scf.yield %scan3A_751 : i32
    }
    %scan3A_294 = arith.constant 64 : i32
    %dma_start3A_295 = arith.constant 4 : i32
    %dma_start3A_296 = arith.constant 0 : i32
    %dma_start3A_297 = tpu.memref_slice %arg9[%dma_start3A_295, %add3A_224, %dma_start3A_296] : memref<5x8192x128xf32, #tpu.memory_space<hbm>> -> memref<1x64x128xf32, #tpu.memory_space<hbm>>
    %dma_start3A_298 = tpu.memref_squeeze %dma_start3A_297 : memref<1x64x128xf32, #tpu.memory_space<hbm>> -> memref<64x128xf32, #tpu.memory_space<hbm>>
    %dma_start3A_299 = arith.constant 0 : i32
    %dma_start3A_300 = tpu.memref_slice %arg9[%dma_start3A_295, %add3A_224, %dma_start3A_299] : memref<5x8192x128xf32, #tpu.memory_space<hbm>> -> memref<1x64x128xf32, #tpu.memory_space<hbm>>
    %dma_start3A_301 = tpu.memref_squeeze %dma_start3A_300 : memref<1x64x128xf32, #tpu.memory_space<hbm>> -> memref<64x128xf32, #tpu.memory_space<hbm>>
    tpu.enqueue_dma source(%arg24 : memref<64x128xf32, #tpu.memory_space<vmem>>) target(%dma_start3A_301 : memref<64x128xf32, #tpu.memory_space<hbm>>) target_semaphore(%arg38 : memref<!tpu.dma_semaphore, #tpu.memory_space<semaphore_mem>>)
    %dma_wait3A_302 = arith.constant 0 : i32
    %dma_wait3A_303 = arith.constant 0 : i32
    %dma_wait3A_304 = tpu.memref_slice %arg9[%dma_wait3A_302, %add3A_224, %dma_wait3A_303] : memref<5x8192x128xf32, #tpu.memory_space<hbm>> -> memref<1x64x128xf32, #tpu.memory_space<hbm>>
    %dma_wait3A_305 = tpu.memref_squeeze %dma_wait3A_304 : memref<1x64x128xf32, #tpu.memory_space<hbm>> -> memref<64x128xf32, #tpu.memory_space<hbm>>
    %dma_wait3A_306 = arith.constant 0 : i32
    %dma_wait3A_307 = tpu.memref_slice %arg9[%dma_wait3A_302, %add3A_224, %dma_wait3A_306] : memref<5x8192x128xf32, #tpu.memory_space<hbm>> -> memref<1x64x128xf32, #tpu.memory_space<hbm>>
    %dma_wait3A_308 = tpu.memref_squeeze %dma_wait3A_307 : memref<1x64x128xf32, #tpu.memory_space<hbm>> -> memref<64x128xf32, #tpu.memory_space<hbm>>
    tpu.wait_dma2 semaphore(%arg34 : memref<!tpu.dma_semaphore, #tpu.memory_space<semaphore_mem>>) src(%arg20 : memref<64x128xf32, #tpu.memory_space<vmem>>) dst(%dma_wait3A_308 : memref<64x128xf32, #tpu.memory_space<hbm>>)
    %dma_start3A_309 = arith.constant 192 : i32
    %dma_start3A_310 = tpu.memref_slice %arg10[%dma_start3A_309] : memref<256xi32, #tpu.memory_space<vmem>> -> memref<64xi32, #tpu.memory_space<vmem>>
    %dma_start3A_311 = arith.constant 0 : i32
    %dma_start3A_312 = arith.constant 0 : i32
    %dma_start3A_313 = tpu.memref_slice %arg5[%dma_start3A_311, %dma_start3A_312] : memref<100000x128xf32, #tpu.memory_space<hbm>> -> memref<100000x128xf32, #tpu.memory_space<hbm>>
    tpu.enqueue_indirect_dma source(%dma_start3A_313 : memref<100000x128xf32, #tpu.memory_space<hbm>>) target(%arg20 : memref<64x128xf32, #tpu.memory_space<vmem>>) offsets(%dma_start3A_310 : memref<64xi32, #tpu.memory_space<vmem>>) semaphore(%arg34 : memref<!tpu.dma_semaphore, #tpu.memory_space<semaphore_mem>>)
    %dma_wait3A_314 = arith.constant 1 : i32
    %dma_wait3A_315 = arith.constant 0 : i32
    %dma_wait3A_316 = tpu.memref_slice %arg9[%dma_wait3A_314, %add3A_224, %dma_wait3A_315] : memref<5x8192x128xf32, #tpu.memory_space<hbm>> -> memref<1x64x128xf32, #tpu.memory_space<hbm>>
    %dma_wait3A_317 = tpu.memref_squeeze %dma_wait3A_316 : memref<1x64x128xf32, #tpu.memory_space<hbm>> -> memref<64x128xf32, #tpu.memory_space<hbm>>
    %dma_wait3A_318 = arith.constant 0 : i32
    %dma_wait3A_319 = tpu.memref_slice %arg9[%dma_wait3A_314, %add3A_224, %dma_wait3A_318] : memref<5x8192x128xf32, #tpu.memory_space<hbm>> -> memref<1x64x128xf32, #tpu.memory_space<hbm>>
    %dma_wait3A_320 = tpu.memref_squeeze %dma_wait3A_319 : memref<1x64x128xf32, #tpu.memory_space<hbm>> -> memref<64x128xf32, #tpu.memory_space<hbm>>
    tpu.wait_dma2 semaphore(%arg35 : memref<!tpu.dma_semaphore, #tpu.memory_space<semaphore_mem>>) src(%arg21 : memref<64x128xf32, #tpu.memory_space<vmem>>) dst(%dma_wait3A_320 : memref<64x128xf32, #tpu.memory_space<hbm>>)
    %dma_start3A_321 = arith.constant 192 : i32
    %dma_start3A_322 = tpu.memref_slice %arg11[%dma_start3A_321] : memref<256xi32, #tpu.memory_space<vmem>> -> memref<64xi32, #tpu.memory_space<vmem>>
    %dma_start3A_323 = arith.constant 0 : i32
    %dma_start3A_324 = arith.constant 0 : i32
    %dma_start3A_325 = tpu.memref_slice %arg5[%dma_start3A_323, %dma_start3A_324] : memref<100000x128xf32, #tpu.memory_space<hbm>> -> memref<100000x128xf32, #tpu.memory_space<hbm>>
    tpu.enqueue_indirect_dma source(%dma_start3A_325 : memref<100000x128xf32, #tpu.memory_space<hbm>>) target(%arg21 : memref<64x128xf32, #tpu.memory_space<vmem>>) offsets(%dma_start3A_322 : memref<64xi32, #tpu.memory_space<vmem>>) semaphore(%arg35 : memref<!tpu.dma_semaphore, #tpu.memory_space<semaphore_mem>>)
    %dma_wait3A_326 = arith.constant 2 : i32
    %dma_wait3A_327 = arith.constant 0 : i32
    %dma_wait3A_328 = tpu.memref_slice %arg9[%dma_wait3A_326, %add3A_224, %dma_wait3A_327] : memref<5x8192x128xf32, #tpu.memory_space<hbm>> -> memref<1x64x128xf32, #tpu.memory_space<hbm>>
    %dma_wait3A_329 = tpu.memref_squeeze %dma_wait3A_328 : memref<1x64x128xf32, #tpu.memory_space<hbm>> -> memref<64x128xf32, #tpu.memory_space<hbm>>
    %dma_wait3A_330 = arith.constant 0 : i32
    %dma_wait3A_331 = tpu.memref_slice %arg9[%dma_wait3A_326, %add3A_224, %dma_wait3A_330] : memref<5x8192x128xf32, #tpu.memory_space<hbm>> -> memref<1x64x128xf32, #tpu.memory_space<hbm>>
    %dma_wait3A_332 = tpu.memref_squeeze %dma_wait3A_331 : memref<1x64x128xf32, #tpu.memory_space<hbm>> -> memref<64x128xf32, #tpu.memory_space<hbm>>
    tpu.wait_dma2 semaphore(%arg36 : memref<!tpu.dma_semaphore, #tpu.memory_space<semaphore_mem>>) src(%arg22 : memref<64x128xf32, #tpu.memory_space<vmem>>) dst(%dma_wait3A_332 : memref<64x128xf32, #tpu.memory_space<hbm>>)
    %dma_start3A_333 = arith.constant 192 : i32
    %dma_start3A_334 = tpu.memref_slice %arg10[%dma_start3A_333] : memref<256xi32, #tpu.memory_space<vmem>> -> memref<64xi32, #tpu.memory_space<vmem>>
    %dma_start3A_335 = arith.constant 0 : i32
    %dma_start3A_336 = arith.constant 0 : i32
    %dma_start3A_337 = tpu.memref_slice %arg6[%dma_start3A_335, %dma_start3A_336] : memref<100000x128xf32, #tpu.memory_space<hbm>> -> memref<100000x128xf32, #tpu.memory_space<hbm>>
    tpu.enqueue_indirect_dma source(%dma_start3A_337 : memref<100000x128xf32, #tpu.memory_space<hbm>>) target(%arg22 : memref<64x128xf32, #tpu.memory_space<vmem>>) offsets(%dma_start3A_334 : memref<64xi32, #tpu.memory_space<vmem>>) semaphore(%arg36 : memref<!tpu.dma_semaphore, #tpu.memory_space<semaphore_mem>>)
    %dma_wait3A_338 = arith.constant 3 : i32
    %dma_wait3A_339 = arith.constant 0 : i32
    %dma_wait3A_340 = tpu.memref_slice %arg9[%dma_wait3A_338, %add3A_224, %dma_wait3A_339] : memref<5x8192x128xf32, #tpu.memory_space<hbm>> -> memref<1x64x128xf32, #tpu.memory_space<hbm>>
    %dma_wait3A_341 = tpu.memref_squeeze %dma_wait3A_340 : memref<1x64x128xf32, #tpu.memory_space<hbm>> -> memref<64x128xf32, #tpu.memory_space<hbm>>
    %dma_wait3A_342 = arith.constant 0 : i32
    %dma_wait3A_343 = tpu.memref_slice %arg9[%dma_wait3A_338, %add3A_224, %dma_wait3A_342] : memref<5x8192x128xf32, #tpu.memory_space<hbm>> -> memref<1x64x128xf32, #tpu.memory_space<hbm>>
    %dma_wait3A_344 = tpu.memref_squeeze %dma_wait3A_343 : memref<1x64x128xf32, #tpu.memory_space<hbm>> -> memref<64x128xf32, #tpu.memory_space<hbm>>
    tpu.wait_dma2 semaphore(%arg37 : memref<!tpu.dma_semaphore, #tpu.memory_space<semaphore_mem>>) src(%arg23 : memref<64x128xf32, #tpu.memory_space<vmem>>) dst(%dma_wait3A_344 : memref<64x128xf32, #tpu.memory_space<hbm>>)
    %dma_start3A_345 = arith.constant 192 : i32
    %dma_start3A_346 = tpu.memref_slice %arg11[%dma_start3A_345] : memref<256xi32, #tpu.memory_space<vmem>> -> memref<64xi32, #tpu.memory_space<vmem>>
    %dma_start3A_347 = arith.constant 0 : i32
    %dma_start3A_348 = arith.constant 0 : i32
    %dma_start3A_349 = tpu.memref_slice %arg6[%dma_start3A_347, %dma_start3A_348] : memref<100000x128xf32, #tpu.memory_space<hbm>> -> memref<100000x128xf32, #tpu.memory_space<hbm>>
    tpu.enqueue_indirect_dma source(%dma_start3A_349 : memref<100000x128xf32, #tpu.memory_space<hbm>>) target(%arg23 : memref<64x128xf32, #tpu.memory_space<vmem>>) offsets(%dma_start3A_346 : memref<64xi32, #tpu.memory_space<vmem>>) semaphore(%arg37 : memref<!tpu.dma_semaphore, #tpu.memory_space<semaphore_mem>>)
    %dma_wait3A_350 = arith.constant 4 : i32
    %dma_wait3A_351 = arith.constant 0 : i32
    %dma_wait3A_352 = tpu.memref_slice %arg9[%dma_wait3A_350, %add3A_224, %dma_wait3A_351] : memref<5x8192x128xf32, #tpu.memory_space<hbm>> -> memref<1x64x128xf32, #tpu.memory_space<hbm>>
    %dma_wait3A_353 = tpu.memref_squeeze %dma_wait3A_352 : memref<1x64x128xf32, #tpu.memory_space<hbm>> -> memref<64x128xf32, #tpu.memory_space<hbm>>
    %dma_wait3A_354 = arith.constant 0 : i32
    %dma_wait3A_355 = tpu.memref_slice %arg9[%dma_wait3A_350, %add3A_224, %dma_wait3A_354] : memref<5x8192x128xf32, #tpu.memory_space<hbm>> -> memref<1x64x128xf32, #tpu.memory_space<hbm>>
    %dma_wait3A_356 = tpu.memref_squeeze %dma_wait3A_355 : memref<1x64x128xf32, #tpu.memory_space<hbm>> -> memref<64x128xf32, #tpu.memory_space<hbm>>
    tpu.wait_dma2 semaphore(%arg38 : memref<!tpu.dma_semaphore, #tpu.memory_space<semaphore_mem>>) src(%arg24 : memref<64x128xf32, #tpu.memory_space<vmem>>) dst(%dma_wait3A_356 : memref<64x128xf32, #tpu.memory_space<hbm>>)
    %dma_start3A_357 = arith.constant 192 : i32
    %dma_start3A_358 = tpu.memref_slice %arg10[%dma_start3A_357] : memref<256xi32, #tpu.memory_space<vmem>> -> memref<64xi32, #tpu.memory_space<vmem>>
    %dma_start3A_359 = arith.constant 0 : i32
    %dma_start3A_360 = arith.constant 0 : i32
    %dma_start3A_361 = tpu.memref_slice %arg7[%dma_start3A_359, %dma_start3A_360] : memref<100000x128xf32, #tpu.memory_space<hbm>> -> memref<100000x128xf32, #tpu.memory_space<hbm>>
    tpu.enqueue_indirect_dma source(%dma_start3A_361 : memref<100000x128xf32, #tpu.memory_space<hbm>>) target(%arg24 : memref<64x128xf32, #tpu.memory_space<vmem>>) offsets(%dma_start3A_358 : memref<64xi32, #tpu.memory_space<vmem>>) semaphore(%arg38 : memref<!tpu.dma_semaphore, #tpu.memory_space<semaphore_mem>>)
    %dma_start3A_362 = arith.constant 192 : i32
    %dma_start3A_363 = tpu.memref_slice %arg12[%dma_start3A_362] : memref<256xi32, #tpu.memory_space<vmem>> -> memref<64xi32, #tpu.memory_space<vmem>>
    %dma_start3A_364 = arith.constant 0 : i32
    %dma_start3A_365 = arith.constant 0 : i32
    %dma_start3A_366 = tpu.memref_slice %arg8[%dma_start3A_364, %dma_start3A_365] : memref<1000x128xf32, #tpu.memory_space<hbm>> -> memref<1000x128xf32, #tpu.memory_space<hbm>>
    tpu.enqueue_indirect_dma source(%dma_start3A_366 : memref<1000x128xf32, #tpu.memory_space<hbm>>) target(%arg25 : memref<64x128xf32, #tpu.memory_space<vmem>>) offsets(%dma_start3A_363 : memref<64xi32, #tpu.memory_space<vmem>>) semaphore(%arg39 : memref<!tpu.dma_semaphore, #tpu.memory_space<semaphore_mem>>)
    %dma_start3A_367 = arith.constant 192 : i32
    %dma_start3A_368 = tpu.memref_slice %arg11[%dma_start3A_367] : memref<256xi32, #tpu.memory_space<vmem>> -> memref<64xi32, #tpu.memory_space<vmem>>
    %dma_start3A_369 = arith.constant 0 : i32
    %dma_start3A_370 = arith.constant 0 : i32
    %dma_start3A_371 = tpu.memref_slice %arg7[%dma_start3A_369, %dma_start3A_370] : memref<100000x128xf32, #tpu.memory_space<hbm>> -> memref<100000x128xf32, #tpu.memory_space<hbm>>
    tpu.enqueue_indirect_dma source(%dma_start3A_371 : memref<100000x128xf32, #tpu.memory_space<hbm>>) target(%arg26 : memref<64x128xf32, #tpu.memory_space<vmem>>) offsets(%dma_start3A_368 : memref<64xi32, #tpu.memory_space<vmem>>) semaphore(%arg40 : memref<!tpu.dma_semaphore, #tpu.memory_space<semaphore_mem>>)
    %add3A_372 = arith.constant 128 : i32
    %add3A_373 = arith.addi %mul3A_2, %add3A_372 : i32
    %dma_wait3A_374 = arith.constant 128 : i32
    %dma_wait3A_375 = tpu.memref_slice %arg10[%dma_wait3A_374] : memref<256xi32, #tpu.memory_space<vmem>> -> memref<64xi32, #tpu.memory_space<vmem>>
    %dma_wait3A_376 = arith.constant 0 : i32
    %dma_wait3A_377 = arith.constant 0 : i32
    %dma_wait3A_378 = tpu.memref_slice %arg5[%dma_wait3A_376, %dma_wait3A_377] : memref<100000x128xf32, #tpu.memory_space<hbm>> -> memref<100000x128xf32, #tpu.memory_space<hbm>>
    tpu.wait_indirect_dma semaphore(%arg27 : memref<!tpu.dma_semaphore, #tpu.memory_space<semaphore_mem>>) src(%dma_wait3A_378 : memref<100000x128xf32, #tpu.memory_space<hbm>>) dst(%arg13 : memref<64x128xf32, #tpu.memory_space<vmem>>)
    %dma_start3A_379 = arith.constant 0 : i32
    %dma_start3A_380 = arith.constant 0 : i32
    %dma_start3A_381 = tpu.memref_slice %arg9[%dma_start3A_379, %add3A_373, %dma_start3A_380] : memref<5x8192x128xf32, #tpu.memory_space<hbm>> -> memref<1x64x128xf32, #tpu.memory_space<hbm>>
    %dma_start3A_382 = tpu.memref_squeeze %dma_start3A_381 : memref<1x64x128xf32, #tpu.memory_space<hbm>> -> memref<64x128xf32, #tpu.memory_space<hbm>>
    %dma_start3A_383 = arith.constant 0 : i32
    %dma_start3A_384 = tpu.memref_slice %arg9[%dma_start3A_379, %add3A_373, %dma_start3A_383] : memref<5x8192x128xf32, #tpu.memory_space<hbm>> -> memref<1x64x128xf32, #tpu.memory_space<hbm>>
    %dma_start3A_385 = tpu.memref_squeeze %dma_start3A_384 : memref<1x64x128xf32, #tpu.memory_space<hbm>> -> memref<64x128xf32, #tpu.memory_space<hbm>>
    tpu.enqueue_dma source(%arg13 : memref<64x128xf32, #tpu.memory_space<vmem>>) target(%dma_start3A_385 : memref<64x128xf32, #tpu.memory_space<hbm>>) target_semaphore(%arg27 : memref<!tpu.dma_semaphore, #tpu.memory_space<semaphore_mem>>)
    %dma_wait3A_386 = arith.constant 128 : i32
    %dma_wait3A_387 = tpu.memref_slice %arg11[%dma_wait3A_386] : memref<256xi32, #tpu.memory_space<vmem>> -> memref<64xi32, #tpu.memory_space<vmem>>
    %dma_wait3A_388 = arith.constant 0 : i32
    %dma_wait3A_389 = arith.constant 0 : i32
    %dma_wait3A_390 = tpu.memref_slice %arg5[%dma_wait3A_388, %dma_wait3A_389] : memref<100000x128xf32, #tpu.memory_space<hbm>> -> memref<100000x128xf32, #tpu.memory_space<hbm>>
    tpu.wait_indirect_dma semaphore(%arg28 : memref<!tpu.dma_semaphore, #tpu.memory_space<semaphore_mem>>) src(%dma_wait3A_390 : memref<100000x128xf32, #tpu.memory_space<hbm>>) dst(%arg14 : memref<64x128xf32, #tpu.memory_space<vmem>>)
    %dma_start3A_391 = arith.constant 1 : i32
    %dma_start3A_392 = arith.constant 0 : i32
    %dma_start3A_393 = tpu.memref_slice %arg9[%dma_start3A_391, %add3A_373, %dma_start3A_392] : memref<5x8192x128xf32, #tpu.memory_space<hbm>> -> memref<1x64x128xf32, #tpu.memory_space<hbm>>
    %dma_start3A_394 = tpu.memref_squeeze %dma_start3A_393 : memref<1x64x128xf32, #tpu.memory_space<hbm>> -> memref<64x128xf32, #tpu.memory_space<hbm>>
    %dma_start3A_395 = arith.constant 0 : i32
    %dma_start3A_396 = tpu.memref_slice %arg9[%dma_start3A_391, %add3A_373, %dma_start3A_395] : memref<5x8192x128xf32, #tpu.memory_space<hbm>> -> memref<1x64x128xf32, #tpu.memory_space<hbm>>
    %dma_start3A_397 = tpu.memref_squeeze %dma_start3A_396 : memref<1x64x128xf32, #tpu.memory_space<hbm>> -> memref<64x128xf32, #tpu.memory_space<hbm>>
    tpu.enqueue_dma source(%arg14 : memref<64x128xf32, #tpu.memory_space<vmem>>) target(%dma_start3A_397 : memref<64x128xf32, #tpu.memory_space<hbm>>) target_semaphore(%arg28 : memref<!tpu.dma_semaphore, #tpu.memory_space<semaphore_mem>>)
    %dma_wait3A_398 = arith.constant 128 : i32
    %dma_wait3A_399 = tpu.memref_slice %arg10[%dma_wait3A_398] : memref<256xi32, #tpu.memory_space<vmem>> -> memref<64xi32, #tpu.memory_space<vmem>>
    %dma_wait3A_400 = arith.constant 0 : i32
    %dma_wait3A_401 = arith.constant 0 : i32
    %dma_wait3A_402 = tpu.memref_slice %arg6[%dma_wait3A_400, %dma_wait3A_401] : memref<100000x128xf32, #tpu.memory_space<hbm>> -> memref<100000x128xf32, #tpu.memory_space<hbm>>
    tpu.wait_indirect_dma semaphore(%arg29 : memref<!tpu.dma_semaphore, #tpu.memory_space<semaphore_mem>>) src(%dma_wait3A_402 : memref<100000x128xf32, #tpu.memory_space<hbm>>) dst(%arg15 : memref<64x128xf32, #tpu.memory_space<vmem>>)
    %dma_start3A_403 = arith.constant 2 : i32
    %dma_start3A_404 = arith.constant 0 : i32
    %dma_start3A_405 = tpu.memref_slice %arg9[%dma_start3A_403, %add3A_373, %dma_start3A_404] : memref<5x8192x128xf32, #tpu.memory_space<hbm>> -> memref<1x64x128xf32, #tpu.memory_space<hbm>>
    %dma_start3A_406 = tpu.memref_squeeze %dma_start3A_405 : memref<1x64x128xf32, #tpu.memory_space<hbm>> -> memref<64x128xf32, #tpu.memory_space<hbm>>
    %dma_start3A_407 = arith.constant 0 : i32
    %dma_start3A_408 = tpu.memref_slice %arg9[%dma_start3A_403, %add3A_373, %dma_start3A_407] : memref<5x8192x128xf32, #tpu.memory_space<hbm>> -> memref<1x64x128xf32, #tpu.memory_space<hbm>>
    %dma_start3A_409 = tpu.memref_squeeze %dma_start3A_408 : memref<1x64x128xf32, #tpu.memory_space<hbm>> -> memref<64x128xf32, #tpu.memory_space<hbm>>
    tpu.enqueue_dma source(%arg15 : memref<64x128xf32, #tpu.memory_space<vmem>>) target(%dma_start3A_409 : memref<64x128xf32, #tpu.memory_space<hbm>>) target_semaphore(%arg29 : memref<!tpu.dma_semaphore, #tpu.memory_space<semaphore_mem>>)
    %dma_wait3A_410 = arith.constant 128 : i32
    %dma_wait3A_411 = tpu.memref_slice %arg11[%dma_wait3A_410] : memref<256xi32, #tpu.memory_space<vmem>> -> memref<64xi32, #tpu.memory_space<vmem>>
    %dma_wait3A_412 = arith.constant 0 : i32
    %dma_wait3A_413 = arith.constant 0 : i32
    %dma_wait3A_414 = tpu.memref_slice %arg6[%dma_wait3A_412, %dma_wait3A_413] : memref<100000x128xf32, #tpu.memory_space<hbm>> -> memref<100000x128xf32, #tpu.memory_space<hbm>>
    tpu.wait_indirect_dma semaphore(%arg30 : memref<!tpu.dma_semaphore, #tpu.memory_space<semaphore_mem>>) src(%dma_wait3A_414 : memref<100000x128xf32, #tpu.memory_space<hbm>>) dst(%arg16 : memref<64x128xf32, #tpu.memory_space<vmem>>)
    %dma_start3A_415 = arith.constant 3 : i32
    %dma_start3A_416 = arith.constant 0 : i32
    %dma_start3A_417 = tpu.memref_slice %arg9[%dma_start3A_415, %add3A_373, %dma_start3A_416] : memref<5x8192x128xf32, #tpu.memory_space<hbm>> -> memref<1x64x128xf32, #tpu.memory_space<hbm>>
    %dma_start3A_418 = tpu.memref_squeeze %dma_start3A_417 : memref<1x64x128xf32, #tpu.memory_space<hbm>> -> memref<64x128xf32, #tpu.memory_space<hbm>>
    %dma_start3A_419 = arith.constant 0 : i32
    %dma_start3A_420 = tpu.memref_slice %arg9[%dma_start3A_415, %add3A_373, %dma_start3A_419] : memref<5x8192x128xf32, #tpu.memory_space<hbm>> -> memref<1x64x128xf32, #tpu.memory_space<hbm>>
    %dma_start3A_421 = tpu.memref_squeeze %dma_start3A_420 : memref<1x64x128xf32, #tpu.memory_space<hbm>> -> memref<64x128xf32, #tpu.memory_space<hbm>>
    tpu.enqueue_dma source(%arg16 : memref<64x128xf32, #tpu.memory_space<vmem>>) target(%dma_start3A_421 : memref<64x128xf32, #tpu.memory_space<hbm>>) target_semaphore(%arg30 : memref<!tpu.dma_semaphore, #tpu.memory_space<semaphore_mem>>)
    %dma_wait3A_422 = arith.constant 128 : i32
    %dma_wait3A_423 = tpu.memref_slice %arg10[%dma_wait3A_422] : memref<256xi32, #tpu.memory_space<vmem>> -> memref<64xi32, #tpu.memory_space<vmem>>
    %dma_wait3A_424 = arith.constant 0 : i32
    %dma_wait3A_425 = arith.constant 0 : i32
    %dma_wait3A_426 = tpu.memref_slice %arg7[%dma_wait3A_424, %dma_wait3A_425] : memref<100000x128xf32, #tpu.memory_space<hbm>> -> memref<100000x128xf32, #tpu.memory_space<hbm>>
    tpu.wait_indirect_dma semaphore(%arg31 : memref<!tpu.dma_semaphore, #tpu.memory_space<semaphore_mem>>) src(%dma_wait3A_426 : memref<100000x128xf32, #tpu.memory_space<hbm>>) dst(%arg17 : memref<64x128xf32, #tpu.memory_space<vmem>>)
    %dma_wait3A_427 = arith.constant 128 : i32
    %dma_wait3A_428 = tpu.memref_slice %arg12[%dma_wait3A_427] : memref<256xi32, #tpu.memory_space<vmem>> -> memref<64xi32, #tpu.memory_space<vmem>>
    %dma_wait3A_429 = arith.constant 0 : i32
    %dma_wait3A_430 = arith.constant 0 : i32
    %dma_wait3A_431 = tpu.memref_slice %arg8[%dma_wait3A_429, %dma_wait3A_430] : memref<1000x128xf32, #tpu.memory_space<hbm>> -> memref<1000x128xf32, #tpu.memory_space<hbm>>
    tpu.wait_indirect_dma semaphore(%arg32 : memref<!tpu.dma_semaphore, #tpu.memory_space<semaphore_mem>>) src(%dma_wait3A_431 : memref<1000x128xf32, #tpu.memory_space<hbm>>) dst(%arg18 : memref<64x128xf32, #tpu.memory_space<vmem>>)
    %dma_wait3A_432 = arith.constant 128 : i32
    %dma_wait3A_433 = tpu.memref_slice %arg11[%dma_wait3A_432] : memref<256xi32, #tpu.memory_space<vmem>> -> memref<64xi32, #tpu.memory_space<vmem>>
    %dma_wait3A_434 = arith.constant 0 : i32
    %dma_wait3A_435 = arith.constant 0 : i32
    %dma_wait3A_436 = tpu.memref_slice %arg7[%dma_wait3A_434, %dma_wait3A_435] : memref<100000x128xf32, #tpu.memory_space<hbm>> -> memref<100000x128xf32, #tpu.memory_space<hbm>>
    tpu.wait_indirect_dma semaphore(%arg33 : memref<!tpu.dma_semaphore, #tpu.memory_space<semaphore_mem>>) src(%dma_wait3A_436 : memref<100000x128xf32, #tpu.memory_space<hbm>>) dst(%arg19 : memref<64x128xf32, #tpu.memory_space<vmem>>)
    %scan3A_437 = arith.constant 0 : i32
    %scan3A_438 = arith.constant 0 : i32
    %scan3A_439 = arith.constant 64 : i32
    %scan3A_440 = arith.addi %scan3A_438, %scan3A_439 : i32
    %scan3A_441 = arith.constant 1 : i32
    %scan3A_442 = scf.for %scan3A_600 = %scan3A_438 to %scan3A_440 step %scan3A_441 iter_args(%scan3A_601 = %scan3A_437) -> (i32)  : i32 {
      %get3A = arith.index_cast %scan3A_600 : i32 to index
      %get3A_602 = arith.constant 0 : index
      %get3A_603 = tpu.vector_load %arg17[%get3A, %get3A_602] {strides = array<i32>} : memref<64x128xf32, #tpu.memory_space<vmem>>, vector<1x16xf32>,
      %get3A_604 = vector.shape_cast %get3A_603 : vector<1x16xf32> to vector<16xf32>
      %get3A_605 = arith.index_cast %scan3A_600 : i32 to index
      %get3A_606 = arith.constant 0 : index
      %get3A_607 = tpu.vector_load %arg18[%get3A_605, %get3A_606] {strides = array<i32>} : memref<64x128xf32, #tpu.memory_space<vmem>>, vector<1x16xf32>,
      %get3A_608 = vector.shape_cast %get3A_607 : vector<1x16xf32> to vector<16xf32>
      %add3A_609 = arith.addf %get3A_604, %get3A_608 : vector<16xf32>
      %get3A_610 = arith.index_cast %scan3A_600 : i32 to index
      %get3A_611 = arith.constant 0 : index
      %get3A_612 = tpu.vector_load %arg19[%get3A_610, %get3A_611] {strides = array<i32>} : memref<64x128xf32, #tpu.memory_space<vmem>>, vector<1x16xf32>,
      %get3A_613 = vector.shape_cast %get3A_612 : vector<1x16xf32> to vector<16xf32>
      %sub3A = arith.subf %add3A_609, %get3A_613 : vector<16xf32>
      %swap3A = arith.index_cast %scan3A_600 : i32 to index
      %swap3A_614 = arith.constant 0 : index
      %swap3A_615 = tpu.vector_load %arg17[%swap3A, %swap3A_614] {strides = array<i32>} : memref<64x128xf32, #tpu.memory_space<vmem>>, vector<1x16xf32>,
      %swap3A_616 = vector.shape_cast %swap3A_615 : vector<1x16xf32> to vector<16xf32>
      %swap3A_617 = vector.shape_cast %sub3A : vector<16xf32> to vector<1x16xf32>
      tpu.vector_store %arg17[%swap3A, %swap3A_614], %swap3A_617 {strides = array<i32>} : memref<64x128xf32, #tpu.memory_space<vmem>>, vector<1x16xf32>,
      %get3A_618 = arith.index_cast %scan3A_600 : i32 to index
      %get3A_619 = arith.constant 16 : index
      %get3A_620 = tpu.vector_load %arg17[%get3A_618, %get3A_619] {strides = array<i32>} : memref<64x128xf32, #tpu.memory_space<vmem>>, vector<1x16xf32>,
      %get3A_621 = vector.shape_cast %get3A_620 : vector<1x16xf32> to vector<16xf32>
      %get3A_622 = arith.index_cast %scan3A_600 : i32 to index
      %get3A_623 = arith.constant 16 : index
      %get3A_624 = tpu.vector_load %arg18[%get3A_622, %get3A_623] {strides = array<i32>} : memref<64x128xf32, #tpu.memory_space<vmem>>, vector<1x16xf32>,
      %get3A_625 = vector.shape_cast %get3A_624 : vector<1x16xf32> to vector<16xf32>
      %add3A_626 = arith.addf %get3A_621, %get3A_625 : vector<16xf32>
      %get3A_627 = arith.index_cast %scan3A_600 : i32 to index
      %get3A_628 = arith.constant 16 : index
      %get3A_629 = tpu.vector_load %arg19[%get3A_627, %get3A_628] {strides = array<i32>} : memref<64x128xf32, #tpu.memory_space<vmem>>, vector<1x16xf32>,
      %get3A_630 = vector.shape_cast %get3A_629 : vector<1x16xf32> to vector<16xf32>
      %sub3A_631 = arith.subf %add3A_626, %get3A_630 : vector<16xf32>
      %swap3A_632 = arith.index_cast %scan3A_600 : i32 to index
      %swap3A_633 = arith.constant 16 : index
      %swap3A_634 = tpu.vector_load %arg17[%swap3A_632, %swap3A_633] {strides = array<i32>} : memref<64x128xf32, #tpu.memory_space<vmem>>, vector<1x16xf32>,
      %swap3A_635 = vector.shape_cast %swap3A_634 : vector<1x16xf32> to vector<16xf32>
      %swap3A_636 = vector.shape_cast %sub3A_631 : vector<16xf32> to vector<1x16xf32>
      tpu.vector_store %arg17[%swap3A_632, %swap3A_633], %swap3A_636 {strides = array<i32>} : memref<64x128xf32, #tpu.memory_space<vmem>>, vector<1x16xf32>,
      %get3A_637 = arith.index_cast %scan3A_600 : i32 to index
      %get3A_638 = arith.constant 32 : index
      %get3A_639 = tpu.vector_load %arg17[%get3A_637, %get3A_638] {strides = array<i32>} : memref<64x128xf32, #tpu.memory_space<vmem>>, vector<1x16xf32>,
      %get3A_640 = vector.shape_cast %get3A_639 : vector<1x16xf32> to vector<16xf32>
      %get3A_641 = arith.index_cast %scan3A_600 : i32 to index
      %get3A_642 = arith.constant 32 : index
      %get3A_643 = tpu.vector_load %arg18[%get3A_641, %get3A_642] {strides = array<i32>} : memref<64x128xf32, #tpu.memory_space<vmem>>, vector<1x16xf32>,
      %get3A_644 = vector.shape_cast %get3A_643 : vector<1x16xf32> to vector<16xf32>
      %add3A_645 = arith.addf %get3A_640, %get3A_644 : vector<16xf32>
      %get3A_646 = arith.index_cast %scan3A_600 : i32 to index
      %get3A_647 = arith.constant 32 : index
      %get3A_648 = tpu.vector_load %arg19[%get3A_646, %get3A_647] {strides = array<i32>} : memref<64x128xf32, #tpu.memory_space<vmem>>, vector<1x16xf32>,
      %get3A_649 = vector.shape_cast %get3A_648 : vector<1x16xf32> to vector<16xf32>
      %sub3A_650 = arith.subf %add3A_645, %get3A_649 : vector<16xf32>
      %swap3A_651 = arith.index_cast %scan3A_600 : i32 to index
      %swap3A_652 = arith.constant 32 : index
      %swap3A_653 = tpu.vector_load %arg17[%swap3A_651, %swap3A_652] {strides = array<i32>} : memref<64x128xf32, #tpu.memory_space<vmem>>, vector<1x16xf32>,
      %swap3A_654 = vector.shape_cast %swap3A_653 : vector<1x16xf32> to vector<16xf32>
      %swap3A_655 = vector.shape_cast %sub3A_650 : vector<16xf32> to vector<1x16xf32>
      tpu.vector_store %arg17[%swap3A_651, %swap3A_652], %swap3A_655 {strides = array<i32>} : memref<64x128xf32, #tpu.memory_space<vmem>>, vector<1x16xf32>,
      %get3A_656 = arith.index_cast %scan3A_600 : i32 to index
      %get3A_657 = arith.constant 48 : index
      %get3A_658 = tpu.vector_load %arg17[%get3A_656, %get3A_657] {strides = array<i32>} : memref<64x128xf32, #tpu.memory_space<vmem>>, vector<1x16xf32>,
      %get3A_659 = vector.shape_cast %get3A_658 : vector<1x16xf32> to vector<16xf32>
      %get3A_660 = arith.index_cast %scan3A_600 : i32 to index
      %get3A_661 = arith.constant 48 : index
      %get3A_662 = tpu.vector_load %arg18[%get3A_660, %get3A_661] {strides = array<i32>} : memref<64x128xf32, #tpu.memory_space<vmem>>, vector<1x16xf32>,
      %get3A_663 = vector.shape_cast %get3A_662 : vector<1x16xf32> to vector<16xf32>
      %add3A_664 = arith.addf %get3A_659, %get3A_663 : vector<16xf32>
      %get3A_665 = arith.index_cast %scan3A_600 : i32 to index
      %get3A_666 = arith.constant 48 : index
      %get3A_667 = tpu.vector_load %arg19[%get3A_665, %get3A_666] {strides = array<i32>} : memref<64x128xf32, #tpu.memory_space<vmem>>, vector<1x16xf32>,
      %get3A_668 = vector.shape_cast %get3A_667 : vector<1x16xf32> to vector<16xf32>
      %sub3A_669 = arith.subf %add3A_664, %get3A_668 : vector<16xf32>
      %swap3A_670 = arith.index_cast %scan3A_600 : i32 to index
      %swap3A_671 = arith.constant 48 : index
      %swap3A_672 = tpu.vector_load %arg17[%swap3A_670, %swap3A_671] {strides = array<i32>} : memref<64x128xf32, #tpu.memory_space<vmem>>, vector<1x16xf32>,
      %swap3A_673 = vector.shape_cast %swap3A_672 : vector<1x16xf32> to vector<16xf32>
      %swap3A_674 = vector.shape_cast %sub3A_669 : vector<16xf32> to vector<1x16xf32>
      tpu.vector_store %arg17[%swap3A_670, %swap3A_671], %swap3A_674 {strides = array<i32>} : memref<64x128xf32, #tpu.memory_space<vmem>>, vector<1x16xf32>,
      %get3A_675 = arith.index_cast %scan3A_600 : i32 to index
      %get3A_676 = arith.constant 64 : index
      %get3A_677 = tpu.vector_load %arg17[%get3A_675, %get3A_676] {strides = array<i32>} : memref<64x128xf32, #tpu.memory_space<vmem>>, vector<1x16xf32>,
      %get3A_678 = vector.shape_cast %get3A_677 : vector<1x16xf32> to vector<16xf32>
      %get3A_679 = arith.index_cast %scan3A_600 : i32 to index
      %get3A_680 = arith.constant 64 : index
      %get3A_681 = tpu.vector_load %arg18[%get3A_679, %get3A_680] {strides = array<i32>} : memref<64x128xf32, #tpu.memory_space<vmem>>, vector<1x16xf32>,
      %get3A_682 = vector.shape_cast %get3A_681 : vector<1x16xf32> to vector<16xf32>
      %add3A_683 = arith.addf %get3A_678, %get3A_682 : vector<16xf32>
      %get3A_684 = arith.index_cast %scan3A_600 : i32 to index
      %get3A_685 = arith.constant 64 : index
      %get3A_686 = tpu.vector_load %arg19[%get3A_684, %get3A_685] {strides = array<i32>} : memref<64x128xf32, #tpu.memory_space<vmem>>, vector<1x16xf32>,
      %get3A_687 = vector.shape_cast %get3A_686 : vector<1x16xf32> to vector<16xf32>
      %sub3A_688 = arith.subf %add3A_683, %get3A_687 : vector<16xf32>
      %swap3A_689 = arith.index_cast %scan3A_600 : i32 to index
      %swap3A_690 = arith.constant 64 : index
      %swap3A_691 = tpu.vector_load %arg17[%swap3A_689, %swap3A_690] {strides = array<i32>} : memref<64x128xf32, #tpu.memory_space<vmem>>, vector<1x16xf32>,
      %swap3A_692 = vector.shape_cast %swap3A_691 : vector<1x16xf32> to vector<16xf32>
      %swap3A_693 = vector.shape_cast %sub3A_688 : vector<16xf32> to vector<1x16xf32>
      tpu.vector_store %arg17[%swap3A_689, %swap3A_690], %swap3A_693 {strides = array<i32>} : memref<64x128xf32, #tpu.memory_space<vmem>>, vector<1x16xf32>,
      %get3A_694 = arith.index_cast %scan3A_600 : i32 to index
      %get3A_695 = arith.constant 80 : index
      %get3A_696 = tpu.vector_load %arg17[%get3A_694, %get3A_695] {strides = array<i32>} : memref<64x128xf32, #tpu.memory_space<vmem>>, vector<1x16xf32>,
      %get3A_697 = vector.shape_cast %get3A_696 : vector<1x16xf32> to vector<16xf32>
      %get3A_698 = arith.index_cast %scan3A_600 : i32 to index
      %get3A_699 = arith.constant 80 : index
      %get3A_700 = tpu.vector_load %arg18[%get3A_698, %get3A_699] {strides = array<i32>} : memref<64x128xf32, #tpu.memory_space<vmem>>, vector<1x16xf32>,
      %get3A_701 = vector.shape_cast %get3A_700 : vector<1x16xf32> to vector<16xf32>
      %add3A_702 = arith.addf %get3A_697, %get3A_701 : vector<16xf32>
      %get3A_703 = arith.index_cast %scan3A_600 : i32 to index
      %get3A_704 = arith.constant 80 : index
      %get3A_705 = tpu.vector_load %arg19[%get3A_703, %get3A_704] {strides = array<i32>} : memref<64x128xf32, #tpu.memory_space<vmem>>, vector<1x16xf32>,
      %get3A_706 = vector.shape_cast %get3A_705 : vector<1x16xf32> to vector<16xf32>
      %sub3A_707 = arith.subf %add3A_702, %get3A_706 : vector<16xf32>
      %swap3A_708 = arith.index_cast %scan3A_600 : i32 to index
      %swap3A_709 = arith.constant 80 : index
      %swap3A_710 = tpu.vector_load %arg17[%swap3A_708, %swap3A_709] {strides = array<i32>} : memref<64x128xf32, #tpu.memory_space<vmem>>, vector<1x16xf32>,
      %swap3A_711 = vector.shape_cast %swap3A_710 : vector<1x16xf32> to vector<16xf32>
      %swap3A_712 = vector.shape_cast %sub3A_707 : vector<16xf32> to vector<1x16xf32>
      tpu.vector_store %arg17[%swap3A_708, %swap3A_709], %swap3A_712 {strides = array<i32>} : memref<64x128xf32, #tpu.memory_space<vmem>>, vector<1x16xf32>,
      %get3A_713 = arith.index_cast %scan3A_600 : i32 to index
      %get3A_714 = arith.constant 96 : index
      %get3A_715 = tpu.vector_load %arg17[%get3A_713, %get3A_714] {strides = array<i32>} : memref<64x128xf32, #tpu.memory_space<vmem>>, vector<1x16xf32>,
      %get3A_716 = vector.shape_cast %get3A_715 : vector<1x16xf32> to vector<16xf32>
      %get3A_717 = arith.index_cast %scan3A_600 : i32 to index
      %get3A_718 = arith.constant 96 : index
      %get3A_719 = tpu.vector_load %arg18[%get3A_717, %get3A_718] {strides = array<i32>} : memref<64x128xf32, #tpu.memory_space<vmem>>, vector<1x16xf32>,
      %get3A_720 = vector.shape_cast %get3A_719 : vector<1x16xf32> to vector<16xf32>
      %add3A_721 = arith.addf %get3A_716, %get3A_720 : vector<16xf32>
      %get3A_722 = arith.index_cast %scan3A_600 : i32 to index
      %get3A_723 = arith.constant 96 : index
      %get3A_724 = tpu.vector_load %arg19[%get3A_722, %get3A_723] {strides = array<i32>} : memref<64x128xf32, #tpu.memory_space<vmem>>, vector<1x16xf32>,
      %get3A_725 = vector.shape_cast %get3A_724 : vector<1x16xf32> to vector<16xf32>
      %sub3A_726 = arith.subf %add3A_721, %get3A_725 : vector<16xf32>
      %swap3A_727 = arith.index_cast %scan3A_600 : i32 to index
      %swap3A_728 = arith.constant 96 : index
      %swap3A_729 = tpu.vector_load %arg17[%swap3A_727, %swap3A_728] {strides = array<i32>} : memref<64x128xf32, #tpu.memory_space<vmem>>, vector<1x16xf32>,
      %swap3A_730 = vector.shape_cast %swap3A_729 : vector<1x16xf32> to vector<16xf32>
      %swap3A_731 = vector.shape_cast %sub3A_726 : vector<16xf32> to vector<1x16xf32>
      tpu.vector_store %arg17[%swap3A_727, %swap3A_728], %swap3A_731 {strides = array<i32>} : memref<64x128xf32, #tpu.memory_space<vmem>>, vector<1x16xf32>,
      %get3A_732 = arith.index_cast %scan3A_600 : i32 to index
      %get3A_733 = arith.constant 112 : index
      %get3A_734 = tpu.vector_load %arg17[%get3A_732, %get3A_733] {strides = array<i32>} : memref<64x128xf32, #tpu.memory_space<vmem>>, vector<1x16xf32>,
      %get3A_735 = vector.shape_cast %get3A_734 : vector<1x16xf32> to vector<16xf32>
      %get3A_736 = arith.index_cast %scan3A_600 : i32 to index
      %get3A_737 = arith.constant 112 : index
      %get3A_738 = tpu.vector_load %arg18[%get3A_736, %get3A_737] {strides = array<i32>} : memref<64x128xf32, #tpu.memory_space<vmem>>, vector<1x16xf32>,
      %get3A_739 = vector.shape_cast %get3A_738 : vector<1x16xf32> to vector<16xf32>
      %add3A_740 = arith.addf %get3A_735, %get3A_739 : vector<16xf32>
      %get3A_741 = arith.index_cast %scan3A_600 : i32 to index
      %get3A_742 = arith.constant 112 : index
      %get3A_743 = tpu.vector_load %arg19[%get3A_741, %get3A_742] {strides = array<i32>} : memref<64x128xf32, #tpu.memory_space<vmem>>, vector<1x16xf32>,
      %get3A_744 = vector.shape_cast %get3A_743 : vector<1x16xf32> to vector<16xf32>
      %sub3A_745 = arith.subf %add3A_740, %get3A_744 : vector<16xf32>
      %swap3A_746 = arith.index_cast %scan3A_600 : i32 to index
      %swap3A_747 = arith.constant 112 : index
      %swap3A_748 = tpu.vector_load %arg17[%swap3A_746, %swap3A_747] {strides = array<i32>} : memref<64x128xf32, #tpu.memory_space<vmem>>, vector<1x16xf32>,
      %swap3A_749 = vector.shape_cast %swap3A_748 : vector<1x16xf32> to vector<16xf32>
      %swap3A_750 = vector.shape_cast %sub3A_745 : vector<16xf32> to vector<1x16xf32>
      tpu.vector_store %arg17[%swap3A_746, %swap3A_747], %swap3A_750 {strides = array<i32>} : memref<64x128xf32, #tpu.memory_space<vmem>>, vector<1x16xf32>,
      %scan3A_751 = arith.constant 0 : i32
      scf.yield %scan3A_751 : i32
    }
    %scan3A_443 = arith.constant 64 : i32
    %dma_start3A_444 = arith.constant 4 : i32
    %dma_start3A_445 = arith.constant 0 : i32
    %dma_start3A_446 = tpu.memref_slice %arg9[%dma_start3A_444, %add3A_373, %dma_start3A_445] : memref<5x8192x128xf32, #tpu.memory_space<hbm>> -> memref<1x64x128xf32, #tpu.memory_space<hbm>>
    %dma_start3A_447 = tpu.memref_squeeze %dma_start3A_446 : memref<1x64x128xf32, #tpu.memory_space<hbm>> -> memref<64x128xf32, #tpu.memory_space<hbm>>
    %dma_start3A_448 = arith.constant 0 : i32
    %dma_start3A_449 = tpu.memref_slice %arg9[%dma_start3A_444, %add3A_373, %dma_start3A_448] : memref<5x8192x128xf32, #tpu.memory_space<hbm>> -> memref<1x64x128xf32, #tpu.memory_space<hbm>>
    %dma_start3A_450 = tpu.memref_squeeze %dma_start3A_449 : memref<1x64x128xf32, #tpu.memory_space<hbm>> -> memref<64x128xf32, #tpu.memory_space<hbm>>
    tpu.enqueue_dma source(%arg17 : memref<64x128xf32, #tpu.memory_space<vmem>>) target(%dma_start3A_450 : memref<64x128xf32, #tpu.memory_space<hbm>>) target_semaphore(%arg31 : memref<!tpu.dma_semaphore, #tpu.memory_space<semaphore_mem>>)
    %add3A_451 = arith.constant 192 : i32
    %add3A_452 = arith.addi %mul3A_2, %add3A_451 : i32
    %dma_wait3A_453 = arith.constant 192 : i32
    %dma_wait3A_454 = tpu.memref_slice %arg10[%dma_wait3A_453] : memref<256xi32, #tpu.memory_space<vmem>> -> memref<64xi32, #tpu.memory_space<vmem>>
    %dma_wait3A_455 = arith.constant 0 : i32
    %dma_wait3A_456 = arith.constant 0 : i32
    %dma_wait3A_457 = tpu.memref_slice %arg5[%dma_wait3A_455, %dma_wait3A_456] : memref<100000x128xf32, #tpu.memory_space<hbm>> -> memref<100000x128xf32, #tpu.memory_space<hbm>>
    tpu.wait_indirect_dma semaphore(%arg34 : memref<!tpu.dma_semaphore, #tpu.memory_space<semaphore_mem>>) src(%dma_wait3A_457 : memref<100000x128xf32, #tpu.memory_space<hbm>>) dst(%arg20 : memref<64x128xf32, #tpu.memory_space<vmem>>)
    %dma_start3A_458 = arith.constant 0 : i32
    %dma_start3A_459 = arith.constant 0 : i32
    %dma_start3A_460 = tpu.memref_slice %arg9[%dma_start3A_458, %add3A_452, %dma_start3A_459] : memref<5x8192x128xf32, #tpu.memory_space<hbm>> -> memref<1x64x128xf32, #tpu.memory_space<hbm>>
    %dma_start3A_461 = tpu.memref_squeeze %dma_start3A_460 : memref<1x64x128xf32, #tpu.memory_space<hbm>> -> memref<64x128xf32, #tpu.memory_space<hbm>>
    %dma_start3A_462 = arith.constant 0 : i32
    %dma_start3A_463 = tpu.memref_slice %arg9[%dma_start3A_458, %add3A_452, %dma_start3A_462] : memref<5x8192x128xf32, #tpu.memory_space<hbm>> -> memref<1x64x128xf32, #tpu.memory_space<hbm>>
    %dma_start3A_464 = tpu.memref_squeeze %dma_start3A_463 : memref<1x64x128xf32, #tpu.memory_space<hbm>> -> memref<64x128xf32, #tpu.memory_space<hbm>>
    tpu.enqueue_dma source(%arg20 : memref<64x128xf32, #tpu.memory_space<vmem>>) target(%dma_start3A_464 : memref<64x128xf32, #tpu.memory_space<hbm>>) target_semaphore(%arg34 : memref<!tpu.dma_semaphore, #tpu.memory_space<semaphore_mem>>)
    %dma_wait3A_465 = arith.constant 192 : i32
    %dma_wait3A_466 = tpu.memref_slice %arg11[%dma_wait3A_465] : memref<256xi32, #tpu.memory_space<vmem>> -> memref<64xi32, #tpu.memory_space<vmem>>
    %dma_wait3A_467 = arith.constant 0 : i32
    %dma_wait3A_468 = arith.constant 0 : i32
    %dma_wait3A_469 = tpu.memref_slice %arg5[%dma_wait3A_467, %dma_wait3A_468] : memref<100000x128xf32, #tpu.memory_space<hbm>> -> memref<100000x128xf32, #tpu.memory_space<hbm>>
    tpu.wait_indirect_dma semaphore(%arg35 : memref<!tpu.dma_semaphore, #tpu.memory_space<semaphore_mem>>) src(%dma_wait3A_469 : memref<100000x128xf32, #tpu.memory_space<hbm>>) dst(%arg21 : memref<64x128xf32, #tpu.memory_space<vmem>>)
    %dma_start3A_470 = arith.constant 1 : i32
    %dma_start3A_471 = arith.constant 0 : i32
    %dma_start3A_472 = tpu.memref_slice %arg9[%dma_start3A_470, %add3A_452, %dma_start3A_471] : memref<5x8192x128xf32, #tpu.memory_space<hbm>> -> memref<1x64x128xf32, #tpu.memory_space<hbm>>
    %dma_start3A_473 = tpu.memref_squeeze %dma_start3A_472 : memref<1x64x128xf32, #tpu.memory_space<hbm>> -> memref<64x128xf32, #tpu.memory_space<hbm>>
    %dma_start3A_474 = arith.constant 0 : i32
    %dma_start3A_475 = tpu.memref_slice %arg9[%dma_start3A_470, %add3A_452, %dma_start3A_474] : memref<5x8192x128xf32, #tpu.memory_space<hbm>> -> memref<1x64x128xf32, #tpu.memory_space<hbm>>
    %dma_start3A_476 = tpu.memref_squeeze %dma_start3A_475 : memref<1x64x128xf32, #tpu.memory_space<hbm>> -> memref<64x128xf32, #tpu.memory_space<hbm>>
    tpu.enqueue_dma source(%arg21 : memref<64x128xf32, #tpu.memory_space<vmem>>) target(%dma_start3A_476 : memref<64x128xf32, #tpu.memory_space<hbm>>) target_semaphore(%arg35 : memref<!tpu.dma_semaphore, #tpu.memory_space<semaphore_mem>>)
    %dma_wait3A_477 = arith.constant 192 : i32
    %dma_wait3A_478 = tpu.memref_slice %arg10[%dma_wait3A_477] : memref<256xi32, #tpu.memory_space<vmem>> -> memref<64xi32, #tpu.memory_space<vmem>>
    %dma_wait3A_479 = arith.constant 0 : i32
    %dma_wait3A_480 = arith.constant 0 : i32
    %dma_wait3A_481 = tpu.memref_slice %arg6[%dma_wait3A_479, %dma_wait3A_480] : memref<100000x128xf32, #tpu.memory_space<hbm>> -> memref<100000x128xf32, #tpu.memory_space<hbm>>
    tpu.wait_indirect_dma semaphore(%arg36 : memref<!tpu.dma_semaphore, #tpu.memory_space<semaphore_mem>>) src(%dma_wait3A_481 : memref<100000x128xf32, #tpu.memory_space<hbm>>) dst(%arg22 : memref<64x128xf32, #tpu.memory_space<vmem>>)
    %dma_start3A_482 = arith.constant 2 : i32
    %dma_start3A_483 = arith.constant 0 : i32
    %dma_start3A_484 = tpu.memref_slice %arg9[%dma_start3A_482, %add3A_452, %dma_start3A_483] : memref<5x8192x128xf32, #tpu.memory_space<hbm>> -> memref<1x64x128xf32, #tpu.memory_space<hbm>>
    %dma_start3A_485 = tpu.memref_squeeze %dma_start3A_484 : memref<1x64x128xf32, #tpu.memory_space<hbm>> -> memref<64x128xf32, #tpu.memory_space<hbm>>
    %dma_start3A_486 = arith.constant 0 : i32
    %dma_start3A_487 = tpu.memref_slice %arg9[%dma_start3A_482, %add3A_452, %dma_start3A_486] : memref<5x8192x128xf32, #tpu.memory_space<hbm>> -> memref<1x64x128xf32, #tpu.memory_space<hbm>>
    %dma_start3A_488 = tpu.memref_squeeze %dma_start3A_487 : memref<1x64x128xf32, #tpu.memory_space<hbm>> -> memref<64x128xf32, #tpu.memory_space<hbm>>
    tpu.enqueue_dma source(%arg22 : memref<64x128xf32, #tpu.memory_space<vmem>>) target(%dma_start3A_488 : memref<64x128xf32, #tpu.memory_space<hbm>>) target_semaphore(%arg36 : memref<!tpu.dma_semaphore, #tpu.memory_space<semaphore_mem>>)
    %dma_wait3A_489 = arith.constant 192 : i32
    %dma_wait3A_490 = tpu.memref_slice %arg11[%dma_wait3A_489] : memref<256xi32, #tpu.memory_space<vmem>> -> memref<64xi32, #tpu.memory_space<vmem>>
    %dma_wait3A_491 = arith.constant 0 : i32
    %dma_wait3A_492 = arith.constant 0 : i32
    %dma_wait3A_493 = tpu.memref_slice %arg6[%dma_wait3A_491, %dma_wait3A_492] : memref<100000x128xf32, #tpu.memory_space<hbm>> -> memref<100000x128xf32, #tpu.memory_space<hbm>>
    tpu.wait_indirect_dma semaphore(%arg37 : memref<!tpu.dma_semaphore, #tpu.memory_space<semaphore_mem>>) src(%dma_wait3A_493 : memref<100000x128xf32, #tpu.memory_space<hbm>>) dst(%arg23 : memref<64x128xf32, #tpu.memory_space<vmem>>)
    %dma_start3A_494 = arith.constant 3 : i32
    %dma_start3A_495 = arith.constant 0 : i32
    %dma_start3A_496 = tpu.memref_slice %arg9[%dma_start3A_494, %add3A_452, %dma_start3A_495] : memref<5x8192x128xf32, #tpu.memory_space<hbm>> -> memref<1x64x128xf32, #tpu.memory_space<hbm>>
    %dma_start3A_497 = tpu.memref_squeeze %dma_start3A_496 : memref<1x64x128xf32, #tpu.memory_space<hbm>> -> memref<64x128xf32, #tpu.memory_space<hbm>>
    %dma_start3A_498 = arith.constant 0 : i32
    %dma_start3A_499 = tpu.memref_slice %arg9[%dma_start3A_494, %add3A_452, %dma_start3A_498] : memref<5x8192x128xf32, #tpu.memory_space<hbm>> -> memref<1x64x128xf32, #tpu.memory_space<hbm>>
    %dma_start3A_500 = tpu.memref_squeeze %dma_start3A_499 : memref<1x64x128xf32, #tpu.memory_space<hbm>> -> memref<64x128xf32, #tpu.memory_space<hbm>>
    tpu.enqueue_dma source(%arg23 : memref<64x128xf32, #tpu.memory_space<vmem>>) target(%dma_start3A_500 : memref<64x128xf32, #tpu.memory_space<hbm>>) target_semaphore(%arg37 : memref<!tpu.dma_semaphore, #tpu.memory_space<semaphore_mem>>)
    %dma_wait3A_501 = arith.constant 192 : i32
    %dma_wait3A_502 = tpu.memref_slice %arg10[%dma_wait3A_501] : memref<256xi32, #tpu.memory_space<vmem>> -> memref<64xi32, #tpu.memory_space<vmem>>
    %dma_wait3A_503 = arith.constant 0 : i32
    %dma_wait3A_504 = arith.constant 0 : i32
    %dma_wait3A_505 = tpu.memref_slice %arg7[%dma_wait3A_503, %dma_wait3A_504] : memref<100000x128xf32, #tpu.memory_space<hbm>> -> memref<100000x128xf32, #tpu.memory_space<hbm>>
    tpu.wait_indirect_dma semaphore(%arg38 : memref<!tpu.dma_semaphore, #tpu.memory_space<semaphore_mem>>) src(%dma_wait3A_505 : memref<100000x128xf32, #tpu.memory_space<hbm>>) dst(%arg24 : memref<64x128xf32, #tpu.memory_space<vmem>>)
    %dma_wait3A_506 = arith.constant 192 : i32
    %dma_wait3A_507 = tpu.memref_slice %arg12[%dma_wait3A_506] : memref<256xi32, #tpu.memory_space<vmem>> -> memref<64xi32, #tpu.memory_space<vmem>>
    %dma_wait3A_508 = arith.constant 0 : i32
    %dma_wait3A_509 = arith.constant 0 : i32
    %dma_wait3A_510 = tpu.memref_slice %arg8[%dma_wait3A_508, %dma_wait3A_509] : memref<1000x128xf32, #tpu.memory_space<hbm>> -> memref<1000x128xf32, #tpu.memory_space<hbm>>
    tpu.wait_indirect_dma semaphore(%arg39 : memref<!tpu.dma_semaphore, #tpu.memory_space<semaphore_mem>>) src(%dma_wait3A_510 : memref<1000x128xf32, #tpu.memory_space<hbm>>) dst(%arg25 : memref<64x128xf32, #tpu.memory_space<vmem>>)
    %dma_wait3A_511 = arith.constant 192 : i32
    %dma_wait3A_512 = tpu.memref_slice %arg11[%dma_wait3A_511] : memref<256xi32, #tpu.memory_space<vmem>> -> memref<64xi32, #tpu.memory_space<vmem>>
    %dma_wait3A_513 = arith.constant 0 : i32
    %dma_wait3A_514 = arith.constant 0 : i32
    %dma_wait3A_515 = tpu.memref_slice %arg7[%dma_wait3A_513, %dma_wait3A_514] : memref<100000x128xf32, #tpu.memory_space<hbm>> -> memref<100000x128xf32, #tpu.memory_space<hbm>>
    tpu.wait_indirect_dma semaphore(%arg40 : memref<!tpu.dma_semaphore, #tpu.memory_space<semaphore_mem>>) src(%dma_wait3A_515 : memref<100000x128xf32, #tpu.memory_space<hbm>>) dst(%arg26 : memref<64x128xf32, #tpu.memory_space<vmem>>)
    %scan3A_516 = arith.constant 0 : i32
    %scan3A_517 = arith.constant 0 : i32
    %scan3A_518 = arith.constant 64 : i32
    %scan3A_519 = arith.addi %scan3A_517, %scan3A_518 : i32
    %scan3A_520 = arith.constant 1 : i32
    %scan3A_521 = scf.for %scan3A_600 = %scan3A_517 to %scan3A_519 step %scan3A_520 iter_args(%scan3A_601 = %scan3A_516) -> (i32)  : i32 {
      %get3A = arith.index_cast %scan3A_600 : i32 to index
      %get3A_602 = arith.constant 0 : index
      %get3A_603 = tpu.vector_load %arg24[%get3A, %get3A_602] {strides = array<i32>} : memref<64x128xf32, #tpu.memory_space<vmem>>, vector<1x16xf32>,
      %get3A_604 = vector.shape_cast %get3A_603 : vector<1x16xf32> to vector<16xf32>
      %get3A_605 = arith.index_cast %scan3A_600 : i32 to index
      %get3A_606 = arith.constant 0 : index
      %get3A_607 = tpu.vector_load %arg25[%get3A_605, %get3A_606] {strides = array<i32>} : memref<64x128xf32, #tpu.memory_space<vmem>>, vector<1x16xf32>,
      %get3A_608 = vector.shape_cast %get3A_607 : vector<1x16xf32> to vector<16xf32>
      %add3A_609 = arith.addf %get3A_604, %get3A_608 : vector<16xf32>
      %get3A_610 = arith.index_cast %scan3A_600 : i32 to index
      %get3A_611 = arith.constant 0 : index
      %get3A_612 = tpu.vector_load %arg26[%get3A_610, %get3A_611] {strides = array<i32>} : memref<64x128xf32, #tpu.memory_space<vmem>>, vector<1x16xf32>,
      %get3A_613 = vector.shape_cast %get3A_612 : vector<1x16xf32> to vector<16xf32>
      %sub3A = arith.subf %add3A_609, %get3A_613 : vector<16xf32>
      %swap3A = arith.index_cast %scan3A_600 : i32 to index
      %swap3A_614 = arith.constant 0 : index
      %swap3A_615 = tpu.vector_load %arg24[%swap3A, %swap3A_614] {strides = array<i32>} : memref<64x128xf32, #tpu.memory_space<vmem>>, vector<1x16xf32>,
      %swap3A_616 = vector.shape_cast %swap3A_615 : vector<1x16xf32> to vector<16xf32>
      %swap3A_617 = vector.shape_cast %sub3A : vector<16xf32> to vector<1x16xf32>
      tpu.vector_store %arg24[%swap3A, %swap3A_614], %swap3A_617 {strides = array<i32>} : memref<64x128xf32, #tpu.memory_space<vmem>>, vector<1x16xf32>,
      %get3A_618 = arith.index_cast %scan3A_600 : i32 to index
      %get3A_619 = arith.constant 16 : index
      %get3A_620 = tpu.vector_load %arg24[%get3A_618, %get3A_619] {strides = array<i32>} : memref<64x128xf32, #tpu.memory_space<vmem>>, vector<1x16xf32>,
      %get3A_621 = vector.shape_cast %get3A_620 : vector<1x16xf32> to vector<16xf32>
      %get3A_622 = arith.index_cast %scan3A_600 : i32 to index
      %get3A_623 = arith.constant 16 : index
      %get3A_624 = tpu.vector_load %arg25[%get3A_622, %get3A_623] {strides = array<i32>} : memref<64x128xf32, #tpu.memory_space<vmem>>, vector<1x16xf32>,
      %get3A_625 = vector.shape_cast %get3A_624 : vector<1x16xf32> to vector<16xf32>
      %add3A_626 = arith.addf %get3A_621, %get3A_625 : vector<16xf32>
      %get3A_627 = arith.index_cast %scan3A_600 : i32 to index
      %get3A_628 = arith.constant 16 : index
      %get3A_629 = tpu.vector_load %arg26[%get3A_627, %get3A_628] {strides = array<i32>} : memref<64x128xf32, #tpu.memory_space<vmem>>, vector<1x16xf32>,
      %get3A_630 = vector.shape_cast %get3A_629 : vector<1x16xf32> to vector<16xf32>
      %sub3A_631 = arith.subf %add3A_626, %get3A_630 : vector<16xf32>
      %swap3A_632 = arith.index_cast %scan3A_600 : i32 to index
      %swap3A_633 = arith.constant 16 : index
      %swap3A_634 = tpu.vector_load %arg24[%swap3A_632, %swap3A_633] {strides = array<i32>} : memref<64x128xf32, #tpu.memory_space<vmem>>, vector<1x16xf32>,
      %swap3A_635 = vector.shape_cast %swap3A_634 : vector<1x16xf32> to vector<16xf32>
      %swap3A_636 = vector.shape_cast %sub3A_631 : vector<16xf32> to vector<1x16xf32>
      tpu.vector_store %arg24[%swap3A_632, %swap3A_633], %swap3A_636 {strides = array<i32>} : memref<64x128xf32, #tpu.memory_space<vmem>>, vector<1x16xf32>,
      %get3A_637 = arith.index_cast %scan3A_600 : i32 to index
      %get3A_638 = arith.constant 32 : index
      %get3A_639 = tpu.vector_load %arg24[%get3A_637, %get3A_638] {strides = array<i32>} : memref<64x128xf32, #tpu.memory_space<vmem>>, vector<1x16xf32>,
      %get3A_640 = vector.shape_cast %get3A_639 : vector<1x16xf32> to vector<16xf32>
      %get3A_641 = arith.index_cast %scan3A_600 : i32 to index
      %get3A_642 = arith.constant 32 : index
      %get3A_643 = tpu.vector_load %arg25[%get3A_641, %get3A_642] {strides = array<i32>} : memref<64x128xf32, #tpu.memory_space<vmem>>, vector<1x16xf32>,
      %get3A_644 = vector.shape_cast %get3A_643 : vector<1x16xf32> to vector<16xf32>
      %add3A_645 = arith.addf %get3A_640, %get3A_644 : vector<16xf32>
      %get3A_646 = arith.index_cast %scan3A_600 : i32 to index
      %get3A_647 = arith.constant 32 : index
      %get3A_648 = tpu.vector_load %arg26[%get3A_646, %get3A_647] {strides = array<i32>} : memref<64x128xf32, #tpu.memory_space<vmem>>, vector<1x16xf32>,
      %get3A_649 = vector.shape_cast %get3A_648 : vector<1x16xf32> to vector<16xf32>
      %sub3A_650 = arith.subf %add3A_645, %get3A_649 : vector<16xf32>
      %swap3A_651 = arith.index_cast %scan3A_600 : i32 to index
      %swap3A_652 = arith.constant 32 : index
      %swap3A_653 = tpu.vector_load %arg24[%swap3A_651, %swap3A_652] {strides = array<i32>} : memref<64x128xf32, #tpu.memory_space<vmem>>, vector<1x16xf32>,
      %swap3A_654 = vector.shape_cast %swap3A_653 : vector<1x16xf32> to vector<16xf32>
      %swap3A_655 = vector.shape_cast %sub3A_650 : vector<16xf32> to vector<1x16xf32>
      tpu.vector_store %arg24[%swap3A_651, %swap3A_652], %swap3A_655 {strides = array<i32>} : memref<64x128xf32, #tpu.memory_space<vmem>>, vector<1x16xf32>,
      %get3A_656 = arith.index_cast %scan3A_600 : i32 to index
      %get3A_657 = arith.constant 48 : index
      %get3A_658 = tpu.vector_load %arg24[%get3A_656, %get3A_657] {strides = array<i32>} : memref<64x128xf32, #tpu.memory_space<vmem>>, vector<1x16xf32>,
      %get3A_659 = vector.shape_cast %get3A_658 : vector<1x16xf32> to vector<16xf32>
      %get3A_660 = arith.index_cast %scan3A_600 : i32 to index
      %get3A_661 = arith.constant 48 : index
      %get3A_662 = tpu.vector_load %arg25[%get3A_660, %get3A_661] {strides = array<i32>} : memref<64x128xf32, #tpu.memory_space<vmem>>, vector<1x16xf32>,
      %get3A_663 = vector.shape_cast %get3A_662 : vector<1x16xf32> to vector<16xf32>
      %add3A_664 = arith.addf %get3A_659, %get3A_663 : vector<16xf32>
      %get3A_665 = arith.index_cast %scan3A_600 : i32 to index
      %get3A_666 = arith.constant 48 : index
      %get3A_667 = tpu.vector_load %arg26[%get3A_665, %get3A_666] {strides = array<i32>} : memref<64x128xf32, #tpu.memory_space<vmem>>, vector<1x16xf32>,
      %get3A_668 = vector.shape_cast %get3A_667 : vector<1x16xf32> to vector<16xf32>
      %sub3A_669 = arith.subf %add3A_664, %get3A_668 : vector<16xf32>
      %swap3A_670 = arith.index_cast %scan3A_600 : i32 to index
      %swap3A_671 = arith.constant 48 : index
      %swap3A_672 = tpu.vector_load %arg24[%swap3A_670, %swap3A_671] {strides = array<i32>} : memref<64x128xf32, #tpu.memory_space<vmem>>, vector<1x16xf32>,
      %swap3A_673 = vector.shape_cast %swap3A_672 : vector<1x16xf32> to vector<16xf32>
      %swap3A_674 = vector.shape_cast %sub3A_669 : vector<16xf32> to vector<1x16xf32>
      tpu.vector_store %arg24[%swap3A_670, %swap3A_671], %swap3A_674 {strides = array<i32>} : memref<64x128xf32, #tpu.memory_space<vmem>>, vector<1x16xf32>,
      %get3A_675 = arith.index_cast %scan3A_600 : i32 to index
      %get3A_676 = arith.constant 64 : index
      %get3A_677 = tpu.vector_load %arg24[%get3A_675, %get3A_676] {strides = array<i32>} : memref<64x128xf32, #tpu.memory_space<vmem>>, vector<1x16xf32>,
      %get3A_678 = vector.shape_cast %get3A_677 : vector<1x16xf32> to vector<16xf32>
      %get3A_679 = arith.index_cast %scan3A_600 : i32 to index
      %get3A_680 = arith.constant 64 : index
      %get3A_681 = tpu.vector_load %arg25[%get3A_679, %get3A_680] {strides = array<i32>} : memref<64x128xf32, #tpu.memory_space<vmem>>, vector<1x16xf32>,
      %get3A_682 = vector.shape_cast %get3A_681 : vector<1x16xf32> to vector<16xf32>
      %add3A_683 = arith.addf %get3A_678, %get3A_682 : vector<16xf32>
      %get3A_684 = arith.index_cast %scan3A_600 : i32 to index
      %get3A_685 = arith.constant 64 : index
      %get3A_686 = tpu.vector_load %arg26[%get3A_684, %get3A_685] {strides = array<i32>} : memref<64x128xf32, #tpu.memory_space<vmem>>, vector<1x16xf32>,
      %get3A_687 = vector.shape_cast %get3A_686 : vector<1x16xf32> to vector<16xf32>
      %sub3A_688 = arith.subf %add3A_683, %get3A_687 : vector<16xf32>
      %swap3A_689 = arith.index_cast %scan3A_600 : i32 to index
      %swap3A_690 = arith.constant 64 : index
      %swap3A_691 = tpu.vector_load %arg24[%swap3A_689, %swap3A_690] {strides = array<i32>} : memref<64x128xf32, #tpu.memory_space<vmem>>, vector<1x16xf32>,
      %swap3A_692 = vector.shape_cast %swap3A_691 : vector<1x16xf32> to vector<16xf32>
      %swap3A_693 = vector.shape_cast %sub3A_688 : vector<16xf32> to vector<1x16xf32>
      tpu.vector_store %arg24[%swap3A_689, %swap3A_690], %swap3A_693 {strides = array<i32>} : memref<64x128xf32, #tpu.memory_space<vmem>>, vector<1x16xf32>,
      %get3A_694 = arith.index_cast %scan3A_600 : i32 to index
      %get3A_695 = arith.constant 80 : index
      %get3A_696 = tpu.vector_load %arg24[%get3A_694, %get3A_695] {strides = array<i32>} : memref<64x128xf32, #tpu.memory_space<vmem>>, vector<1x16xf32>,
      %get3A_697 = vector.shape_cast %get3A_696 : vector<1x16xf32> to vector<16xf32>
      %get3A_698 = arith.index_cast %scan3A_600 : i32 to index
      %get3A_699 = arith.constant 80 : index
      %get3A_700 = tpu.vector_load %arg25[%get3A_698, %get3A_699] {strides = array<i32>} : memref<64x128xf32, #tpu.memory_space<vmem>>, vector<1x16xf32>,
      %get3A_701 = vector.shape_cast %get3A_700 : vector<1x16xf32> to vector<16xf32>
      %add3A_702 = arith.addf %get3A_697, %get3A_701 : vector<16xf32>
      %get3A_703 = arith.index_cast %scan3A_600 : i32 to index
      %get3A_704 = arith.constant 80 : index
      %get3A_705 = tpu.vector_load %arg26[%get3A_703, %get3A_704] {strides = array<i32>} : memref<64x128xf32, #tpu.memory_space<vmem>>, vector<1x16xf32>,
      %get3A_706 = vector.shape_cast %get3A_705 : vector<1x16xf32> to vector<16xf32>
      %sub3A_707 = arith.subf %add3A_702, %get3A_706 : vector<16xf32>
      %swap3A_708 = arith.index_cast %scan3A_600 : i32 to index
      %swap3A_709 = arith.constant 80 : index
      %swap3A_710 = tpu.vector_load %arg24[%swap3A_708, %swap3A_709] {strides = array<i32>} : memref<64x128xf32, #tpu.memory_space<vmem>>, vector<1x16xf32>,
      %swap3A_711 = vector.shape_cast %swap3A_710 : vector<1x16xf32> to vector<16xf32>
      %swap3A_712 = vector.shape_cast %sub3A_707 : vector<16xf32> to vector<1x16xf32>
      tpu.vector_store %arg24[%swap3A_708, %swap3A_709], %swap3A_712 {strides = array<i32>} : memref<64x128xf32, #tpu.memory_space<vmem>>, vector<1x16xf32>,
      %get3A_713 = arith.index_cast %scan3A_600 : i32 to index
      %get3A_714 = arith.constant 96 : index
      %get3A_715 = tpu.vector_load %arg24[%get3A_713, %get3A_714] {strides = array<i32>} : memref<64x128xf32, #tpu.memory_space<vmem>>, vector<1x16xf32>,
      %get3A_716 = vector.shape_cast %get3A_715 : vector<1x16xf32> to vector<16xf32>
      %get3A_717 = arith.index_cast %scan3A_600 : i32 to index
      %get3A_718 = arith.constant 96 : index
      %get3A_719 = tpu.vector_load %arg25[%get3A_717, %get3A_718] {strides = array<i32>} : memref<64x128xf32, #tpu.memory_space<vmem>>, vector<1x16xf32>,
      %get3A_720 = vector.shape_cast %get3A_719 : vector<1x16xf32> to vector<16xf32>
      %add3A_721 = arith.addf %get3A_716, %get3A_720 : vector<16xf32>
      %get3A_722 = arith.index_cast %scan3A_600 : i32 to index
      %get3A_723 = arith.constant 96 : index
      %get3A_724 = tpu.vector_load %arg26[%get3A_722, %get3A_723] {strides = array<i32>} : memref<64x128xf32, #tpu.memory_space<vmem>>, vector<1x16xf32>,
      %get3A_725 = vector.shape_cast %get3A_724 : vector<1x16xf32> to vector<16xf32>
      %sub3A_726 = arith.subf %add3A_721, %get3A_725 : vector<16xf32>
      %swap3A_727 = arith.index_cast %scan3A_600 : i32 to index
      %swap3A_728 = arith.constant 96 : index
      %swap3A_729 = tpu.vector_load %arg24[%swap3A_727, %swap3A_728] {strides = array<i32>} : memref<64x128xf32, #tpu.memory_space<vmem>>, vector<1x16xf32>,
      %swap3A_730 = vector.shape_cast %swap3A_729 : vector<1x16xf32> to vector<16xf32>
      %swap3A_731 = vector.shape_cast %sub3A_726 : vector<16xf32> to vector<1x16xf32>
      tpu.vector_store %arg24[%swap3A_727, %swap3A_728], %swap3A_731 {strides = array<i32>} : memref<64x128xf32, #tpu.memory_space<vmem>>, vector<1x16xf32>,
      %get3A_732 = arith.index_cast %scan3A_600 : i32 to index
      %get3A_733 = arith.constant 112 : index
      %get3A_734 = tpu.vector_load %arg24[%get3A_732, %get3A_733] {strides = array<i32>} : memref<64x128xf32, #tpu.memory_space<vmem>>, vector<1x16xf32>,
      %get3A_735 = vector.shape_cast %get3A_734 : vector<1x16xf32> to vector<16xf32>
      %get3A_736 = arith.index_cast %scan3A_600 : i32 to index
      %get3A_737 = arith.constant 112 : index
      %get3A_738 = tpu.vector_load %arg25[%get3A_736, %get3A_737] {strides = array<i32>} : memref<64x128xf32, #tpu.memory_space<vmem>>, vector<1x16xf32>,
      %get3A_739 = vector.shape_cast %get3A_738 : vector<1x16xf32> to vector<16xf32>
      %add3A_740 = arith.addf %get3A_735, %get3A_739 : vector<16xf32>
      %get3A_741 = arith.index_cast %scan3A_600 : i32 to index
      %get3A_742 = arith.constant 112 : index
      %get3A_743 = tpu.vector_load %arg26[%get3A_741, %get3A_742] {strides = array<i32>} : memref<64x128xf32, #tpu.memory_space<vmem>>, vector<1x16xf32>,
      %get3A_744 = vector.shape_cast %get3A_743 : vector<1x16xf32> to vector<16xf32>
      %sub3A_745 = arith.subf %add3A_740, %get3A_744 : vector<16xf32>
      %swap3A_746 = arith.index_cast %scan3A_600 : i32 to index
      %swap3A_747 = arith.constant 112 : index
      %swap3A_748 = tpu.vector_load %arg24[%swap3A_746, %swap3A_747] {strides = array<i32>} : memref<64x128xf32, #tpu.memory_space<vmem>>, vector<1x16xf32>,
      %swap3A_749 = vector.shape_cast %swap3A_748 : vector<1x16xf32> to vector<16xf32>
      %swap3A_750 = vector.shape_cast %sub3A_745 : vector<16xf32> to vector<1x16xf32>
      tpu.vector_store %arg24[%swap3A_746, %swap3A_747], %swap3A_750 {strides = array<i32>} : memref<64x128xf32, #tpu.memory_space<vmem>>, vector<1x16xf32>,
      %scan3A_751 = arith.constant 0 : i32
      scf.yield %scan3A_751 : i32
    }
    %scan3A_522 = arith.constant 64 : i32
    %dma_start3A_523 = arith.constant 4 : i32
    %dma_start3A_524 = arith.constant 0 : i32
    %dma_start3A_525 = tpu.memref_slice %arg9[%dma_start3A_523, %add3A_452, %dma_start3A_524] : memref<5x8192x128xf32, #tpu.memory_space<hbm>> -> memref<1x64x128xf32, #tpu.memory_space<hbm>>
    %dma_start3A_526 = tpu.memref_squeeze %dma_start3A_525 : memref<1x64x128xf32, #tpu.memory_space<hbm>> -> memref<64x128xf32, #tpu.memory_space<hbm>>
    %dma_start3A_527 = arith.constant 0 : i32
    %dma_start3A_528 = tpu.memref_slice %arg9[%dma_start3A_523, %add3A_452, %dma_start3A_527] : memref<5x8192x128xf32, #tpu.memory_space<hbm>> -> memref<1x64x128xf32, #tpu.memory_space<hbm>>
    %dma_start3A_529 = tpu.memref_squeeze %dma_start3A_528 : memref<1x64x128xf32, #tpu.memory_space<hbm>> -> memref<64x128xf32, #tpu.memory_space<hbm>>
    tpu.enqueue_dma source(%arg24 : memref<64x128xf32, #tpu.memory_space<vmem>>) target(%dma_start3A_529 : memref<64x128xf32, #tpu.memory_space<hbm>>) target_semaphore(%arg38 : memref<!tpu.dma_semaphore, #tpu.memory_space<semaphore_mem>>)
    %dma_wait3A_530 = arith.constant 0 : i32
    %dma_wait3A_531 = arith.constant 0 : i32
    %dma_wait3A_532 = tpu.memref_slice %arg9[%dma_wait3A_530, %add3A_373, %dma_wait3A_531] : memref<5x8192x128xf32, #tpu.memory_space<hbm>> -> memref<1x64x128xf32, #tpu.memory_space<hbm>>
    %dma_wait3A_533 = tpu.memref_squeeze %dma_wait3A_532 : memref<1x64x128xf32, #tpu.memory_space<hbm>> -> memref<64x128xf32, #tpu.memory_space<hbm>>
    %dma_wait3A_534 = arith.constant 0 : i32
    %dma_wait3A_535 = tpu.memref_slice %arg9[%dma_wait3A_530, %add3A_373, %dma_wait3A_534] : memref<5x8192x128xf32, #tpu.memory_space<hbm>> -> memref<1x64x128xf32, #tpu.memory_space<hbm>>
    %dma_wait3A_536 = tpu.memref_squeeze %dma_wait3A_535 : memref<1x64x128xf32, #tpu.memory_space<hbm>> -> memref<64x128xf32, #tpu.memory_space<hbm>>
    tpu.wait_dma2 semaphore(%arg27 : memref<!tpu.dma_semaphore, #tpu.memory_space<semaphore_mem>>) src(%arg13 : memref<64x128xf32, #tpu.memory_space<vmem>>) dst(%dma_wait3A_536 : memref<64x128xf32, #tpu.memory_space<hbm>>)
    %dma_wait3A_537 = arith.constant 1 : i32
    %dma_wait3A_538 = arith.constant 0 : i32
    %dma_wait3A_539 = tpu.memref_slice %arg9[%dma_wait3A_537, %add3A_373, %dma_wait3A_538] : memref<5x8192x128xf32, #tpu.memory_space<hbm>> -> memref<1x64x128xf32, #tpu.memory_space<hbm>>
    %dma_wait3A_540 = tpu.memref_squeeze %dma_wait3A_539 : memref<1x64x128xf32, #tpu.memory_space<hbm>> -> memref<64x128xf32, #tpu.memory_space<hbm>>
    %dma_wait3A_541 = arith.constant 0 : i32
    %dma_wait3A_542 = tpu.memref_slice %arg9[%dma_wait3A_537, %add3A_373, %dma_wait3A_541] : memref<5x8192x128xf32, #tpu.memory_space<hbm>> -> memref<1x64x128xf32, #tpu.memory_space<hbm>>
    %dma_wait3A_543 = tpu.memref_squeeze %dma_wait3A_542 : memref<1x64x128xf32, #tpu.memory_space<hbm>> -> memref<64x128xf32, #tpu.memory_space<hbm>>
    tpu.wait_dma2 semaphore(%arg28 : memref<!tpu.dma_semaphore, #tpu.memory_space<semaphore_mem>>) src(%arg14 : memref<64x128xf32, #tpu.memory_space<vmem>>) dst(%dma_wait3A_543 : memref<64x128xf32, #tpu.memory_space<hbm>>)
    %dma_wait3A_544 = arith.constant 2 : i32
    %dma_wait3A_545 = arith.constant 0 : i32
    %dma_wait3A_546 = tpu.memref_slice %arg9[%dma_wait3A_544, %add3A_373, %dma_wait3A_545] : memref<5x8192x128xf32, #tpu.memory_space<hbm>> -> memref<1x64x128xf32, #tpu.memory_space<hbm>>
    %dma_wait3A_547 = tpu.memref_squeeze %dma_wait3A_546 : memref<1x64x128xf32, #tpu.memory_space<hbm>> -> memref<64x128xf32, #tpu.memory_space<hbm>>
    %dma_wait3A_548 = arith.constant 0 : i32
    %dma_wait3A_549 = tpu.memref_slice %arg9[%dma_wait3A_544, %add3A_373, %dma_wait3A_548] : memref<5x8192x128xf32, #tpu.memory_space<hbm>> -> memref<1x64x128xf32, #tpu.memory_space<hbm>>
    %dma_wait3A_550 = tpu.memref_squeeze %dma_wait3A_549 : memref<1x64x128xf32, #tpu.memory_space<hbm>> -> memref<64x128xf32, #tpu.memory_space<hbm>>
    tpu.wait_dma2 semaphore(%arg29 : memref<!tpu.dma_semaphore, #tpu.memory_space<semaphore_mem>>) src(%arg15 : memref<64x128xf32, #tpu.memory_space<vmem>>) dst(%dma_wait3A_550 : memref<64x128xf32, #tpu.memory_space<hbm>>)
    %dma_wait3A_551 = arith.constant 3 : i32
    %dma_wait3A_552 = arith.constant 0 : i32
    %dma_wait3A_553 = tpu.memref_slice %arg9[%dma_wait3A_551, %add3A_373, %dma_wait3A_552] : memref<5x8192x128xf32, #tpu.memory_space<hbm>> -> memref<1x64x128xf32, #tpu.memory_space<hbm>>
    %dma_wait3A_554 = tpu.memref_squeeze %dma_wait3A_553 : memref<1x64x128xf32, #tpu.memory_space<hbm>> -> memref<64x128xf32, #tpu.memory_space<hbm>>
    %dma_wait3A_555 = arith.constant 0 : i32
    %dma_wait3A_556 = tpu.memref_slice %arg9[%dma_wait3A_551, %add3A_373, %dma_wait3A_555] : memref<5x8192x128xf32, #tpu.memory_space<hbm>> -> memref<1x64x128xf32, #tpu.memory_space<hbm>>
    %dma_wait3A_557 = tpu.memref_squeeze %dma_wait3A_556 : memref<1x64x128xf32, #tpu.memory_space<hbm>> -> memref<64x128xf32, #tpu.memory_space<hbm>>
    tpu.wait_dma2 semaphore(%arg30 : memref<!tpu.dma_semaphore, #tpu.memory_space<semaphore_mem>>) src(%arg16 : memref<64x128xf32, #tpu.memory_space<vmem>>) dst(%dma_wait3A_557 : memref<64x128xf32, #tpu.memory_space<hbm>>)
    %dma_wait3A_558 = arith.constant 4 : i32
    %dma_wait3A_559 = arith.constant 0 : i32
    %dma_wait3A_560 = tpu.memref_slice %arg9[%dma_wait3A_558, %add3A_373, %dma_wait3A_559] : memref<5x8192x128xf32, #tpu.memory_space<hbm>> -> memref<1x64x128xf32, #tpu.memory_space<hbm>>
    %dma_wait3A_561 = tpu.memref_squeeze %dma_wait3A_560 : memref<1x64x128xf32, #tpu.memory_space<hbm>> -> memref<64x128xf32, #tpu.memory_space<hbm>>
    %dma_wait3A_562 = arith.constant 0 : i32
    %dma_wait3A_563 = tpu.memref_slice %arg9[%dma_wait3A_558, %add3A_373, %dma_wait3A_562] : memref<5x8192x128xf32, #tpu.memory_space<hbm>> -> memref<1x64x128xf32, #tpu.memory_space<hbm>>
    %dma_wait3A_564 = tpu.memref_squeeze %dma_wait3A_563 : memref<1x64x128xf32, #tpu.memory_space<hbm>> -> memref<64x128xf32, #tpu.memory_space<hbm>>
    tpu.wait_dma2 semaphore(%arg31 : memref<!tpu.dma_semaphore, #tpu.memory_space<semaphore_mem>>) src(%arg17 : memref<64x128xf32, #tpu.memory_space<vmem>>) dst(%dma_wait3A_564 : memref<64x128xf32, #tpu.memory_space<hbm>>)
    %dma_wait3A_565 = arith.constant 0 : i32
    %dma_wait3A_566 = arith.constant 0 : i32
    %dma_wait3A_567 = tpu.memref_slice %arg9[%dma_wait3A_565, %add3A_452, %dma_wait3A_566] : memref<5x8192x128xf32, #tpu.memory_space<hbm>> -> memref<1x64x128xf32, #tpu.memory_space<hbm>>
    %dma_wait3A_568 = tpu.memref_squeeze %dma_wait3A_567 : memref<1x64x128xf32, #tpu.memory_space<hbm>> -> memref<64x128xf32, #tpu.memory_space<hbm>>
    %dma_wait3A_569 = arith.constant 0 : i32
    %dma_wait3A_570 = tpu.memref_slice %arg9[%dma_wait3A_565, %add3A_452, %dma_wait3A_569] : memref<5x8192x128xf32, #tpu.memory_space<hbm>> -> memref<1x64x128xf32, #tpu.memory_space<hbm>>
    %dma_wait3A_571 = tpu.memref_squeeze %dma_wait3A_570 : memref<1x64x128xf32, #tpu.memory_space<hbm>> -> memref<64x128xf32, #tpu.memory_space<hbm>>
    tpu.wait_dma2 semaphore(%arg34 : memref<!tpu.dma_semaphore, #tpu.memory_space<semaphore_mem>>) src(%arg20 : memref<64x128xf32, #tpu.memory_space<vmem>>) dst(%dma_wait3A_571 : memref<64x128xf32, #tpu.memory_space<hbm>>)
    %dma_wait3A_572 = arith.constant 1 : i32
    %dma_wait3A_573 = arith.constant 0 : i32
    %dma_wait3A_574 = tpu.memref_slice %arg9[%dma_wait3A_572, %add3A_452, %dma_wait3A_573] : memref<5x8192x128xf32, #tpu.memory_space<hbm>> -> memref<1x64x128xf32, #tpu.memory_space<hbm>>
    %dma_wait3A_575 = tpu.memref_squeeze %dma_wait3A_574 : memref<1x64x128xf32, #tpu.memory_space<hbm>> -> memref<64x128xf32, #tpu.memory_space<hbm>>
    %dma_wait3A_576 = arith.constant 0 : i32
    %dma_wait3A_577 = tpu.memref_slice %arg9[%dma_wait3A_572, %add3A_452, %dma_wait3A_576] : memref<5x8192x128xf32, #tpu.memory_space<hbm>> -> memref<1x64x128xf32, #tpu.memory_space<hbm>>
    %dma_wait3A_578 = tpu.memref_squeeze %dma_wait3A_577 : memref<1x64x128xf32, #tpu.memory_space<hbm>> -> memref<64x128xf32, #tpu.memory_space<hbm>>
    tpu.wait_dma2 semaphore(%arg35 : memref<!tpu.dma_semaphore, #tpu.memory_space<semaphore_mem>>) src(%arg21 : memref<64x128xf32, #tpu.memory_space<vmem>>) dst(%dma_wait3A_578 : memref<64x128xf32, #tpu.memory_space<hbm>>)
    %dma_wait3A_579 = arith.constant 2 : i32
    %dma_wait3A_580 = arith.constant 0 : i32
    %dma_wait3A_581 = tpu.memref_slice %arg9[%dma_wait3A_579, %add3A_452, %dma_wait3A_580] : memref<5x8192x128xf32, #tpu.memory_space<hbm>> -> memref<1x64x128xf32, #tpu.memory_space<hbm>>
    %dma_wait3A_582 = tpu.memref_squeeze %dma_wait3A_581 : memref<1x64x128xf32, #tpu.memory_space<hbm>> -> memref<64x128xf32, #tpu.memory_space<hbm>>
    %dma_wait3A_583 = arith.constant 0 : i32
    %dma_wait3A_584 = tpu.memref_slice %arg9[%dma_wait3A_579, %add3A_452, %dma_wait3A_583] : memref<5x8192x128xf32, #tpu.memory_space<hbm>> -> memref<1x64x128xf32, #tpu.memory_space<hbm>>
    %dma_wait3A_585 = tpu.memref_squeeze %dma_wait3A_584 : memref<1x64x128xf32, #tpu.memory_space<hbm>> -> memref<64x128xf32, #tpu.memory_space<hbm>>
    tpu.wait_dma2 semaphore(%arg36 : memref<!tpu.dma_semaphore, #tpu.memory_space<semaphore_mem>>) src(%arg22 : memref<64x128xf32, #tpu.memory_space<vmem>>) dst(%dma_wait3A_585 : memref<64x128xf32, #tpu.memory_space<hbm>>)
    %dma_wait3A_586 = arith.constant 3 : i32
    %dma_wait3A_587 = arith.constant 0 : i32
    %dma_wait3A_588 = tpu.memref_slice %arg9[%dma_wait3A_586, %add3A_452, %dma_wait3A_587] : memref<5x8192x128xf32, #tpu.memory_space<hbm>> -> memref<1x64x128xf32, #tpu.memory_space<hbm>>
    %dma_wait3A_589 = tpu.memref_squeeze %dma_wait3A_588 : memref<1x64x128xf32, #tpu.memory_space<hbm>> -> memref<64x128xf32, #tpu.memory_space<hbm>>
    %dma_wait3A_590 = arith.constant 0 : i32
    %dma_wait3A_591 = tpu.memref_slice %arg9[%dma_wait3A_586, %add3A_452, %dma_wait3A_590] : memref<5x8192x128xf32, #tpu.memory_space<hbm>> -> memref<1x64x128xf32, #tpu.memory_space<hbm>>
    %dma_wait3A_592 = tpu.memref_squeeze %dma_wait3A_591 : memref<1x64x128xf32, #tpu.memory_space<hbm>> -> memref<64x128xf32, #tpu.memory_space<hbm>>
    tpu.wait_dma2 semaphore(%arg37 : memref<!tpu.dma_semaphore, #tpu.memory_space<semaphore_mem>>) src(%arg23 : memref<64x128xf32, #tpu.memory_space<vmem>>) dst(%dma_wait3A_592 : memref<64x128xf32, #tpu.memory_space<hbm>>)
    %dma_wait3A_593 = arith.constant 4 : i32
    %dma_wait3A_594 = arith.constant 0 : i32
    %dma_wait3A_595 = tpu.memref_slice %arg9[%dma_wait3A_593, %add3A_452, %dma_wait3A_594] : memref<5x8192x128xf32, #tpu.memory_space<hbm>> -> memref<1x64x128xf32, #tpu.memory_space<hbm>>
    %dma_wait3A_596 = tpu.memref_squeeze %dma_wait3A_595 : memref<1x64x128xf32, #tpu.memory_space<hbm>> -> memref<64x128xf32, #tpu.memory_space<hbm>>
    %dma_wait3A_597 = arith.constant 0 : i32
    %dma_wait3A_598 = tpu.memref_slice %arg9[%dma_wait3A_593, %add3A_452, %dma_wait3A_597] : memref<5x8192x128xf32, #tpu.memory_space<hbm>> -> memref<1x64x128xf32, #tpu.memory_space<hbm>>
    %dma_wait3A_599 = tpu.memref_squeeze %dma_wait3A_598 : memref<1x64x128xf32, #tpu.memory_space<hbm>> -> memref<64x128xf32, #tpu.memory_space<hbm>>
    tpu.wait_dma2 semaphore(%arg38 : memref<!tpu.dma_semaphore, #tpu.memory_space<semaphore_mem>>) src(%arg24 : memref<64x128xf32, #tpu.memory_space<vmem>>) dst(%dma_wait3A_599 : memref<64x128xf32, #tpu.memory_space<hbm>>)
    return
  }
}

module attributes {stable_mosaic.version = 14 : i64} {
  func.func @_mlp_tc(%arg0: i32, %arg1: memref<5x512x128xf32, #tpu.memory_space<vmem>>, %arg2: memref<640x128xf32, #tpu.memory_space<vmem>>, %arg3: memref<1x128xf32, #tpu.memory_space<vmem>>, %arg4: memref<128x2xf32, #tpu.memory_space<vmem>>, %arg5: memref<1x2xf32, #tpu.memory_space<vmem>>, %arg6: memref<512x2xf32, #tpu.memory_space<vmem>>) attributes {dimension_semantics = [#tpu.dimension_semantics<arbitrary>], iteration_bounds = array<i64: 16>, scalar_prefetch = 0 : i64, scratch_operands = 0 : i64, tpu.core_type = #tpu.core_type<tc>, window_params = [{transform_indices = @transform_0, window_bounds = array<i64: 5, 512, 128>}, {pipeline_mode = #tpu.pipeline_mode<synchronous>, transform_indices = @transform_1, window_bounds = array<i64: 640, 128>}, {pipeline_mode = #tpu.pipeline_mode<synchronous>, transform_indices = @transform_2, window_bounds = array<i64: 1, 128>}, {pipeline_mode = #tpu.pipeline_mode<synchronous>, transform_indices = @transform_3, window_bounds = array<i64: 128, 2>}, {pipeline_mode = #tpu.pipeline_mode<synchronous>, transform_indices = @transform_4, window_bounds = array<i64: 1, 2>}, {transform_indices = @transform_5, window_bounds = array<i64: 512, 2>}]} {
    %get3A = arith.constant 0 : index
    %get3A_0 = arith.constant 0 : index
    %get3A_1 = arith.constant 0 : index
    %get3A_2 = vector.load %arg1[%get3A, %get3A_0, %get3A_1] : memref<5x512x128xf32, #tpu.memory_space<vmem>>, vector<1x512x128xf32>
    %get3A_3 = vector.shape_cast %get3A_2 : vector<1x512x128xf32> to vector<512x128xf32>
    %get3A_4 = arith.constant 0 : index
    %get3A_5 = arith.constant 0 : index
    %get3A_6 = vector.load %arg2[%get3A_4, %get3A_5] : memref<640x128xf32, #tpu.memory_space<vmem>>, vector<128x128xf32>
    %dot_general3A = arith.constant dense<0.000000e+00> : vector<512x128xf32>
    %dot_general3A_7 = tpu.matmul %get3A_3, %get3A_6, %dot_general3A {dimension_numbers = #tpu.dot_dimension_numbers<[1], [0], [0], [1], [0, 0, 1, 1], [], []>, transpose_lhs_hint = false} : vector<512x128xf32>, vector<128x128xf32>, vector<512x128xf32> -> vector<512x128xf32>
    %get3A_8 = arith.constant 1 : index
    %get3A_9 = arith.constant 0 : index
    %get3A_10 = arith.constant 0 : index
    %get3A_11 = vector.load %arg1[%get3A_8, %get3A_9, %get3A_10] : memref<5x512x128xf32, #tpu.memory_space<vmem>>, vector<1x512x128xf32>
    %get3A_12 = vector.shape_cast %get3A_11 : vector<1x512x128xf32> to vector<512x128xf32>
    %get3A_13 = arith.constant 128 : index
    %get3A_14 = arith.constant 0 : index
    %get3A_15 = vector.load %arg2[%get3A_13, %get3A_14] : memref<640x128xf32, #tpu.memory_space<vmem>>, vector<128x128xf32>
    %dot_general3A_16 = arith.constant dense<0.000000e+00> : vector<512x128xf32>
    %dot_general3A_17 = tpu.matmul %get3A_12, %get3A_15, %dot_general3A_16 {dimension_numbers = #tpu.dot_dimension_numbers<[1], [0], [0], [1], [0, 0, 1, 1], [], []>, transpose_lhs_hint = false} : vector<512x128xf32>, vector<128x128xf32>, vector<512x128xf32> -> vector<512x128xf32>
    %add3A = arith.addf %dot_general3A_7, %dot_general3A_17 : vector<512x128xf32>
    %get3A_18 = arith.constant 2 : index
    %get3A_19 = arith.constant 0 : index
    %get3A_20 = arith.constant 0 : index
    %get3A_21 = vector.load %arg1[%get3A_18, %get3A_19, %get3A_20] : memref<5x512x128xf32, #tpu.memory_space<vmem>>, vector<1x512x128xf32>
    %get3A_22 = vector.shape_cast %get3A_21 : vector<1x512x128xf32> to vector<512x128xf32>
    %get3A_23 = arith.constant 256 : index
    %get3A_24 = arith.constant 0 : index
    %get3A_25 = vector.load %arg2[%get3A_23, %get3A_24] : memref<640x128xf32, #tpu.memory_space<vmem>>, vector<128x128xf32>
    %dot_general3A_26 = arith.constant dense<0.000000e+00> : vector<512x128xf32>
    %dot_general3A_27 = tpu.matmul %get3A_22, %get3A_25, %dot_general3A_26 {dimension_numbers = #tpu.dot_dimension_numbers<[1], [0], [0], [1], [0, 0, 1, 1], [], []>, transpose_lhs_hint = false} : vector<512x128xf32>, vector<128x128xf32>, vector<512x128xf32> -> vector<512x128xf32>
    %add3A_28 = arith.addf %add3A, %dot_general3A_27 : vector<512x128xf32>
    %get3A_29 = arith.constant 3 : index
    %get3A_30 = arith.constant 0 : index
    %get3A_31 = arith.constant 0 : index
    %get3A_32 = vector.load %arg1[%get3A_29, %get3A_30, %get3A_31] : memref<5x512x128xf32, #tpu.memory_space<vmem>>, vector<1x512x128xf32>
    %get3A_33 = vector.shape_cast %get3A_32 : vector<1x512x128xf32> to vector<512x128xf32>
    %get3A_34 = arith.constant 384 : index
    %get3A_35 = arith.constant 0 : index
    %get3A_36 = vector.load %arg2[%get3A_34, %get3A_35] : memref<640x128xf32, #tpu.memory_space<vmem>>, vector<128x128xf32>
    %dot_general3A_37 = arith.constant dense<0.000000e+00> : vector<512x128xf32>
    %dot_general3A_38 = tpu.matmul %get3A_33, %get3A_36, %dot_general3A_37 {dimension_numbers = #tpu.dot_dimension_numbers<[1], [0], [0], [1], [0, 0, 1, 1], [], []>, transpose_lhs_hint = false} : vector<512x128xf32>, vector<128x128xf32>, vector<512x128xf32> -> vector<512x128xf32>
    %add3A_39 = arith.addf %add3A_28, %dot_general3A_38 : vector<512x128xf32>
    %get3A_40 = arith.constant 4 : index
    %get3A_41 = arith.constant 0 : index
    %get3A_42 = arith.constant 0 : index
    %get3A_43 = vector.load %arg1[%get3A_40, %get3A_41, %get3A_42] : memref<5x512x128xf32, #tpu.memory_space<vmem>>, vector<1x512x128xf32>
    %get3A_44 = vector.shape_cast %get3A_43 : vector<1x512x128xf32> to vector<512x128xf32>
    %get3A_45 = arith.constant 512 : index
    %get3A_46 = arith.constant 0 : index
    %get3A_47 = vector.load %arg2[%get3A_45, %get3A_46] : memref<640x128xf32, #tpu.memory_space<vmem>>, vector<128x128xf32>
    %dot_general3A_48 = arith.constant dense<0.000000e+00> : vector<512x128xf32>
    %dot_general3A_49 = tpu.matmul %get3A_44, %get3A_47, %dot_general3A_48 {dimension_numbers = #tpu.dot_dimension_numbers<[1], [0], [0], [1], [0, 0, 1, 1], [], []>, transpose_lhs_hint = false} : vector<512x128xf32>, vector<128x128xf32>, vector<512x128xf32> -> vector<512x128xf32>
    %add3A_50 = arith.addf %add3A_39, %dot_general3A_49 : vector<512x128xf32>
    %get3A_51 = arith.constant 0 : index
    %get3A_52 = arith.constant 0 : index
    %get3A_53 = vector.load %arg3[%get3A_51, %get3A_52] : memref<1x128xf32, #tpu.memory_space<vmem>>, vector<1x128xf32>
    %add3A_54 = vector.broadcast %get3A_53 : vector<1x128xf32> to vector<512x128xf32>
    %add3A_55 = arith.addf %add3A_50, %add3A_54 : vector<512x128xf32>
    %max3A = arith.constant 0.000000e+00 : f32
    %max3A_56 = vector.broadcast %max3A : f32 to vector<512x128xf32>
    %max3A_57 = arith.maximumf %add3A_55, %max3A_56 : vector<512x128xf32>
    %get3A_58 = arith.constant 0 : index
    %get3A_59 = arith.constant 0 : index
    %get3A_60 = vector.load %arg4[%get3A_58, %get3A_59] : memref<128x2xf32, #tpu.memory_space<vmem>>, vector<128x2xf32>
    %dot_general3A_61 = arith.constant dense<0.000000e+00> : vector<512x2xf32>
    %dot_general3A_62 = tpu.matmul %max3A_57, %get3A_60, %dot_general3A_61 {dimension_numbers = #tpu.dot_dimension_numbers<[1], [0], [0], [1], [0, 0, 1, 1], [], []>, transpose_lhs_hint = false} : vector<512x128xf32>, vector<128x2xf32>, vector<512x2xf32> -> vector<512x2xf32>
    %get3A_63 = arith.constant 0 : index
    %get3A_64 = arith.constant 0 : index
    %get3A_65 = vector.load %arg5[%get3A_63, %get3A_64] : memref<1x2xf32, #tpu.memory_space<vmem>>, vector<1x2xf32>
    %add3A_66 = vector.broadcast %get3A_65 : vector<1x2xf32> to vector<512x2xf32>
    %add3A_67 = arith.addf %dot_general3A_62, %add3A_66 : vector<512x2xf32>
    %neg3A = arith.constant 0.000000e+00 : f32
    %neg3A_68 = vector.broadcast %neg3A : f32 to vector<512x2xf32>
    %neg3A_69 = arith.subf %neg3A_68, %add3A_67 : vector<512x2xf32>
    %exp3A = math.exp %neg3A_69 : vector<512x2xf32>
    %add3A_70 = arith.constant 1.000000e+00 : f32
    %add3A_71 = vector.broadcast %add3A_70 : f32 to vector<512x2xf32>
    %add3A_72 = arith.addf %add3A_71, %exp3A : vector<512x2xf32>
    %div3A = arith.constant 1.000000e+00 : f32
    %div3A_73 = vector.broadcast %div3A : f32 to vector<512x2xf32>
    %div3A_74 = arith.divf %div3A_73, %add3A_72 : vector<512x2xf32>
    %swap3A = arith.constant 0 : index
    %swap3A_75 = arith.constant 0 : index
    %swap3A_76 = vector.load %arg6[%swap3A, %swap3A_75] : memref<512x2xf32, #tpu.memory_space<vmem>>, vector<512x2xf32>
    tpu.vector_store %arg6[%swap3A, %swap3A_75], %div3A_74 {strides = array<i32>} : memref<512x2xf32, #tpu.memory_space<vmem>>, vector<512x2xf32>,
    return
  }
  func.func @transform_0(%arg0: i32) -> (i32, i32, i32) {
    %c0_i32 = arith.constant 0 : i32
    %c0_i32_0 = arith.constant 0 : i32
    %c0_i32_1 = arith.constant 0 : i32
    return %c0_i32, %arg0, %c0_i32_0 : i32, i32, i32
  }
  func.func @transform_1(%arg0: i32) -> (i32, i32) {
    %c0_i32 = arith.constant 0 : i32
    %c0_i32_0 = arith.constant 0 : i32
    %c0_i32_1 = arith.constant 0 : i32
    return %c0_i32, %c0_i32_0 : i32, i32
  }
  func.func @transform_2(%arg0: i32) -> (i32, i32) {
    %c0_i32 = arith.constant 0 : i32
    %c0_i32_0 = arith.constant 0 : i32
    %c0_i32_1 = arith.constant 0 : i32
    return %c0_i32, %c0_i32_0 : i32, i32
  }
  func.func @transform_3(%arg0: i32) -> (i32, i32) {
    %c0_i32 = arith.constant 0 : i32
    %c0_i32_0 = arith.constant 0 : i32
    %c0_i32_1 = arith.constant 0 : i32
    return %c0_i32, %c0_i32_0 : i32, i32
  }
  func.func @transform_4(%arg0: i32) -> (i32, i32) {
    %c0_i32 = arith.constant 0 : i32
    %c0_i32_0 = arith.constant 0 : i32
    %c0_i32_1 = arith.constant 0 : i32
    return %c0_i32, %c0_i32_0 : i32, i32
  }
  func.func @transform_5(%arg0: i32) -> (i32, i32) {
    %c0_i32 = arith.constant 0 : i32
    %c0_i32_0 = arith.constant 0 : i32
    return %arg0, %c0_i32 : i32, i32
  }
}

module attributes {stable_mosaic.version = 14 : i64} {
  func.func @_mlp_carry_tc(%arg0: i32, %arg1: memref<5x512x128xf32, #tpu.memory_space<vmem>>, %arg2: memref<640x128xf32, #tpu.memory_space<vmem>>, %arg3: memref<1x128xf32, #tpu.memory_space<vmem>>, %arg4: memref<128x2xf32, #tpu.memory_space<vmem>>, %arg5: memref<1x2xf32, #tpu.memory_space<vmem>>, %arg6: memref<16384x2xf32, #tpu.memory_space<any>>, %arg7: memref<512x2xf32, #tpu.memory_space<vmem>>) attributes {dimension_semantics = [#tpu.dimension_semantics<arbitrary>], iteration_bounds = array<i64: 16>, scalar_prefetch = 0 : i64, scratch_operands = 0 : i64, tpu.core_type = #tpu.core_type<tc>, window_params = [{transform_indices = @transform_0, window_bounds = array<i64: 5, 512, 128>}, {pipeline_mode = #tpu.pipeline_mode<synchronous>, transform_indices = @transform_1, window_bounds = array<i64: 640, 128>}, {pipeline_mode = #tpu.pipeline_mode<synchronous>, transform_indices = @transform_2, window_bounds = array<i64: 1, 128>}, {pipeline_mode = #tpu.pipeline_mode<synchronous>, transform_indices = @transform_3, window_bounds = array<i64: 128, 2>}, {pipeline_mode = #tpu.pipeline_mode<synchronous>, transform_indices = @transform_4, window_bounds = array<i64: 1, 2>}, {}, {transform_indices = @transform_6, window_bounds = array<i64: 512, 2>}]} {
    %get3A = arith.constant 0 : index
    %get3A_0 = arith.constant 0 : index
    %get3A_1 = arith.constant 0 : index
    %get3A_2 = vector.load %arg1[%get3A, %get3A_0, %get3A_1] : memref<5x512x128xf32, #tpu.memory_space<vmem>>, vector<1x512x128xf32>
    %get3A_3 = vector.shape_cast %get3A_2 : vector<1x512x128xf32> to vector<512x128xf32>
    %get3A_4 = arith.constant 0 : index
    %get3A_5 = arith.constant 0 : index
    %get3A_6 = vector.load %arg2[%get3A_4, %get3A_5] : memref<640x128xf32, #tpu.memory_space<vmem>>, vector<128x128xf32>
    %dot_general3A = arith.constant dense<0.000000e+00> : vector<512x128xf32>
    %dot_general3A_7 = tpu.matmul %get3A_3, %get3A_6, %dot_general3A {dimension_numbers = #tpu.dot_dimension_numbers<[1], [0], [0], [1], [0, 0, 1, 1], [], []>, transpose_lhs_hint = false} : vector<512x128xf32>, vector<128x128xf32>, vector<512x128xf32> -> vector<512x128xf32>
    %get3A_8 = arith.constant 1 : index
    %get3A_9 = arith.constant 0 : index
    %get3A_10 = arith.constant 0 : index
    %get3A_11 = vector.load %arg1[%get3A_8, %get3A_9, %get3A_10] : memref<5x512x128xf32, #tpu.memory_space<vmem>>, vector<1x512x128xf32>
    %get3A_12 = vector.shape_cast %get3A_11 : vector<1x512x128xf32> to vector<512x128xf32>
    %get3A_13 = arith.constant 128 : index
    %get3A_14 = arith.constant 0 : index
    %get3A_15 = vector.load %arg2[%get3A_13, %get3A_14] : memref<640x128xf32, #tpu.memory_space<vmem>>, vector<128x128xf32>
    %dot_general3A_16 = arith.constant dense<0.000000e+00> : vector<512x128xf32>
    %dot_general3A_17 = tpu.matmul %get3A_12, %get3A_15, %dot_general3A_16 {dimension_numbers = #tpu.dot_dimension_numbers<[1], [0], [0], [1], [0, 0, 1, 1], [], []>, transpose_lhs_hint = false} : vector<512x128xf32>, vector<128x128xf32>, vector<512x128xf32> -> vector<512x128xf32>
    %add3A = arith.addf %dot_general3A_7, %dot_general3A_17 : vector<512x128xf32>
    %get3A_18 = arith.constant 2 : index
    %get3A_19 = arith.constant 0 : index
    %get3A_20 = arith.constant 0 : index
    %get3A_21 = vector.load %arg1[%get3A_18, %get3A_19, %get3A_20] : memref<5x512x128xf32, #tpu.memory_space<vmem>>, vector<1x512x128xf32>
    %get3A_22 = vector.shape_cast %get3A_21 : vector<1x512x128xf32> to vector<512x128xf32>
    %get3A_23 = arith.constant 256 : index
    %get3A_24 = arith.constant 0 : index
    %get3A_25 = vector.load %arg2[%get3A_23, %get3A_24] : memref<640x128xf32, #tpu.memory_space<vmem>>, vector<128x128xf32>
    %dot_general3A_26 = arith.constant dense<0.000000e+00> : vector<512x128xf32>
    %dot_general3A_27 = tpu.matmul %get3A_22, %get3A_25, %dot_general3A_26 {dimension_numbers = #tpu.dot_dimension_numbers<[1], [0], [0], [1], [0, 0, 1, 1], [], []>, transpose_lhs_hint = false} : vector<512x128xf32>, vector<128x128xf32>, vector<512x128xf32> -> vector<512x128xf32>
    %add3A_28 = arith.addf %add3A, %dot_general3A_27 : vector<512x128xf32>
    %get3A_29 = arith.constant 3 : index
    %get3A_30 = arith.constant 0 : index
    %get3A_31 = arith.constant 0 : index
    %get3A_32 = vector.load %arg1[%get3A_29, %get3A_30, %get3A_31] : memref<5x512x128xf32, #tpu.memory_space<vmem>>, vector<1x512x128xf32>
    %get3A_33 = vector.shape_cast %get3A_32 : vector<1x512x128xf32> to vector<512x128xf32>
    %get3A_34 = arith.constant 384 : index
    %get3A_35 = arith.constant 0 : index
    %get3A_36 = vector.load %arg2[%get3A_34, %get3A_35] : memref<640x128xf32, #tpu.memory_space<vmem>>, vector<128x128xf32>
    %dot_general3A_37 = arith.constant dense<0.000000e+00> : vector<512x128xf32>
    %dot_general3A_38 = tpu.matmul %get3A_33, %get3A_36, %dot_general3A_37 {dimension_numbers = #tpu.dot_dimension_numbers<[1], [0], [0], [1], [0, 0, 1, 1], [], []>, transpose_lhs_hint = false} : vector<512x128xf32>, vector<128x128xf32>, vector<512x128xf32> -> vector<512x128xf32>
    %add3A_39 = arith.addf %add3A_28, %dot_general3A_38 : vector<512x128xf32>
    %get3A_40 = arith.constant 4 : index
    %get3A_41 = arith.constant 0 : index
    %get3A_42 = arith.constant 0 : index
    %get3A_43 = vector.load %arg1[%get3A_40, %get3A_41, %get3A_42] : memref<5x512x128xf32, #tpu.memory_space<vmem>>, vector<1x512x128xf32>
    %get3A_44 = vector.shape_cast %get3A_43 : vector<1x512x128xf32> to vector<512x128xf32>
    %get3A_45 = arith.constant 512 : index
    %get3A_46 = arith.constant 0 : index
    %get3A_47 = vector.load %arg2[%get3A_45, %get3A_46] : memref<640x128xf32, #tpu.memory_space<vmem>>, vector<128x128xf32>
    %dot_general3A_48 = arith.constant dense<0.000000e+00> : vector<512x128xf32>
    %dot_general3A_49 = tpu.matmul %get3A_44, %get3A_47, %dot_general3A_48 {dimension_numbers = #tpu.dot_dimension_numbers<[1], [0], [0], [1], [0, 0, 1, 1], [], []>, transpose_lhs_hint = false} : vector<512x128xf32>, vector<128x128xf32>, vector<512x128xf32> -> vector<512x128xf32>
    %add3A_50 = arith.addf %add3A_39, %dot_general3A_49 : vector<512x128xf32>
    %get3A_51 = arith.constant 0 : index
    %get3A_52 = arith.constant 0 : index
    %get3A_53 = vector.load %arg3[%get3A_51, %get3A_52] : memref<1x128xf32, #tpu.memory_space<vmem>>, vector<1x128xf32>
    %add3A_54 = vector.broadcast %get3A_53 : vector<1x128xf32> to vector<512x128xf32>
    %add3A_55 = arith.addf %add3A_50, %add3A_54 : vector<512x128xf32>
    %max3A = arith.constant 0.000000e+00 : f32
    %max3A_56 = vector.broadcast %max3A : f32 to vector<512x128xf32>
    %max3A_57 = arith.maximumf %add3A_55, %max3A_56 : vector<512x128xf32>
    %get3A_58 = arith.constant 0 : index
    %get3A_59 = arith.constant 0 : index
    %get3A_60 = vector.load %arg4[%get3A_58, %get3A_59] : memref<128x2xf32, #tpu.memory_space<vmem>>, vector<128x2xf32>
    %dot_general3A_61 = arith.constant dense<0.000000e+00> : vector<512x2xf32>
    %dot_general3A_62 = tpu.matmul %max3A_57, %get3A_60, %dot_general3A_61 {dimension_numbers = #tpu.dot_dimension_numbers<[1], [0], [0], [1], [0, 0, 1, 1], [], []>, transpose_lhs_hint = false} : vector<512x128xf32>, vector<128x2xf32>, vector<512x2xf32> -> vector<512x2xf32>
    %get3A_63 = arith.constant 0 : index
    %get3A_64 = arith.constant 0 : index
    %get3A_65 = vector.load %arg5[%get3A_63, %get3A_64] : memref<1x2xf32, #tpu.memory_space<vmem>>, vector<1x2xf32>
    %add3A_66 = vector.broadcast %get3A_65 : vector<1x2xf32> to vector<512x2xf32>
    %add3A_67 = arith.addf %dot_general3A_62, %add3A_66 : vector<512x2xf32>
    %neg3A = arith.constant 0.000000e+00 : f32
    %neg3A_68 = vector.broadcast %neg3A : f32 to vector<512x2xf32>
    %neg3A_69 = arith.subf %neg3A_68, %add3A_67 : vector<512x2xf32>
    %exp3A = math.exp %neg3A_69 : vector<512x2xf32>
    %add3A_70 = arith.constant 1.000000e+00 : f32
    %add3A_71 = vector.broadcast %add3A_70 : f32 to vector<512x2xf32>
    %add3A_72 = arith.addf %add3A_71, %exp3A : vector<512x2xf32>
    %div3A = arith.constant 1.000000e+00 : f32
    %div3A_73 = vector.broadcast %div3A : f32 to vector<512x2xf32>
    %div3A_74 = arith.divf %div3A_73, %add3A_72 : vector<512x2xf32>
    %swap3A = arith.constant 0 : index
    %swap3A_75 = arith.constant 0 : index
    %swap3A_76 = vector.load %arg7[%swap3A, %swap3A_75] : memref<512x2xf32, #tpu.memory_space<vmem>>, vector<512x2xf32>
    tpu.vector_store %arg7[%swap3A, %swap3A_75], %div3A_74 {strides = array<i32>} : memref<512x2xf32, #tpu.memory_space<vmem>>, vector<512x2xf32>,
    return
  }
  func.func @transform_0(%arg0: i32) -> (i32, i32, i32) {
    %c0_i32 = arith.constant 0 : i32
    %c0_i32_0 = arith.constant 0 : i32
    %c0_i32_1 = arith.constant 0 : i32
    return %c0_i32, %arg0, %c0_i32_0 : i32, i32, i32
  }
  func.func @transform_1(%arg0: i32) -> (i32, i32) {
    %c0_i32 = arith.constant 0 : i32
    %c0_i32_0 = arith.constant 0 : i32
    %c0_i32_1 = arith.constant 0 : i32
    return %c0_i32, %c0_i32_0 : i32, i32
  }
  func.func @transform_2(%arg0: i32) -> (i32, i32) {
    %c0_i32 = arith.constant 0 : i32
    %c0_i32_0 = arith.constant 0 : i32
    %c0_i32_1 = arith.constant 0 : i32
    return %c0_i32, %c0_i32_0 : i32, i32
  }
  func.func @transform_3(%arg0: i32) -> (i32, i32) {
    %c0_i32 = arith.constant 0 : i32
    %c0_i32_0 = arith.constant 0 : i32
    %c0_i32_1 = arith.constant 0 : i32
    return %c0_i32, %c0_i32_0 : i32, i32
  }
  func.func @transform_4(%arg0: i32) -> (i32, i32) {
    %c0_i32 = arith.constant 0 : i32
    %c0_i32_0 = arith.constant 0 : i32
    %c0_i32_1 = arith.constant 0 : i32
    return %c0_i32, %c0_i32_0 : i32, i32
  }
  func.func @transform_6(%arg0: i32) -> (i32, i32) {
    %add3A = arith.constant 16 : i32
    %add3A_0 = arith.addi %add3A, %arg0 : i32
    %c0_i32 = arith.constant 0 : i32
    %c0_i32_1 = arith.constant 0 : i32
    return %add3A_0, %c0_i32 : i32, i32
  }
}

</mosaic_0001>

<sc_bundles>
// kernel: kernel.6.cloned.1.call-start
scs
__scs_entry_jumppad:
0x0: {  	(pc) =	sbr.rel $0x88, $3  }
0x1: {  	(tag) =	ssettag $0x0;
	lr =	simm.s32 $0x1  }
0x2: {  	[smem:$0x3F96] =	sst lr;
	_ =	strace $0xD0000000  }
0x3: {  	_ = 	snop  }
0x4: {  	_ = 	snop  }
0x5: {  	_ = 	snop  }
0x6: {  	_ = 	snop  }
0x7: {  	_ = 	snop  }
__scs_overlays_trampoline_lowered:
0x8: {  	[smem:$0x3FA5] =	sst s0  }
0x9: {  	[smem:$0x3FA6] =	sst s1  }
0xa: {  	[smem:$0x3FA7] =	sst s2  }
0xb: {  	[smem:$0x3FA8] =	sst s3  }
0xc: {  	[smem:$0x3FA9] =	sst s4  }
0xd: {  	[smem:$0x3FAA] =	sst s5  }
0xe: {  	[smem:$0x3FAB] =	sst s6  }
0xf: {  	[smem:$0x3FAC] =	sst s7  }
0x10: {  	[smem:$0x3FAD] =	sst s8  }
0x11: {  	[smem:$0x3FAE] =	sst s9;
	s0 =	simm.s32 @!p0 $0x0  }
0x12: {  	s1 =	sld [smem:$0x3F94];
	s0 =	simm.s32 @p0 $0x1  }
0x13: {  	[smem:$0x3FAF] =	sst s0;
	s0 =	simm.s32 @!p1 $0x0  }
0x14: {  	s2 =	sld [smem:$0x3F93];
	s0 =	simm.s32 @p1 $0x1  }
0x15: {  	[smem:$0x3FB0] =	sst s0;
	s0 =	simm.s32 @!p2 $0x0  }
0x16: {  	s3 =	sld [smem:$0x3FDB];
	s0 =	simm.s32 @p2 $0x1  }
0x17: {  	s4 =	simm.s32 $0x1BF5;
	[smem:$0x3FB2] =	sst s0  }
0x18: {  	s0 =	sld [smem:$0x3F95];
	_ =	swait.ge [sflag:s4], $0x0  }
0x19: {  	s7 =	sld [smem:$0x3F96]  }
0x1a: {  	s8 =	sadd.s32 $0xFFFFE003, lr  }
0x1b: {  	s9 =	sadd.s32 $0xFFFFFEF7, lr;
	s5 =	simm.s32 $0xFFFFFFFF;
	p2 =	slt.u32 s8, $0xFFFFF086  }
0x1c: {  	p1 =	slt.u32 s9, $0xF7A;
	s5 =	simm.s32 @!p2 $0x0  }
0x1d: {  	s5 =	simm.s32 @p1 $0x1;
	p0 =	seq.s32 s7, s2  }
0x1e: {  	s7 =	smul.u32 @!p0 $0xF7A, s2;
	p2 =	seq.s32 @!p0 s5, $0x0  }
0x1f: {  	s9 =	smul.u32 $0xF7A, s1;
	s8 =	simm.s32 @!p0 $0x1BF5;
	p2 =	por !p2, p0  }
0x20: {  	[sflag:s8] =	ssyncset.s32 @!p0 $0xFFFFF086;
	s6 =	sadd.s32 @!p0 s3, s7;
	s7 =	simm.s32 @!p0 $0x108  }
0x21: {  	s3 =	sadd.s32 s3, s9;
	s6 =	sadd.s32 @!p0 $0x88, s6;
	s7 =	simm.s32 @p2 $0x1082  }
0x22: {  	[simem:s7], [sflag:s8] =	dma.local @!p0 [hbm:s6], $0xF7A  }
0x23: {  	s9 =	sor.u32 $0xD0000000, s2;
	s6 =	simm.s32 $0x108;
	_ =	swait.ge @!p0 [sflag:s8], $0x0  }
0x24: {  	s3 =	sadd.s32 $0x88, s3;
	s6 =	simm.s32 @!p1 $0x1082;
	[sflag:s4] =	ssyncset.s32 $0xFFFFF086  }
0x25: {  	[simem:s6], [sflag:s4] =	dma.local [hbm:s3], $0xF7A  }
0x26: {  	[smem:$0x3F96] =	sst s1;
	(tag) =	ssettag s2;
	_ =	strace s9  }
0x27: {  	s1 =	sld [smem:$0x3FA6]  }
0x28: {  	s2 =	sld [smem:$0x3FA7]  }
0x29: {  	s4 =	sld [smem:$0x3FA9]  }
0x2a: {  	p0 =	seq.s32 s5, $0x0;
	s5 =	sld [smem:$0x3FAA]  }
0x2b: {  	s6 =	sld [smem:$0x3FAB]  }
0x2c: {  	s7 =	sld [smem:$0x3FAC]  }
0x2d: {  	s3 =	simm.s32 $0x108;
	s8 =	sld [smem:$0x3FAD]  }
0x2e: {  	s3 =	simm.s32 @!p0 $0x1082;
	s9 =	sld [smem:$0x3FAE]  }
0x2f: {  	lr =	sadd.s32 s0, s3;
	s0 =	sld [smem:$0x3FA5]  }
0x30: {  	s3 =	sld [smem:$0x3FA8]  }
0x31: {  	[smem:$0x3FB1] =	sst s10  }
0x32: {  	s10 =	sld [smem:$0x3FAF];
	_ =	sdelay $0x3  }
0x33: {  	p0 =	seq.s32 s10, $0x1;
	s10 =	sld [smem:$0x3FB1];
	_ =	sdelay $0x3  }
0x34: {  	[smem:$0x3FB1] =	sst s10  }
0x35: {  	s10 =	sld [smem:$0x3FB0];
	_ =	sdelay $0x3  }
0x36: {  	p1 =	seq.s32 s10, $0x1;
	s10 =	sld [smem:$0x3FB1];
	_ =	sdelay $0x3  }
0x37: {  	[smem:$0x3FB1] =	sst s10  }
0x38: {  	s10 =	sld [smem:$0x3FB2]  }
0x39: {  	_ = 	snop;
	(pc) =	sbr.ind lr, $3  }
0x3a: {  	_ = 	snop  }
0x3b: {  	_ = 	snop  }
0x3c: {  	p2 =	seq.s32 s10, $0x1;
	s10 =	sld [smem:$0x3FB1]  }
0x3d: {  	_ =	shalt  }
0x3e: {  	_ =	shalt  }
0x3f: {  	_ =	shalt  }
0x40: {  	_ =	shalt  }
0x41: {  	_ =	shalt  }
0x42: {  	_ =	shalt  }
0x43: {  	_ =	shalt  }
0x44: {  	_ =	shalt  }
0x45: {  	_ =	shalt  }
0x46: {  	_ =	shalt  }
0x47: {  	_ =	shalt  }
0x48: {  	_ =	shalt  }
0x49: {  	_ =	shalt  }
0x4a: {  	_ =	shalt  }
0x4b: {  	_ =	shalt  }
0x4c: {  	_ =	shalt  }
0x4d: {  	_ =	shalt  }
0x4e: {  	_ =	shalt  }
0x4f: {  	_ =	shalt  }
0x50: {  	_ =	shalt  }
0x51: {  	_ =	shalt  }
0x52: {  	_ =	shalt  }
0x53: {  	_ =	shalt  }
0x54: {  	_ =	shalt  }
0x55: {  	_ =	shalt  }
0x56: {  	_ =	shalt  }
0x57: {  	_ =	shalt  }
0x58: {  	_ =	shalt  }
0x59: {  	_ =	shalt  }
0x5a: {  	_ =	shalt  }
0x5b: {  	_ =	shalt  }
0x5c: {  	_ =	shalt  }
0x5d: {  	_ =	shalt  }
0x5e: {  	_ =	shalt  }
0x5f: {  	_ =	shalt  }
0x60: {  	_ =	shalt  }
0x61: {  	_ =	shalt  }
0x62: {  	_ =	shalt  }
0x63: {  	_ =	shalt  }
0x64: {  	_ =	shalt  }
0x65: {  	_ =	shalt  }
0x66: {  	_ =	shalt  }
0x67: {  	_ =	shalt  }
0x68: {  	_ =	shalt  }
0x69: {  	_ =	shalt  }
0x6a: {  	_ =	shalt  }
0x6b: {  	_ =	shalt  }
0x6c: {  	_ =	shalt  }
0x6d: {  	_ =	shalt  }
0x6e: {  	_ =	shalt  }
0x6f: {  	_ =	shalt  }
0x70: {  	_ =	shalt  }
0x71: {  	_ =	shalt  }
0x72: {  	_ =	shalt  }
0x73: {  	_ =	shalt  }
0x74: {  	_ =	shalt  }
0x75: {  	_ =	shalt  }
0x76: {  	_ =	shalt  }
0x77: {  	_ =	shalt  }
0x78: {  	_ =	shalt  }
0x79: {  	_ =	shalt  }
0x7a: {  	_ =	shalt  }
0x7b: {  	_ =	shalt  }
0x7c: {  	_ =	shalt  }
0x7d: {  	_ =	shalt  }
0x7e: {  	_ =	shalt  }
0x7f: {  	_ =	shalt  }
0x80: {  	_ =	shalt  }
0x81: {  	_ =	shalt  }
0x82: {  	_ =	shalt  }
0x83: {  	_ =	shalt  }
0x84: {  	_ =	shalt  }
0x85: {  	_ =	shalt  }
0x86: {  	_ =	shalt  }
0x87: {  	_ =	shalt  }
.Lfunc_end0:
.L_simem_size_0:
called_computation_lowered:
.L_overlay_start_0:
0x88: {  	s2 =	sld [smem:$0x3FD9]  }
0x89: {  	s3 =	sld [smem:$0x3FFE];
	_ =	sdelay $0x1  }
0x8a: {  	s1 =	srdreg.scid  }
0x8b: {  	s0 =	sand.u32 $0x1, s1  }
0x8c: {  	s17 =	sshll.u32 s0, $0xA;
	s2 =	sadd.s32 s3, s2  }
0x8d: {  	s2 =	sadd.s32 s2, s17  }
0x8e: {  	[smem:$0x3FBD] =	sst s2  }
0x8f: {  	_ = 	snop  }
0x90: {  	s2 =	sld [smem:$0x3FC9]  }
0x91: {  	s18 =	sld [smem:$0x3FC8]  }
0x92: {  	s4 =	sld [smem:$0x3FC7]  }
0x93: {  	s5 =	sld [smem:$0x3FC6]  }
0x94: {  	s6 =	sld [smem:$0x3FC5]  }
0x95: {  	s7 =	sld [smem:$0x3FC4]  }
0x96: {  	s8 =	sld [smem:$0x3FC3];
	(tm) =	ssettm $0x1  }
0x97: {  	s9 =	sld [smem:$0x3FFB];
	_ =	sdelay $0x3  }
0x98: {  	_ =	strace s9  }
0x99: {  	s9 =	sld [smem:$0x3FFC];
	_ =	sdelay $0x3  }
0x9a: {  	_ =	strace s9  }
0x9b: {  	s9 =	sld [smem:$0x3FFD];
	_ =	sdelay $0x3  }
0x9c: {  	_ =	strace s9  }
0x9d: {  	_ =	strace $0x8FFFFFFF  }
0x9e: {  	s19 =	sld [smem:$0x3FDB];
	_ =	sdelay $0x1  }
0x9f: {  	s10 =	simm.s32 $_scs_section_size  }
0xa0: {  	s11 =	simm.s32 $_size__tile_overlayer_lowered;
	s12 =	simm.s32 $_tile_overlayer_lowered  }
0xa1: {  	s22 =	simm.s32 $0x1BFF;
	s21 =	sshll.u32 s12, $0x1;
	s9 =	sadd.s32 s10, s19  }
0xa2: {  	s13 =	simm.s32 $0x0;
	s20 =	sshll.u32 s11, $0x1;
	s11 =	sadd.s32 s21, s9  }
0xa3: {  	[timem:s13], [sflag:s22] =	dma.local [hbm:s11], s20  }
0xa4: {  	_ =	swait.ge [sflag:s22], s20  }
0xa5: {  	s10 =	ssub.s32 $0x0, s20;
	[sflag:s22] =	ssyncset.done $0x0  }
0xa6: {  	[sflag:s22] =	ssyncadd.s32 s10;
	_ =	sdelay $0x1  }
0xa7: {  	s23 =	simm.s32 $0x1B8B  }
0xa8: {  	_ =	swait.ge [sflag:s23], $0x1  }
0xa9: {  	[sflag:s23] =	ssyncset.done $0x0  }
0xaa: {  	s25 =	simm.s32 $0x1B8E;
	s24 =	sld [smem:$0x3FFE];
	[sflag:s23] =	ssyncadd.s32 $0xFFFFFFFF  }
0xab: {  	s26 =	simm.s32 $execute0_lowered;
	[smem:$0x3FD2] =	sst s25  }
0xac: {  	s11 =	sshll.u32 s26, $0x1;
	_ =	strace $0x80000046;
	[dreg:$0x1] =	wrdreg $0xFFFFFFFF  }
0xad: {  	s28 =	simm.s32 $_size_execute0_lowered;
	s9 =	sadd.s32 s9, s11;
	[dreg:$0x0] =	wrdreg $0x0  }
0xae: {  	s11 =	sshll.u32 s28, $0x1;
	[dreg:$0x2] =	wrdreg s9  }
0xaf: {  	[dreg:$0x3] =	wrdreg s11  }
0xb0: {  	[dreg:$0x4] =	wrdreg $0xC0  }
0xb1: {  	_ =	task [dreg:s13], $0x5FFFF  }
0xb2: {  	[dreg:$0x1] =	wrdreg $0xFFFFFFFF  }
0xb3: {  	[dreg:$0x0] =	wrdreg $0x60  }
0xb4: {  	[dreg:$0x2] =	wrdreg s2  }
0xb5: {  	[dreg:$0x3] =	wrdreg s4  }
0xb6: {  	[dreg:$0x4] =	wrdreg s18  }
0xb7: {  	[dreg:$0x5] =	wrdreg s5  }
0xb8: {  	[dreg:$0x6] =	wrdreg s6  }
0xb9: {  	[dreg:$0x7] =	wrdreg s7  }
0xba: {  	[dreg:$0x8] =	wrdreg s8  }
0xbb: {  	[dreg:$0x9] =	wrdreg s24  }
0xbc: {  	[dreg:$0xa] =	wrdreg $0x9  }
0xbd: {  	_ =	task.clear_ibuf [dreg:s13], $0xBFFFF;
	_ =	strace $0x90000046  }
0xbe: {  	s29 =	simm.s32 $0x9;
	_ =	strace $0x80000048  }
0xbf: {  	_ =	swait.ge [sflag:s29], $0x1  }
0xc0: {  	[sflag:s29] =	ssyncadd.s32 $0xFFFFFFFF  }
0xc1: {  	_ =	strace $0x90000048  }
0xc2: {  	_ =	sfence  }
0xc3: {  	s30 =	sld [smem:$0x0];
	_ =	sdelay $0x2  }
0xc4: {  	s31 =	sshll.u32 s1, $0xD;
	s1 =	sshrl.u32 s1, $0x2  }
0xc5: {  	s3 =	sand.u32 $0x4000, s31;
	s1 =	sadd.s32 s1, s30  }
0xc6: {  	s0 =	sor.u32 s3, s0;
	s1 =	sshll.u32 s1, $0x11  }
0xc7: {  	s0 =	sor.u32 s1, s0  }
0xc8: {  	s0 =	sadd.s32 $0x8F2B, s0  }
0xc9: {  	[sflag:s0] =	ssyncadd.remote.s32 $0x1  }
0xca: {  	_ =	sfence.sel $0xFFFF  }
0xcb: {  	[dreg:$0x0] =	wrdreg $0xFFFFFFFF;
	(pc) =	sbr.abs _section_cstart, $3  }
0xcc: {  	[dreg:$0x1] =	wrdreg $0xFFFFFFFF  }
0xcd: {  	_ =	task.clear_ibuf [dreg:s13], $0x2FFFF;
	_ =	strace $0x9FFFFFFF  }
0xce: {  	(tm) =	ssettm $0x7FFFFFFF  }
0xcf: {  	_ =	shalt  }
tec
execute0_lowered:
.L_overlay_start_1:
0x0: {  	(tag) =	ssettag $0x1  }
0x1: {  	s0 =	rddreg [dreg:$0x0]  }
0x2: {  	s4 =	rddreg [dreg:$0x1]  }
0x3: {  	s5 =	rddreg [dreg:$0x2]  }
0x4: {  	s1 =	rddreg [dreg:$0x3];
	s6 =	srdreg.scid  }
0x5: {  	s2 =	rddreg [dreg:$0x4];
	s9 =	stileid.u32;
	s8 =	sand.u32 $0x1, s6  }
0x6: {  	s3 =	rddreg [dreg:$0x5];
	s9 =	sshll.u32 s9, $0x9;
	s10 =	sshll.u32 s8, $0x8  }
0x7: {  	s7 =	rddreg [dreg:$0x7];
	s9 =	sor.u32 s10, s9  }
0x8: {  	s6 =	simm.s32 $0x0;
	s10 =	sshll.u32 s9, $0x4;
	s9 =	sshrl.u32 s9, $0x3  }
0x9: {  	[smem:$0x7FF] =	sst s6;
	s0 =	sadd.s32 s0, s9  }
0xa: {  	_ =	strace $0x80000047;
	s24 =	sadd.s32 s4, s9;
	[dreg:$0x9] =	wrdreg s0  }
0xb: {  	s7 =	sadd.s32 s10, s7;
	s25 =	sadd.s32 s5, s9;
	[dreg:$0xa] =	wrdreg s24  }
0xc: {  	[dreg:$0xb] =	wrdreg s25;
	s26 =	sadd.s32 $0x1400, s7  }
0xd: {  	s4 =	sadd.s32 $0x21400, s7;
	[dreg:$0xc] =	wrdreg s26  }
0xe: {  	s5 =	sadd.s32 $0x41400, s7;
	[dreg:$0xd] =	wrdreg s4  }
0xf: {  	s9 =	sadd.s32 $0x61400, s7;
	[dreg:$0xe] =	wrdreg s5  }
0x10: {  	s10 =	sadd.s32 $0x81400, s7;
	[dreg:$0xf] =	wrdreg s9  }
0x11: {  	s11 =	sadd.s32 $0x1800, s7;
	[dreg:$0x10] =	wrdreg s10  }
0x12: {  	s12 =	sadd.s32 $0x21800, s7;
	[dreg:$0x11] =	wrdreg s11  }
0x13: {  	s13 =	sadd.s32 $0x41800, s7;
	[dreg:$0x12] =	wrdreg s12  }
0x14: {  	s14 =	sadd.s32 $0x61800, s7;
	[dreg:$0x13] =	wrdreg s13  }
0x15: {  	s15 =	sadd.s32 $0x81800, s7;
	[dreg:$0x14] =	wrdreg s14  }
0x16: {  	s16 =	sadd.s32 $0x1C00, s7;
	[dreg:$0x15] =	wrdreg s15  }
0x17: {  	s28 =	simm.s32 $0x5;
	s17 =	sadd.s32 $0x21C00, s7;
	[dreg:$0x16] =	wrdreg s16  }
0x18: {  	s29 =	simm.s32 $0x7;
	s18 =	sadd.s32 $0x41C00, s7;
	[dreg:$0x17] =	wrdreg s17  }
0x19: {  	s31 =	simm.s32 $0x8;
	s19 =	sadd.s32 $0x61C00, s7;
	[dreg:$0x18] =	wrdreg s18  }
0x1a: {  	s30 =	simm.s32 $0xD;
	s20 =	sadd.s32 $0x81C00, s7;
	[dreg:$0x19] =	wrdreg s19  }
0x1b: {  	s8 =	ssub.s32 $0x2, s8;
	s21 =	sadd.s32 $0x2000, s7;
	[dreg:$0x1a] =	wrdreg s20  }
0x1c: {  	s23 =	sshrl.u32 s8, $0x1;
	s22 =	sadd.s32 $0x22000, s7;
	[dreg:$0x1b] =	wrdreg s21  }
0x1d: {  	s8 =	ssub.s32 s8, s23;
	s23 =	sadd.s32 $0x42000, s7;
	[dreg:$0x1c] =	wrdreg s22  }
0x1e: {  	s24 =	sadd.s32 $0x62000, s7;
	s25 =	sadd.s32 $0x82000, s7;
	[dreg:$0x1d] =	wrdreg s23  }
0x1f: {  	s0 =	simm.s32 $0xF;
	s7 =	simm.s32 $0x16300;
	[dreg:$0x1e] =	wrdreg s24  }
0x20: {  	[dreg:$0x1f] =	wrdreg s25;
	s26 =	smax.u32 s8, $0x1;
	s8 =	simm.s32 $0x40  }
0x21: {  	s19 =	simm.s32 $0x8300;
	s20 =	simm.s32 $0x14300;
	s23 =	simm.s32 $0x1  }
0x22: {  	s24 =	simm.s32 $0x2;
	s25 =	simm.s32 $0x3;
	s14 =	simm.s32 $0x6  }
0x23: {  	s21 =	simm.s32 $0x9;
	s22 =	simm.s32 $0xA;
	s17 =	simm.s32 $0xB  }
0x24: {  	s15 =	simm.s32 $0xC;
	s5 =	simm.s32 $0xE;
	s4 =	simm.s32 $0x0  }
0x25: {  	s16 =	simm.s32 $0x4300;
	[smem:$0x7FD] =	sst s26;
	s26 =	simm.s32 $0x4  }
.LBB2_1:
0x26: {  	s9 =	rddreg [dreg:$0x9]  }
0x27: {  	[tilespmem:s6], [sflag:$0xF] =	stream.linear.gather [hbm4b:s9+s6], $0x100, $0x38;
	[tilespmem:$0x1C300] =	vst v63  }
0x28: {  	_ =	swait.ge [sflag:s0], $0x100  }
0x29: {  	[sflag:s0] =	ssyncset.done $0x0  }
0x2a: {  	s10 =	simm.s32 $0x100;
	s12 =	rddreg [dreg:$0xa];
	[sflag:s0] =	ssyncadd.s32 $0xFFFFFF00  }
0x2b: {  	[tilespmem:s10], [sflag:$0xF] =	stream.linear.gather [hbm4b:s12+s6], $0x100, $0x38;
	[tilespmem:$0x1C300] =	vst v63  }
0x2c: {  	_ =	swait.ge [sflag:s0], $0x100  }
0x2d: {  	[sflag:s0] =	ssyncset.done $0x0  }
0x2e: {  	s11 =	simm.s32 $0x200;
	s13 =	rddreg [dreg:$0xb];
	[sflag:s0] =	ssyncadd.s32 $0xFFFFFF00  }
0x2f: {  	[tilespmem:s11], [sflag:$0xF] =	stream.linear.gather [hbm4b:s13+s6], $0x100, $0x38;
	[tilespmem:$0x1C300] =	vst v63  }
0x30: {  	_ =	swait.ge [sflag:s0], $0x100  }
0x31: {  	[sflag:s0] =	ssyncset.done $0x0  }
0x32: {  	s13 =	simm.s32 $0x300;
	[sflag:s0] =	ssyncadd.s32 $0xFFFFFF00  }
0x33: {  	[tilespmem:s13], [sflag:$0x1] =	stream.indirect.gather [hbm4b:s1+s8], $0x80, s6, s8, $0xb8;
	[tilespmem:$0x1C300] =	vst v63  }
0x34: {  	s18 =	simm.s32 $0x2300  }
0x35: {  	[tilespmem:s18], [sflag:$0x2] =	stream.indirect.gather [hbm4b:s1+s8], $0x80, s10, s8, $0xb8;
	[tilespmem:$0x1C300] =	vst v63  }
0x36: {  	s18 =	simm.s32 $0x4300  }
0x37: {  	[tilespmem:s18], [sflag:$0x3] =	stream.indirect.gather [hbm4b:s2+s8], $0x80, s6, s8, $0xb8;
	[tilespmem:$0x1C300] =	vst v63  }
0x38: {  	s12 =	simm.s32 $0x6300  }
0x39: {  	[tilespmem:s12], [sflag:$0x4] =	stream.indirect.gather [hbm4b:s2+s8], $0x80, s10, s8, $0xb8;
	[tilespmem:$0x1C300] =	vst v63  }
0x3a: {  	_ = 	snop  }
0x3b: {  	[tilespmem:s19], [sflag:$0x5] =	stream.indirect.gather [hbm4b:s3+s8], $0x80, s6, s8, $0xb8;
	[tilespmem:$0x1C300] =	vst v63  }
0x3c: {  	s9 =	rddreg [dreg:$0x6];
	s12 =	simm.s32 $0xA300  }
0x3d: {  	[tilespmem:s12], [sflag:$0x6] =	stream.indirect.gather [hbm4b:s9+s8], $0x80, s11, s8, $0xb8;
	[tilespmem:$0x1C300] =	vst v63  }
0x3e: {  	s19 =	simm.s32 $0xC300  }
0x3f: {  	[tilespmem:s19], [sflag:$0x7] =	stream.indirect.gather [hbm4b:s3+s8], $0x80, s10, s8, $0xb8;
	[tilespmem:$0x1C300] =	vst v63  }
0x40: {  	s12 =	simm.s32 $0xE300  }
0x41: {  	[tilespmem:s12], [sflag:$0x8] =	stream.indirect.gather [hbm4b:s1+s8], $0x80, s8, s8, $0xb8;
	[tilespmem:$0x1C300] =	vst v63  }
0x42: {  	s10 =	simm.s32 $0x140;
	s19 =	simm.s32 $0x10300  }
0x43: {  	[tilespmem:s19], [sflag:$0x9] =	stream.indirect.gather [hbm4b:s1+s8], $0x80, s10, s8, $0xb8;
	[tilespmem:$0x1C300] =	vst v63  }
0x44: {  	s12 =	simm.s32 $0x12300  }
0x45: {  	[tilespmem:s12], [sflag:$0xA] =	stream.indirect.gather [hbm4b:s2+s8], $0x80, s8, s8, $0xb8;
	[tilespmem:$0x1C300] =	vst v63  }
0x46: {  	_ = 	snop  }
0x47: {  	[tilespmem:s20], [sflag:$0xB] =	stream.indirect.gather [hbm4b:s2+s8], $0x80, s10, s8, $0xb8;
	[tilespmem:$0x1C300] =	vst v63  }
0x48: {  	_ = 	snop  }
0x49: {  	[tilespmem:s7], [sflag:$0xC] =	stream.indirect.gather [hbm4b:s3+s8], $0x80, s8, s8, $0xb8;
	[tilespmem:$0x1C300] =	vst v63  }
0x4a: {  	s19 =	simm.s32 $0x240;
	s20 =	simm.s32 $0x18300  }
0x4b: {  	[tilespmem:s20], [sflag:$0xD] =	stream.indirect.gather [hbm4b:s9+s8], $0x80, s19, s8, $0xb8;
	[tilespmem:$0x1C300] =	vst v63  }
0x4c: {  	s7 =	simm.s32 $0x1A300  }
0x4d: {  	[tilespmem:s7], [sflag:$0xE] =	stream.indirect.gather [hbm4b:s3+s8], $0x80, s10, s8, $0xb8;
	[tilespmem:$0x1C300] =	vst v63  }
0x4e: {  	_ =	swait.ge [sflag:s23], $0x2000  }
0x4f: {  	[sflag:s23] =	ssyncset.done $0x0  }
0x50: {  	s10 =	rddreg [dreg:$0xc];
	[sflag:s23] =	ssyncadd.s32 $0xFFFFE000  }
0x51: {  	[hbm4b:s10+s6] =	stream.linear.scatter [tilespmem:s13], [sflag:$0x1], $0x2000, $0x38;
	[tilespmem:$0x1C300] =	vst v63  }
0x52: {  	_ =	swait.ge [sflag:s24], $0x2000  }
0x53: {  	[sflag:s24] =	ssyncset.done $0x0  }
0x54: {  	s13 =	simm.s32 $0x2300;
	s11 =	rddreg [dreg:$0xd];
	[sflag:s24] =	ssyncadd.s32 $0xFFFFE000  }
0x55: {  	[hbm4b:s11+s6] =	stream.linear.scatter [tilespmem:s13], [sflag:$0x2], $0x2000, $0x38;
	[tilespmem:$0x1C300] =	vst v63  }
0x56: {  	_ =	swait.ge [sflag:s25], $0x2000  }
0x57: {  	[sflag:s25] =	ssyncset.done $0x0  }
0x58: {  	s19 =	rddreg [dreg:$0xe];
	[sflag:s25] =	ssyncadd.s32 $0xFFFFE000  }
0x59: {  	[hbm4b:s19+s6] =	stream.linear.scatter [tilespmem:s18], [sflag:$0x3], $0x2000, $0x38;
	[tilespmem:$0x1C300] =	vst v63  }
0x5a: {  	_ =	swait.ge [sflag:s26], $0x2000  }
0x5b: {  	[sflag:s26] =	ssyncset.done $0x0  }
0x5c: {  	s18 =	simm.s32 $0x6300;
	s20 =	rddreg [dreg:$0xf];
	[sflag:s26] =	ssyncadd.s32 $0xFFFFE000  }
0x5d: {  	[hbm4b:s20+s6] =	stream.linear.scatter [tilespmem:s18], [sflag:$0x4], $0x2000, $0x38;
	[tilespmem:$0x1C300] =	vst v63  }
0x5e: {  	_ =	swait.ge [sflag:s28], $0x2000  }
0x5f: {  	[sflag:s28] =	ssyncset.done $0x0  }
0x60: {  	[sflag:s28] =	ssyncadd.s32 $0xFFFFE000  }
0x61: {  	_ =	swait.ge [sflag:s14], $0x2000  }
0x62: {  	[sflag:s14] =	ssyncset.done $0x0  }
0x63: {  	[sflag:s14] =	ssyncadd.s32 $0xFFFFE000  }
0x64: {  	_ =	swait.ge [sflag:s29], $0x2000  }
0x65: {  	[sflag:s29] =	ssyncset.done $0x0  }
0x66: {  	s9 =	simm.s32 $0x0;
	[sflag:s29] =	ssyncadd.s32 $0xFFFFE000  }
0x67: {  	v5 =	vld [tilespmem:s9+$0xC300]  }
0x68: {  	v4 =	vld [tilespmem:s9+$0xC310]  }
0x69: {  	v3 =	vld [tilespmem:s9+$0xC320]  }
0x6a: {  	v2 =	vld [tilespmem:s9+$0xC330]  }
0x6b: {  	v1 =	vld [tilespmem:s9+$0xC340]  }
0x6c: {  	v0 =	vld [tilespmem:s9+$0xC350]  }
0x6d: {  	v12 =	vld [tilespmem:s9+$0xA300]  }
0x6e: {  	v17 =	vld [tilespmem:s9+$0xA310]  }
0x6f: {  	v11 =	vld [tilespmem:s9+$0xA320]  }
0x70: {  	v10 =	vld [tilespmem:s9+$0xA330]  }
0x71: {  	v9 =	vld [tilespmem:s9+$0xA340]  }
0x72: {  	v8 =	vld [tilespmem:s9+$0xA350]  }
0x73: {  	v7 =	vld [tilespmem:s9+$0xA360]  }
0x74: {  	v6 =	vld [tilespmem:s9+$0xA370]  }
0x75: {  	v18 =	vld [tilespmem:s9+$0x8300]  }
0x76: {  	v19 =	vld [tilespmem:s9+$0x8310]  }
0x77: {  	v16 =	vld [tilespmem:s9+$0x8320]  }
0x78: {  	v15 =	vld [tilespmem:s9+$0x8330]  }
0x79: {  	v14 =	vld [tilespmem:s9+$0x8340]  }
0x7a: {  	v13 =	vld [tilespmem:s9+$0x8350];
	v18 =	vadd.f32 v12, v18  }
0x7b: {  	s12 =	simm.s32 $0x300;
	s10 =	simm.s32 $0x200;
	v17 =	vadd.f32 v17, v19;
	v12 =	vld [tilespmem:s9+$0x8360]  }
.LBB2_2:
0x7c: {  	p0 =	sne.s32 s10, $0x7E00;
	v5 =	vsub.f32 v18, v5;
	v11 =	vadd.f32 v11, v16;
	v16 =	vld [tilespmem:s9+$0x8370]  }
0x7d: {  	v4 =	vsub.f32 v17, v4;
	v10 =	vadd.f32 v10, v15;
	v15 =	vld [tilespmem:s9+$0xC360]  }
0x7e: {  	s11 =	sshra.s32 s10, $0x2;
	[tilespmem:s9+$0x8300] =	vst v5;
	v3 =	vsub.f32 v11, v3;
	v9 =	vadd.f32 v9, v14;
	v11 =	vld [tilespmem:s9+$0xC370]  }
0x7f: {  	v5 =	vld [tilespmem:s11+$0xC300];
	[tilespmem:s9+$0x8310] =	vst v4;
	v2 =	vsub.f32 v10, v2;
	v8 =	vadd.f32 v8, v13  }
0x80: {  	v4 =	vld [tilespmem:s11+$0xC310];
	[tilespmem:s9+$0x8320] =	vst v3;
	v1 =	vsub.f32 v9, v1;
	v7 =	vadd.f32 v7, v12  }
0x81: {  	v3 =	vld [tilespmem:s11+$0xC320];
	[tilespmem:s9+$0x8330] =	vst v2;
	v0 =	vsub.f32 v8, v0;
	v6 =	vadd.f32 v6, v16  }
0x82: {  	v2 =	vld [tilespmem:s11+$0xC330];
	[tilespmem:s9+$0x8340] =	vst v1;
	v7 =	vsub.f32 v7, v15  }
0x83: {  	v1 =	vld [tilespmem:s11+$0xC340];
	[tilespmem:s9+$0x8350] =	vst v0;
	v6 =	vsub.f32 v6, v11  }
0x84: {  	v0 =	vld [tilespmem:s11+$0xC350];
	[tilespmem:s9+$0x8360] =	vst v7  }
0x85: {  	v12 =	vld [tilespmem:s11+$0xA300];
	[tilespmem:s9+$0x8370] =	vst v6;
	s9 =	smov.u32 s11  }
0x86: {  	v17 =	vld [tilespmem:s9+$0xA310]  }
0x87: {  	v11 =	vld [tilespmem:s9+$0xA320]  }
0x88: {  	v10 =	vld [tilespmem:s9+$0xA330]  }
0x89: {  	v9 =	vld [tilespmem:s9+$0xA340]  }
0x8a: {  	v8 =	vld [tilespmem:s9+$0xA350]  }
0x8b: {  	v7 =	vld [tilespmem:s9+$0xA360]  }
0x8c: {  	v6 =	vld [tilespmem:s9+$0xA370]  }
0x8d: {  	v13 =	vld [tilespmem:s9+$0x8300]  }
0x8e: {  	v19 =	vld [tilespmem:s9+$0x8310]  }
.Ltmp0:
0x8f: {  	v16 =	vld [tilespmem:s9+$0x8320];
	(pc) =	sbr.rel @p0 .LBB2_2-.Ltmp0, $4  }
0x90: {  	v15 =	vld [tilespmem:s9+$0x8330]  }
0x91: {  	v14 =	vld [tilespmem:s9+$0x8340]  }
0x92: {  	v18 =	vadd.f32 v12, v13;
	v13 =	vld [tilespmem:s9+$0x8350]  }
0x93: {  	s10 =	sadd.s32 $0x200, s10;
	v17 =	vadd.f32 v17, v19;
	v12 =	vld [tilespmem:s9+$0x8360]  }
0x94: {  	v5 =	vsub.f32 v18, v5;
	v18 =	vld [tilespmem:s9+$0x8370];
	v11 =	vadd.f32 v11, v16  }
0x95: {  	v16 =	vld [tilespmem:s9+$0xC360];
	v4 =	vsub.f32 v17, v4;
	v10 =	vadd.f32 v10, v15  }
0x96: {  	[tilespmem:s9+$0x8300] =	vst v5;
	v3 =	vsub.f32 v11, v3;
	v5 =	vadd.f32 v9, v14;
	v9 =	vld [tilespmem:s9+$0xC370]  }
0x97: {  	[tilespmem:s9+$0x8310] =	vst v4;
	v2 =	vsub.f32 v10, v2;
	v4 =	vadd.f32 v8, v13  }
0x98: {  	[tilespmem:s9+$0x8320] =	vst v3;
	v1 =	vsub.f32 v5, v1;
	v3 =	vadd.f32 v7, v12  }
0x99: {  	[tilespmem:s9+$0x8330] =	vst v2;
	v0 =	vsub.f32 v4, v0;
	v2 =	vadd.f32 v6, v18  }
0x9a: {  	[tilespmem:s9+$0x8340] =	vst v1;
	v1 =	vsub.f32 v3, v16  }
0x9b: {  	[tilespmem:s9+$0x8350] =	vst v0;
	v0 =	vsub.f32 v2, v9  }
0x9c: {  	[tilespmem:s9+$0x8360] =	vst v1  }
0x9d: {  	s10 =	rddreg [dreg:$0x10];
	s11 =	simm.s32 $0x8300;
	[tilespmem:s9+$0x8370] =	vst v0;
	s9 =	simm.s32 $0x0  }
0x9e: {  	[hbm4b:s10+s9] =	stream.linear.scatter [tilespmem:s11], [sflag:$0x5], $0x2000, $0x38;
	[tilespmem:$0x1C300] =	vst v63  }
0x9f: {  	_ =	swait.ge [sflag:s23], $0x2000  }
0xa0: {  	[sflag:s23] =	ssyncset.done $0x0  }
0xa1: {  	s7 =	simm.s32 $0x80;
	[sflag:s23] =	ssyncadd.s32 $0xFFFFE000  }
0xa2: {  	[tilespmem:s12], [sflag:$0x1] =	stream.indirect.gather [hbm4b:s1+s8], $0x80, s7, s8, $0xb8;
	[tilespmem:$0x1C300] =	vst v63  }
0xa3: {  	_ =	swait.ge [sflag:s24], $0x2000  }
0xa4: {  	[sflag:s24] =	ssyncset.done $0x0  }
0xa5: {  	s20 =	simm.s32 $0x180;
	[sflag:s24] =	ssyncadd.s32 $0xFFFFE000  }
0xa6: {  	[tilespmem:s13], [sflag:$0x2] =	stream.indirect.gather [hbm4b:s1+s8], $0x80, s20, s8, $0xb8;
	[tilespmem:$0x1C300] =	vst v63  }
0xa7: {  	_ =	swait.ge [sflag:s25], $0x2000  }
0xa8: {  	[sflag:s25] =	ssyncset.done $0x0  }
0xa9: {  	[sflag:s25] =	ssyncadd.s32 $0xFFFFE000  }
0xaa: {  	[tilespmem:s16], [sflag:$0x3] =	stream.indirect.gather [hbm4b:s2+s8], $0x80, s7, s8, $0xb8;
	[tilespmem:$0x1C300] =	vst v63  }
0xab: {  	_ =	swait.ge [sflag:s26], $0x2000  }
0xac: {  	[sflag:s26] =	ssyncset.done $0x0  }
0xad: {  	[sflag:s26] =	ssyncadd.s32 $0xFFFFE000  }
0xae: {  	[tilespmem:s18], [sflag:$0x4] =	stream.indirect.gather [hbm4b:s2+s8], $0x80, s20, s8, $0xb8;
	[tilespmem:$0x1C300] =	vst v63  }
0xaf: {  	_ =	swait.ge [sflag:s28], $0x2000  }
0xb0: {  	[sflag:s28] =	ssyncset.done $0x0  }
0xb1: {  	[sflag:s28] =	ssyncadd.s32 $0xFFFFE000  }
0xb2: {  	[tilespmem:s11], [sflag:$0x5] =	stream.indirect.gather [hbm4b:s3+s8], $0x80, s7, s8, $0xb8;
	[tilespmem:$0x1C300] =	vst v63  }
0xb3: {  	s29 =	simm.s32 $0xA300;
	s14 =	rddreg [dreg:$0x6];
	s7 =	simm.s32 $0x280  }
0xb4: {  	[tilespmem:s29], [sflag:$0x6] =	stream.indirect.gather [hbm4b:s14+s8], $0x80, s7, s8, $0xb8;
	[tilespmem:$0x1C300] =	vst v63  }
0xb5: {  	s11 =	simm.s32 $0xC300  }
0xb6: {  	[tilespmem:s11], [sflag:$0x7] =	stream.indirect.gather [hbm4b:s3+s8], $0x80, s20, s8, $0xb8;
	[tilespmem:$0x1C300] =	vst v63  }
0xb7: {  	_ =	swait.ge [sflag:s31], $0x2000  }
0xb8: {  	[sflag:s31] =	ssyncset.done $0x0  }
0xb9: {  	s20 =	simm.s32 $0xE300;
	s14 =	rddreg [dreg:$0x11];
	[sflag:s31] =	ssyncadd.s32 $0xFFFFE000  }
0xba: {  	[hbm4b:s14+s9] =	stream.linear.scatter [tilespmem:s20], [sflag:$0x8], $0x2000, $0x38;
	[tilespmem:$0x1C300] =	vst v63  }
0xbb: {  	_ =	swait.ge [sflag:s21], $0x2000  }
0xbc: {  	[sflag:s21] =	ssyncset.done $0x0  }
0xbd: {  	s7 =	simm.s32 $0x10300;
	s29 =	rddreg [dreg:$0x12];
	[sflag:s21] =	ssyncadd.s32 $0xFFFFE000  }
0xbe: {  	[hbm4b:s29+s9] =	stream.linear.scatter [tilespmem:s7], [sflag:$0x9], $0x2000, $0x38;
	[tilespmem:$0x1C300] =	vst v63  }
0xbf: {  	_ =	swait.ge [sflag:s22], $0x2000  }
0xc0: {  	[sflag:s22] =	ssyncset.done $0x0  }
0xc1: {  	s20 =	simm.s32 $0x12300;
	s14 =	rddreg [dreg:$0x13];
	[sflag:s22] =	ssyncadd.s32 $0xFFFFE000  }
0xc2: {  	[hbm4b:s14+s9] =	stream.linear.scatter [tilespmem:s20], [sflag:$0xA], $0x2000, $0x38;
	[tilespmem:$0x1C300] =	vst v63  }
0xc3: {  	_ =	swait.ge [sflag:s17], $0x2000  }
0xc4: {  	[sflag:s17] =	ssyncset.done $0x0  }
0xc5: {  	s20 =	simm.s32 $0x14300;
	s29 =	rddreg [dreg:$0x14];
	[sflag:s17] =	ssyncadd.s32 $0xFFFFE000  }
0xc6: {  	[hbm4b:s29+s9] =	stream.linear.scatter [tilespmem:s20], [sflag:$0xB], $0x2000, $0x38;
	[tilespmem:$0x1C300] =	vst v63  }
0xc7: {  	_ =	swait.ge [sflag:s15], $0x2000  }
0xc8: {  	[sflag:s15] =	ssyncset.done $0x0  }
0xc9: {  	[sflag:s15] =	ssyncadd.s32 $0xFFFFE000  }
0xca: {  	_ =	swait.ge [sflag:s30], $0x2000  }
0xcb: {  	[sflag:s30] =	ssyncset.done $0x0  }
0xcc: {  	[sflag:s30] =	ssyncadd.s32 $0xFFFFE000  }
0xcd: {  	_ =	swait.ge [sflag:s5], $0x2000  }
0xce: {  	[sflag:s5] =	ssyncset.done $0x0  }
0xcf: {  	s9 =	simm.s32 $0x0;
	[sflag:s5] =	ssyncadd.s32 $0xFFFFE000  }
0xd0: {  	v5 =	vld [tilespmem:s9+$0x1A300]  }
0xd1: {  	v4 =	vld [tilespmem:s9+$0x1A310]  }
0xd2: {  	v3 =	vld [tilespmem:s9+$0x1A320]  }
0xd3: {  	v2 =	vld [tilespmem:s9+$0x1A330]  }
0xd4: {  	v1 =	vld [tilespmem:s9+$0x1A340]  }
0xd5: {  	v0 =	vld [tilespmem:s9+$0x1A350]  }
0xd6: {  	v12 =	vld [tilespmem:s9+$0x18300]  }
0xd7: {  	v17 =	vld [tilespmem:s9+$0x18310]  }
0xd8: {  	v11 =	vld [tilespmem:s9+$0x18320]  }
0xd9: {  	v10 =	vld [tilespmem:s9+$0x18330]  }
0xda: {  	v9 =	vld [tilespmem:s9+$0x18340]  }
0xdb: {  	v8 =	vld [tilespmem:s9+$0x18350]  }
0xdc: {  	v7 =	vld [tilespmem:s9+$0x18360]  }
0xdd: {  	v6 =	vld [tilespmem:s9+$0x18370]  }
0xde: {  	v18 =	vld [tilespmem:s9+$0x16300]  }
0xdf: {  	v19 =	vld [tilespmem:s9+$0x16310]  }
0xe0: {  	v16 =	vld [tilespmem:s9+$0x16320]  }
0xe1: {  	v15 =	vld [tilespmem:s9+$0x16330]  }
0xe2: {  	v14 =	vld [tilespmem:s9+$0x16340]  }
0xe3: {  	v13 =	vld [tilespmem:s9+$0x16350];
	v18 =	vadd.f32 v12, v18  }
0xe4: {  	s19 =	simm.s32 $0x8300;
	s10 =	simm.s32 $0x200;
	v17 =	vadd.f32 v17, v19;
	v12 =	vld [tilespmem:s9+$0x16360]  }
.LBB2_4:
0xe5: {  	p0 =	sne.s32 s10, $0x7E00;
	v5 =	vsub.f32 v18, v5;
	v11 =	vadd.f32 v11, v16;
	v16 =	vld [tilespmem:s9+$0x16370]  }
0xe6: {  	v4 =	vsub.f32 v17, v4;
	v10 =	vadd.f32 v10, v15;
	v15 =	vld [tilespmem:s9+$0x1A360]  }
0xe7: {  	s11 =	sshra.s32 s10, $0x2;
	[tilespmem:s9+$0x16300] =	vst v5;
	v3 =	vsub.f32 v11, v3;
	v9 =	vadd.f32 v9, v14;
	v11 =	vld [tilespmem:s9+$0x1A370]  }
0xe8: {  	v5 =	vld [tilespmem:s11+$0x1A300];
	[tilespmem:s9+$0x16310] =	vst v4;
	v2 =	vsub.f32 v10, v2;
	v8 =	vadd.f32 v8, v13  }
0xe9: {  	v4 =	vld [tilespmem:s11+$0x1A310];
	[tilespmem:s9+$0x16320] =	vst v3;
	v1 =	vsub.f32 v9, v1;
	v7 =	vadd.f32 v7, v12  }
0xea: {  	v3 =	vld [tilespmem:s11+$0x1A320];
	[tilespmem:s9+$0x16330] =	vst v2;
	v0 =	vsub.f32 v8, v0;
	v6 =	vadd.f32 v6, v16  }
0xeb: {  	v2 =	vld [tilespmem:s11+$0x1A330];
	[tilespmem:s9+$0x16340] =	vst v1;
	v7 =	vsub.f32 v7, v15  }
0xec: {  	v1 =	vld [tilespmem:s11+$0x1A340];
	[tilespmem:s9+$0x16350] =	vst v0;
	v6 =	vsub.f32 v6, v11  }
0xed: {  	v0 =	vld [tilespmem:s11+$0x1A350];
	[tilespmem:s9+$0x16360] =	vst v7  }
0xee: {  	v12 =	vld [tilespmem:s11+$0x18300];
	[tilespmem:s9+$0x16370] =	vst v6;
	s9 =	smov.u32 s11  }
0xef: {  	v17 =	vld [tilespmem:s9+$0x18310]  }
0xf0: {  	v11 =	vld [tilespmem:s9+$0x18320]  }
0xf1: {  	v10 =	vld [tilespmem:s9+$0x18330]  }
0xf2: {  	v9 =	vld [tilespmem:s9+$0x18340]  }
0xf3: {  	v8 =	vld [tilespmem:s9+$0x18350]  }
0xf4: {  	v7 =	vld [tilespmem:s9+$0x18360]  }
0xf5: {  	v6 =	vld [tilespmem:s9+$0x18370]  }
0xf6: {  	v13 =	vld [tilespmem:s9+$0x16300]  }
0xf7: {  	v19 =	vld [tilespmem:s9+$0x16310]  }
.Ltmp1:
0xf8: {  	v16 =	vld [tilespmem:s9+$0x16320];
	(pc) =	sbr.rel @p0 .LBB2_4-.Ltmp1, $4  }
0xf9: {  	v15 =	vld [tilespmem:s9+$0x16330]  }
0xfa: {  	v14 =	vld [tilespmem:s9+$0x16340]  }
0xfb: {  	v18 =	vadd.f32 v12, v13;
	v13 =	vld [tilespmem:s9+$0x16350]  }
0xfc: {  	s10 =	sadd.s32 $0x200, s10;
	v17 =	vadd.f32 v17, v19;
	v12 =	vld [tilespmem:s9+$0x16360]  }
0xfd: {  	v5 =	vsub.f32 v18, v5;
	v18 =	vld [tilespmem:s9+$0x16370];
	v11 =	vadd.f32 v11, v16  }
0xfe: {  	v16 =	vld [tilespmem:s9+$0x1A360];
	v4 =	vsub.f32 v17, v4;
	v10 =	vadd.f32 v10, v15  }
0xff: {  	[tilespmem:s9+$0x16300] =	vst v5;
	v3 =	vsub.f32 v11, v3;
	v5 =	vadd.f32 v9, v14;
	v9 =	vld [tilespmem:s9+$0x1A370]  }
0x100: {  	[tilespmem:s9+$0x16310] =	vst v4;
	v2 =	vsub.f32 v10, v2;
	v4 =	vadd.f32 v8, v13  }
0x101: {  	[tilespmem:s9+$0x16320] =	vst v3;
	v1 =	vsub.f32 v5, v1;
	v3 =	vadd.f32 v7, v12  }
0x102: {  	[tilespmem:s9+$0x16330] =	vst v2;
	v0 =	vsub.f32 v4, v0;
	v2 =	vadd.f32 v6, v18  }
0x103: {  	[tilespmem:s9+$0x16340] =	vst v1;
	v1 =	vsub.f32 v3, v16  }
0x104: {  	[tilespmem:s9+$0x16350] =	vst v0;
	v0 =	vsub.f32 v2, v9  }
0x105: {  	[tilespmem:s9+$0x16360] =	vst v1  }
0x106: {  	s10 =	rddreg [dreg:$0x15];
	s7 =	simm.s32 $0x16300;
	[tilespmem:s9+$0x16370] =	vst v0;
	s9 =	simm.s32 $0x0  }
0x107: {  	[hbm4b:s10+s9] =	stream.linear.scatter [tilespmem:s7], [sflag:$0xC], $0x2000, $0x38;
	[tilespmem:$0x1C300] =	vst v63  }
0x108: {  	_ =	swait.ge [sflag:s31], $0x2000  }
0x109: {  	[sflag:s31] =	ssyncset.done $0x0  }
0x10a: {  	s14 =	simm.s32 $0xE300;
	s11 =	simm.s32 $0xC0;
	[sflag:s31] =	ssyncadd.s32 $0xFFFFE000  }
0x10b: {  	[tilespmem:s14], [sflag:$0x8] =	stream.indirect.gather [hbm4b:s1+s8], $0x80, s11, s8, $0xb8;
	[tilespmem:$0x1C300] =	vst v63  }
0x10c: {  	_ =	swait.ge [sflag:s21], $0x2000  }
0x10d: {  	[sflag:s21] =	ssyncset.done $0x0  }
0x10e: {  	s10 =	simm.s32 $0x10300;
	s14 =	simm.s32 $0x1C0;
	[sflag:s21] =	ssyncadd.s32 $0xFFFFE000  }
0x10f: {  	[tilespmem:s10], [sflag:$0x9] =	stream.indirect.gather [hbm4b:s1+s8], $0x80, s14, s8, $0xb8;
	[tilespmem:$0x1C300] =	vst v63  }
0x110: {  	_ =	swait.ge [sflag:s22], $0x2000  }
0x111: {  	[sflag:s22] =	ssyncset.done $0x0  }
0x112: {  	s10 =	simm.s32 $0x12300;
	[sflag:s22] =	ssyncadd.s32 $0xFFFFE000  }
0x113: {  	[tilespmem:s10], [sflag:$0xA] =	stream.indirect.gather [hbm4b:s2+s8], $0x80, s11, s8, $0xb8;
	[tilespmem:$0x1C300] =	vst v63  }
0x114: {  	_ =	swait.ge [sflag:s17], $0x2000  }
0x115: {  	[sflag:s17] =	ssyncset.done $0x0  }
0x116: {  	[sflag:s17] =	ssyncadd.s32 $0xFFFFE000  }
0x117: {  	[tilespmem:s20], [sflag:$0xB] =	stream.indirect.gather [hbm4b:s2+s8], $0x80, s14, s8, $0xb8;
	[tilespmem:$0x1C300] =	vst v63  }
0x118: {  	_ =	swait.ge [sflag:s15], $0x2000  }
0x119: {  	[sflag:s15] =	ssyncset.done $0x0  }
0x11a: {  	[sflag:s15] =	ssyncadd.s32 $0xFFFFE000  }
0x11b: {  	[tilespmem:s7], [sflag:$0xC] =	stream.indirect.gather [hbm4b:s3+s8], $0x80, s11, s8, $0xb8;
	[tilespmem:$0x1C300] =	vst v63  }
0x11c: {  	s29 =	simm.s32 $0x2C0;
	s10 =	rddreg [dreg:$0x6];
	s11 =	simm.s32 $0x18300  }
0x11d: {  	[tilespmem:s11], [sflag:$0xD] =	stream.indirect.gather [hbm4b:s10+s8], $0x80, s29, s8, $0xb8;
	[tilespmem:$0x1C300] =	vst v63  }
0x11e: {  	s11 =	simm.s32 $0x1A300  }
0x11f: {  	[tilespmem:s11], [sflag:$0xE] =	stream.indirect.gather [hbm4b:s3+s8], $0x80, s14, s8, $0xb8;
	[tilespmem:$0x1C300] =	vst v63  }
0x120: {  	_ =	swait.ge [sflag:s23], $0x2000  }
0x121: {  	[sflag:s23] =	ssyncset.done $0x0  }
0x122: {  	s11 =	rddreg [dreg:$0x16];
	[sflag:s23] =	ssyncadd.s32 $0xFFFFE000  }
0x123: {  	[hbm4b:s11+s9] =	stream.linear.scatter [tilespmem:s12], [sflag:$0x1], $0x2000, $0x38;
	[tilespmem:$0x1C300] =	vst v63  }
0x124: {  	_ =	swait.ge [sflag:s24], $0x2000  }
0x125: {  	[sflag:s24] =	ssyncset.done $0x0  }
0x126: {  	s12 =	rddreg [dreg:$0x17];
	[sflag:s24] =	ssyncadd.s32 $0xFFFFE000  }
0x127: {  	[hbm4b:s12+s9] =	stream.linear.scatter [tilespmem:s13], [sflag:$0x2], $0x2000, $0x38;
	[tilespmem:$0x1C300] =	vst v63  }
0x128: {  	_ =	swait.ge [sflag:s25], $0x2000  }
0x129: {  	[sflag:s25] =	ssyncset.done $0x0  }
0x12a: {  	s13 =	rddreg [dreg:$0x18];
	[sflag:s25] =	ssyncadd.s32 $0xFFFFE000  }
0x12b: {  	[hbm4b:s13+s9] =	stream.linear.scatter [tilespmem:s16], [sflag:$0x3], $0x2000, $0x38;
	[tilespmem:$0x1C300] =	vst v63  }
0x12c: {  	_ =	swait.ge [sflag:s26], $0x2000  }
0x12d: {  	[sflag:s26] =	ssyncset.done $0x0  }
0x12e: {  	s14 =	rddreg [dreg:$0x19];
	[sflag:s26] =	ssyncadd.s32 $0xFFFFE000  }
0x12f: {  	[hbm4b:s14+s9] =	stream.linear.scatter [tilespmem:s18], [sflag:$0x4], $0x2000, $0x38;
	[tilespmem:$0x1C300] =	vst v63  }
0x130: {  	_ =	swait.ge [sflag:s28], $0x2000  }
0x131: {  	[sflag:s28] =	ssyncset.done $0x0  }
0x132: {  	s14 =	simm.s32 $0x6;
	[sflag:s28] =	ssyncadd.s32 $0xFFFFE000  }
0x133: {  	_ =	swait.ge [sflag:s14], $0x2000  }
0x134: {  	[sflag:s14] =	ssyncset.done $0x0  }
0x135: {  	s29 =	simm.s32 $0x7;
	[sflag:s14] =	ssyncadd.s32 $0xFFFFE000  }
0x136: {  	_ =	swait.ge [sflag:s29], $0x2000  }
0x137: {  	[sflag:s29] =	ssyncset.done $0x0  }
0x138: {  	s9 =	simm.s32 $0x0;
	[sflag:s29] =	ssyncadd.s32 $0xFFFFE000  }
0x139: {  	v5 =	vld [tilespmem:s9+$0xC300]  }
0x13a: {  	v4 =	vld [tilespmem:s9+$0xC310]  }
0x13b: {  	v3 =	vld [tilespmem:s9+$0xC320]  }
0x13c: {  	v2 =	vld [tilespmem:s9+$0xC330]  }
0x13d: {  	v1 =	vld [tilespmem:s9+$0xC340]  }
0x13e: {  	v0 =	vld [tilespmem:s9+$0xC350]  }
0x13f: {  	v12 =	vld [tilespmem:s9+$0xA300]  }
0x140: {  	v17 =	vld [tilespmem:s9+$0xA310]  }
0x141: {  	v11 =	vld [tilespmem:s9+$0xA320]  }
0x142: {  	v10 =	vld [tilespmem:s9+$0xA330]  }
0x143: {  	v9 =	vld [tilespmem:s9+$0xA340]  }
0x144: {  	v8 =	vld [tilespmem:s9+$0xA350]  }
0x145: {  	v7 =	vld [tilespmem:s9+$0xA360]  }
0x146: {  	v6 =	vld [tilespmem:s9+$0xA370]  }
0x147: {  	v18 =	vld [tilespmem:s9+$0x8300]  }
0x148: {  	v19 =	vld [tilespmem:s9+$0x8310]  }
0x149: {  	v16 =	vld [tilespmem:s9+$0x8320]  }
0x14a: {  	v15 =	vld [tilespmem:s9+$0x8330]  }
0x14b: {  	v14 =	vld [tilespmem:s9+$0x8340]  }
0x14c: {  	v13 =	vld [tilespmem:s9+$0x8350];
	v18 =	vadd.f32 v12, v18  }
0x14d: {  	s10 =	simm.s32 $0x200;
	v17 =	vadd.f32 v17, v19;
	v12 =	vld [tilespmem:s9+$0x8360]  }
.LBB2_6:
0x14e: {  	p0 =	sne.s32 s10, $0x7E00;
	v5 =	vsub.f32 v18, v5;
	v11 =	vadd.f32 v11, v16;
	v16 =	vld [tilespmem:s9+$0x8370]  }
0x14f: {  	v4 =	vsub.f32 v17, v4;
	v10 =	vadd.f32 v10, v15;
	v15 =	vld [tilespmem:s9+$0xC360]  }
0x150: {  	s11 =	sshra.s32 s10, $0x2;
	[tilespmem:s9+$0x8300] =	vst v5;
	v3 =	vsub.f32 v11, v3;
	v9 =	vadd.f32 v9, v14;
	v11 =	vld [tilespmem:s9+$0xC370]  }
0x151: {  	v5 =	vld [tilespmem:s11+$0xC300];
	[tilespmem:s9+$0x8310] =	vst v4;
	v2 =	vsub.f32 v10, v2;
	v8 =	vadd.f32 v8, v13  }
0x152: {  	v4 =	vld [tilespmem:s11+$0xC310];
	[tilespmem:s9+$0x8320] =	vst v3;
	v1 =	vsub.f32 v9, v1;
	v7 =	vadd.f32 v7, v12  }
0x153: {  	v3 =	vld [tilespmem:s11+$0xC320];
	[tilespmem:s9+$0x8330] =	vst v2;
	v0 =	vsub.f32 v8, v0;
	v6 =	vadd.f32 v6, v16  }
0x154: {  	v2 =	vld [tilespmem:s11+$0xC330];
	[tilespmem:s9+$0x8340] =	vst v1;
	v7 =	vsub.f32 v7, v15  }
0x155: {  	v1 =	vld [tilespmem:s11+$0xC340];
	[tilespmem:s9+$0x8350] =	vst v0;
	v6 =	vsub.f32 v6, v11  }
0x156: {  	v0 =	vld [tilespmem:s11+$0xC350];
	[tilespmem:s9+$0x8360] =	vst v7  }
0x157: {  	v12 =	vld [tilespmem:s11+$0xA300];
	[tilespmem:s9+$0x8370] =	vst v6;
	s9 =	smov.u32 s11  }
0x158: {  	v17 =	vld [tilespmem:s9+$0xA310]  }
0x159: {  	v11 =	vld [tilespmem:s9+$0xA320]  }
0x15a: {  	v10 =	vld [tilespmem:s9+$0xA330]  }
0x15b: {  	v9 =	vld [tilespmem:s9+$0xA340]  }
0x15c: {  	v8 =	vld [tilespmem:s9+$0xA350]  }
0x15d: {  	v7 =	vld [tilespmem:s9+$0xA360]  }
0x15e: {  	v6 =	vld [tilespmem:s9+$0xA370]  }
0x15f: {  	v13 =	vld [tilespmem:s9+$0x8300]  }
0x160: {  	v19 =	vld [tilespmem:s9+$0x8310]  }
.Ltmp2:
0x161: {  	v16 =	vld [tilespmem:s9+$0x8320];
	(pc) =	sbr.rel @p0 .LBB2_6-.Ltmp2, $4  }
0x162: {  	v15 =	vld [tilespmem:s9+$0x8330]  }
0x163: {  	v14 =	vld [tilespmem:s9+$0x8340]  }
0x164: {  	v18 =	vadd.f32 v12, v13;
	v13 =	vld [tilespmem:s9+$0x8350]  }
0x165: {  	s10 =	sadd.s32 $0x200, s10;
	v17 =	vadd.f32 v17, v19;
	v12 =	vld [tilespmem:s9+$0x8360]  }
0x166: {  	v5 =	vsub.f32 v18, v5;
	v18 =	vld [tilespmem:s9+$0x8370];
	v11 =	vadd.f32 v11, v16  }
0x167: {  	v16 =	vld [tilespmem:s9+$0xC360];
	v4 =	vsub.f32 v17, v4;
	v10 =	vadd.f32 v10, v15  }
0x168: {  	[tilespmem:s9+$0x8300] =	vst v5;
	v3 =	vsub.f32 v11, v3;
	v5 =	vadd.f32 v9, v14;
	v9 =	vld [tilespmem:s9+$0xC370]  }
0x169: {  	[tilespmem:s9+$0x8310] =	vst v4;
	v2 =	vsub.f32 v10, v2;
	v4 =	vadd.f32 v8, v13  }
0x16a: {  	[tilespmem:s9+$0x8320] =	vst v3;
	v1 =	vsub.f32 v5, v1;
	v3 =	vadd.f32 v7, v12  }
0x16b: {  	[tilespmem:s9+$0x8330] =	vst v2;
	v0 =	vsub.f32 v4, v0;
	v2 =	vadd.f32 v6, v18  }
0x16c: {  	[tilespmem:s9+$0x8340] =	vst v1;
	v1 =	vsub.f32 v3, v16  }
0x16d: {  	[tilespmem:s9+$0x8350] =	vst v0;
	v0 =	vsub.f32 v2, v9  }
0x16e: {  	[tilespmem:s9+$0x8360] =	vst v1  }
0x16f: {  	s10 =	rddreg [dreg:$0x1a];
	[tilespmem:s9+$0x8370] =	vst v0;
	s9 =	simm.s32 $0x0  }
0x170: {  	[hbm4b:s10+s9] =	stream.linear.scatter [tilespmem:s19], [sflag:$0x5], $0x2000, $0x38;
	[tilespmem:$0x1C300] =	vst v63  }
0x171: {  	_ =	swait.ge [sflag:s31], $0x2000  }
0x172: {  	[sflag:s31] =	ssyncset.done $0x0  }
0x173: {  	s11 =	simm.s32 $0xE300;
	s12 =	rddreg [dreg:$0x1b];
	[sflag:s31] =	ssyncadd.s32 $0xFFFFE000  }
0x174: {  	[hbm4b:s12+s9] =	stream.linear.scatter [tilespmem:s11], [sflag:$0x8], $0x2000, $0x38;
	[tilespmem:$0x1C300] =	vst v63  }
0x175: {  	_ =	swait.ge [sflag:s21], $0x2000  }
0x176: {  	[sflag:s21] =	ssyncset.done $0x0  }
0x177: {  	s18 =	simm.s32 $0x10300;
	s13 =	rddreg [dreg:$0x1c];
	[sflag:s21] =	ssyncadd.s32 $0xFFFFE000  }
0x178: {  	[hbm4b:s13+s9] =	stream.linear.scatter [tilespmem:s18], [sflag:$0x9], $0x2000, $0x38;
	[tilespmem:$0x1C300] =	vst v63  }
0x179: {  	_ =	swait.ge [sflag:s22], $0x2000  }
0x17a: {  	[sflag:s22] =	ssyncset.done $0x0  }
0x17b: {  	s13 =	simm.s32 $0x12300;
	s12 =	rddreg [dreg:$0x1d];
	[sflag:s22] =	ssyncadd.s32 $0xFFFFE000  }
0x17c: {  	[hbm4b:s12+s9] =	stream.linear.scatter [tilespmem:s13], [sflag:$0xA], $0x2000, $0x38;
	[tilespmem:$0x1C300] =	vst v63  }
0x17d: {  	_ =	swait.ge [sflag:s17], $0x2000  }
0x17e: {  	[sflag:s17] =	ssyncset.done $0x0  }
0x17f: {  	s18 =	rddreg [dreg:$0x1e];
	[sflag:s17] =	ssyncadd.s32 $0xFFFFE000  }
0x180: {  	[hbm4b:s18+s9] =	stream.linear.scatter [tilespmem:s20], [sflag:$0xB], $0x2000, $0x38;
	[tilespmem:$0x1C300] =	vst v63  }
0x181: {  	_ =	swait.ge [sflag:s15], $0x2000  }
0x182: {  	[sflag:s15] =	ssyncset.done $0x0  }
0x183: {  	[sflag:s15] =	ssyncadd.s32 $0xFFFFE000  }
0x184: {  	_ =	swait.ge [sflag:s30], $0x2000  }
0x185: {  	[sflag:s30] =	ssyncset.done $0x0  }
0x186: {  	[sflag:s30] =	ssyncadd.s32 $0xFFFFE000  }
0x187: {  	_ =	swait.ge [sflag:s5], $0x2000  }
0x188: {  	[sflag:s5] =	ssyncset.done $0x0  }
0x189: {  	s9 =	simm.s32 $0x0;
	[sflag:s5] =	ssyncadd.s32 $0xFFFFE000  }
0x18a: {  	v5 =	vld [tilespmem:s9+$0x1A300]  }
0x18b: {  	v4 =	vld [tilespmem:s9+$0x1A310]  }
0x18c: {  	v3 =	vld [tilespmem:s9+$0x1A320]  }
0x18d: {  	v2 =	vld [tilespmem:s9+$0x1A330]  }
0x18e: {  	v1 =	vld [tilespmem:s9+$0x1A340]  }
0x18f: {  	v0 =	vld [tilespmem:s9+$0x1A350]  }
0x190: {  	v12 =	vld [tilespmem:s9+$0x18300]  }
0x191: {  	v17 =	vld [tilespmem:s9+$0x18310]  }
0x192: {  	v11 =	vld [tilespmem:s9+$0x18320]  }
0x193: {  	v10 =	vld [tilespmem:s9+$0x18330]  }
0x194: {  	v9 =	vld [tilespmem:s9+$0x18340]  }
0x195: {  	v8 =	vld [tilespmem:s9+$0x18350]  }
0x196: {  	v7 =	vld [tilespmem:s9+$0x18360]  }
0x197: {  	v6 =	vld [tilespmem:s9+$0x18370]  }
0x198: {  	v18 =	vld [tilespmem:s9+$0x16300]  }
0x199: {  	v19 =	vld [tilespmem:s9+$0x16310]  }
0x19a: {  	v16 =	vld [tilespmem:s9+$0x16320]  }
0x19b: {  	v15 =	vld [tilespmem:s9+$0x16330]  }
0x19c: {  	v14 =	vld [tilespmem:s9+$0x16340]  }
0x19d: {  	v13 =	vld [tilespmem:s9+$0x16350];
	v18 =	vadd.f32 v12, v18  }
0x19e: {  	s10 =	simm.s32 $0x200;
	v17 =	vadd.f32 v17, v19;
	v12 =	vld [tilespmem:s9+$0x16360]  }
.LBB2_8:
0x19f: {  	p0 =	sne.s32 s10, $0x7E00;
	v5 =	vsub.f32 v18, v5;
	v11 =	vadd.f32 v11, v16;
	v16 =	vld [tilespmem:s9+$0x16370]  }
0x1a0: {  	v4 =	vsub.f32 v17, v4;
	v10 =	vadd.f32 v10, v15;
	v15 =	vld [tilespmem:s9+$0x1A360]  }
0x1a1: {  	s11 =	sshra.s32 s10, $0x2;
	[tilespmem:s9+$0x16300] =	vst v5;
	v3 =	vsub.f32 v11, v3;
	v9 =	vadd.f32 v9, v14;
	v11 =	vld [tilespmem:s9+$0x1A370]  }
0x1a2: {  	v5 =	vld [tilespmem:s11+$0x1A300];
	[tilespmem:s9+$0x16310] =	vst v4;
	v2 =	vsub.f32 v10, v2;
	v8 =	vadd.f32 v8, v13  }
0x1a3: {  	v4 =	vld [tilespmem:s11+$0x1A310];
	[tilespmem:s9+$0x16320] =	vst v3;
	v1 =	vsub.f32 v9, v1;
	v7 =	vadd.f32 v7, v12  }
0x1a4: {  	v3 =	vld [tilespmem:s11+$0x1A320];
	[tilespmem:s9+$0x16330] =	vst v2;
	v0 =	vsub.f32 v8, v0;
	v6 =	vadd.f32 v6, v16  }
0x1a5: {  	v2 =	vld [tilespmem:s11+$0x1A330];
	[tilespmem:s9+$0x16340] =	vst v1;
	v7 =	vsub.f32 v7, v15  }
0x1a6: {  	v1 =	vld [tilespmem:s11+$0x1A340];
	[tilespmem:s9+$0x16350] =	vst v0;
	v6 =	vsub.f32 v6, v11  }
0x1a7: {  	v0 =	vld [tilespmem:s11+$0x1A350];
	[tilespmem:s9+$0x16360] =	vst v7  }
0x1a8: {  	v12 =	vld [tilespmem:s11+$0x18300];
	[tilespmem:s9+$0x16370] =	vst v6;
	s9 =	smov.u32 s11  }
0x1a9: {  	v17 =	vld [tilespmem:s9+$0x18310]  }
0x1aa: {  	v11 =	vld [tilespmem:s9+$0x18320]  }
0x1ab: {  	v10 =	vld [tilespmem:s9+$0x18330]  }
0x1ac: {  	v9 =	vld [tilespmem:s9+$0x18340]  }
0x1ad: {  	v8 =	vld [tilespmem:s9+$0x18350]  }
0x1ae: {  	v7 =	vld [tilespmem:s9+$0x18360]  }
0x1af: {  	v6 =	vld [tilespmem:s9+$0x18370]  }
0x1b0: {  	v13 =	vld [tilespmem:s9+$0x16300]  }
0x1b1: {  	v19 =	vld [tilespmem:s9+$0x16310]  }
.Ltmp3:
0x1b2: {  	v16 =	vld [tilespmem:s9+$0x16320];
	(pc) =	sbr.rel @p0 .LBB2_8-.Ltmp3, $4  }
0x1b3: {  	v15 =	vld [tilespmem:s9+$0x16330]  }
0x1b4: {  	v14 =	vld [tilespmem:s9+$0x16340]  }
0x1b5: {  	v18 =	vadd.f32 v12, v13;
	v13 =	vld [tilespmem:s9+$0x16350]  }
0x1b6: {  	s10 =	sadd.s32 $0x200, s10;
	v17 =	vadd.f32 v17, v19;
	v12 =	vld [tilespmem:s9+$0x16360]  }
0x1b7: {  	v5 =	vsub.f32 v18, v5;
	v55 =	vld [tilespmem:s9+$0x16370];
	v11 =	vadd.f32 v11, v16  }
0x1b8: {  	v56 =	vld [tilespmem:s9+$0x1A360];
	v4 =	vsub.f32 v17, v4;
	v10 =	vadd.f32 v10, v15  }
0x1b9: {  	v58 =	vld [tilespmem:s9+$0x1A370];
	[tilespmem:s9+$0x16300] =	vst v5;
	v3 =	vsub.f32 v11, v3;
	v57 =	vadd.f32 v9, v14  }
0x1ba: {  	[tilespmem:s9+$0x16310] =	vst v4;
	v2 =	vsub.f32 v10, v2;
	v59 =	vadd.f32 v8, v13  }
0x1bb: {  	[tilespmem:s9+$0x16320] =	vst v3;
	v1 =	vsub.f32 v57, v1;
	v60 =	vadd.f32 v7, v12  }
0x1bc: {  	[tilespmem:s9+$0x16330] =	vst v2;
	v0 =	vsub.f32 v59, v0;
	v61 =	vadd.f32 v6, v55  }
0x1bd: {  	[tilespmem:s9+$0x16340] =	vst v1;
	v62 =	vsub.f32 v60, v56  }
0x1be: {  	[tilespmem:s9+$0x16350] =	vst v0;
	v63 =	vsub.f32 v61, v58  }
0x1bf: {  	[tilespmem:s9+$0x16360] =	vst v62  }
0x1c0: {  	s13 =	rddreg [dreg:$0x1f];
	[tilespmem:s9+$0x16370] =	vst v63  }
0x1c1: {  	[hbm4b:s13+s6] =	stream.linear.scatter [tilespmem:s7], [sflag:$0xC], $0x2000, $0x38;
	[tilespmem:$0x1C300] =	vst v63  }
0x1c2: {  	_ =	swait.ge [sflag:s23], $0x2000  }
0x1c3: {  	[sflag:s23] =	ssyncset.done $0x0  }
0x1c4: {  	[sflag:s23] =	ssyncadd.s32 $0xFFFFE000  }
0x1c5: {  	_ =	swait.ge [sflag:s24], $0x2000  }
0x1c6: {  	[sflag:s24] =	ssyncset.done $0x0  }
0x1c7: {  	[sflag:s24] =	ssyncadd.s32 $0xFFFFE000  }
0x1c8: {  	_ =	swait.ge [sflag:s25], $0x2000  }
0x1c9: {  	[sflag:s25] =	ssyncset.done $0x0  }
0x1ca: {  	[sflag:s25] =	ssyncadd.s32 $0xFFFFE000  }
0x1cb: {  	_ =	swait.ge [sflag:s26], $0x2000  }
0x1cc: {  	[sflag:s26] =	ssyncset.done $0x0  }
0x1cd: {  	[sflag:s26] =	ssyncadd.s32 $0xFFFFE000  }
0x1ce: {  	_ =	swait.ge [sflag:s28], $0x2000  }
0x1cf: {  	[sflag:s28] =	ssyncset.done $0x0  }
0x1d0: {  	[sflag:s28] =	ssyncadd.s32 $0xFFFFE000  }
0x1d1: {  	_ =	swait.ge [sflag:s31], $0x2000  }
0x1d2: {  	[sflag:s31] =	ssyncset.done $0x0  }
0x1d3: {  	[sflag:s31] =	ssyncadd.s32 $0xFFFFE000  }
0x1d4: {  	_ =	swait.ge [sflag:s21], $0x2000  }
0x1d5: {  	[sflag:s21] =	ssyncset.done $0x0  }
0x1d6: {  	[sflag:s21] =	ssyncadd.s32 $0xFFFFE000  }
0x1d7: {  	_ =	swait.ge [sflag:s22], $0x2000  }
0x1d8: {  	[sflag:s22] =	ssyncset.done $0x0  }
0x1d9: {  	[sflag:s22] =	ssyncadd.s32 $0xFFFFE000  }
0x1da: {  	_ =	swait.ge [sflag:s17], $0x2000  }
0x1db: {  	[sflag:s17] =	ssyncset.done $0x0  }
0x1dc: {  	[sflag:s17] =	ssyncadd.s32 $0xFFFFE000  }
0x1dd: {  	_ =	swait.ge [sflag:s15], $0x2000  }
0x1de: {  	s18 =	sld [smem:$0x7FD];
	_ =	sdelay $0x1  }
0x1df: {  	s4 =	sadd.s32 $0x1, s4  }
0x1e0: {  	p0 =	sne.s32 s4, s18  }
.Ltmp4:
0x1e1: {  	_ = 	snop;
	(pc) =	sbr.rel @p0 .LBB2_1-.Ltmp4, $3  }
0x1e2: {  	_ =	sdelay $0x1  }
0x1e3: {  	[sflag:s15] =	ssyncset.done $0x0  }
0x1e4: {  	[sflag:s15] =	ssyncadd.s32 $0xFFFFE000  }
0x1e5: {  	_ =	sfence.sel $0x180000  }
0x1e6: {  	[bflag:$0x0] =	sbarrier.arrive $0xFFFF  }
0x1e7: {  	_ =	strace $0x90000047  }
0x1e8: {  	s0 =	stileid.u32;
	[bflag:$0x2] =	sbarrier.arrive $0xFFFF  }
0x1e9: {  	p0 =	sne.s32 s0, $0x0;
	s0 =	rddreg [dreg:$0x8]  }
0x1ea: {  	s0 =	sadd.s32 @!p0 $0x100000, s0  }
0x1eb: {  	[sflag:s0] =	ssyncadd.tile.s32 @!p0 $0x1;
	_ =	shalt  }
.Lfunc_end2:
_tile_overlayer_lowered:
.L_overlay_start_2:
0x1ec: {  	(tag) =	ssettag $0x2  }
0x1ed: {  	s0 =	rddreg [dreg:$0x0];
	s2 =	stileid.u32  }
0x1ee: {  	s1 =	rddreg [dreg:$0x1];
	p0 =	sne.s32 s2, $0x0  }
0x1ef: {  	s3 =	rddreg [dreg:$0x2];
	[bflag:$0x3] =	sbarrier.arrive $0xFFFF;
	s2 =	simm.s32 @!p0 $0x1C0F  }
0x1f0: {  	[timem:s3], [sflag:s2] =	dma.local @!p0 [hbm:s0], s1  }
0x1f1: {  	s0 =	simm.s32 @!p0 $0xF  }
0x1f2: {  	_ =	swait.ge @!p0 [sflag:s0], s1  }
0x1f3: {  	s1 =	ssub.s32 @!p0 $0x0, s1;
	[sflag:s0] =	ssyncset.done @!p0 $0x0  }
0x1f4: {  	[sflag:s0] =	ssyncadd.s32 @!p0 s1  }
0x1f5: {  	[bflag:$0x3] =	sbarrier.arrive $0xFFFF  }
0x1f6: {  	_ =	shalt  }

// kernel: kernel.9.cloned.1.call-start
scs
__scs_entry_jumppad:
0x0: {  	(pc) =	sbr.rel $0x88, $3  }
0x1: {  	(tag) =	ssettag $0x0;
	lr =	simm.s32 $0x1  }
0x2: {  	[smem:$0x3F96] =	sst lr;
	_ =	strace $0xD0000000  }
0x3: {  	_ = 	snop  }
0x4: {  	_ = 	snop  }
0x5: {  	_ = 	snop  }
0x6: {  	_ = 	snop  }
0x7: {  	_ = 	snop  }
__scs_overlays_trampoline_lowered:
0x8: {  	[smem:$0x3FA5] =	sst s0  }
0x9: {  	[smem:$0x3FA6] =	sst s1  }
0xa: {  	[smem:$0x3FA7] =	sst s2  }
0xb: {  	[smem:$0x3FA8] =	sst s3  }
0xc: {  	[smem:$0x3FA9] =	sst s4  }
0xd: {  	[smem:$0x3FAA] =	sst s5  }
0xe: {  	[smem:$0x3FAB] =	sst s6  }
0xf: {  	[smem:$0x3FAC] =	sst s7  }
0x10: {  	[smem:$0x3FAD] =	sst s8  }
0x11: {  	[smem:$0x3FAE] =	sst s9;
	s0 =	simm.s32 @!p0 $0x0  }
0x12: {  	s1 =	sld [smem:$0x3F94];
	s0 =	simm.s32 @p0 $0x1  }
0x13: {  	[smem:$0x3FAF] =	sst s0;
	s0 =	simm.s32 @!p1 $0x0  }
0x14: {  	s2 =	sld [smem:$0x3F93];
	s0 =	simm.s32 @p1 $0x1  }
0x15: {  	[smem:$0x3FB0] =	sst s0;
	s0 =	simm.s32 @!p2 $0x0  }
0x16: {  	s3 =	sld [smem:$0x3FDB];
	s0 =	simm.s32 @p2 $0x1  }
0x17: {  	s4 =	simm.s32 $0x1BF5;
	[smem:$0x3FB2] =	sst s0  }
0x18: {  	s0 =	sld [smem:$0x3F95];
	_ =	swait.ge [sflag:s4], $0x0  }
0x19: {  	s7 =	sld [smem:$0x3F96]  }
0x1a: {  	s8 =	sadd.s32 $0xFFFFE003, lr  }
0x1b: {  	s9 =	sadd.s32 $0xFFFFFEF7, lr;
	s5 =	simm.s32 $0xFFFFFFFF;
	p2 =	slt.u32 s8, $0xFFFFF086  }
0x1c: {  	p1 =	slt.u32 s9, $0xF7A;
	s5 =	simm.s32 @!p2 $0x0  }
0x1d: {  	s5 =	simm.s32 @p1 $0x1;
	p0 =	seq.s32 s7, s2  }
0x1e: {  	s7 =	smul.u32 @!p0 $0xF7A, s2;
	p2 =	seq.s32 @!p0 s5, $0x0  }
0x1f: {  	s9 =	smul.u32 $0xF7A, s1;
	s8 =	simm.s32 @!p0 $0x1BF5;
	p2 =	por !p2, p0  }
0x20: {  	[sflag:s8] =	ssyncset.s32 @!p0 $0xFFFFF086;
	s6 =	sadd.s32 @!p0 s3, s7;
	s7 =	simm.s32 @!p0 $0x108  }
0x21: {  	s3 =	sadd.s32 s3, s9;
	s6 =	sadd.s32 @!p0 $0x88, s6;
	s7 =	simm.s32 @p2 $0x1082  }
0x22: {  	[simem:s7], [sflag:s8] =	dma.local @!p0 [hbm:s6], $0xF7A  }
0x23: {  	s9 =	sor.u32 $0xD0000000, s2;
	s6 =	simm.s32 $0x108;
	_ =	swait.ge @!p0 [sflag:s8], $0x0  }
0x24: {  	s3 =	sadd.s32 $0x88, s3;
	s6 =	simm.s32 @!p1 $0x1082;
	[sflag:s4] =	ssyncset.s32 $0xFFFFF086  }
0x25: {  	[simem:s6], [sflag:s4] =	dma.local [hbm:s3], $0xF7A  }
0x26: {  	[smem:$0x3F96] =	sst s1;
	(tag) =	ssettag s2;
	_ =	strace s9  }
0x27: {  	s1 =	sld [smem:$0x3FA6]  }
0x28: {  	s2 =	sld [smem:$0x3FA7]  }
0x29: {  	s4 =	sld [smem:$0x3FA9]  }
0x2a: {  	p0 =	seq.s32 s5, $0x0;
	s5 =	sld [smem:$0x3FAA]  }
0x2b: {  	s6 =	sld [smem:$0x3FAB]  }
0x2c: {  	s7 =	sld [smem:$0x3FAC]  }
0x2d: {  	s3 =	simm.s32 $0x108;
	s8 =	sld [smem:$0x3FAD]  }
0x2e: {  	s3 =	simm.s32 @!p0 $0x1082;
	s9 =	sld [smem:$0x3FAE]  }
0x2f: {  	lr =	sadd.s32 s0, s3;
	s0 =	sld [smem:$0x3FA5]  }
0x30: {  	s3 =	sld [smem:$0x3FA8]  }
0x31: {  	[smem:$0x3FB1] =	sst s10  }
0x32: {  	s10 =	sld [smem:$0x3FAF];
	_ =	sdelay $0x3  }
0x33: {  	p0 =	seq.s32 s10, $0x1;
	s10 =	sld [smem:$0x3FB1];
	_ =	sdelay $0x3  }
0x34: {  	[smem:$0x3FB1] =	sst s10  }
0x35: {  	s10 =	sld [smem:$0x3FB0];
	_ =	sdelay $0x3  }
0x36: {  	p1 =	seq.s32 s10, $0x1;
	s10 =	sld [smem:$0x3FB1];
	_ =	sdelay $0x3  }
0x37: {  	[smem:$0x3FB1] =	sst s10  }
0x38: {  	s10 =	sld [smem:$0x3FB2]  }
0x39: {  	_ = 	snop;
	(pc) =	sbr.ind lr, $3  }
0x3a: {  	_ = 	snop  }
0x3b: {  	_ = 	snop  }
0x3c: {  	p2 =	seq.s32 s10, $0x1;
	s10 =	sld [smem:$0x3FB1]  }
0x3d: {  	_ =	shalt  }
0x3e: {  	_ =	shalt  }
0x3f: {  	_ =	shalt  }
0x40: {  	_ =	shalt  }
0x41: {  	_ =	shalt  }
0x42: {  	_ =	shalt  }
0x43: {  	_ =	shalt  }
0x44: {  	_ =	shalt  }
0x45: {  	_ =	shalt  }
0x46: {  	_ =	shalt  }
0x47: {  	_ =	shalt  }
0x48: {  	_ =	shalt  }
0x49: {  	_ =	shalt  }
0x4a: {  	_ =	shalt  }
0x4b: {  	_ =	shalt  }
0x4c: {  	_ =	shalt  }
0x4d: {  	_ =	shalt  }
0x4e: {  	_ =	shalt  }
0x4f: {  	_ =	shalt  }
0x50: {  	_ =	shalt  }
0x51: {  	_ =	shalt  }
0x52: {  	_ =	shalt  }
0x53: {  	_ =	shalt  }
0x54: {  	_ =	shalt  }
0x55: {  	_ =	shalt  }
0x56: {  	_ =	shalt  }
0x57: {  	_ =	shalt  }
0x58: {  	_ =	shalt  }
0x59: {  	_ =	shalt  }
0x5a: {  	_ =	shalt  }
0x5b: {  	_ =	shalt  }
0x5c: {  	_ =	shalt  }
0x5d: {  	_ =	shalt  }
0x5e: {  	_ =	shalt  }
0x5f: {  	_ =	shalt  }
0x60: {  	_ =	shalt  }
0x61: {  	_ =	shalt  }
0x62: {  	_ =	shalt  }
0x63: {  	_ =	shalt  }
0x64: {  	_ =	shalt  }
0x65: {  	_ =	shalt  }
0x66: {  	_ =	shalt  }
0x67: {  	_ =	shalt  }
0x68: {  	_ =	shalt  }
0x69: {  	_ =	shalt  }
0x6a: {  	_ =	shalt  }
0x6b: {  	_ =	shalt  }
0x6c: {  	_ =	shalt  }
0x6d: {  	_ =	shalt  }
0x6e: {  	_ =	shalt  }
0x6f: {  	_ =	shalt  }
0x70: {  	_ =	shalt  }
0x71: {  	_ =	shalt  }
0x72: {  	_ =	shalt  }
0x73: {  	_ =	shalt  }
0x74: {  	_ =	shalt  }
0x75: {  	_ =	shalt  }
0x76: {  	_ =	shalt  }
0x77: {  	_ =	shalt  }
0x78: {  	_ =	shalt  }
0x79: {  	_ =	shalt  }
0x7a: {  	_ =	shalt  }
0x7b: {  	_ =	shalt  }
0x7c: {  	_ =	shalt  }
0x7d: {  	_ =	shalt  }
0x7e: {  	_ =	shalt  }
0x7f: {  	_ =	shalt  }
0x80: {  	_ =	shalt  }
0x81: {  	_ =	shalt  }
0x82: {  	_ =	shalt  }
0x83: {  	_ =	shalt  }
0x84: {  	_ =	shalt  }
0x85: {  	_ =	shalt  }
0x86: {  	_ =	shalt  }
0x87: {  	_ =	shalt  }
.Lfunc_end0:
.L_simem_size_0:
called_computation.1_lowered:
.L_overlay_start_0:
0x88: {  	s2 =	sld [smem:$0x3FD9]  }
0x89: {  	s3 =	sld [smem:$0x3FFE];
	_ =	sdelay $0x1  }
0x8a: {  	s1 =	srdreg.scid  }
0x8b: {  	s0 =	sand.u32 $0x1, s1  }
0x8c: {  	s17 =	sshll.u32 s0, $0xA;
	s2 =	sadd.s32 s3, s2  }
0x8d: {  	s2 =	sadd.s32 s2, s17  }
0x8e: {  	[smem:$0x3FBD] =	sst s2  }
0x8f: {  	_ = 	snop  }
0x90: {  	s4 =	sld [smem:$0x3FC9]  }
0x91: {  	s18 =	sld [smem:$0x3FC8]  }
0x92: {  	s9 =	sld [smem:$0x3FC7]  }
0x93: {  	s5 =	sld [smem:$0x3FC6]  }
0x94: {  	s6 =	sld [smem:$0x3FC5]  }
0x95: {  	s7 =	sld [smem:$0x3FC4]  }
0x96: {  	s8 =	sld [smem:$0x3FC3];
	(tm) =	ssettm $0x1  }
0x97: {  	s19 =	sld [smem:$0x3FFB];
	_ =	sdelay $0x3  }
0x98: {  	_ =	strace s19  }
0x99: {  	s2 =	sld [smem:$0x3FFC];
	_ =	sdelay $0x3  }
0x9a: {  	_ =	strace s2  }
0x9b: {  	s2 =	sld [smem:$0x3FFD];
	_ =	sdelay $0x3  }
0x9c: {  	_ =	strace s2  }
0x9d: {  	_ =	strace $0x8FFFFFFF  }
0x9e: {  	s20 =	sld [smem:$0x3FDB];
	_ =	sdelay $0x1  }
0x9f: {  	s10 =	simm.s32 $_scs_section_size  }
0xa0: {  	s11 =	simm.s32 $_size__tile_overlayer_lowered;
	s12 =	simm.s32 $_tile_overlayer_lowered  }
0xa1: {  	s13 =	simm.s32 $0x1BFF;
	s21 =	sshll.u32 s12, $0x1;
	s10 =	sadd.s32 s10, s20  }
0xa2: {  	s22 =	simm.s32 $0x0;
	s11 =	sshll.u32 s11, $0x1;
	s12 =	sadd.s32 s21, s10  }
0xa3: {  	[timem:s22], [sflag:s13] =	dma.local [hbm:s12], s11  }
0xa4: {  	_ =	swait.ge [sflag:s13], s11  }
0xa5: {  	s11 =	ssub.s32 $0x0, s11;
	[sflag:s13] =	ssyncset.done $0x0  }
0xa6: {  	[sflag:s13] =	ssyncadd.s32 s11;
	_ =	sdelay $0x1  }
0xa7: {  	s23 =	simm.s32 $0x1B8B  }
0xa8: {  	_ =	swait.ge [sflag:s23], $0x1  }
0xa9: {  	[sflag:s23] =	ssyncset.done $0x0  }
0xaa: {  	[sflag:s23] =	ssyncadd.s32 $0xFFFFFFFF  }
0xab: {  	s11 =	sld [smem:$0x0]  }
0xac: {  	s12 =	sand.u32 $0xFFFFFFFE, s1  }
0xad: {  	p0 =	sne.s32 s1, s12  }
0xae: {  	s12 =	sshll.u32 @p0 s12, $0xE  }
0xaf: {  	s12 =	sadd.s32 @p0 $0x11B8D, s12;
	s13 =	sshll.u32 @p0 s11, $0x11  }
0xb0: {  	s12 =	sor.u32 @p0 s13, s12  }
0xb1: {  	[sflag:s12] =	ssyncadd.remote.s32 @p0 $0x1;
	_ =	sdelay $0x1  }
0xb2: {  	s12 =	simm.s32 @p0 $0x1B8D  }
0xb3: {  	_ =	swait.eq @p0 [sflag:s12], $0x1  }
0xb4: {  	[sflag:s12] =	ssyncadd.s32 @p0 $0xFFFFFFFF  }
0xb5: {  	s13 =	sshll.u32 @!p0 s1, $0xE  }
0xb6: {  	s13 =	sor.u32 @!p0 $0x4000, s13;
	s12 =	simm.s32 @!p0 $0x1B8D  }
0xb7: {  	s11 =	sshll.u32 @!p0 s11, $0x11;
	s13 =	sadd.s32 @!p0 $0x11B8D, s13;
	_ =	swait.eq @!p0 [sflag:s12], $0x1  }
0xb8: {  	s11 =	sor.u32 @!p0 s11, s13;
	[sflag:s12] =	ssyncadd.s32 @!p0 $0xFFFFFFFF  }
0xb9: {  	s25 =	simm.s32 $0x1B8E;
	s24 =	sld [smem:$0x3FFE];
	[sflag:s11] =	ssyncadd.remote.s32 @!p0 $0x1  }
0xba: {  	s26 =	simm.s32 $execute0_lowered;
	[smem:$0x3FD2] =	sst s25  }
0xbb: {  	s12 =	sshll.u32 s26, $0x1;
	_ =	strace $0x80000049;
	[dreg:$0x1] =	wrdreg $0xFFFFFFFF  }
0xbc: {  	s28 =	simm.s32 $_size_execute0_lowered;
	s10 =	sadd.s32 s10, s12;
	[dreg:$0x0] =	wrdreg $0x0  }
0xbd: {  	s12 =	sshll.u32 s28, $0x1;
	[dreg:$0x2] =	wrdreg s10  }
0xbe: {  	[dreg:$0x3] =	wrdreg s12  }
0xbf: {  	[dreg:$0x4] =	wrdreg $0xC0  }
0xc0: {  	_ =	task [dreg:s22], $0x5FFFF  }
0xc1: {  	[dreg:$0x1] =	wrdreg $0xFFFFFFFF  }
0xc2: {  	[dreg:$0x0] =	wrdreg $0x60  }
0xc3: {  	[dreg:$0x2] =	wrdreg s4  }
0xc4: {  	[dreg:$0x3] =	wrdreg s9  }
0xc5: {  	[dreg:$0x4] =	wrdreg s18  }
0xc6: {  	[dreg:$0x5] =	wrdreg s5  }
0xc7: {  	[dreg:$0x6] =	wrdreg s6  }
0xc8: {  	[dreg:$0x7] =	wrdreg s7  }
0xc9: {  	[dreg:$0x8] =	wrdreg s8  }
0xca: {  	[dreg:$0x9] =	wrdreg s24  }
0xcb: {  	[dreg:$0xa] =	wrdreg $0xA  }
0xcc: {  	_ =	task.clear_ibuf [dreg:s22], $0xBFFFF;
	_ =	strace $0x90000049  }
0xcd: {  	s29 =	simm.s32 $0xA;
	_ =	strace $0x8000004B  }
0xce: {  	_ =	swait.ge [sflag:s29], $0x1  }
0xcf: {  	[sflag:s29] =	ssyncadd.s32 $0xFFFFFFFF  }
0xd0: {  	_ =	strace $0x9000004B  }
0xd1: {  	_ =	sfence  }
0xd2: {  	s30 =	sld [smem:$0x0];
	_ =	sdelay $0x2  }
0xd3: {  	s31 =	sshll.u32 s1, $0xD;
	s1 =	sshrl.u32 s1, $0x2  }
0xd4: {  	s4 =	sand.u32 $0x4000, s31;
	s1 =	sadd.s32 s1, s30  }
0xd5: {  	s0 =	sor.u32 s4, s0;
	s1 =	sshll.u32 s1, $0x11  }
0xd6: {  	s0 =	sor.u32 s1, s0  }
0xd7: {  	s0 =	sadd.s32 $0x8F2B, s0  }
0xd8: {  	[sflag:s0] =	ssyncadd.remote.s32 $0x1  }
0xd9: {  	_ =	sfence.sel $0xFFFF  }
0xda: {  	[dreg:$0x0] =	wrdreg $0xFFFFFFFF;
	(pc) =	sbr.abs _section_cstart, $3  }
0xdb: {  	[dreg:$0x1] =	wrdreg $0xFFFFFFFF  }
0xdc: {  	_ =	task.clear_ibuf [dreg:s22], $0x2FFFF;
	_ =	strace $0x9FFFFFFF  }
0xdd: {  	(tm) =	ssettm $0x7FFFFFFF  }
tec
execute0_lowered:
.L_overlay_start_1:
0x0: {  	(tag) =	ssettag $0x1  }
0x1: {  	s0 =	rddreg [dreg:$0x0]  }
0x2: {  	s4 =	rddreg [dreg:$0x1]  }
0x3: {  	s5 =	rddreg [dreg:$0x2];
	s8 =	srdreg.scid  }
0x4: {  	s1 =	rddreg [dreg:$0x3];
	s9 =	stileid.u32;
	s8 =	sand.u32 $0x1, s8  }
0x5: {  	s2 =	rddreg [dreg:$0x4];
	s9 =	sshll.u32 s9, $0x9;
	s10 =	sshll.u32 s8, $0x8  }
0x6: {  	s3 =	rddreg [dreg:$0x5];
	s9 =	sor.u32 s10, s9  }
0x7: {  	s6 =	simm.s32 $0x0;
	s10 =	sshll.u32 s9, $0x4;
	s9 =	sshrl.u32 s9, $0x3  }
0x8: {  	[smem:$0x7FF] =	sst s6;
	s9 =	sor.u32 $0x400, s9  }
0x9: {  	s7 =	rddreg [dreg:$0x7];
	_ =	strace $0x8000004A;
	s0 =	sadd.s32 s0, s9  }
0xa: {  	s7 =	sadd.s32 s10, s7;
	s24 =	sadd.s32 s4, s9;
	[dreg:$0x9] =	wrdreg s0  }
0xb: {  	s25 =	sadd.s32 $0xA1400, s7;
	[dreg:$0xa] =	wrdreg s24  }
0xc: {  	s26 =	sadd.s32 $0xC1400, s7;
	[dreg:$0xb] =	wrdreg s25  }
0xd: {  	s4 =	sadd.s32 $0xE1400, s7;
	[dreg:$0xc] =	wrdreg s26  }
0xe: {  	s5 =	sadd.s32 s5, s9;
	[dreg:$0xd] =	wrdreg s4  }
0xf: {  	s9 =	sadd.s32 $0x101400, s7;
	[dreg:$0xe] =	wrdreg s5  }
0x10: {  	s10 =	sadd.s32 $0x121400, s7;
	[dreg:$0xf] =	wrdreg s9  }
0x11: {  	s11 =	sadd.s32 $0xA1800, s7;
	[dreg:$0x10] =	wrdreg s10  }
0x12: {  	s12 =	sadd.s32 $0xC1800, s7;
	[dreg:$0x11] =	wrdreg s11  }
0x13: {  	s13 =	sadd.s32 $0x101800, s7;
	[dreg:$0x12] =	wrdreg s12  }
0x14: {  	s14 =	sadd.s32 $0xE1800, s7;
	[dreg:$0x13] =	wrdreg s13  }
0x15: {  	s15 =	sadd.s32 $0x121800, s7;
	[dreg:$0x14] =	wrdreg s14  }
0x16: {  	s16 =	sadd.s32 $0xA1C00, s7;
	[dreg:$0x15] =	wrdreg s15  }
0x17: {  	s28 =	simm.s32 $0x5;
	s17 =	sadd.s32 $0xC1C00, s7;
	[dreg:$0x16] =	wrdreg s16  }
0x18: {  	s29 =	simm.s32 $0x7;
	s18 =	sadd.s32 $0xE1C00, s7;
	[dreg:$0x17] =	wrdreg s17  }
0x19: {  	s31 =	simm.s32 $0x8;
	s19 =	sadd.s32 $0x101C00, s7;
	[dreg:$0x18] =	wrdreg s18  }
0x1a: {  	s30 =	simm.s32 $0xD;
	s20 =	sadd.s32 $0x121C00, s7;
	[dreg:$0x19] =	wrdreg s19  }
0x1b: {  	s8 =	ssub.s32 $0x2, s8;
	s21 =	sadd.s32 $0xA2000, s7;
	[dreg:$0x1a] =	wrdreg s20  }
0x1c: {  	s23 =	sshrl.u32 s8, $0x1;
	s22 =	sadd.s32 $0xC2000, s7;
	[dreg:$0x1b] =	wrdreg s21  }
0x1d: {  	s8 =	ssub.s32 s8, s23;
	s23 =	sadd.s32 $0xE2000, s7;
	[dreg:$0x1c] =	wrdreg s22  }
0x1e: {  	[dreg:$0x1d] =	wrdreg s23;
	s24 =	sadd.s32 $0x102000, s7;
	s25 =	sadd.s32 $0x122000, s7  }
0x1f: {  	s26 =	smax.u32 s8, $0x1;
	s0 =	simm.s32 $0xF;
	s8 =	simm.s32 $0x40  }
0x20: {  	s19 =	simm.s32 $0x8300;
	s20 =	simm.s32 $0x14300;
	s7 =	simm.s32 $0x16300  }
0x21: {  	s23 =	simm.s32 $0x1;
	s14 =	simm.s32 $0x6;
	s21 =	simm.s32 $0x9  }
0x22: {  	s22 =	simm.s32 $0xA;
	s17 =	simm.s32 $0xB;
	[dreg:$0x1e] =	wrdreg s24  }
0x23: {  	s15 =	simm.s32 $0xC;
	s4 =	simm.s32 $0xE;
	[dreg:$0x1f] =	wrdreg s25  }
0x24: {  	s5 =	simm.s32 $0x0;
	s16 =	simm.s32 $0x4300;
	[smem:$0x7FD] =	sst s26  }
0x25: {  	s24 =	simm.s32 $0x2;
	s25 =	simm.s32 $0x3;
	s26 =	simm.s32 $0x4  }
.LBB2_1:
0x26: {  	s9 =	rddreg [dreg:$0x9]  }
0x27: {  	[tilespmem:s6], [sflag:$0xF] =	stream.linear.gather [hbm4b:s9+s6], $0x100, $0x38;
	[tilespmem:$0x1C300] =	vst v63  }
0x28: {  	_ =	swait.ge [sflag:s0], $0x100  }
0x29: {  	[sflag:s0] =	ssyncset.done $0x0  }
0x2a: {  	s10 =	simm.s32 $0x100;
	s12 =	rddreg [dreg:$0xa];
	[sflag:s0] =	ssyncadd.s32 $0xFFFFFF00  }
0x2b: {  	[tilespmem:s10], [sflag:$0xF] =	stream.linear.gather [hbm4b:s12+s6], $0x100, $0x38;
	[tilespmem:$0x1C300] =	vst v63  }
0x2c: {  	_ =	swait.ge [sflag:s0], $0x100  }
0x2d: {  	[sflag:s0] =	ssyncset.done $0x0  }
0x2e: {  	s11 =	simm.s32 $0x200;
	s13 =	rddreg [dreg:$0xe];
	[sflag:s0] =	ssyncadd.s32 $0xFFFFFF00  }
0x2f: {  	[tilespmem:s11], [sflag:$0xF] =	stream.linear.gather [hbm4b:s13+s6], $0x100, $0x38;
	[tilespmem:$0x1C300] =	vst v63  }
0x30: {  	_ =	swait.ge [sflag:s0], $0x100  }
0x31: {  	[sflag:s0] =	ssyncset.done $0x0  }
0x32: {  	s13 =	simm.s32 $0x300;
	[sflag:s0] =	ssyncadd.s32 $0xFFFFFF00  }
0x33: {  	[tilespmem:s13], [sflag:$0x1] =	stream.indirect.gather [hbm4b:s1+s8], $0x80, s6, s8, $0xb8;
	[tilespmem:$0x1C300] =	vst v63  }
0x34: {  	s18 =	simm.s32 $0x2300  }
0x35: {  	[tilespmem:s18], [sflag:$0x2] =	stream.indirect.gather [hbm4b:s1+s8], $0x80, s10, s8, $0xb8;
	[tilespmem:$0x1C300] =	vst v63  }
0x36: {  	s18 =	simm.s32 $0x4300  }
0x37: {  	[tilespmem:s18], [sflag:$0x3] =	stream.indirect.gather [hbm4b:s2+s8], $0x80, s6, s8, $0xb8;
	[tilespmem:$0x1C300] =	vst v63  }
0x38: {  	s12 =	simm.s32 $0x6300  }
0x39: {  	[tilespmem:s12], [sflag:$0x4] =	stream.indirect.gather [hbm4b:s2+s8], $0x80, s10, s8, $0xb8;
	[tilespmem:$0x1C300] =	vst v63  }
0x3a: {  	_ = 	snop  }
0x3b: {  	[tilespmem:s19], [sflag:$0x5] =	stream.indirect.gather [hbm4b:s3+s8], $0x80, s6, s8, $0xb8;
	[tilespmem:$0x1C300] =	vst v63  }
0x3c: {  	s9 =	rddreg [dreg:$0x6];
	s12 =	simm.s32 $0xA300  }
0x3d: {  	[tilespmem:s12], [sflag:$0x6] =	stream.indirect.gather [hbm4b:s9+s8], $0x80, s11, s8, $0xb8;
	[tilespmem:$0x1C300] =	vst v63  }
0x3e: {  	s19 =	simm.s32 $0xC300  }
0x3f: {  	[tilespmem:s19], [sflag:$0x7] =	stream.indirect.gather [hbm4b:s3+s8], $0x80, s10, s8, $0xb8;
	[tilespmem:$0x1C300] =	vst v63  }
0x40: {  	s12 =	simm.s32 $0xE300  }
0x41: {  	[tilespmem:s12], [sflag:$0x8] =	stream.indirect.gather [hbm4b:s1+s8], $0x80, s8, s8, $0xb8;
	[tilespmem:$0x1C300] =	vst v63  }
0x42: {  	s10 =	simm.s32 $0x140;
	s19 =	simm.s32 $0x10300  }
0x43: {  	[tilespmem:s19], [sflag:$0x9] =	stream.indirect.gather [hbm4b:s1+s8], $0x80, s10, s8, $0xb8;
	[tilespmem:$0x1C300] =	vst v63  }
0x44: {  	s12 =	simm.s32 $0x12300  }
0x45: {  	[tilespmem:s12], [sflag:$0xA] =	stream.indirect.gather [hbm4b:s2+s8], $0x80, s8, s8, $0xb8;
	[tilespmem:$0x1C300] =	vst v63  }
0x46: {  	_ = 	snop  }
0x47: {  	[tilespmem:s20], [sflag:$0xB] =	stream.indirect.gather [hbm4b:s2+s8], $0x80, s10, s8, $0xb8;
	[tilespmem:$0x1C300] =	vst v63  }
0x48: {  	_ = 	snop  }
0x49: {  	[tilespmem:s7], [sflag:$0xC] =	stream.indirect.gather [hbm4b:s3+s8], $0x80, s8, s8, $0xb8;
	[tilespmem:$0x1C300] =	vst v63  }
0x4a: {  	s19 =	simm.s32 $0x240;
	s20 =	simm.s32 $0x18300  }
0x4b: {  	[tilespmem:s20], [sflag:$0xD] =	stream.indirect.gather [hbm4b:s9+s8], $0x80, s19, s8, $0xb8;
	[tilespmem:$0x1C300] =	vst v63  }
0x4c: {  	s7 =	simm.s32 $0x1A300  }
0x4d: {  	[tilespmem:s7], [sflag:$0xE] =	stream.indirect.gather [hbm4b:s3+s8], $0x80, s10, s8, $0xb8;
	[tilespmem:$0x1C300] =	vst v63  }
0x4e: {  	_ =	swait.ge [sflag:s23], $0x2000  }
0x4f: {  	[sflag:s23] =	ssyncset.done $0x0  }
0x50: {  	s10 =	rddreg [dreg:$0xb];
	[sflag:s23] =	ssyncadd.s32 $0xFFFFE000  }
0x51: {  	[hbm4b:s10+s6] =	stream.linear.scatter [tilespmem:s13], [sflag:$0x1], $0x2000, $0x38;
	[tilespmem:$0x1C300] =	vst v63  }
0x52: {  	_ =	swait.ge [sflag:s24], $0x2000  }
0x53: {  	[sflag:s24] =	ssyncset.done $0x0  }
0x54: {  	s13 =	simm.s32 $0x2300;
	s11 =	rddreg [dreg:$0xc];
	[sflag:s24] =	ssyncadd.s32 $0xFFFFE000  }
0x55: {  	[hbm4b:s11+s6] =	stream.linear.scatter [tilespmem:s13], [sflag:$0x2], $0x2000, $0x38;
	[tilespmem:$0x1C300] =	vst v63  }
0x56: {  	_ =	swait.ge [sflag:s25], $0x2000  }
0x57: {  	[sflag:s25] =	ssyncset.done $0x0  }
0x58: {  	s19 =	rddreg [dreg:$0xd];
	[sflag:s25] =	ssyncadd.s32 $0xFFFFE000  }
0x59: {  	[hbm4b:s19+s6] =	stream.linear.scatter [tilespmem:s18], [sflag:$0x3], $0x2000, $0x38;
	[tilespmem:$0x1C300] =	vst v63  }
0x5a: {  	_ =	swait.ge [sflag:s26], $0x2000  }
0x5b: {  	[sflag:s26] =	ssyncset.done $0x0  }
0x5c: {  	s18 =	simm.s32 $0x6300;
	s20 =	rddreg [dreg:$0xf];
	[sflag:s26] =	ssyncadd.s32 $0xFFFFE000  }
0x5d: {  	[hbm4b:s20+s6] =	stream.linear.scatter [tilespmem:s18], [sflag:$0x4], $0x2000, $0x38;
	[tilespmem:$0x1C300] =	vst v63  }
0x5e: {  	_ =	swait.ge [sflag:s28], $0x2000  }
0x5f: {  	[sflag:s28] =	ssyncset.done $0x0  }
0x60: {  	[sflag:s28] =	ssyncadd.s32 $0xFFFFE000  }
0x61: {  	_ =	swait.ge [sflag:s14], $0x2000  }
0x62: {  	[sflag:s14] =	ssyncset.done $0x0  }
0x63: {  	[sflag:s14] =	ssyncadd.s32 $0xFFFFE000  }
0x64: {  	_ =	swait.ge [sflag:s29], $0x2000  }
0x65: {  	[sflag:s29] =	ssyncset.done $0x0  }
0x66: {  	s9 =	simm.s32 $0x0;
	[sflag:s29] =	ssyncadd.s32 $0xFFFFE000  }
0x67: {  	v5 =	vld [tilespmem:s9+$0xC300]  }
0x68: {  	v4 =	vld [tilespmem:s9+$0xC310]  }
0x69: {  	v3 =	vld [tilespmem:s9+$0xC320]  }
0x6a: {  	v2 =	vld [tilespmem:s9+$0xC330]  }
0x6b: {  	v1 =	vld [tilespmem:s9+$0xC340]  }
0x6c: {  	v0 =	vld [tilespmem:s9+$0xC350]  }
0x6d: {  	v12 =	vld [tilespmem:s9+$0xA300]  }
0x6e: {  	v17 =	vld [tilespmem:s9+$0xA310]  }
0x6f: {  	v11 =	vld [tilespmem:s9+$0xA320]  }
0x70: {  	v10 =	vld [tilespmem:s9+$0xA330]  }
0x71: {  	v9 =	vld [tilespmem:s9+$0xA340]  }
0x72: {  	v8 =	vld [tilespmem:s9+$0xA350]  }
0x73: {  	v7 =	vld [tilespmem:s9+$0xA360]  }
0x74: {  	v6 =	vld [tilespmem:s9+$0xA370]  }
0x75: {  	v18 =	vld [tilespmem:s9+$0x8300]  }
0x76: {  	v19 =	vld [tilespmem:s9+$0x8310]  }
0x77: {  	v16 =	vld [tilespmem:s9+$0x8320]  }
0x78: {  	v15 =	vld [tilespmem:s9+$0x8330]  }
0x79: {  	v14 =	vld [tilespmem:s9+$0x8340]  }
0x7a: {  	v13 =	vld [tilespmem:s9+$0x8350];
	v18 =	vadd.f32 v12, v18  }
0x7b: {  	s12 =	simm.s32 $0x300;
	s10 =	simm.s32 $0x200;
	v17 =	vadd.f32 v17, v19;
	v12 =	vld [tilespmem:s9+$0x8360]  }
.LBB2_2:
0x7c: {  	p0 =	sne.s32 s10, $0x7E00;
	v5 =	vsub.f32 v18, v5;
	v11 =	vadd.f32 v11, v16;
	v16 =	vld [tilespmem:s9+$0x8370]  }
0x7d: {  	v4 =	vsub.f32 v17, v4;
	v10 =	vadd.f32 v10, v15;
	v15 =	vld [tilespmem:s9+$0xC360]  }
0x7e: {  	s11 =	sshra.s32 s10, $0x2;
	[tilespmem:s9+$0x8300] =	vst v5;
	v3 =	vsub.f32 v11, v3;
	v9 =	vadd.f32 v9, v14;
	v11 =	vld [tilespmem:s9+$0xC370]  }
0x7f: {  	v5 =	vld [tilespmem:s11+$0xC300];
	[tilespmem:s9+$0x8310] =	vst v4;
	v2 =	vsub.f32 v10, v2;
	v8 =	vadd.f32 v8, v13  }
0x80: {  	v4 =	vld [tilespmem:s11+$0xC310];
	[tilespmem:s9+$0x8320] =	vst v3;
	v1 =	vsub.f32 v9, v1;
	v7 =	vadd.f32 v7, v12  }
0x81: {  	v3 =	vld [tilespmem:s11+$0xC320];
	[tilespmem:s9+$0x8330] =	vst v2;
	v0 =	vsub.f32 v8, v0;
	v6 =	vadd.f32 v6, v16  }
0x82: {  	v2 =	vld [tilespmem:s11+$0xC330];
	[tilespmem:s9+$0x8340] =	vst v1;
	v7 =	vsub.f32 v7, v15  }
0x83: {  	v1 =	vld [tilespmem:s11+$0xC340];
	[tilespmem:s9+$0x8350] =	vst v0;
	v6 =	vsub.f32 v6, v11  }
0x84: {  	v0 =	vld [tilespmem:s11+$0xC350];
	[tilespmem:s9+$0x8360] =	vst v7  }
0x85: {  	v12 =	vld [tilespmem:s11+$0xA300];
	[tilespmem:s9+$0x8370] =	vst v6;
	s9 =	smov.u32 s11  }
0x86: {  	v17 =	vld [tilespmem:s9+$0xA310]  }
0x87: {  	v11 =	vld [tilespmem:s9+$0xA320]  }
0x88: {  	v10 =	vld [tilespmem:s9+$0xA330]  }
0x89: {  	v9 =	vld [tilespmem:s9+$0xA340]  }
0x8a: {  	v8 =	vld [tilespmem:s9+$0xA350]  }
0x8b: {  	v7 =	vld [tilespmem:s9+$0xA360]  }
0x8c: {  	v6 =	vld [tilespmem:s9+$0xA370]  }
0x8d: {  	v13 =	vld [tilespmem:s9+$0x8300]  }
0x8e: {  	v19 =	vld [tilespmem:s9+$0x8310]  }
.Ltmp0:
0x8f: {  	v16 =	vld [tilespmem:s9+$0x8320];
	(pc) =	sbr.rel @p0 .LBB2_2-.Ltmp0, $4  }
0x90: {  	v15 =	vld [tilespmem:s9+$0x8330]  }
0x91: {  	v14 =	vld [tilespmem:s9+$0x8340]  }
0x92: {  	v18 =	vadd.f32 v12, v13;
	v13 =	vld [tilespmem:s9+$0x8350]  }
0x93: {  	s10 =	sadd.s32 $0x200, s10;
	v17 =	vadd.f32 v17, v19;
	v12 =	vld [tilespmem:s9+$0x8360]  }
0x94: {  	v5 =	vsub.f32 v18, v5;
	v18 =	vld [tilespmem:s9+$0x8370];
	v11 =	vadd.f32 v11, v16  }
0x95: {  	v16 =	vld [tilespmem:s9+$0xC360];
	v4 =	vsub.f32 v17, v4;
	v10 =	vadd.f32 v10, v15  }
0x96: {  	[tilespmem:s9+$0x8300] =	vst v5;
	v3 =	vsub.f32 v11, v3;
	v5 =	vadd.f32 v9, v14;
	v9 =	vld [tilespmem:s9+$0xC370]  }
0x97: {  	[tilespmem:s9+$0x8310] =	vst v4;
	v2 =	vsub.f32 v10, v2;
	v4 =	vadd.f32 v8, v13  }
0x98: {  	[tilespmem:s9+$0x8320] =	vst v3;
	v1 =	vsub.f32 v5, v1;
	v3 =	vadd.f32 v7, v12  }
0x99: {  	[tilespmem:s9+$0x8330] =	vst v2;
	v0 =	vsub.f32 v4, v0;
	v2 =	vadd.f32 v6, v18  }
0x9a: {  	[tilespmem:s9+$0x8340] =	vst v1;
	v1 =	vsub.f32 v3, v16  }
0x9b: {  	[tilespmem:s9+$0x8350] =	vst v0;
	v0 =	vsub.f32 v2, v9  }
0x9c: {  	[tilespmem:s9+$0x8360] =	vst v1  }
0x9d: {  	s10 =	rddreg [dreg:$0x10];
	s11 =	simm.s32 $0x8300;
	[tilespmem:s9+$0x8370] =	vst v0;
	s9 =	simm.s32 $0x0  }
0x9e: {  	[hbm4b:s10+s9] =	stream.linear.scatter [tilespmem:s11], [sflag:$0x5], $0x2000, $0x38;
	[tilespmem:$0x1C300] =	vst v63  }
0x9f: {  	_ =	swait.ge [sflag:s23], $0x2000  }
0xa0: {  	[sflag:s23] =	ssyncset.done $0x0  }
0xa1: {  	s7 =	simm.s32 $0x80;
	[sflag:s23] =	ssyncadd.s32 $0xFFFFE000  }
0xa2: {  	[tilespmem:s12], [sflag:$0x1] =	stream.indirect.gather [hbm4b:s1+s8], $0x80, s7, s8, $0xb8;
	[tilespmem:$0x1C300] =	vst v63  }
0xa3: {  	_ =	swait.ge [sflag:s24], $0x2000  }
0xa4: {  	[sflag:s24] =	ssyncset.done $0x0  }
0xa5: {  	s20 =	simm.s32 $0x180;
	[sflag:s24] =	ssyncadd.s32 $0xFFFFE000  }
0xa6: {  	[tilespmem:s13], [sflag:$0x2] =	stream.indirect.gather [hbm4b:s1+s8], $0x80, s20, s8, $0xb8;
	[tilespmem:$0x1C300] =	vst v63  }
0xa7: {  	_ =	swait.ge [sflag:s25], $0x2000  }
0xa8: {  	[sflag:s25] =	ssyncset.done $0x0  }
0xa9: {  	[sflag:s25] =	ssyncadd.s32 $0xFFFFE000  }
0xaa: {  	[tilespmem:s16], [sflag:$0x3] =	stream.indirect.gather [hbm4b:s2+s8], $0x80, s7, s8, $0xb8;
	[tilespmem:$0x1C300] =	vst v63  }
0xab: {  	_ =	swait.ge [sflag:s26], $0x2000  }
0xac: {  	[sflag:s26] =	ssyncset.done $0x0  }
0xad: {  	[sflag:s26] =	ssyncadd.s32 $0xFFFFE000  }
0xae: {  	[tilespmem:s18], [sflag:$0x4] =	stream.indirect.gather [hbm4b:s2+s8], $0x80, s20, s8, $0xb8;
	[tilespmem:$0x1C300] =	vst v63  }
0xaf: {  	_ =	swait.ge [sflag:s28], $0x2000  }
0xb0: {  	[sflag:s28] =	ssyncset.done $0x0  }
0xb1: {  	[sflag:s28] =	ssyncadd.s32 $0xFFFFE000  }
0xb2: {  	[tilespmem:s11], [sflag:$0x5] =	stream.indirect.gather [hbm4b:s3+s8], $0x80, s7, s8, $0xb8;
	[tilespmem:$0x1C300] =	vst v63  }
0xb3: {  	s29 =	simm.s32 $0xA300;
	s14 =	rddreg [dreg:$0x6];
	s7 =	simm.s32 $0x280  }
0xb4: {  	[tilespmem:s29], [sflag:$0x6] =	stream.indirect.gather [hbm4b:s14+s8], $0x80, s7, s8, $0xb8;
	[tilespmem:$0x1C300] =	vst v63  }
0xb5: {  	s11 =	simm.s32 $0xC300  }
0xb6: {  	[tilespmem:s11], [sflag:$0x7] =	stream.indirect.gather [hbm4b:s3+s8], $0x80, s20, s8, $0xb8;
	[tilespmem:$0x1C300] =	vst v63  }
0xb7: {  	_ =	swait.ge [sflag:s31], $0x2000  }
0xb8: {  	[sflag:s31] =	ssyncset.done $0x0  }
0xb9: {  	s20 =	simm.s32 $0xE300;
	s14 =	rddreg [dreg:$0x11];
	[sflag:s31] =	ssyncadd.s32 $0xFFFFE000  }
0xba: {  	[hbm4b:s14+s9] =	stream.linear.scatter [tilespmem:s20], [sflag:$0x8], $0x2000, $0x38;
	[tilespmem:$0x1C300] =	vst v63  }
0xbb: {  	_ =	swait.ge [sflag:s21], $0x2000  }
0xbc: {  	[sflag:s21] =	ssyncset.done $0x0  }
0xbd: {  	s7 =	simm.s32 $0x10300;
	s29 =	rddreg [dreg:$0x12];
	[sflag:s21] =	ssyncadd.s32 $0xFFFFE000  }
0xbe: {  	[hbm4b:s29+s9] =	stream.linear.scatter [tilespmem:s7], [sflag:$0x9], $0x2000, $0x38;
	[tilespmem:$0x1C300] =	vst v63  }
0xbf: {  	_ =	swait.ge [sflag:s22], $0x2000  }
0xc0: {  	[sflag:s22] =	ssyncset.done $0x0  }
0xc1: {  	s20 =	simm.s32 $0x12300;
	s14 =	rddreg [dreg:$0x14];
	[sflag:s22] =	ssyncadd.s32 $0xFFFFE000  }
0xc2: {  	[hbm4b:s14+s9] =	stream.linear.scatter [tilespmem:s20], [sflag:$0xA], $0x2000, $0x38;
	[tilespmem:$0x1C300] =	vst v63  }
0xc3: {  	_ =	swait.ge [sflag:s17], $0x2000  }
0xc4: {  	[sflag:s17] =	ssyncset.done $0x0  }
0xc5: {  	s20 =	simm.s32 $0x14300;
	s29 =	rddreg [dreg:$0x13];
	[sflag:s17] =	ssyncadd.s32 $0xFFFFE000  }
0xc6: {  	[hbm4b:s29+s9] =	stream.linear.scatter [tilespmem:s20], [sflag:$0xB], $0x2000, $0x38;
	[tilespmem:$0x1C300] =	vst v63  }
0xc7: {  	_ =	swait.ge [sflag:s15], $0x2000  }
0xc8: {  	[sflag:s15] =	ssyncset.done $0x0  }
0xc9: {  	[sflag:s15] =	ssyncadd.s32 $0xFFFFE000  }
0xca: {  	_ =	swait.ge [sflag:s30], $0x2000  }
0xcb: {  	[sflag:s30] =	ssyncset.done $0x0  }
0xcc: {  	[sflag:s30] =	ssyncadd.s32 $0xFFFFE000  }
0xcd: {  	_ =	swait.ge [sflag:s4], $0x2000  }
0xce: {  	[sflag:s4] =	ssyncset.done $0x0  }
0xcf: {  	s9 =	simm.s32 $0x0;
	[sflag:s4] =	ssyncadd.s32 $0xFFFFE000  }
0xd0: {  	v5 =	vld [tilespmem:s9+$0x1A300]  }
0xd1: {  	v4 =	vld [tilespmem:s9+$0x1A310]  }
0xd2: {  	v3 =	vld [tilespmem:s9+$0x1A320]  }
0xd3: {  	v2 =	vld [tilespmem:s9+$0x1A330]  }
0xd4: {  	v1 =	vld [tilespmem:s9+$0x1A340]  }
0xd5: {  	v0 =	vld [tilespmem:s9+$0x1A350]  }
0xd6: {  	v12 =	vld [tilespmem:s9+$0x18300]  }
0xd7: {  	v17 =	vld [tilespmem:s9+$0x18310]  }
0xd8: {  	v11 =	vld [tilespmem:s9+$0x18320]  }
0xd9: {  	v10 =	vld [tilespmem:s9+$0x18330]  }
0xda: {  	v9 =	vld [tilespmem:s9+$0x18340]  }
0xdb: {  	v8 =	vld [tilespmem:s9+$0x18350]  }
0xdc: {  	v7 =	vld [tilespmem:s9+$0x18360]  }
0xdd: {  	v6 =	vld [tilespmem:s9+$0x18370]  }
0xde: {  	v18 =	vld [tilespmem:s9+$0x16300]  }
0xdf: {  	v19 =	vld [tilespmem:s9+$0x16310]  }
0xe0: {  	v16 =	vld [tilespmem:s9+$0x16320]  }
0xe1: {  	v15 =	vld [tilespmem:s9+$0x16330]  }
0xe2: {  	v14 =	vld [tilespmem:s9+$0x16340]  }
0xe3: {  	v13 =	vld [tilespmem:s9+$0x16350];
	v18 =	vadd.f32 v12, v18  }
0xe4: {  	s19 =	simm.s32 $0x8300;
	s10 =	simm.s32 $0x200;
	v17 =	vadd.f32 v17, v19;
	v12 =	vld [tilespmem:s9+$0x16360]  }
.LBB2_4:
0xe5: {  	p0 =	sne.s32 s10, $0x7E00;
	v5 =	vsub.f32 v18, v5;
	v11 =	vadd.f32 v11, v16;
	v16 =	vld [tilespmem:s9+$0x16370]  }
0xe6: {  	v4 =	vsub.f32 v17, v4;
	v10 =	vadd.f32 v10, v15;
	v15 =	vld [tilespmem:s9+$0x1A360]  }
0xe7: {  	s11 =	sshra.s32 s10, $0x2;
	[tilespmem:s9+$0x16300] =	vst v5;
	v3 =	vsub.f32 v11, v3;
	v9 =	vadd.f32 v9, v14;
	v11 =	vld [tilespmem:s9+$0x1A370]  }
0xe8: {  	v5 =	vld [tilespmem:s11+$0x1A300];
	[tilespmem:s9+$0x16310] =	vst v4;
	v2 =	vsub.f32 v10, v2;
	v8 =	vadd.f32 v8, v13  }
0xe9: {  	v4 =	vld [tilespmem:s11+$0x1A310];
	[tilespmem:s9+$0x16320] =	vst v3;
	v1 =	vsub.f32 v9, v1;
	v7 =	vadd.f32 v7, v12  }
0xea: {  	v3 =	vld [tilespmem:s11+$0x1A320];
	[tilespmem:s9+$0x16330] =	vst v2;
	v0 =	vsub.f32 v8, v0;
	v6 =	vadd.f32 v6, v16  }
0xeb: {  	v2 =	vld [tilespmem:s11+$0x1A330];
	[tilespmem:s9+$0x16340] =	vst v1;
	v7 =	vsub.f32 v7, v15  }
0xec: {  	v1 =	vld [tilespmem:s11+$0x1A340];
	[tilespmem:s9+$0x16350] =	vst v0;
	v6 =	vsub.f32 v6, v11  }
0xed: {  	v0 =	vld [tilespmem:s11+$0x1A350];
	[tilespmem:s9+$0x16360] =	vst v7  }
0xee: {  	v12 =	vld [tilespmem:s11+$0x18300];
	[tilespmem:s9+$0x16370] =	vst v6;
	s9 =	smov.u32 s11  }
0xef: {  	v17 =	vld [tilespmem:s9+$0x18310]  }
0xf0: {  	v11 =	vld [tilespmem:s9+$0x18320]  }
0xf1: {  	v10 =	vld [tilespmem:s9+$0x18330]  }
0xf2: {  	v9 =	vld [tilespmem:s9+$0x18340]  }
0xf3: {  	v8 =	vld [tilespmem:s9+$0x18350]  }
0xf4: {  	v7 =	vld [tilespmem:s9+$0x18360]  }
0xf5: {  	v6 =	vld [tilespmem:s9+$0x18370]  }
0xf6: {  	v13 =	vld [tilespmem:s9+$0x16300]  }
0xf7: {  	v19 =	vld [tilespmem:s9+$0x16310]  }
.Ltmp1:
0xf8: {  	v16 =	vld [tilespmem:s9+$0x16320];
	(pc) =	sbr.rel @p0 .LBB2_4-.Ltmp1, $4  }
0xf9: {  	v15 =	vld [tilespmem:s9+$0x16330]  }
0xfa: {  	v14 =	vld [tilespmem:s9+$0x16340]  }
0xfb: {  	v18 =	vadd.f32 v12, v13;
	v13 =	vld [tilespmem:s9+$0x16350]  }
0xfc: {  	s10 =	sadd.s32 $0x200, s10;
	v17 =	vadd.f32 v17, v19;
	v12 =	vld [tilespmem:s9+$0x16360]  }
0xfd: {  	v5 =	vsub.f32 v18, v5;
	v18 =	vld [tilespmem:s9+$0x16370];
	v11 =	vadd.f32 v11, v16  }
0xfe: {  	v16 =	vld [tilespmem:s9+$0x1A360];
	v4 =	vsub.f32 v17, v4;
	v10 =	vadd.f32 v10, v15  }
0xff: {  	[tilespmem:s9+$0x16300] =	vst v5;
	v3 =	vsub.f32 v11, v3;
	v5 =	vadd.f32 v9, v14;
	v9 =	vld [tilespmem:s9+$0x1A370]  }
0x100: {  	[tilespmem:s9+$0x16310] =	vst v4;
	v2 =	vsub.f32 v10, v2;
	v4 =	vadd.f32 v8, v13  }
0x101: {  	[tilespmem:s9+$0x16320] =	vst v3;
	v1 =	vsub.f32 v5, v1;
	v3 =	vadd.f32 v7, v12  }
0x102: {  	[tilespmem:s9+$0x16330] =	vst v2;
	v0 =	vsub.f32 v4, v0;
	v2 =	vadd.f32 v6, v18  }
0x103: {  	[tilespmem:s9+$0x16340] =	vst v1;
	v1 =	vsub.f32 v3, v16  }
0x104: {  	[tilespmem:s9+$0x16350] =	vst v0;
	v0 =	vsub.f32 v2, v9  }
0x105: {  	[tilespmem:s9+$0x16360] =	vst v1  }
0x106: {  	s10 =	rddreg [dreg:$0x15];
	s7 =	simm.s32 $0x16300;
	[tilespmem:s9+$0x16370] =	vst v0;
	s9 =	simm.s32 $0x0  }
0x107: {  	[hbm4b:s10+s9] =	stream.linear.scatter [tilespmem:s7], [sflag:$0xC], $0x2000, $0x38;
	[tilespmem:$0x1C300] =	vst v63  }
0x108: {  	_ =	swait.ge [sflag:s31], $0x2000  }
0x109: {  	[sflag:s31] =	ssyncset.done $0x0  }
0x10a: {  	s14 =	simm.s32 $0xE300;
	s11 =	simm.s32 $0xC0;
	[sflag:s31] =	ssyncadd.s32 $0xFFFFE000  }
0x10b: {  	[tilespmem:s14], [sflag:$0x8] =	stream.indirect.gather [hbm4b:s1+s8], $0x80, s11, s8, $0xb8;
	[tilespmem:$0x1C300] =	vst v63  }
0x10c: {  	_ =	swait.ge [sflag:s21], $0x2000  }
0x10d: {  	[sflag:s21] =	ssyncset.done $0x0  }
0x10e: {  	s10 =	simm.s32 $0x10300;
	s14 =	simm.s32 $0x1C0;
	[sflag:s21] =	ssyncadd.s32 $0xFFFFE000  }
0x10f: {  	[tilespmem:s10], [sflag:$0x9] =	stream.indirect.gather [hbm4b:s1+s8], $0x80, s14, s8, $0xb8;
	[tilespmem:$0x1C300] =	vst v63  }
0x110: {  	_ =	swait.ge [sflag:s22], $0x2000  }
0x111: {  	[sflag:s22] =	ssyncset.done $0x0  }
0x112: {  	s10 =	simm.s32 $0x12300;
	[sflag:s22] =	ssyncadd.s32 $0xFFFFE000  }
0x113: {  	[tilespmem:s10], [sflag:$0xA] =	stream.indirect.gather [hbm4b:s2+s8], $0x80, s11, s8, $0xb8;
	[tilespmem:$0x1C300] =	vst v63  }
0x114: {  	_ =	swait.ge [sflag:s17], $0x2000  }
0x115: {  	[sflag:s17] =	ssyncset.done $0x0  }
0x116: {  	[sflag:s17] =	ssyncadd.s32 $0xFFFFE000  }
0x117: {  	[tilespmem:s20], [sflag:$0xB] =	stream.indirect.gather [hbm4b:s2+s8], $0x80, s14, s8, $0xb8;
	[tilespmem:$0x1C300] =	vst v63  }
0x118: {  	_ =	swait.ge [sflag:s15], $0x2000  }
0x119: {  	[sflag:s15] =	ssyncset.done $0x0  }
0x11a: {  	[sflag:s15] =	ssyncadd.s32 $0xFFFFE000  }
0x11b: {  	[tilespmem:s7], [sflag:$0xC] =	stream.indirect.gather [hbm4b:s3+s8], $0x80, s11, s8, $0xb8;
	[tilespmem:$0x1C300] =	vst v63  }
0x11c: {  	s29 =	simm.s32 $0x2C0;
	s10 =	rddreg [dreg:$0x6];
	s11 =	simm.s32 $0x18300  }
0x11d: {  	[tilespmem:s11], [sflag:$0xD] =	stream.indirect.gather [hbm4b:s10+s8], $0x80, s29, s8, $0xb8;
	[tilespmem:$0x1C300] =	vst v63  }
0x11e: {  	s11 =	simm.s32 $0x1A300  }
0x11f: {  	[tilespmem:s11], [sflag:$0xE] =	stream.indirect.gather [hbm4b:s3+s8], $0x80, s14, s8, $0xb8;
	[tilespmem:$0x1C300] =	vst v63  }
0x120: {  	_ =	swait.ge [sflag:s23], $0x2000  }
0x121: {  	[sflag:s23] =	ssyncset.done $0x0  }
0x122: {  	s11 =	rddreg [dreg:$0x16];
	[sflag:s23] =	ssyncadd.s32 $0xFFFFE000  }
0x123: {  	[hbm4b:s11+s9] =	stream.linear.scatter [tilespmem:s12], [sflag:$0x1], $0x2000, $0x38;
	[tilespmem:$0x1C300] =	vst v63  }
0x124: {  	_ =	swait.ge [sflag:s24], $0x2000  }
0x125: {  	[sflag:s24] =	ssyncset.done $0x0  }
0x126: {  	s12 =	rddreg [dreg:$0x17];
	[sflag:s24] =	ssyncadd.s32 $0xFFFFE000  }
0x127: {  	[hbm4b:s12+s9] =	stream.linear.scatter [tilespmem:s13], [sflag:$0x2], $0x2000, $0x38;
	[tilespmem:$0x1C300] =	vst v63  }
0x128: {  	_ =	swait.ge [sflag:s25], $0x2000  }
0x129: {  	[sflag:s25] =	ssyncset.done $0x0  }
0x12a: {  	s13 =	rddreg [dreg:$0x18];
	[sflag:s25] =	ssyncadd.s32 $0xFFFFE000  }
0x12b: {  	[hbm4b:s13+s9] =	stream.linear.scatter [tilespmem:s16], [sflag:$0x3], $0x2000, $0x38;
	[tilespmem:$0x1C300] =	vst v63  }
0x12c: {  	_ =	swait.ge [sflag:s26], $0x2000  }
0x12d: {  	[sflag:s26] =	ssyncset.done $0x0  }
0x12e: {  	s14 =	rddreg [dreg:$0x19];
	[sflag:s26] =	ssyncadd.s32 $0xFFFFE000  }
0x12f: {  	[hbm4b:s14+s9] =	stream.linear.scatter [tilespmem:s18], [sflag:$0x4], $0x2000, $0x38;
	[tilespmem:$0x1C300] =	vst v63  }
0x130: {  	_ =	swait.ge [sflag:s28], $0x2000  }
0x131: {  	[sflag:s28] =	ssyncset.done $0x0  }
0x132: {  	s14 =	simm.s32 $0x6;
	[sflag:s28] =	ssyncadd.s32 $0xFFFFE000  }
0x133: {  	_ =	swait.ge [sflag:s14], $0x2000  }
0x134: {  	[sflag:s14] =	ssyncset.done $0x0  }
0x135: {  	s29 =	simm.s32 $0x7;
	[sflag:s14] =	ssyncadd.s32 $0xFFFFE000  }
0x136: {  	_ =	swait.ge [sflag:s29], $0x2000  }
0x137: {  	[sflag:s29] =	ssyncset.done $0x0  }
0x138: {  	s9 =	simm.s32 $0x0;
	[sflag:s29] =	ssyncadd.s32 $0xFFFFE000  }
0x139: {  	v5 =	vld [tilespmem:s9+$0xC300]  }
0x13a: {  	v4 =	vld [tilespmem:s9+$0xC310]  }
0x13b: {  	v3 =	vld [tilespmem:s9+$0xC320]  }
0x13c: {  	v2 =	vld [tilespmem:s9+$0xC330]  }
0x13d: {  	v1 =	vld [tilespmem:s9+$0xC340]  }
0x13e: {  	v0 =	vld [tilespmem:s9+$0xC350]  }
0x13f: {  	v12 =	vld [tilespmem:s9+$0xA300]  }
0x140: {  	v17 =	vld [tilespmem:s9+$0xA310]  }
0x141: {  	v11 =	vld [tilespmem:s9+$0xA320]  }
0x142: {  	v10 =	vld [tilespmem:s9+$0xA330]  }
0x143: {  	v9 =	vld [tilespmem:s9+$0xA340]  }
0x144: {  	v8 =	vld [tilespmem:s9+$0xA350]  }
0x145: {  	v7 =	vld [tilespmem:s9+$0xA360]  }
0x146: {  	v6 =	vld [tilespmem:s9+$0xA370]  }
0x147: {  	v18 =	vld [tilespmem:s9+$0x8300]  }
0x148: {  	v19 =	vld [tilespmem:s9+$0x8310]  }
0x149: {  	v16 =	vld [tilespmem:s9+$0x8320]  }
0x14a: {  	v15 =	vld [tilespmem:s9+$0x8330]  }
0x14b: {  	v14 =	vld [tilespmem:s9+$0x8340]  }
0x14c: {  	v13 =	vld [tilespmem:s9+$0x8350];
	v18 =	vadd.f32 v12, v18  }
0x14d: {  	s10 =	simm.s32 $0x200;
	v17 =	vadd.f32 v17, v19;
	v12 =	vld [tilespmem:s9+$0x8360]  }
.LBB2_6:
0x14e: {  	p0 =	sne.s32 s10, $0x7E00;
	v5 =	vsub.f32 v18, v5;
	v11 =	vadd.f32 v11, v16;
	v16 =	vld [tilespmem:s9+$0x8370]  }
0x14f: {  	v4 =	vsub.f32 v17, v4;
	v10 =	vadd.f32 v10, v15;
	v15 =	vld [tilespmem:s9+$0xC360]  }
0x150: {  	s11 =	sshra.s32 s10, $0x2;
	[tilespmem:s9+$0x8300] =	vst v5;
	v3 =	vsub.f32 v11, v3;
	v9 =	vadd.f32 v9, v14;
	v11 =	vld [tilespmem:s9+$0xC370]  }
0x151: {  	v5 =	vld [tilespmem:s11+$0xC300];
	[tilespmem:s9+$0x8310] =	vst v4;
	v2 =	vsub.f32 v10, v2;
	v8 =	vadd.f32 v8, v13  }
0x152: {  	v4 =	vld [tilespmem:s11+$0xC310];
	[tilespmem:s9+$0x8320] =	vst v3;
	v1 =	vsub.f32 v9, v1;
	v7 =	vadd.f32 v7, v12  }
0x153: {  	v3 =	vld [tilespmem:s11+$0xC320];
	[tilespmem:s9+$0x8330] =	vst v2;
	v0 =	vsub.f32 v8, v0;
	v6 =	vadd.f32 v6, v16  }
0x154: {  	v2 =	vld [tilespmem:s11+$0xC330];
	[tilespmem:s9+$0x8340] =	vst v1;
	v7 =	vsub.f32 v7, v15  }
0x155: {  	v1 =	vld [tilespmem:s11+$0xC340];
	[tilespmem:s9+$0x8350] =	vst v0;
	v6 =	vsub.f32 v6, v11  }
0x156: {  	v0 =	vld [tilespmem:s11+$0xC350];
	[tilespmem:s9+$0x8360] =	vst v7  }
0x157: {  	v12 =	vld [tilespmem:s11+$0xA300];
	[tilespmem:s9+$0x8370] =	vst v6;
	s9 =	smov.u32 s11  }
0x158: {  	v17 =	vld [tilespmem:s9+$0xA310]  }
0x159: {  	v11 =	vld [tilespmem:s9+$0xA320]  }
0x15a: {  	v10 =	vld [tilespmem:s9+$0xA330]  }
0x15b: {  	v9 =	vld [tilespmem:s9+$0xA340]  }
0x15c: {  	v8 =	vld [tilespmem:s9+$0xA350]  }
0x15d: {  	v7 =	vld [tilespmem:s9+$0xA360]  }
0x15e: {  	v6 =	vld [tilespmem:s9+$0xA370]  }
0x15f: {  	v13 =	vld [tilespmem:s9+$0x8300]  }
0x160: {  	v19 =	vld [tilespmem:s9+$0x8310]  }
.Ltmp2:
0x161: {  	v16 =	vld [tilespmem:s9+$0x8320];
	(pc) =	sbr.rel @p0 .LBB2_6-.Ltmp2, $4  }
0x162: {  	v15 =	vld [tilespmem:s9+$0x8330]  }
0x163: {  	v14 =	vld [tilespmem:s9+$0x8340]  }
0x164: {  	v18 =	vadd.f32 v12, v13;
	v13 =	vld [tilespmem:s9+$0x8350]  }
0x165: {  	s10 =	sadd.s32 $0x200, s10;
	v17 =	vadd.f32 v17, v19;
	v12 =	vld [tilespmem:s9+$0x8360]  }
0x166: {  	v5 =	vsub.f32 v18, v5;
	v18 =	vld [tilespmem:s9+$0x8370];
	v11 =	vadd.f32 v11, v16  }
0x167: {  	v16 =	vld [tilespmem:s9+$0xC360];
	v4 =	vsub.f32 v17, v4;
	v10 =	vadd.f32 v10, v15  }
0x168: {  	[tilespmem:s9+$0x8300] =	vst v5;
	v3 =	vsub.f32 v11, v3;
	v5 =	vadd.f32 v9, v14;
	v9 =	vld [tilespmem:s9+$0xC370]  }
0x169: {  	[tilespmem:s9+$0x8310] =	vst v4;
	v2 =	vsub.f32 v10, v2;
	v4 =	vadd.f32 v8, v13  }
0x16a: {  	[tilespmem:s9+$0x8320] =	vst v3;
	v1 =	vsub.f32 v5, v1;
	v3 =	vadd.f32 v7, v12  }
0x16b: {  	[tilespmem:s9+$0x8330] =	vst v2;
	v0 =	vsub.f32 v4, v0;
	v2 =	vadd.f32 v6, v18  }
0x16c: {  	[tilespmem:s9+$0x8340] =	vst v1;
	v1 =	vsub.f32 v3, v16  }
0x16d: {  	[tilespmem:s9+$0x8350] =	vst v0;
	v0 =	vsub.f32 v2, v9  }
0x16e: {  	[tilespmem:s9+$0x8360] =	vst v1  }
0x16f: {  	s10 =	rddreg [dreg:$0x1a];
	[tilespmem:s9+$0x8370] =	vst v0;
	s9 =	simm.s32 $0x0  }
0x170: {  	[hbm4b:s10+s9] =	stream.linear.scatter [tilespmem:s19], [sflag:$0x5], $0x2000, $0x38;
	[tilespmem:$0x1C300] =	vst v63  }
0x171: {  	_ =	swait.ge [sflag:s31], $0x2000  }
0x172: {  	[sflag:s31] =	ssyncset.done $0x0  }
0x173: {  	s11 =	simm.s32 $0xE300;
	s12 =	rddreg [dreg:$0x1b];
	[sflag:s31] =	ssyncadd.s32 $0xFFFFE000  }
0x174: {  	[hbm4b:s12+s9] =	stream.linear.scatter [tilespmem:s11], [sflag:$0x8], $0x2000, $0x38;
	[tilespmem:$0x1C300] =	vst v63  }
0x175: {  	_ =	swait.ge [sflag:s21], $0x2000  }
0x176: {  	[sflag:s21] =	ssyncset.done $0x0  }
0x177: {  	s18 =	simm.s32 $0x10300;
	s13 =	rddreg [dreg:$0x1c];
	[sflag:s21] =	ssyncadd.s32 $0xFFFFE000  }
0x178: {  	[hbm4b:s13+s9] =	stream.linear.scatter [tilespmem:s18], [sflag:$0x9], $0x2000, $0x38;
	[tilespmem:$0x1C300] =	vst v63  }
0x179: {  	_ =	swait.ge [sflag:s22], $0x2000  }
0x17a: {  	[sflag:s22] =	ssyncset.done $0x0  }
0x17b: {  	s13 =	simm.s32 $0x12300;
	s12 =	rddreg [dreg:$0x1d];
	[sflag:s22] =	ssyncadd.s32 $0xFFFFE000  }
0x17c: {  	[hbm4b:s12+s9] =	stream.linear.scatter [tilespmem:s13], [sflag:$0xA], $0x2000, $0x38;
	[tilespmem:$0x1C300] =	vst v63  }
0x17d: {  	_ =	swait.ge [sflag:s17], $0x2000  }
0x17e: {  	[sflag:s17] =	ssyncset.done $0x0  }
0x17f: {  	s18 =	rddreg [dreg:$0x1e];
	[sflag:s17] =	ssyncadd.s32 $0xFFFFE000  }
0x180: {  	[hbm4b:s18+s9] =	stream.linear.scatter [tilespmem:s20], [sflag:$0xB], $0x2000, $0x38;
	[tilespmem:$0x1C300] =	vst v63  }
0x181: {  	_ =	swait.ge [sflag:s15], $0x2000  }
0x182: {  	[sflag:s15] =	ssyncset.done $0x0  }
0x183: {  	[sflag:s15] =	ssyncadd.s32 $0xFFFFE000  }
0x184: {  	_ =	swait.ge [sflag:s30], $0x2000  }
0x185: {  	[sflag:s30] =	ssyncset.done $0x0  }
0x186: {  	[sflag:s30] =	ssyncadd.s32 $0xFFFFE000  }
0x187: {  	_ =	swait.ge [sflag:s4], $0x2000  }
0x188: {  	[sflag:s4] =	ssyncset.done $0x0  }
0x189: {  	s9 =	simm.s32 $0x0;
	[sflag:s4] =	ssyncadd.s32 $0xFFFFE000  }
0x18a: {  	v5 =	vld [tilespmem:s9+$0x1A300]  }
0x18b: {  	v4 =	vld [tilespmem:s9+$0x1A310]  }
0x18c: {  	v3 =	vld [tilespmem:s9+$0x1A320]  }
0x18d: {  	v2 =	vld [tilespmem:s9+$0x1A330]  }
0x18e: {  	v1 =	vld [tilespmem:s9+$0x1A340]  }
0x18f: {  	v0 =	vld [tilespmem:s9+$0x1A350]  }
0x190: {  	v12 =	vld [tilespmem:s9+$0x18300]  }
0x191: {  	v17 =	vld [tilespmem:s9+$0x18310]  }
0x192: {  	v11 =	vld [tilespmem:s9+$0x18320]  }
0x193: {  	v10 =	vld [tilespmem:s9+$0x18330]  }
0x194: {  	v9 =	vld [tilespmem:s9+$0x18340]  }
0x195: {  	v8 =	vld [tilespmem:s9+$0x18350]  }
0x196: {  	v7 =	vld [tilespmem:s9+$0x18360]  }
0x197: {  	v6 =	vld [tilespmem:s9+$0x18370]  }
0x198: {  	v18 =	vld [tilespmem:s9+$0x16300]  }
0x199: {  	v19 =	vld [tilespmem:s9+$0x16310]  }
0x19a: {  	v16 =	vld [tilespmem:s9+$0x16320]  }
0x19b: {  	v15 =	vld [tilespmem:s9+$0x16330]  }
0x19c: {  	v14 =	vld [tilespmem:s9+$0x16340]  }
0x19d: {  	v13 =	vld [tilespmem:s9+$0x16350];
	v18 =	vadd.f32 v12, v18  }
0x19e: {  	s10 =	simm.s32 $0x200;
	v17 =	vadd.f32 v17, v19;
	v12 =	vld [tilespmem:s9+$0x16360]  }
.LBB2_8:
0x19f: {  	p0 =	sne.s32 s10, $0x7E00;
	v5 =	vsub.f32 v18, v5;
	v11 =	vadd.f32 v11, v16;
	v16 =	vld [tilespmem:s9+$0x16370]  }
0x1a0: {  	v4 =	vsub.f32 v17, v4;
	v10 =	vadd.f32 v10, v15;
	v15 =	vld [tilespmem:s9+$0x1A360]  }
0x1a1: {  	s11 =	sshra.s32 s10, $0x2;
	[tilespmem:s9+$0x16300] =	vst v5;
	v3 =	vsub.f32 v11, v3;
	v9 =	vadd.f32 v9, v14;
	v11 =	vld [tilespmem:s9+$0x1A370]  }
0x1a2: {  	v5 =	vld [tilespmem:s11+$0x1A300];
	[tilespmem:s9+$0x16310] =	vst v4;
	v2 =	vsub.f32 v10, v2;
	v8 =	vadd.f32 v8, v13  }
0x1a3: {  	v4 =	vld [tilespmem:s11+$0x1A310];
	[tilespmem:s9+$0x16320] =	vst v3;
	v1 =	vsub.f32 v9, v1;
	v7 =	vadd.f32 v7, v12  }
0x1a4: {  	v3 =	vld [tilespmem:s11+$0x1A320];
	[tilespmem:s9+$0x16330] =	vst v2;
	v0 =	vsub.f32 v8, v0;
	v6 =	vadd.f32 v6, v16  }
0x1a5: {  	v2 =	vld [tilespmem:s11+$0x1A330];
	[tilespmem:s9+$0x16340] =	vst v1;
	v7 =	vsub.f32 v7, v15  }
0x1a6: {  	v1 =	vld [tilespmem:s11+$0x1A340];
	[tilespmem:s9+$0x16350] =	vst v0;
	v6 =	vsub.f32 v6, v11  }
0x1a7: {  	v0 =	vld [tilespmem:s11+$0x1A350];
	[tilespmem:s9+$0x16360] =	vst v7  }
0x1a8: {  	v12 =	vld [tilespmem:s11+$0x18300];
	[tilespmem:s9+$0x16370] =	vst v6;
	s9 =	smov.u32 s11  }
0x1a9: {  	v17 =	vld [tilespmem:s9+$0x18310]  }
0x1aa: {  	v11 =	vld [tilespmem:s9+$0x18320]  }
0x1ab: {  	v10 =	vld [tilespmem:s9+$0x18330]  }
0x1ac: {  	v9 =	vld [tilespmem:s9+$0x18340]  }
0x1ad: {  	v8 =	vld [tilespmem:s9+$0x18350]  }
0x1ae: {  	v7 =	vld [tilespmem:s9+$0x18360]  }
0x1af: {  	v6 =	vld [tilespmem:s9+$0x18370]  }
0x1b0: {  	v13 =	vld [tilespmem:s9+$0x16300]  }
0x1b1: {  	v19 =	vld [tilespmem:s9+$0x16310]  }
.Ltmp3:
0x1b2: {  	v16 =	vld [tilespmem:s9+$0x16320];
	(pc) =	sbr.rel @p0 .LBB2_8-.Ltmp3, $4  }
0x1b3: {  	v15 =	vld [tilespmem:s9+$0x16330]  }
0x1b4: {  	v14 =	vld [tilespmem:s9+$0x16340]  }
0x1b5: {  	v18 =	vadd.f32 v12, v13;
	v13 =	vld [tilespmem:s9+$0x16350]  }
0x1b6: {  	s10 =	sadd.s32 $0x200, s10;
	v17 =	vadd.f32 v17, v19;
	v12 =	vld [tilespmem:s9+$0x16360]  }
0x1b7: {  	v5 =	vsub.f32 v18, v5;
	v55 =	vld [tilespmem:s9+$0x16370];
	v11 =	vadd.f32 v11, v16  }
0x1b8: {  	v56 =	vld [tilespmem:s9+$0x1A360];
	v4 =	vsub.f32 v17, v4;
	v10 =	vadd.f32 v10, v15  }
0x1b9: {  	v58 =	vld [tilespmem:s9+$0x1A370];
	[tilespmem:s9+$0x16300] =	vst v5;
	v3 =	vsub.f32 v11, v3;
	v57 =	vadd.f32 v9, v14  }
0x1ba: {  	[tilespmem:s9+$0x16310] =	vst v4;
	v2 =	vsub.f32 v10, v2;
	v59 =	vadd.f32 v8, v13  }
0x1bb: {  	[tilespmem:s9+$0x16320] =	vst v3;
	v1 =	vsub.f32 v57, v1;
	v60 =	vadd.f32 v7, v12  }
0x1bc: {  	[tilespmem:s9+$0x16330] =	vst v2;
	v0 =	vsub.f32 v59, v0;
	v61 =	vadd.f32 v6, v55  }
0x1bd: {  	[tilespmem:s9+$0x16340] =	vst v1;
	v62 =	vsub.f32 v60, v56  }
0x1be: {  	[tilespmem:s9+$0x16350] =	vst v0;
	v63 =	vsub.f32 v61, v58  }
0x1bf: {  	[tilespmem:s9+$0x16360] =	vst v62  }
0x1c0: {  	s13 =	rddreg [dreg:$0x1f];
	[tilespmem:s9+$0x16370] =	vst v63  }
0x1c1: {  	[hbm4b:s13+s6] =	stream.linear.scatter [tilespmem:s7], [sflag:$0xC], $0x2000, $0x38;
	[tilespmem:$0x1C300] =	vst v63  }
0x1c2: {  	_ =	swait.ge [sflag:s23], $0x2000  }
0x1c3: {  	[sflag:s23] =	ssyncset.done $0x0  }
0x1c4: {  	[sflag:s23] =	ssyncadd.s32 $0xFFFFE000  }
0x1c5: {  	_ =	swait.ge [sflag:s24], $0x2000  }
0x1c6: {  	[sflag:s24] =	ssyncset.done $0x0  }
0x1c7: {  	[sflag:s24] =	ssyncadd.s32 $0xFFFFE000  }
0x1c8: {  	_ =	swait.ge [sflag:s25], $0x2000  }
0x1c9: {  	[sflag:s25] =	ssyncset.done $0x0  }
0x1ca: {  	[sflag:s25] =	ssyncadd.s32 $0xFFFFE000  }
0x1cb: {  	_ =	swait.ge [sflag:s26], $0x2000  }
0x1cc: {  	[sflag:s26] =	ssyncset.done $0x0  }
0x1cd: {  	[sflag:s26] =	ssyncadd.s32 $0xFFFFE000  }
0x1ce: {  	_ =	swait.ge [sflag:s28], $0x2000  }
0x1cf: {  	[sflag:s28] =	ssyncset.done $0x0  }
0x1d0: {  	[sflag:s28] =	ssyncadd.s32 $0xFFFFE000  }
0x1d1: {  	_ =	swait.ge [sflag:s31], $0x2000  }
0x1d2: {  	[sflag:s31] =	ssyncset.done $0x0  }
0x1d3: {  	[sflag:s31] =	ssyncadd.s32 $0xFFFFE000  }
0x1d4: {  	_ =	swait.ge [sflag:s21], $0x2000  }
0x1d5: {  	[sflag:s21] =	ssyncset.done $0x0  }
0x1d6: {  	[sflag:s21] =	ssyncadd.s32 $0xFFFFE000  }
0x1d7: {  	_ =	swait.ge [sflag:s22], $0x2000  }
0x1d8: {  	[sflag:s22] =	ssyncset.done $0x0  }
0x1d9: {  	[sflag:s22] =	ssyncadd.s32 $0xFFFFE000  }
0x1da: {  	_ =	swait.ge [sflag:s17], $0x2000  }
0x1db: {  	[sflag:s17] =	ssyncset.done $0x0  }
0x1dc: {  	[sflag:s17] =	ssyncadd.s32 $0xFFFFE000  }
0x1dd: {  	_ =	swait.ge [sflag:s15], $0x2000  }
0x1de: {  	s18 =	sld [smem:$0x7FD];
	_ =	sdelay $0x1  }
0x1df: {  	s5 =	sadd.s32 $0x1, s5  }
0x1e0: {  	p0 =	sne.s32 s5, s18  }
.Ltmp4:
0x1e1: {  	_ = 	snop;
	(pc) =	sbr.rel @p0 .LBB2_1-.Ltmp4, $3  }
0x1e2: {  	_ =	sdelay $0x1  }
0x1e3: {  	[sflag:s15] =	ssyncset.done $0x0  }
0x1e4: {  	[sflag:s15] =	ssyncadd.s32 $0xFFFFE000  }
0x1e5: {  	_ =	sfence.sel $0x180000  }
0x1e6: {  	[bflag:$0x0] =	sbarrier.arrive $0xFFFF  }
0x1e7: {  	_ =	strace $0x9000004A  }
0x1e8: {  	s0 =	stileid.u32;
	[bflag:$0x2] =	sbarrier.arrive $0xFFFF  }
0x1e9: {  	p0 =	sne.s32 s0, $0x0;
	s0 =	rddreg [dreg:$0x8]  }
0x1ea: {  	s0 =	sadd.s32 @!p0 $0x100000, s0  }
0x1eb: {  	[sflag:s0] =	ssyncadd.tile.s32 @!p0 $0x1;
	_ =	shalt  }
.Lfunc_end2:
_tile_overlayer_lowered:
.L_overlay_start_2:
0x1ec: {  	(tag) =	ssettag $0x2  }
0x1ed: {  	s0 =	rddreg [dreg:$0x0];
	s2 =	stileid.u32  }
0x1ee: {  	s1 =	rddreg [dreg:$0x1];
	p0 =	sne.s32 s2, $0x0  }
0x1ef: {  	s3 =	rddreg [dreg:$0x2];
	[bflag:$0x3] =	sbarrier.arrive $0xFFFF;
	s2 =	simm.s32 @!p0 $0x1C0F  }
0x1f0: {  	[timem:s3], [sflag:s2] =	dma.local @!p0 [hbm:s0], s1  }
0x1f1: {  	s0 =	simm.s32 @!p0 $0xF  }
0x1f2: {  	_ =	swait.ge @!p0 [sflag:s0], s1  }
0x1f3: {  	s1 =	ssub.s32 @!p0 $0x0, s1;
	[sflag:s0] =	ssyncset.done @!p0 $0x0  }
0x1f4: {  	[sflag:s0] =	ssyncadd.s32 @!p0 s1  }
0x1f5: {  	[bflag:$0x3] =	sbarrier.arrive $0xFFFF  }
0x1f6: {  	_ =	shalt  }

</sc_bundles>
